<compile_context>
chip_gen: v7x
topology: tpu7x:2x2x1
jax: 0.10.2.dev20260603
libtpu: 0.0.44.dev20260713+nightly
codegen_flags: <defaults>
</compile_context>

<pallas_src>
import functools

import jax
import jax.numpy as jnp
from jax import lax
from jax.experimental import pallas as pl
from jax.experimental.pallas import tpu as pltpu
from jax.experimental.pallas import tpu_sc as plsc

N_NODES = 10000
N_EDGES = 320000
D_EDGE = 16
D_NODE = 128
LATENT = 32
D_OUT = 128

NUM_CORES = 2
NUM_SUBCORES = 16
NUM_TILES = NUM_CORES * NUM_SUBCORES

CHUNK = 128
NCHUNKS = N_EDGES // CHUNK
NFULL = NCHUNKS // NUM_TILES
NEXTRA = NCHUNKS - NFULL * NUM_TILES
RING = 6
LOOKAHEAD = 3
STRIPE = 624
TAIL = N_NODES - NUM_SUBCORES * STRIPE


def _make_sc_segment_sum():
  mesh = plsc.VectorSubcoreMesh(core_axis_name="c", subcore_axis_name="s")

  @functools.partial(
      pl.kernel,
      mesh=mesh,
      compiler_params=pltpu.CompilerParams(
          use_tc_tiling_on_sc=False, needs_layout_passes=False),
      out_type=jax.ShapeDtypeStruct((NUM_CORES, N_NODES, D_EDGE), jnp.float32),
      scratch_types=(
          [
              pltpu.VMEM((NFULL * CHUNK,), jnp.int32),
              pltpu.VMEM((CHUNK,), jnp.int32),
          ]
          + [pltpu.VMEM((D_EDGE, CHUNK), jnp.float32) for _ in range(RING)]
          + [pltpu.VMEM((CHUNK, D_EDGE), jnp.float32) for _ in range(RING)]
          + [
              pltpu.VMEM((STRIPE, D_EDGE), jnp.float32),
              pltpu.VMEM_SHARED((N_NODES, D_EDGE), jnp.float32),
          ]
          + [pltpu.SemaphoreType.DMA for _ in range(2 * RING)]
      ),
  )
  def seg(ei_hbm, attr_hbm, out_hbm, idx_all, idxx, *rest):
    rbufT = rest[0:RING]
    rbuf2 = rest[RING:2 * RING]
    zbuf = rest[2 * RING]
    acc_sh = rest[2 * RING + 1]
    sem_ld = rest[2 * RING + 2:2 * RING + 2 + RING]
    sem_sc = rest[2 * RING + 2 + RING:2 * RING + 2 + 2 * RING]
    c = lax.axis_index("c")
    s = lax.axis_index("s")
    wid = s * NUM_CORES + c
    base_c = wid * NFULL + jnp.minimum(wid, NEXTRA)
    stripe = s * STRIPE

    zeros16 = jnp.zeros((D_EDGE,), jnp.float32)

    def zrow(i, carry):
      zbuf[i, :] = zeros16
      return carry

    lax.fori_loop(0, STRIPE, zrow, 0)
    pltpu.sync_copy(zbuf, acc_sh.at[pl.ds(stripe, STRIPE)])

    @pl.when(s == NUM_SUBCORES - 1)
    def _zero_tail():
      pltpu.sync_copy(
          zbuf.at[pl.ds(0, TAIL)], acc_sh.at[pl.ds(N_NODES - TAIL, TAIL)])

    plsc.subcore_barrier()

    pltpu.sync_copy(
        ei_hbm.at[1, pl.ds(base_c * CHUNK, NFULL * CHUNK)], idx_all)

    iota16 = lax.iota(jnp.int32, D_EDGE)

    def _start_loads(j, b):
      g = base_c + j
      pltpu.async_copy(attr_hbm.at[0, g], rbufT[b].at[pl.ds(0, 8)], sem_ld[b])
      pltpu.async_copy(attr_hbm.at[1, g], rbufT[b].at[pl.ds(8, 8)], sem_ld[b])

    def _wait_loads(j, b):
      g = base_c + j
      pltpu.make_async_copy(
          attr_hbm.at[0, g], rbufT[b].at[pl.ds(0, 8)], sem_ld[b]).wait()
      pltpu.make_async_copy(
          attr_hbm.at[1, g], rbufT[b].at[pl.ds(8, 8)], sem_ld[b]).wait()

    def _scat(j, b):
      return pltpu.make_async_copy(
          rbuf2[b], acc_sh.at[idx_all.at[pl.ds(j * CHUNK, CHUNK)]], sem_sc[b])

    def _transpose(b):
      @plsc.parallel_loop(0, D_EDGE, step=2, unroll=2)
      def _tbody(d0):
        for kd in range(2):
          d = d0 + kd
          for blk in range(CHUNK // D_EDGE):
            vec = rbufT[b][d, pl.ds(blk * D_EDGE, D_EDGE)]
            plsc.store_scatter(
                rbuf2[b],
                [blk * D_EDGE + iota16, jnp.full((D_EDGE,), d, jnp.int32)],
                vec)

    for k in range(LOOKAHEAD):
      _start_loads(k, k)

    def body(jj, carry):
      for p in range(RING):
        j = RING * jj + p

        @pl.when(j + LOOKAHEAD < NFULL)
        def _prefetch():
          _start_loads(j + LOOKAHEAD, (p + LOOKAHEAD) % RING)

        _wait_loads(j, p)

        @pl.when(j >= RING)
        def _drain_old():
          _scat(j - RING, p).wait()

        _transpose(p)
        pltpu.async_copy(
            rbuf2[p], acc_sh.at[idx_all.at[pl.ds(j * CHUNK, CHUNK)]],
            sem_sc[p], add=True)
      return carry

    lax.fori_loop(0, NFULL // RING, body, 0)
    for p in range(RING):
      _scat(NFULL - RING + p, p).wait()

    @pl.when(wid < NEXTRA)
    def _extra_chunk():
      g = base_c + NFULL
      pltpu.sync_copy(ei_hbm.at[1, pl.ds(g * CHUNK, CHUNK)], idxx)
      pltpu.sync_copy(attr_hbm.at[0, g], rbufT[0].at[pl.ds(0, 8)])
      pltpu.sync_copy(attr_hbm.at[1, g], rbufT[0].at[pl.ds(8, 8)])
      _transpose(0)
      pltpu.sync_copy(rbuf2[0], acc_sh.at[idxx], add=True)

    plsc.subcore_barrier()
    pltpu.sync_copy(
        acc_sh.at[pl.ds(stripe, STRIPE)],
        out_hbm.at[c, pl.ds(stripe, STRIPE)],
    )

    @pl.when(s == NUM_SUBCORES - 1)
    def _write_tail():
      pltpu.sync_copy(
          acc_sh.at[pl.ds(N_NODES - TAIL, TAIL)],
          out_hbm.at[c, pl.ds(N_NODES - TAIL, TAIL)],
      )

  return seg


_sc_segment_sum = _make_sc_segment_sum()

ROW_BLOCK = 2000
N_BLOCKS = N_NODES // ROW_BLOCK


def _mlp_body(x_ref, p_ref, g_ref, w1_ref, b1_ref, w2_ref, b2_ref, o_ref):
  xw = jnp.dot(x_ref[...], w1_ref[0:D_NODE, :],
               preferred_element_type=jnp.float32)
  p = p_ref[0] + p_ref[1]
  pw = jnp.dot(p, w1_ref[D_NODE:D_NODE + D_EDGE, :],
               preferred_element_type=jnp.float32)
  gw = jnp.dot(g_ref[...], w1_ref[D_NODE + D_EDGE:, :],
               preferred_element_type=jnp.float32)
  h = jnp.maximum(xw + pw + gw + b1_ref[...], 0.0)
  o_ref[...] = jnp.dot(h, w2_ref[...],
                       preferred_element_type=jnp.float32) + b2_ref[...]


def _tc_mlp(x, parts, global_attr, W1, b1, W2, b2):
  return pl.pallas_call(
      _mlp_body,
      grid=(N_BLOCKS,),
      in_specs=[
          pl.BlockSpec((ROW_BLOCK, D_NODE), lambda i: (i, 0)),
          pl.BlockSpec((NUM_CORES, ROW_BLOCK, D_EDGE), lambda i: (0, i, 0)),
          pl.BlockSpec((1, D_NODE), lambda i: (0, 0)),
          pl.BlockSpec((D_NODE + D_EDGE + D_NODE, LATENT), lambda i: (0, 0)),
          pl.BlockSpec((1, LATENT), lambda i: (0, 0)),
          pl.BlockSpec((LATENT, D_OUT), lambda i: (0, 0)),
          pl.BlockSpec((1, D_OUT), lambda i: (0, 0)),
      ],
      out_specs=pl.BlockSpec((ROW_BLOCK, D_OUT), lambda i: (i, 0)),
      out_shape=jax.ShapeDtypeStruct((N_NODES, D_OUT), jnp.float32),
  )(x, parts, global_attr, W1, b1, W2, b2)


def kernel(x, edge_index, edge_attr, global_attr, W1, b1, W2, b2):
  attrn = edge_attr.T.reshape(2, 8, N_EDGES // CHUNK, CHUNK).transpose(
      0, 2, 1, 3)
  parts = _sc_segment_sum(edge_index.astype(jnp.int32), attrn)
  return _tc_mlp(
      x,
      parts,
      global_attr,
      W1,
      b1.reshape(1, LATENT),
      W2,
      b2.reshape(1, D_OUT),
  )

# --- scband reference (transcript-rebuilt; emitter-appended) ---
"""Pipeline reference for scband-node-block-17729624998202 (READ-ONLY COPY).

The authoritative reference and input builder live on the scoring server;
editing this copy changes nothing except your own understanding.
"""

import jax, jax.numpy as jnp
import numpy as np

LATENT_SIZE = 32
N_NODES = 10000
N_EDGES = 320000
D_NODE = 128
D_EDGE = 16
D_GLOBAL = 128
IN_FEATURES = D_NODE + D_EDGE + D_GLOBAL  # 272
OUT_FEATURES = 128


def setup_inputs(seed: int = 0) -> dict:
    key = jax.random.key(seed)
    k1, k2, k3, k4, k5, k6, k7, k8 = jax.random.split(key, 8)
    x = jax.random.normal(k1, (N_NODES, D_NODE), dtype=jnp.float32)
    edge_index = jax.random.randint(k2, (2, N_EDGES), 0, N_NODES, dtype=jnp.int64)
    edge_attr = jax.random.normal(k3, (N_EDGES, D_EDGE), dtype=jnp.float32)
    global_attr = jax.random.normal(k4, (1, D_GLOBAL), dtype=jnp.float32)
    # MLP params: Linear(272, 32) -> ReLU -> Linear(32, 128)
    lim1 = 1.0 / np.sqrt(IN_FEATURES)
    W1 = jax.random.uniform(k5, (IN_FEATURES, LATENT_SIZE), minval=-lim1, maxval=lim1, dtype=jnp.float32)
    b1 = jax.random.uniform(k6, (LATENT_SIZE,), minval=-lim1, maxval=lim1, dtype=jnp.float32)
    lim2 = 1.0 / np.sqrt(LATENT_SIZE)
    W2 = jax.random.uniform(k7, (LATENT_SIZE, OUT_FEATURES), minval=-lim2, maxval=lim2, dtype=jnp.float32)
    b2 = jax.random.uniform(k8, (OUT_FEATURES,), minval=-lim2, maxval=lim2, dtype=jnp.float32)
    return {"x": x, "edge_index": edge_index, "edge_attr": edge_attr,
            "global_attr": global_attr, "W1": W1, "b1": b1, "W2": W2, "b2": b2}


def reference(x, edge_index, edge_attr, global_attr, W1, b1, W2, b2):
    num_nodes = x.shape[0]
    senders_idx = edge_index[0]
    receivers_idx = edge_index[1]
    # use_nodes=True
    nodes_to_collect = [x]
    # use_received_edges=True: scatter_add of edge_attr by receiver index
    agg_received_edges = jax.ops.segment_sum(edge_attr, receivers_idx, num_segments=num_nodes)
    nodes_to_collect.append(agg_received_edges)
    # use_globals=True: expand global attr over all nodes
    expanded_global_attr = jnp.broadcast_to(global_attr, (num_nodes, global_attr.shape[1]))
    nodes_to_collect.append(expanded_global_attr)
    collected_nodes = jnp.concatenate(nodes_to_collect, axis=-1)
    # net = Linear(in, 32) -> ReLU -> Linear(32, out)
    h = jax.nn.relu(collected_nodes @ W1 + b1)
    out = h @ W2 + b2
    return out

if __name__ == "__main__":
    import jax
    _d = setup_inputs()
    print(jax.jit(kernel)(*tuple(_d.values())))

</pallas_src>

<mosaic_0001>
#map = affine_map<(d0, d1) -> (0, 0)>
#map1 = affine_map<(d0, d1) -> (0, 0, 0, 0)>
#map2 = affine_map<(d0, d1) -> (0, 0, 0)>
module attributes {stable_mosaic.version = 14 : i64} {
  func.func @seg(%arg0: i32, %arg1: i32, %arg2: memref<2x320000xi32, #tpu.memory_space<hbm>>, %arg3: memref<2x2500x8x128xf32, #tpu.memory_space<hbm>>, %arg4: memref<2x10000x16xf32, #tpu.memory_space<hbm>>, %arg5: memref<9984xi32, #tpu.memory_space<vmem>>, %arg6: memref<128xi32, #tpu.memory_space<vmem>>, %arg7: memref<16x128xf32, #tpu.memory_space<vmem>>, %arg8: memref<16x128xf32, #tpu.memory_space<vmem>>, %arg9: memref<16x128xf32, #tpu.memory_space<vmem>>, %arg10: memref<16x128xf32, #tpu.memory_space<vmem>>, %arg11: memref<16x128xf32, #tpu.memory_space<vmem>>, %arg12: memref<16x128xf32, #tpu.memory_space<vmem>>, %arg13: memref<128x16xf32, #tpu.memory_space<vmem>>, %arg14: memref<128x16xf32, #tpu.memory_space<vmem>>, %arg15: memref<128x16xf32, #tpu.memory_space<vmem>>, %arg16: memref<128x16xf32, #tpu.memory_space<vmem>>, %arg17: memref<128x16xf32, #tpu.memory_space<vmem>>, %arg18: memref<128x16xf32, #tpu.memory_space<vmem>>, %arg19: memref<624x16xf32, #tpu.memory_space<vmem>>, %arg20: memref<10000x16xf32, #tpu.memory_space<vmem_shared>>, %arg21: memref<!tpu.dma_semaphore, #tpu.memory_space<semaphore_mem>>, %arg22: memref<!tpu.dma_semaphore, #tpu.memory_space<semaphore_mem>>, %arg23: memref<!tpu.dma_semaphore, #tpu.memory_space<semaphore_mem>>, %arg24: memref<!tpu.dma_semaphore, #tpu.memory_space<semaphore_mem>>, %arg25: memref<!tpu.dma_semaphore, #tpu.memory_space<semaphore_mem>>, %arg26: memref<!tpu.dma_semaphore, #tpu.memory_space<semaphore_mem>>, %arg27: memref<!tpu.dma_semaphore, #tpu.memory_space<semaphore_mem>>, %arg28: memref<!tpu.dma_semaphore, #tpu.memory_space<semaphore_mem>>, %arg29: memref<!tpu.dma_semaphore, #tpu.memory_space<semaphore_mem>>, %arg30: memref<!tpu.dma_semaphore, #tpu.memory_space<semaphore_mem>>, %arg31: memref<!tpu.dma_semaphore, #tpu.memory_space<semaphore_mem>>, %arg32: memref<!tpu.dma_semaphore, #tpu.memory_space<semaphore_mem>>) attributes {dimension_semantics = [#tpu.dimension_semantics<core_parallel>, #tpu.dimension_semantics<subcore_parallel>], iteration_bounds = array<i64: 2, 16>, scalar_prefetch = 0 : i64, scratch_operands = 28 : i64, tpu.core_type = #tpu.core_type<sc_vector_subcore>, window_params = [{transform_indices = #map}, {transform_indices = #map1}, {transform_indices = #map2}]} {
    %mul3A = arith.constant 2 : i32
    %mul3A_0 = arith.muli %arg1, %mul3A : i32
    %add3A = arith.addi %mul3A_0, %arg0 : i32
    %mul3A_1 = arith.constant 78 : i32
    %mul3A_2 = arith.muli %add3A, %mul3A_1 : i32
    %min3A = arith.constant 4 : i32
    %min3A_3 = arith.minsi %add3A, %min3A : i32
    %add3A_4 = arith.addi %mul3A_2, %min3A_3 : i32
    %mul3A_5 = arith.constant 624 : i32
    %mul3A_6 = arith.muli %arg1, %mul3A_5 : i32
    %broadcast_in_dim3A = arith.constant 0.000000e+00 : f32
    %broadcast_in_dim3A_7 = vector.broadcast %broadcast_in_dim3A : f32 to vector<16xf32>
    %scan3A = arith.constant 0 : i32
    %scan3A_8 = arith.constant 0 : i32
    %scan3A_9 = arith.constant 624 : i32
    %scan3A_10 = arith.addi %scan3A_8, %scan3A_9 : i32
    %scan3A_11 = arith.constant 1 : i32
    scf.for %scan3A_157 = %scan3A_8 to %scan3A_10 step %scan3A_11  : i32 {
      %swap3A = arith.index_cast %scan3A_157 : i32 to index
      %swap3A_158 = arith.constant 0 : index
      %swap3A_159 = tpu.vector_load %arg19[%swap3A, %swap3A_158] {strides = array<i32>} : memref<624x16xf32, #tpu.memory_space<vmem>>, vector<16xf32>,
      tpu.vector_store %arg19[%swap3A, %swap3A_158], %broadcast_in_dim3A_7 {strides = array<i32>} : memref<624x16xf32, #tpu.memory_space<vmem>>, vector<16xf32>,
    }
    %scan3A_12 = arith.constant 624 : i32
    "tpu.region"() ({
      %run_scoped3A_157 = tpu.sem_alloc : memref<!tpu.dma_semaphore, #tpu.memory_space<semaphore_mem>>
      %dma_start3A_158 = arith.constant 0 : i32
      %dma_start3A_159 = tpu.memref_slice %arg20[%mul3A_6, %dma_start3A_158] : memref<10000x16xf32, #tpu.memory_space<vmem_shared>> -> memref<624x16xf32, #tpu.memory_space<vmem_shared>>
      %dma_start3A_160 = arith.constant 0 : i32
      %dma_start3A_161 = tpu.memref_slice %arg20[%mul3A_6, %dma_start3A_160] : memref<10000x16xf32, #tpu.memory_space<vmem_shared>> -> memref<624x16xf32, #tpu.memory_space<vmem_shared>>
      tpu.enqueue_dma source(%arg19 : memref<624x16xf32, #tpu.memory_space<vmem>>) target(%dma_start3A_161 : memref<624x16xf32, #tpu.memory_space<vmem_shared>>) target_semaphore(%run_scoped3A_157 : memref<!tpu.dma_semaphore, #tpu.memory_space<semaphore_mem>>)
      %dma_wait3A_162 = arith.constant 0 : i32
      %dma_wait3A_163 = tpu.memref_slice %arg20[%mul3A_6, %dma_wait3A_162] : memref<10000x16xf32, #tpu.memory_space<vmem_shared>> -> memref<624x16xf32, #tpu.memory_space<vmem_shared>>
      %dma_wait3A_164 = arith.constant 0 : i32
      %dma_wait3A_165 = tpu.memref_slice %arg20[%mul3A_6, %dma_wait3A_164] : memref<10000x16xf32, #tpu.memory_space<vmem_shared>> -> memref<624x16xf32, #tpu.memory_space<vmem_shared>>
      tpu.wait_dma2 semaphore(%run_scoped3A_157 : memref<!tpu.dma_semaphore, #tpu.memory_space<semaphore_mem>>) src(%arg19 : memref<624x16xf32, #tpu.memory_space<vmem>>) dst(%dma_wait3A_165 : memref<624x16xf32, #tpu.memory_space<vmem_shared>>)
      tpu.yield
    }) : () -> ()
    %eq3A = arith.constant 15 : i32
    %eq3A_13 = arith.cmpi eq, %arg1, %eq3A : i32
    %convert_element_type3A = arith.extui %eq3A_13 : i1 to i32
    %cond3A = arith.constant 0 : i32
    %cond3A_14 = arith.cmpi ne, %convert_element_type3A, %cond3A : i32
    scf.if %cond3A_14 {
      "tpu.region"() ({
        %run_scoped3A_157 = tpu.sem_alloc : memref<!tpu.dma_semaphore, #tpu.memory_space<semaphore_mem>>
        %dma_start3A_158 = arith.constant 0 : i32
        %dma_start3A_159 = arith.constant 0 : i32
        %dma_start3A_160 = tpu.memref_slice %arg19[%dma_start3A_158, %dma_start3A_159] : memref<624x16xf32, #tpu.memory_space<vmem>> -> memref<16x16xf32, #tpu.memory_space<vmem>>
        %dma_start3A_161 = arith.constant 9984 : i32
        %dma_start3A_162 = arith.constant 0 : i32
        %dma_start3A_163 = tpu.memref_slice %arg20[%dma_start3A_161, %dma_start3A_162] : memref<10000x16xf32, #tpu.memory_space<vmem_shared>> -> memref<16x16xf32, #tpu.memory_space<vmem_shared>>
        %dma_start3A_164 = arith.constant 9984 : i32
        %dma_start3A_165 = arith.constant 0 : i32
        %dma_start3A_166 = tpu.memref_slice %arg20[%dma_start3A_164, %dma_start3A_165] : memref<10000x16xf32, #tpu.memory_space<vmem_shared>> -> memref<16x16xf32, #tpu.memory_space<vmem_shared>>
        %dma_start3A_167 = arith.constant 0 : i32
        %dma_start3A_168 = arith.constant 0 : i32
        %dma_start3A_169 = tpu.memref_slice %arg19[%dma_start3A_167, %dma_start3A_168] : memref<624x16xf32, #tpu.memory_space<vmem>> -> memref<16x16xf32, #tpu.memory_space<vmem>>
        tpu.enqueue_dma source(%dma_start3A_169 : memref<16x16xf32, #tpu.memory_space<vmem>>) target(%dma_start3A_166 : memref<16x16xf32, #tpu.memory_space<vmem_shared>>) target_semaphore(%run_scoped3A_157 : memref<!tpu.dma_semaphore, #tpu.memory_space<semaphore_mem>>)
        %dma_wait3A_170 = arith.constant 0 : i32
        %dma_wait3A_171 = arith.constant 0 : i32
        %dma_wait3A_172 = tpu.memref_slice %arg19[%dma_wait3A_170, %dma_wait3A_171] : memref<624x16xf32, #tpu.memory_space<vmem>> -> memref<16x16xf32, #tpu.memory_space<vmem>>
        %dma_wait3A_173 = arith.constant 9984 : i32
        %dma_wait3A_174 = arith.constant 0 : i32
        %dma_wait3A_175 = tpu.memref_slice %arg20[%dma_wait3A_173, %dma_wait3A_174] : memref<10000x16xf32, #tpu.memory_space<vmem_shared>> -> memref<16x16xf32, #tpu.memory_space<vmem_shared>>
        %dma_wait3A_176 = arith.constant 9984 : i32
        %dma_wait3A_177 = arith.constant 0 : i32
        %dma_wait3A_178 = tpu.memref_slice %arg20[%dma_wait3A_176, %dma_wait3A_177] : memref<10000x16xf32, #tpu.memory_space<vmem_shared>> -> memref<16x16xf32, #tpu.memory_space<vmem_shared>>
        %dma_wait3A_179 = arith.constant 0 : i32
        %dma_wait3A_180 = arith.constant 0 : i32
        %dma_wait3A_181 = tpu.memref_slice %arg19[%dma_wait3A_179, %dma_wait3A_180] : memref<624x16xf32, #tpu.memory_space<vmem>> -> memref<16x16xf32, #tpu.memory_space<vmem>>
        tpu.wait_dma2 semaphore(%run_scoped3A_157 : memref<!tpu.dma_semaphore, #tpu.memory_space<semaphore_mem>>) src(%dma_wait3A_181 : memref<16x16xf32, #tpu.memory_space<vmem>>) dst(%dma_wait3A_178 : memref<16x16xf32, #tpu.memory_space<vmem_shared>>)
        tpu.yield
      }) : () -> ()
    } else {
    }
    %barrier3A = arith.constant 0 : index
    tpu.barrier barrier_id(%barrier3A)
    %mul3A_15 = arith.constant 128 : i32
    %mul3A_16 = arith.muli %add3A_4, %mul3A_15 : i32
    %run_scoped3A = arith.constant 1 : i32
    "tpu.region"() ({
      %run_scoped3A_157 = tpu.sem_alloc : memref<!tpu.dma_semaphore, #tpu.memory_space<semaphore_mem>>
      %dma_start3A_158 = tpu.memref_slice %arg2[%run_scoped3A, %mul3A_16] : memref<2x320000xi32, #tpu.memory_space<hbm>> -> memref<1x9984xi32, #tpu.memory_space<hbm>>
      %dma_start3A_159 = tpu.memref_squeeze %dma_start3A_158 : memref<1x9984xi32, #tpu.memory_space<hbm>> -> memref<9984xi32, #tpu.memory_space<hbm>>
      %dma_start3A_160 = tpu.memref_slice %arg2[%run_scoped3A, %mul3A_16] : memref<2x320000xi32, #tpu.memory_space<hbm>> -> memref<1x9984xi32, #tpu.memory_space<hbm>>
      %dma_start3A_161 = tpu.memref_squeeze %dma_start3A_160 : memref<1x9984xi32, #tpu.memory_space<hbm>> -> memref<9984xi32, #tpu.memory_space<hbm>>
      tpu.enqueue_dma source(%dma_start3A_161 : memref<9984xi32, #tpu.memory_space<hbm>>) target(%arg5 : memref<9984xi32, #tpu.memory_space<vmem>>) target_semaphore(%run_scoped3A_157 : memref<!tpu.dma_semaphore, #tpu.memory_space<semaphore_mem>>)
      %dma_wait3A_162 = tpu.memref_slice %arg2[%run_scoped3A, %mul3A_16] : memref<2x320000xi32, #tpu.memory_space<hbm>> -> memref<1x9984xi32, #tpu.memory_space<hbm>>
      %dma_wait3A_163 = tpu.memref_squeeze %dma_wait3A_162 : memref<1x9984xi32, #tpu.memory_space<hbm>> -> memref<9984xi32, #tpu.memory_space<hbm>>
      %dma_wait3A_164 = tpu.memref_slice %arg2[%run_scoped3A, %mul3A_16] : memref<2x320000xi32, #tpu.memory_space<hbm>> -> memref<1x9984xi32, #tpu.memory_space<hbm>>
      %dma_wait3A_165 = tpu.memref_squeeze %dma_wait3A_164 : memref<1x9984xi32, #tpu.memory_space<hbm>> -> memref<9984xi32, #tpu.memory_space<hbm>>
      tpu.wait_dma2 semaphore(%run_scoped3A_157 : memref<!tpu.dma_semaphore, #tpu.memory_space<semaphore_mem>>) src(%dma_wait3A_165 : memref<9984xi32, #tpu.memory_space<hbm>>) dst(%arg5 : memref<9984xi32, #tpu.memory_space<vmem>>)
      tpu.yield
    }) : () -> ()
    %iota3A = tpu.iota {dimensions = array<i32: 0>} : vector<16xi32>
    %add3A_17 = arith.constant 0 : i32
    %add3A_18 = arith.addi %add3A_4, %add3A_17 : i32
    %dma_start3A = arith.constant 0 : i32
    %dma_start3A_19 = arith.constant 0 : i32
    %dma_start3A_20 = arith.constant 0 : i32
    %dma_start3A_21 = tpu.memref_slice %arg7[%dma_start3A_19, %dma_start3A_20] : memref<16x128xf32, #tpu.memory_space<vmem>> -> memref<8x128xf32, #tpu.memory_space<vmem>>
    %dma_start3A_22 = arith.constant 0 : i32
    %dma_start3A_23 = arith.constant 0 : i32
    %dma_start3A_24 = tpu.memref_slice %arg3[%dma_start3A, %add3A_18, %dma_start3A_22, %dma_start3A_23] : memref<2x2500x8x128xf32, #tpu.memory_space<hbm>> -> memref<1x1x8x128xf32, #tpu.memory_space<hbm>>
    %dma_start3A_25 = tpu.memref_squeeze %dma_start3A_24 : memref<1x1x8x128xf32, #tpu.memory_space<hbm>> -> memref<8x128xf32, #tpu.memory_space<hbm>>
    %dma_start3A_26 = arith.constant 0 : i32
    %dma_start3A_27 = arith.constant 0 : i32
    %dma_start3A_28 = tpu.memref_slice %arg7[%dma_start3A_26, %dma_start3A_27] : memref<16x128xf32, #tpu.memory_space<vmem>> -> memref<8x128xf32, #tpu.memory_space<vmem>>
    %dma_start3A_29 = arith.constant 0 : i32
    %dma_start3A_30 = arith.constant 0 : i32
    %dma_start3A_31 = tpu.memref_slice %arg3[%dma_start3A, %add3A_18, %dma_start3A_29, %dma_start3A_30] : memref<2x2500x8x128xf32, #tpu.memory_space<hbm>> -> memref<1x1x8x128xf32, #tpu.memory_space<hbm>>
    %dma_start3A_32 = tpu.memref_squeeze %dma_start3A_31 : memref<1x1x8x128xf32, #tpu.memory_space<hbm>> -> memref<8x128xf32, #tpu.memory_space<hbm>>
    tpu.enqueue_dma source(%dma_start3A_32 : memref<8x128xf32, #tpu.memory_space<hbm>>) target(%dma_start3A_28 : memref<8x128xf32, #tpu.memory_space<vmem>>) target_semaphore(%arg21 : memref<!tpu.dma_semaphore, #tpu.memory_space<semaphore_mem>>)
    %dma_start3A_33 = arith.constant 1 : i32
    %dma_start3A_34 = arith.constant 8 : i32
    %dma_start3A_35 = arith.constant 0 : i32
    %dma_start3A_36 = tpu.memref_slice %arg7[%dma_start3A_34, %dma_start3A_35] : memref<16x128xf32, #tpu.memory_space<vmem>> -> memref<8x128xf32, #tpu.memory_space<vmem>>
    %dma_start3A_37 = arith.constant 0 : i32
    %dma_start3A_38 = arith.constant 0 : i32
    %dma_start3A_39 = tpu.memref_slice %arg3[%dma_start3A_33, %add3A_18, %dma_start3A_37, %dma_start3A_38] : memref<2x2500x8x128xf32, #tpu.memory_space<hbm>> -> memref<1x1x8x128xf32, #tpu.memory_space<hbm>>
    %dma_start3A_40 = tpu.memref_squeeze %dma_start3A_39 : memref<1x1x8x128xf32, #tpu.memory_space<hbm>> -> memref<8x128xf32, #tpu.memory_space<hbm>>
    %dma_start3A_41 = arith.constant 8 : i32
    %dma_start3A_42 = arith.constant 0 : i32
    %dma_start3A_43 = tpu.memref_slice %arg7[%dma_start3A_41, %dma_start3A_42] : memref<16x128xf32, #tpu.memory_space<vmem>> -> memref<8x128xf32, #tpu.memory_space<vmem>>
    %dma_start3A_44 = arith.constant 0 : i32
    %dma_start3A_45 = arith.constant 0 : i32
    %dma_start3A_46 = tpu.memref_slice %arg3[%dma_start3A_33, %add3A_18, %dma_start3A_44, %dma_start3A_45] : memref<2x2500x8x128xf32, #tpu.memory_space<hbm>> -> memref<1x1x8x128xf32, #tpu.memory_space<hbm>>
    %dma_start3A_47 = tpu.memref_squeeze %dma_start3A_46 : memref<1x1x8x128xf32, #tpu.memory_space<hbm>> -> memref<8x128xf32, #tpu.memory_space<hbm>>
    tpu.enqueue_dma source(%dma_start3A_47 : memref<8x128xf32, #tpu.memory_space<hbm>>) target(%dma_start3A_43 : memref<8x128xf32, #tpu.memory_space<vmem>>) target_semaphore(%arg21 : memref<!tpu.dma_semaphore, #tpu.memory_space<semaphore_mem>>)
    %add3A_48 = arith.constant 1 : i32
    %add3A_49 = arith.addi %add3A_4, %add3A_48 : i32
    %dma_start3A_50 = arith.constant 0 : i32
    %dma_start3A_51 = arith.constant 0 : i32
    %dma_start3A_52 = arith.constant 0 : i32
    %dma_start3A_53 = tpu.memref_slice %arg8[%dma_start3A_51, %dma_start3A_52] : memref<16x128xf32, #tpu.memory_space<vmem>> -> memref<8x128xf32, #tpu.memory_space<vmem>>
    %dma_start3A_54 = arith.constant 0 : i32
    %dma_start3A_55 = arith.constant 0 : i32
    %dma_start3A_56 = tpu.memref_slice %arg3[%dma_start3A_50, %add3A_49, %dma_start3A_54, %dma_start3A_55] : memref<2x2500x8x128xf32, #tpu.memory_space<hbm>> -> memref<1x1x8x128xf32, #tpu.memory_space<hbm>>
    %dma_start3A_57 = tpu.memref_squeeze %dma_start3A_56 : memref<1x1x8x128xf32, #tpu.memory_space<hbm>> -> memref<8x128xf32, #tpu.memory_space<hbm>>
    %dma_start3A_58 = arith.constant 0 : i32
    %dma_start3A_59 = arith.constant 0 : i32
    %dma_start3A_60 = tpu.memref_slice %arg8[%dma_start3A_58, %dma_start3A_59] : memref<16x128xf32, #tpu.memory_space<vmem>> -> memref<8x128xf32, #tpu.memory_space<vmem>>
    %dma_start3A_61 = arith.constant 0 : i32
    %dma_start3A_62 = arith.constant 0 : i32
    %dma_start3A_63 = tpu.memref_slice %arg3[%dma_start3A_50, %add3A_49, %dma_start3A_61, %dma_start3A_62] : memref<2x2500x8x128xf32, #tpu.memory_space<hbm>> -> memref<1x1x8x128xf32, #tpu.memory_space<hbm>>
    %dma_start3A_64 = tpu.memref_squeeze %dma_start3A_63 : memref<1x1x8x128xf32, #tpu.memory_space<hbm>> -> memref<8x128xf32, #tpu.memory_space<hbm>>
    tpu.enqueue_dma source(%dma_start3A_64 : memref<8x128xf32, #tpu.memory_space<hbm>>) target(%dma_start3A_60 : memref<8x128xf32, #tpu.memory_space<vmem>>) target_semaphore(%arg22 : memref<!tpu.dma_semaphore, #tpu.memory_space<semaphore_mem>>)
    %dma_start3A_65 = arith.constant 1 : i32
    %dma_start3A_66 = arith.constant 8 : i32
    %dma_start3A_67 = arith.constant 0 : i32
    %dma_start3A_68 = tpu.memref_slice %arg8[%dma_start3A_66, %dma_start3A_67] : memref<16x128xf32, #tpu.memory_space<vmem>> -> memref<8x128xf32, #tpu.memory_space<vmem>>
    %dma_start3A_69 = arith.constant 0 : i32
    %dma_start3A_70 = arith.constant 0 : i32
    %dma_start3A_71 = tpu.memref_slice %arg3[%dma_start3A_65, %add3A_49, %dma_start3A_69, %dma_start3A_70] : memref<2x2500x8x128xf32, #tpu.memory_space<hbm>> -> memref<1x1x8x128xf32, #tpu.memory_space<hbm>>
    %dma_start3A_72 = tpu.memref_squeeze %dma_start3A_71 : memref<1x1x8x128xf32, #tpu.memory_space<hbm>> -> memref<8x128xf32, #tpu.memory_space<hbm>>
    %dma_start3A_73 = arith.constant 8 : i32
    %dma_start3A_74 = arith.constant 0 : i32
    %dma_start3A_75 = tpu.memref_slice %arg8[%dma_start3A_73, %dma_start3A_74] : memref<16x128xf32, #tpu.memory_space<vmem>> -> memref<8x128xf32, #tpu.memory_space<vmem>>
    %dma_start3A_76 = arith.constant 0 : i32
    %dma_start3A_77 = arith.constant 0 : i32
    %dma_start3A_78 = tpu.memref_slice %arg3[%dma_start3A_65, %add3A_49, %dma_start3A_76, %dma_start3A_77] : memref<2x2500x8x128xf32, #tpu.memory_space<hbm>> -> memref<1x1x8x128xf32, #tpu.memory_space<hbm>>
    %dma_start3A_79 = tpu.memref_squeeze %dma_start3A_78 : memref<1x1x8x128xf32, #tpu.memory_space<hbm>> -> memref<8x128xf32, #tpu.memory_space<hbm>>
    tpu.enqueue_dma source(%dma_start3A_79 : memref<8x128xf32, #tpu.memory_space<hbm>>) target(%dma_start3A_75 : memref<8x128xf32, #tpu.memory_space<vmem>>) target_semaphore(%arg22 : memref<!tpu.dma_semaphore, #tpu.memory_space<semaphore_mem>>)
    %add3A_80 = arith.constant 2 : i32
    %add3A_81 = arith.addi %add3A_4, %add3A_80 : i32
    %dma_start3A_82 = arith.constant 0 : i32
    %dma_start3A_83 = arith.constant 0 : i32
    %dma_start3A_84 = arith.constant 0 : i32
    %dma_start3A_85 = tpu.memref_slice %arg9[%dma_start3A_83, %dma_start3A_84] : memref<16x128xf32, #tpu.memory_space<vmem>> -> memref<8x128xf32, #tpu.memory_space<vmem>>
    %dma_start3A_86 = arith.constant 0 : i32
    %dma_start3A_87 = arith.constant 0 : i32
    %dma_start3A_88 = tpu.memref_slice %arg3[%dma_start3A_82, %add3A_81, %dma_start3A_86, %dma_start3A_87] : memref<2x2500x8x128xf32, #tpu.memory_space<hbm>> -> memref<1x1x8x128xf32, #tpu.memory_space<hbm>>
    %dma_start3A_89 = tpu.memref_squeeze %dma_start3A_88 : memref<1x1x8x128xf32, #tpu.memory_space<hbm>> -> memref<8x128xf32, #tpu.memory_space<hbm>>
    %dma_start3A_90 = arith.constant 0 : i32
    %dma_start3A_91 = arith.constant 0 : i32
    %dma_start3A_92 = tpu.memref_slice %arg9[%dma_start3A_90, %dma_start3A_91] : memref<16x128xf32, #tpu.memory_space<vmem>> -> memref<8x128xf32, #tpu.memory_space<vmem>>
    %dma_start3A_93 = arith.constant 0 : i32
    %dma_start3A_94 = arith.constant 0 : i32
    %dma_start3A_95 = tpu.memref_slice %arg3[%dma_start3A_82, %add3A_81, %dma_start3A_93, %dma_start3A_94] : memref<2x2500x8x128xf32, #tpu.memory_space<hbm>> -> memref<1x1x8x128xf32, #tpu.memory_space<hbm>>
    %dma_start3A_96 = tpu.memref_squeeze %dma_start3A_95 : memref<1x1x8x128xf32, #tpu.memory_space<hbm>> -> memref<8x128xf32, #tpu.memory_space<hbm>>
    tpu.enqueue_dma source(%dma_start3A_96 : memref<8x128xf32, #tpu.memory_space<hbm>>) target(%dma_start3A_92 : memref<8x128xf32, #tpu.memory_space<vmem>>) target_semaphore(%arg23 : memref<!tpu.dma_semaphore, #tpu.memory_space<semaphore_mem>>)
    %dma_start3A_97 = arith.constant 1 : i32
    %dma_start3A_98 = arith.constant 8 : i32
    %dma_start3A_99 = arith.constant 0 : i32
    %dma_start3A_100 = tpu.memref_slice %arg9[%dma_start3A_98, %dma_start3A_99] : memref<16x128xf32, #tpu.memory_space<vmem>> -> memref<8x128xf32, #tpu.memory_space<vmem>>
    %dma_start3A_101 = arith.constant 0 : i32
    %dma_start3A_102 = arith.constant 0 : i32
    %dma_start3A_103 = tpu.memref_slice %arg3[%dma_start3A_97, %add3A_81, %dma_start3A_101, %dma_start3A_102] : memref<2x2500x8x128xf32, #tpu.memory_space<hbm>> -> memref<1x1x8x128xf32, #tpu.memory_space<hbm>>
    %dma_start3A_104 = tpu.memref_squeeze %dma_start3A_103 : memref<1x1x8x128xf32, #tpu.memory_space<hbm>> -> memref<8x128xf32, #tpu.memory_space<hbm>>
    %dma_start3A_105 = arith.constant 8 : i32
    %dma_start3A_106 = arith.constant 0 : i32
    %dma_start3A_107 = tpu.memref_slice %arg9[%dma_start3A_105, %dma_start3A_106] : memref<16x128xf32, #tpu.memory_space<vmem>> -> memref<8x128xf32, #tpu.memory_space<vmem>>
    %dma_start3A_108 = arith.constant 0 : i32
    %dma_start3A_109 = arith.constant 0 : i32
    %dma_start3A_110 = tpu.memref_slice %arg3[%dma_start3A_97, %add3A_81, %dma_start3A_108, %dma_start3A_109] : memref<2x2500x8x128xf32, #tpu.memory_space<hbm>> -> memref<1x1x8x128xf32, #tpu.memory_space<hbm>>
    %dma_start3A_111 = tpu.memref_squeeze %dma_start3A_110 : memref<1x1x8x128xf32, #tpu.memory_space<hbm>> -> memref<8x128xf32, #tpu.memory_space<hbm>>
    tpu.enqueue_dma source(%dma_start3A_111 : memref<8x128xf32, #tpu.memory_space<hbm>>) target(%dma_start3A_107 : memref<8x128xf32, #tpu.memory_space<vmem>>) target_semaphore(%arg23 : memref<!tpu.dma_semaphore, #tpu.memory_space<semaphore_mem>>)
    %scan3A_112 = arith.constant 0 : i32
    %scan3A_113 = arith.constant 0 : i32
    %scan3A_114 = arith.constant 13 : i32
    %scan3A_115 = arith.addi %scan3A_113, %scan3A_114 : i32
    %scan3A_116 = arith.constant 1 : i32
    scf.for %scan3A_157 = %scan3A_113 to %scan3A_115 step %scan3A_116  : i32 {
      %mul3A_158 = arith.constant 6 : i32
      %mul3A_159 = arith.muli %mul3A_158, %scan3A_157 : i32
      %add3A_160 = arith.constant 0 : i32
      %add3A_161 = arith.addi %mul3A_159, %add3A_160 : i32
      %add3A_162 = arith.constant 3 : i32
      %add3A_163 = arith.addi %add3A_161, %add3A_162 : i32
      %lt3A_164 = arith.constant 78 : i32
      %lt3A_165 = arith.cmpi slt, %add3A_163, %lt3A_164 : i32
      %convert_element_type3A_166 = arith.extui %lt3A_165 : i1 to i32
      %cond3A_167 = arith.constant 0 : i32
      %cond3A_168 = arith.cmpi ne, %convert_element_type3A_166, %cond3A_167 : i32
      scf.if %cond3A_168 {
        %add3A_492 = arith.constant 3 : i32
        %add3A_493 = arith.addi %add3A_161, %add3A_492 : i32
        %add3A_494 = arith.addi %add3A_4, %add3A_493 : i32
        %dma_start3A_495 = arith.constant 0 : i32
        %dma_start3A_496 = arith.constant 0 : i32
        %dma_start3A_497 = arith.constant 0 : i32
        %dma_start3A_498 = tpu.memref_slice %arg10[%dma_start3A_496, %dma_start3A_497] : memref<16x128xf32, #tpu.memory_space<vmem>> -> memref<8x128xf32, #tpu.memory_space<vmem>>
        %dma_start3A_499 = arith.constant 0 : i32
        %dma_start3A_500 = arith.constant 0 : i32
        %dma_start3A_501 = tpu.memref_slice %arg3[%dma_start3A_495, %add3A_494, %dma_start3A_499, %dma_start3A_500] : memref<2x2500x8x128xf32, #tpu.memory_space<hbm>> -> memref<1x1x8x128xf32, #tpu.memory_space<hbm>>
        %dma_start3A_502 = tpu.memref_squeeze %dma_start3A_501 : memref<1x1x8x128xf32, #tpu.memory_space<hbm>> -> memref<8x128xf32, #tpu.memory_space<hbm>>
        %dma_start3A_503 = arith.constant 0 : i32
        %dma_start3A_504 = arith.constant 0 : i32
        %dma_start3A_505 = tpu.memref_slice %arg10[%dma_start3A_503, %dma_start3A_504] : memref<16x128xf32, #tpu.memory_space<vmem>> -> memref<8x128xf32, #tpu.memory_space<vmem>>
        %dma_start3A_506 = arith.constant 0 : i32
        %dma_start3A_507 = arith.constant 0 : i32
        %dma_start3A_508 = tpu.memref_slice %arg3[%dma_start3A_495, %add3A_494, %dma_start3A_506, %dma_start3A_507] : memref<2x2500x8x128xf32, #tpu.memory_space<hbm>> -> memref<1x1x8x128xf32, #tpu.memory_space<hbm>>
        %dma_start3A_509 = tpu.memref_squeeze %dma_start3A_508 : memref<1x1x8x128xf32, #tpu.memory_space<hbm>> -> memref<8x128xf32, #tpu.memory_space<hbm>>
        tpu.enqueue_dma source(%dma_start3A_509 : memref<8x128xf32, #tpu.memory_space<hbm>>) target(%dma_start3A_505 : memref<8x128xf32, #tpu.memory_space<vmem>>) target_semaphore(%arg24 : memref<!tpu.dma_semaphore, #tpu.memory_space<semaphore_mem>>)
        %dma_start3A_510 = arith.constant 1 : i32
        %dma_start3A_511 = arith.constant 8 : i32
        %dma_start3A_512 = arith.constant 0 : i32
        %dma_start3A_513 = tpu.memref_slice %arg10[%dma_start3A_511, %dma_start3A_512] : memref<16x128xf32, #tpu.memory_space<vmem>> -> memref<8x128xf32, #tpu.memory_space<vmem>>
        %dma_start3A_514 = arith.constant 0 : i32
        %dma_start3A_515 = arith.constant 0 : i32
        %dma_start3A_516 = tpu.memref_slice %arg3[%dma_start3A_510, %add3A_494, %dma_start3A_514, %dma_start3A_515] : memref<2x2500x8x128xf32, #tpu.memory_space<hbm>> -> memref<1x1x8x128xf32, #tpu.memory_space<hbm>>
        %dma_start3A_517 = tpu.memref_squeeze %dma_start3A_516 : memref<1x1x8x128xf32, #tpu.memory_space<hbm>> -> memref<8x128xf32, #tpu.memory_space<hbm>>
        %dma_start3A_518 = arith.constant 8 : i32
        %dma_start3A_519 = arith.constant 0 : i32
        %dma_start3A_520 = tpu.memref_slice %arg10[%dma_start3A_518, %dma_start3A_519] : memref<16x128xf32, #tpu.memory_space<vmem>> -> memref<8x128xf32, #tpu.memory_space<vmem>>
        %dma_start3A_521 = arith.constant 0 : i32
        %dma_start3A_522 = arith.constant 0 : i32
        %dma_start3A_523 = tpu.memref_slice %arg3[%dma_start3A_510, %add3A_494, %dma_start3A_521, %dma_start3A_522] : memref<2x2500x8x128xf32, #tpu.memory_space<hbm>> -> memref<1x1x8x128xf32, #tpu.memory_space<hbm>>
        %dma_start3A_524 = tpu.memref_squeeze %dma_start3A_523 : memref<1x1x8x128xf32, #tpu.memory_space<hbm>> -> memref<8x128xf32, #tpu.memory_space<hbm>>
        tpu.enqueue_dma source(%dma_start3A_524 : memref<8x128xf32, #tpu.memory_space<hbm>>) target(%dma_start3A_520 : memref<8x128xf32, #tpu.memory_space<vmem>>) target_semaphore(%arg24 : memref<!tpu.dma_semaphore, #tpu.memory_space<semaphore_mem>>)
      } else {
      }
      %add3A_169 = arith.addi %add3A_4, %add3A_161 : i32
      %dma_wait3A_170 = arith.constant 0 : i32
      %dma_wait3A_171 = arith.constant 0 : i32
      %dma_wait3A_172 = arith.constant 0 : i32
      %dma_wait3A_173 = tpu.memref_slice %arg7[%dma_wait3A_171, %dma_wait3A_172] : memref<16x128xf32, #tpu.memory_space<vmem>> -> memref<8x128xf32, #tpu.memory_space<vmem>>
      %dma_wait3A_174 = arith.constant 0 : i32
      %dma_wait3A_175 = arith.constant 0 : i32
      %dma_wait3A_176 = tpu.memref_slice %arg3[%dma_wait3A_170, %add3A_169, %dma_wait3A_174, %dma_wait3A_175] : memref<2x2500x8x128xf32, #tpu.memory_space<hbm>> -> memref<1x1x8x128xf32, #tpu.memory_space<hbm>>
      %dma_wait3A_177 = tpu.memref_squeeze %dma_wait3A_176 : memref<1x1x8x128xf32, #tpu.memory_space<hbm>> -> memref<8x128xf32, #tpu.memory_space<hbm>>
      %dma_wait3A_178 = arith.constant 0 : i32
      %dma_wait3A_179 = arith.constant 0 : i32
      %dma_wait3A_180 = tpu.memref_slice %arg7[%dma_wait3A_178, %dma_wait3A_179] : memref<16x128xf32, #tpu.memory_space<vmem>> -> memref<8x128xf32, #tpu.memory_space<vmem>>
      %dma_wait3A_181 = arith.constant 0 : i32
      %dma_wait3A_182 = arith.constant 0 : i32
      %dma_wait3A_183 = tpu.memref_slice %arg3[%dma_wait3A_170, %add3A_169, %dma_wait3A_181, %dma_wait3A_182] : memref<2x2500x8x128xf32, #tpu.memory_space<hbm>> -> memref<1x1x8x128xf32, #tpu.memory_space<hbm>>
      %dma_wait3A_184 = tpu.memref_squeeze %dma_wait3A_183 : memref<1x1x8x128xf32, #tpu.memory_space<hbm>> -> memref<8x128xf32, #tpu.memory_space<hbm>>
      tpu.wait_dma2 semaphore(%arg21 : memref<!tpu.dma_semaphore, #tpu.memory_space<semaphore_mem>>) src(%dma_wait3A_184 : memref<8x128xf32, #tpu.memory_space<hbm>>) dst(%dma_wait3A_180 : memref<8x128xf32, #tpu.memory_space<vmem>>)
      %dma_wait3A_185 = arith.constant 1 : i32
      %dma_wait3A_186 = arith.constant 8 : i32
      %dma_wait3A_187 = arith.constant 0 : i32
      %dma_wait3A_188 = tpu.memref_slice %arg7[%dma_wait3A_186, %dma_wait3A_187] : memref<16x128xf32, #tpu.memory_space<vmem>> -> memref<8x128xf32, #tpu.memory_space<vmem>>
      %dma_wait3A_189 = arith.constant 0 : i32
      %dma_wait3A_190 = arith.constant 0 : i32
      %dma_wait3A_191 = tpu.memref_slice %arg3[%dma_wait3A_185, %add3A_169, %dma_wait3A_189, %dma_wait3A_190] : memref<2x2500x8x128xf32, #tpu.memory_space<hbm>> -> memref<1x1x8x128xf32, #tpu.memory_space<hbm>>
      %dma_wait3A_192 = tpu.memref_squeeze %dma_wait3A_191 : memref<1x1x8x128xf32, #tpu.memory_space<hbm>> -> memref<8x128xf32, #tpu.memory_space<hbm>>
      %dma_wait3A_193 = arith.constant 8 : i32
      %dma_wait3A_194 = arith.constant 0 : i32
      %dma_wait3A_195 = tpu.memref_slice %arg7[%dma_wait3A_193, %dma_wait3A_194] : memref<16x128xf32, #tpu.memory_space<vmem>> -> memref<8x128xf32, #tpu.memory_space<vmem>>
      %dma_wait3A_196 = arith.constant 0 : i32
      %dma_wait3A_197 = arith.constant 0 : i32
      %dma_wait3A_198 = tpu.memref_slice %arg3[%dma_wait3A_185, %add3A_169, %dma_wait3A_196, %dma_wait3A_197] : memref<2x2500x8x128xf32, #tpu.memory_space<hbm>> -> memref<1x1x8x128xf32, #tpu.memory_space<hbm>>
      %dma_wait3A_199 = tpu.memref_squeeze %dma_wait3A_198 : memref<1x1x8x128xf32, #tpu.memory_space<hbm>> -> memref<8x128xf32, #tpu.memory_space<hbm>>
      tpu.wait_dma2 semaphore(%arg21 : memref<!tpu.dma_semaphore, #tpu.memory_space<semaphore_mem>>) src(%dma_wait3A_199 : memref<8x128xf32, #tpu.memory_space<hbm>>) dst(%dma_wait3A_195 : memref<8x128xf32, #tpu.memory_space<vmem>>)
      %ge3A = arith.constant 6 : i32
      %ge3A_200 = arith.cmpi sge, %add3A_161, %ge3A : i32
      %convert_element_type3A_201 = arith.extui %ge3A_200 : i1 to i32
      %cond3A_202 = arith.constant 0 : i32
      %cond3A_203 = arith.cmpi ne, %convert_element_type3A_201, %cond3A_202 : i32
      scf.if %cond3A_203 {
        %sub3A = arith.constant 6 : i32
        %sub3A_492 = arith.subi %add3A_161, %sub3A : i32
        %mul3A_493 = arith.constant 128 : i32
        %mul3A_494 = arith.muli %sub3A_492, %mul3A_493 : i32
        %dma_wait3A_495 = tpu.memref_slice %arg5[%mul3A_494] : memref<9984xi32, #tpu.memory_space<vmem>> -> memref<128xi32, #tpu.memory_space<vmem>>
        %dma_wait3A_496 = arith.constant 0 : i32
        %dma_wait3A_497 = arith.constant 0 : i32
        %dma_wait3A_498 = tpu.memref_slice %arg20[%dma_wait3A_496, %dma_wait3A_497] : memref<10000x16xf32, #tpu.memory_space<vmem_shared>> -> memref<10000x16xf32, #tpu.memory_space<vmem_shared>>
        tpu.wait_indirect_dma semaphore(%arg27 : memref<!tpu.dma_semaphore, #tpu.memory_space<semaphore_mem>>) src(%arg13 : memref<128x16xf32, #tpu.memory_space<vmem>>) dst(%dma_wait3A_498 : memref<10000x16xf32, #tpu.memory_space<vmem_shared>>)
      } else {
      }
      %parallel_loop3A = arith.constant 0 : i32
      %parallel_loop3A_204 = arith.constant 16 : i32
      %parallel_loop3A_205 = arith.constant 2 : i32
      scf.for %parallel_loop3A_492 = %parallel_loop3A to %parallel_loop3A_204 step %parallel_loop3A_205  : i32 {
        %parallel_loop3A_493 = arith.constant 0 : i32
        %parallel_loop3A_494 = arith.addi %parallel_loop3A_492, %parallel_loop3A_493 : i32
        %parallel_loop3A_495 = arith.index_cast %parallel_loop3A_494 : i32 to index
        %parallel_loop3A_496 = arith.constant 0 : index
        %parallel_loop3A_497 = tpu.vector_load %arg7[%parallel_loop3A_495, %parallel_loop3A_496] {strides = array<i32>} : memref<16x128xf32, #tpu.memory_space<vmem>>, vector<16xf32>,
        %parallel_loop3A_498 = arith.constant 0 : i32
        %parallel_loop3A_499 = vector.broadcast %parallel_loop3A_498 : i32 to vector<16xi32>
        %parallel_loop3A_500 = arith.addi %parallel_loop3A_499, %iota3A : vector<16xi32>
        %parallel_loop3A_501 = vector.broadcast %parallel_loop3A_494 : i32 to vector<16xi32>
        tpu.vector_store_idx %arg13[%parallel_loop3A_500, %parallel_loop3A_501], %parallel_loop3A_497 : memref<128x16xf32, #tpu.memory_space<vmem>>[vector<16xi32>, vector<16xi32>], vector<16xf32>,
        %parallel_loop3A_502 = arith.index_cast %parallel_loop3A_494 : i32 to index
        %parallel_loop3A_503 = arith.constant 16 : index
        %parallel_loop3A_504 = tpu.vector_load %arg7[%parallel_loop3A_502, %parallel_loop3A_503] {strides = array<i32>} : memref<16x128xf32, #tpu.memory_space<vmem>>, vector<16xf32>,
        %parallel_loop3A_505 = arith.constant 16 : i32
        %parallel_loop3A_506 = vector.broadcast %parallel_loop3A_505 : i32 to vector<16xi32>
        %parallel_loop3A_507 = arith.addi %parallel_loop3A_506, %iota3A : vector<16xi32>
        %parallel_loop3A_508 = vector.broadcast %parallel_loop3A_494 : i32 to vector<16xi32>
        tpu.vector_store_idx %arg13[%parallel_loop3A_507, %parallel_loop3A_508], %parallel_loop3A_504 : memref<128x16xf32, #tpu.memory_space<vmem>>[vector<16xi32>, vector<16xi32>], vector<16xf32>,
        %parallel_loop3A_509 = arith.index_cast %parallel_loop3A_494 : i32 to index
        %parallel_loop3A_510 = arith.constant 32 : index
        %parallel_loop3A_511 = tpu.vector_load %arg7[%parallel_loop3A_509, %parallel_loop3A_510] {strides = array<i32>} : memref<16x128xf32, #tpu.memory_space<vmem>>, vector<16xf32>,
        %parallel_loop3A_512 = arith.constant 32 : i32
        %parallel_loop3A_513 = vector.broadcast %parallel_loop3A_512 : i32 to vector<16xi32>
        %parallel_loop3A_514 = arith.addi %parallel_loop3A_513, %iota3A : vector<16xi32>
        %parallel_loop3A_515 = vector.broadcast %parallel_loop3A_494 : i32 to vector<16xi32>
        tpu.vector_store_idx %arg13[%parallel_loop3A_514, %parallel_loop3A_515], %parallel_loop3A_511 : memref<128x16xf32, #tpu.memory_space<vmem>>[vector<16xi32>, vector<16xi32>], vector<16xf32>,
        %parallel_loop3A_516 = arith.index_cast %parallel_loop3A_494 : i32 to index
        %parallel_loop3A_517 = arith.constant 48 : index
        %parallel_loop3A_518 = tpu.vector_load %arg7[%parallel_loop3A_516, %parallel_loop3A_517] {strides = array<i32>} : memref<16x128xf32, #tpu.memory_space<vmem>>, vector<16xf32>,
        %parallel_loop3A_519 = arith.constant 48 : i32
        %parallel_loop3A_520 = vector.broadcast %parallel_loop3A_519 : i32 to vector<16xi32>
        %parallel_loop3A_521 = arith.addi %parallel_loop3A_520, %iota3A : vector<16xi32>
        %parallel_loop3A_522 = vector.broadcast %parallel_loop3A_494 : i32 to vector<16xi32>
        tpu.vector_store_idx %arg13[%parallel_loop3A_521, %parallel_loop3A_522], %parallel_loop3A_518 : memref<128x16xf32, #tpu.memory_space<vmem>>[vector<16xi32>, vector<16xi32>], vector<16xf32>,
        %parallel_loop3A_523 = arith.index_cast %parallel_loop3A_494 : i32 to index
        %parallel_loop3A_524 = arith.constant 64 : index
        %parallel_loop3A_525 = tpu.vector_load %arg7[%parallel_loop3A_523, %parallel_loop3A_524] {strides = array<i32>} : memref<16x128xf32, #tpu.memory_space<vmem>>, vector<16xf32>,
        %parallel_loop3A_526 = arith.constant 64 : i32
        %parallel_loop3A_527 = vector.broadcast %parallel_loop3A_526 : i32 to vector<16xi32>
        %parallel_loop3A_528 = arith.addi %parallel_loop3A_527, %iota3A : vector<16xi32>
        %parallel_loop3A_529 = vector.broadcast %parallel_loop3A_494 : i32 to vector<16xi32>
        tpu.vector_store_idx %arg13[%parallel_loop3A_528, %parallel_loop3A_529], %parallel_loop3A_525 : memref<128x16xf32, #tpu.memory_space<vmem>>[vector<16xi32>, vector<16xi32>], vector<16xf32>,
        %parallel_loop3A_530 = arith.index_cast %parallel_loop3A_494 : i32 to index
        %parallel_loop3A_531 = arith.constant 80 : index
        %parallel_loop3A_532 = tpu.vector_load %arg7[%parallel_loop3A_530, %parallel_loop3A_531] {strides = array<i32>} : memref<16x128xf32, #tpu.memory_space<vmem>>, vector<16xf32>,
        %parallel_loop3A_533 = arith.constant 80 : i32
        %parallel_loop3A_534 = vector.broadcast %parallel_loop3A_533 : i32 to vector<16xi32>
        %parallel_loop3A_535 = arith.addi %parallel_loop3A_534, %iota3A : vector<16xi32>
        %parallel_loop3A_536 = vector.broadcast %parallel_loop3A_494 : i32 to vector<16xi32>
        tpu.vector_store_idx %arg13[%parallel_loop3A_535, %parallel_loop3A_536], %parallel_loop3A_532 : memref<128x16xf32, #tpu.memory_space<vmem>>[vector<16xi32>, vector<16xi32>], vector<16xf32>,
        %parallel_loop3A_537 = arith.index_cast %parallel_loop3A_494 : i32 to index
        %parallel_loop3A_538 = arith.constant 96 : index
        %parallel_loop3A_539 = tpu.vector_load %arg7[%parallel_loop3A_537, %parallel_loop3A_538] {strides = array<i32>} : memref<16x128xf32, #tpu.memory_space<vmem>>, vector<16xf32>,
        %parallel_loop3A_540 = arith.constant 96 : i32
        %parallel_loop3A_541 = vector.broadcast %parallel_loop3A_540 : i32 to vector<16xi32>
        %parallel_loop3A_542 = arith.addi %parallel_loop3A_541, %iota3A : vector<16xi32>
        %parallel_loop3A_543 = vector.broadcast %parallel_loop3A_494 : i32 to vector<16xi32>
        tpu.vector_store_idx %arg13[%parallel_loop3A_542, %parallel_loop3A_543], %parallel_loop3A_539 : memref<128x16xf32, #tpu.memory_space<vmem>>[vector<16xi32>, vector<16xi32>], vector<16xf32>,
        %parallel_loop3A_544 = arith.index_cast %parallel_loop3A_494 : i32 to index
        %parallel_loop3A_545 = arith.constant 112 : index
        %parallel_loop3A_546 = tpu.vector_load %arg7[%parallel_loop3A_544, %parallel_loop3A_545] {strides = array<i32>} : memref<16x128xf32, #tpu.memory_space<vmem>>, vector<16xf32>,
        %parallel_loop3A_547 = arith.constant 112 : i32
        %parallel_loop3A_548 = vector.broadcast %parallel_loop3A_547 : i32 to vector<16xi32>
        %parallel_loop3A_549 = arith.addi %parallel_loop3A_548, %iota3A : vector<16xi32>
        %parallel_loop3A_550 = vector.broadcast %parallel_loop3A_494 : i32 to vector<16xi32>
        tpu.vector_store_idx %arg13[%parallel_loop3A_549, %parallel_loop3A_550], %parallel_loop3A_546 : memref<128x16xf32, #tpu.memory_space<vmem>>[vector<16xi32>, vector<16xi32>], vector<16xf32>,
        %parallel_loop3A_551 = arith.constant 1 : i32
        %parallel_loop3A_552 = arith.addi %parallel_loop3A_492, %parallel_loop3A_551 : i32
        %parallel_loop3A_553 = arith.index_cast %parallel_loop3A_552 : i32 to index
        %parallel_loop3A_554 = arith.constant 0 : index
        %parallel_loop3A_555 = tpu.vector_load %arg7[%parallel_loop3A_553, %parallel_loop3A_554] {strides = array<i32>} : memref<16x128xf32, #tpu.memory_space<vmem>>, vector<16xf32>,
        %parallel_loop3A_556 = arith.constant 0 : i32
        %parallel_loop3A_557 = vector.broadcast %parallel_loop3A_556 : i32 to vector<16xi32>
        %parallel_loop3A_558 = arith.addi %parallel_loop3A_557, %iota3A : vector<16xi32>
        %parallel_loop3A_559 = vector.broadcast %parallel_loop3A_552 : i32 to vector<16xi32>
        tpu.vector_store_idx %arg13[%parallel_loop3A_558, %parallel_loop3A_559], %parallel_loop3A_555 : memref<128x16xf32, #tpu.memory_space<vmem>>[vector<16xi32>, vector<16xi32>], vector<16xf32>,
        %parallel_loop3A_560 = arith.index_cast %parallel_loop3A_552 : i32 to index
        %parallel_loop3A_561 = arith.constant 16 : index
        %parallel_loop3A_562 = tpu.vector_load %arg7[%parallel_loop3A_560, %parallel_loop3A_561] {strides = array<i32>} : memref<16x128xf32, #tpu.memory_space<vmem>>, vector<16xf32>,
        %parallel_loop3A_563 = arith.constant 16 : i32
        %parallel_loop3A_564 = vector.broadcast %parallel_loop3A_563 : i32 to vector<16xi32>
        %parallel_loop3A_565 = arith.addi %parallel_loop3A_564, %iota3A : vector<16xi32>
        %parallel_loop3A_566 = vector.broadcast %parallel_loop3A_552 : i32 to vector<16xi32>
        tpu.vector_store_idx %arg13[%parallel_loop3A_565, %parallel_loop3A_566], %parallel_loop3A_562 : memref<128x16xf32, #tpu.memory_space<vmem>>[vector<16xi32>, vector<16xi32>], vector<16xf32>,
        %parallel_loop3A_567 = arith.index_cast %parallel_loop3A_552 : i32 to index
        %parallel_loop3A_568 = arith.constant 32 : index
        %parallel_loop3A_569 = tpu.vector_load %arg7[%parallel_loop3A_567, %parallel_loop3A_568] {strides = array<i32>} : memref<16x128xf32, #tpu.memory_space<vmem>>, vector<16xf32>,
        %parallel_loop3A_570 = arith.constant 32 : i32
        %parallel_loop3A_571 = vector.broadcast %parallel_loop3A_570 : i32 to vector<16xi32>
        %parallel_loop3A_572 = arith.addi %parallel_loop3A_571, %iota3A : vector<16xi32>
        %parallel_loop3A_573 = vector.broadcast %parallel_loop3A_552 : i32 to vector<16xi32>
        tpu.vector_store_idx %arg13[%parallel_loop3A_572, %parallel_loop3A_573], %parallel_loop3A_569 : memref<128x16xf32, #tpu.memory_space<vmem>>[vector<16xi32>, vector<16xi32>], vector<16xf32>,
        %parallel_loop3A_574 = arith.index_cast %parallel_loop3A_552 : i32 to index
        %parallel_loop3A_575 = arith.constant 48 : index
        %parallel_loop3A_576 = tpu.vector_load %arg7[%parallel_loop3A_574, %parallel_loop3A_575] {strides = array<i32>} : memref<16x128xf32, #tpu.memory_space<vmem>>, vector<16xf32>,
        %parallel_loop3A_577 = arith.constant 48 : i32
        %parallel_loop3A_578 = vector.broadcast %parallel_loop3A_577 : i32 to vector<16xi32>
        %parallel_loop3A_579 = arith.addi %parallel_loop3A_578, %iota3A : vector<16xi32>
        %parallel_loop3A_580 = vector.broadcast %parallel_loop3A_552 : i32 to vector<16xi32>
        tpu.vector_store_idx %arg13[%parallel_loop3A_579, %parallel_loop3A_580], %parallel_loop3A_576 : memref<128x16xf32, #tpu.memory_space<vmem>>[vector<16xi32>, vector<16xi32>], vector<16xf32>,
        %parallel_loop3A_581 = arith.index_cast %parallel_loop3A_552 : i32 to index
        %parallel_loop3A_582 = arith.constant 64 : index
        %parallel_loop3A_583 = tpu.vector_load %arg7[%parallel_loop3A_581, %parallel_loop3A_582] {strides = array<i32>} : memref<16x128xf32, #tpu.memory_space<vmem>>, vector<16xf32>,
        %parallel_loop3A_584 = arith.constant 64 : i32
        %parallel_loop3A_585 = vector.broadcast %parallel_loop3A_584 : i32 to vector<16xi32>
        %parallel_loop3A_586 = arith.addi %parallel_loop3A_585, %iota3A : vector<16xi32>
        %parallel_loop3A_587 = vector.broadcast %parallel_loop3A_552 : i32 to vector<16xi32>
        tpu.vector_store_idx %arg13[%parallel_loop3A_586, %parallel_loop3A_587], %parallel_loop3A_583 : memref<128x16xf32, #tpu.memory_space<vmem>>[vector<16xi32>, vector<16xi32>], vector<16xf32>,
        %parallel_loop3A_588 = arith.index_cast %parallel_loop3A_552 : i32 to index
        %parallel_loop3A_589 = arith.constant 80 : index
        %parallel_loop3A_590 = tpu.vector_load %arg7[%parallel_loop3A_588, %parallel_loop3A_589] {strides = array<i32>} : memref<16x128xf32, #tpu.memory_space<vmem>>, vector<16xf32>,
        %parallel_loop3A_591 = arith.constant 80 : i32
        %parallel_loop3A_592 = vector.broadcast %parallel_loop3A_591 : i32 to vector<16xi32>
        %parallel_loop3A_593 = arith.addi %parallel_loop3A_592, %iota3A : vector<16xi32>
        %parallel_loop3A_594 = vector.broadcast %parallel_loop3A_552 : i32 to vector<16xi32>
        tpu.vector_store_idx %arg13[%parallel_loop3A_593, %parallel_loop3A_594], %parallel_loop3A_590 : memref<128x16xf32, #tpu.memory_space<vmem>>[vector<16xi32>, vector<16xi32>], vector<16xf32>,
        %parallel_loop3A_595 = arith.index_cast %parallel_loop3A_552 : i32 to index
        %parallel_loop3A_596 = arith.constant 96 : index
        %parallel_loop3A_597 = tpu.vector_load %arg7[%parallel_loop3A_595, %parallel_loop3A_596] {strides = array<i32>} : memref<16x128xf32, #tpu.memory_space<vmem>>, vector<16xf32>,
        %parallel_loop3A_598 = arith.constant 96 : i32
        %parallel_loop3A_599 = vector.broadcast %parallel_loop3A_598 : i32 to vector<16xi32>
        %parallel_loop3A_600 = arith.addi %parallel_loop3A_599, %iota3A : vector<16xi32>
        %parallel_loop3A_601 = vector.broadcast %parallel_loop3A_552 : i32 to vector<16xi32>
        tpu.vector_store_idx %arg13[%parallel_loop3A_600, %parallel_loop3A_601], %parallel_loop3A_597 : memref<128x16xf32, #tpu.memory_space<vmem>>[vector<16xi32>, vector<16xi32>], vector<16xf32>,
        %parallel_loop3A_602 = arith.index_cast %parallel_loop3A_552 : i32 to index
        %parallel_loop3A_603 = arith.constant 112 : index
        %parallel_loop3A_604 = tpu.vector_load %arg7[%parallel_loop3A_602, %parallel_loop3A_603] {strides = array<i32>} : memref<16x128xf32, #tpu.memory_space<vmem>>, vector<16xf32>,
        %parallel_loop3A_605 = arith.constant 112 : i32
        %parallel_loop3A_606 = vector.broadcast %parallel_loop3A_605 : i32 to vector<16xi32>
        %parallel_loop3A_607 = arith.addi %parallel_loop3A_606, %iota3A : vector<16xi32>
        %parallel_loop3A_608 = vector.broadcast %parallel_loop3A_552 : i32 to vector<16xi32>
        tpu.vector_store_idx %arg13[%parallel_loop3A_607, %parallel_loop3A_608], %parallel_loop3A_604 : memref<128x16xf32, #tpu.memory_space<vmem>>[vector<16xi32>, vector<16xi32>], vector<16xf32>,
      } {sc.loop_unroll_factor = 2 : i64, sc.parallel_access}
      %mul3A_206 = arith.constant 128 : i32
      %mul3A_207 = arith.muli %add3A_161, %mul3A_206 : i32
      %dma_start3A_208 = tpu.memref_slice %arg5[%mul3A_207] : memref<9984xi32, #tpu.memory_space<vmem>> -> memref<128xi32, #tpu.memory_space<vmem>>
      %dma_start3A_209 = arith.constant 0 : i32
      %dma_start3A_210 = arith.constant 0 : i32
      %dma_start3A_211 = tpu.memref_slice %arg20[%dma_start3A_209, %dma_start3A_210] : memref<10000x16xf32, #tpu.memory_space<vmem_shared>> -> memref<10000x16xf32, #tpu.memory_space<vmem_shared>>
      tpu.enqueue_indirect_dma source(%arg13 : memref<128x16xf32, #tpu.memory_space<vmem>>) target(%dma_start3A_211 : memref<10000x16xf32, #tpu.memory_space<vmem_shared>>) offsets(%dma_start3A_208 : memref<128xi32, #tpu.memory_space<vmem>>) semaphore(%arg27 : memref<!tpu.dma_semaphore, #tpu.memory_space<semaphore_mem>>) {add = true}
      %mul3A_212 = arith.constant 6 : i32
      %mul3A_213 = arith.muli %mul3A_212, %scan3A_157 : i32
      %add3A_214 = arith.constant 1 : i32
      %add3A_215 = arith.addi %mul3A_213, %add3A_214 : i32
      %add3A_216 = arith.constant 3 : i32
      %add3A_217 = arith.addi %add3A_215, %add3A_216 : i32
      %lt3A_218 = arith.constant 78 : i32
      %lt3A_219 = arith.cmpi slt, %add3A_217, %lt3A_218 : i32
      %convert_element_type3A_220 = arith.extui %lt3A_219 : i1 to i32
      %cond3A_221 = arith.constant 0 : i32
      %cond3A_222 = arith.cmpi ne, %convert_element_type3A_220, %cond3A_221 : i32
      scf.if %cond3A_222 {
        %add3A_492 = arith.constant 3 : i32
        %add3A_493 = arith.addi %add3A_215, %add3A_492 : i32
        %add3A_494 = arith.addi %add3A_4, %add3A_493 : i32
        %dma_start3A_495 = arith.constant 0 : i32
        %dma_start3A_496 = arith.constant 0 : i32
        %dma_start3A_497 = arith.constant 0 : i32
        %dma_start3A_498 = tpu.memref_slice %arg11[%dma_start3A_496, %dma_start3A_497] : memref<16x128xf32, #tpu.memory_space<vmem>> -> memref<8x128xf32, #tpu.memory_space<vmem>>
        %dma_start3A_499 = arith.constant 0 : i32
        %dma_start3A_500 = arith.constant 0 : i32
        %dma_start3A_501 = tpu.memref_slice %arg3[%dma_start3A_495, %add3A_494, %dma_start3A_499, %dma_start3A_500] : memref<2x2500x8x128xf32, #tpu.memory_space<hbm>> -> memref<1x1x8x128xf32, #tpu.memory_space<hbm>>
        %dma_start3A_502 = tpu.memref_squeeze %dma_start3A_501 : memref<1x1x8x128xf32, #tpu.memory_space<hbm>> -> memref<8x128xf32, #tpu.memory_space<hbm>>
        %dma_start3A_503 = arith.constant 0 : i32
        %dma_start3A_504 = arith.constant 0 : i32
        %dma_start3A_505 = tpu.memref_slice %arg11[%dma_start3A_503, %dma_start3A_504] : memref<16x128xf32, #tpu.memory_space<vmem>> -> memref<8x128xf32, #tpu.memory_space<vmem>>
        %dma_start3A_506 = arith.constant 0 : i32
        %dma_start3A_507 = arith.constant 0 : i32
        %dma_start3A_508 = tpu.memref_slice %arg3[%dma_start3A_495, %add3A_494, %dma_start3A_506, %dma_start3A_507] : memref<2x2500x8x128xf32, #tpu.memory_space<hbm>> -> memref<1x1x8x128xf32, #tpu.memory_space<hbm>>
        %dma_start3A_509 = tpu.memref_squeeze %dma_start3A_508 : memref<1x1x8x128xf32, #tpu.memory_space<hbm>> -> memref<8x128xf32, #tpu.memory_space<hbm>>
        tpu.enqueue_dma source(%dma_start3A_509 : memref<8x128xf32, #tpu.memory_space<hbm>>) target(%dma_start3A_505 : memref<8x128xf32, #tpu.memory_space<vmem>>) target_semaphore(%arg25 : memref<!tpu.dma_semaphore, #tpu.memory_space<semaphore_mem>>)
        %dma_start3A_510 = arith.constant 1 : i32
        %dma_start3A_511 = arith.constant 8 : i32
        %dma_start3A_512 = arith.constant 0 : i32
        %dma_start3A_513 = tpu.memref_slice %arg11[%dma_start3A_511, %dma_start3A_512] : memref<16x128xf32, #tpu.memory_space<vmem>> -> memref<8x128xf32, #tpu.memory_space<vmem>>
        %dma_start3A_514 = arith.constant 0 : i32
        %dma_start3A_515 = arith.constant 0 : i32
        %dma_start3A_516 = tpu.memref_slice %arg3[%dma_start3A_510, %add3A_494, %dma_start3A_514, %dma_start3A_515] : memref<2x2500x8x128xf32, #tpu.memory_space<hbm>> -> memref<1x1x8x128xf32, #tpu.memory_space<hbm>>
        %dma_start3A_517 = tpu.memref_squeeze %dma_start3A_516 : memref<1x1x8x128xf32, #tpu.memory_space<hbm>> -> memref<8x128xf32, #tpu.memory_space<hbm>>
        %dma_start3A_518 = arith.constant 8 : i32
        %dma_start3A_519 = arith.constant 0 : i32
        %dma_start3A_520 = tpu.memref_slice %arg11[%dma_start3A_518, %dma_start3A_519] : memref<16x128xf32, #tpu.memory_space<vmem>> -> memref<8x128xf32, #tpu.memory_space<vmem>>
        %dma_start3A_521 = arith.constant 0 : i32
        %dma_start3A_522 = arith.constant 0 : i32
        %dma_start3A_523 = tpu.memref_slice %arg3[%dma_start3A_510, %add3A_494, %dma_start3A_521, %dma_start3A_522] : memref<2x2500x8x128xf32, #tpu.memory_space<hbm>> -> memref<1x1x8x128xf32, #tpu.memory_space<hbm>>
        %dma_start3A_524 = tpu.memref_squeeze %dma_start3A_523 : memref<1x1x8x128xf32, #tpu.memory_space<hbm>> -> memref<8x128xf32, #tpu.memory_space<hbm>>
        tpu.enqueue_dma source(%dma_start3A_524 : memref<8x128xf32, #tpu.memory_space<hbm>>) target(%dma_start3A_520 : memref<8x128xf32, #tpu.memory_space<vmem>>) target_semaphore(%arg25 : memref<!tpu.dma_semaphore, #tpu.memory_space<semaphore_mem>>)
      } else {
      }
      %add3A_223 = arith.addi %add3A_4, %add3A_215 : i32
      %dma_wait3A_224 = arith.constant 0 : i32
      %dma_wait3A_225 = arith.constant 0 : i32
      %dma_wait3A_226 = arith.constant 0 : i32
      %dma_wait3A_227 = tpu.memref_slice %arg8[%dma_wait3A_225, %dma_wait3A_226] : memref<16x128xf32, #tpu.memory_space<vmem>> -> memref<8x128xf32, #tpu.memory_space<vmem>>
      %dma_wait3A_228 = arith.constant 0 : i32
      %dma_wait3A_229 = arith.constant 0 : i32
      %dma_wait3A_230 = tpu.memref_slice %arg3[%dma_wait3A_224, %add3A_223, %dma_wait3A_228, %dma_wait3A_229] : memref<2x2500x8x128xf32, #tpu.memory_space<hbm>> -> memref<1x1x8x128xf32, #tpu.memory_space<hbm>>
      %dma_wait3A_231 = tpu.memref_squeeze %dma_wait3A_230 : memref<1x1x8x128xf32, #tpu.memory_space<hbm>> -> memref<8x128xf32, #tpu.memory_space<hbm>>
      %dma_wait3A_232 = arith.constant 0 : i32
      %dma_wait3A_233 = arith.constant 0 : i32
      %dma_wait3A_234 = tpu.memref_slice %arg8[%dma_wait3A_232, %dma_wait3A_233] : memref<16x128xf32, #tpu.memory_space<vmem>> -> memref<8x128xf32, #tpu.memory_space<vmem>>
      %dma_wait3A_235 = arith.constant 0 : i32
      %dma_wait3A_236 = arith.constant 0 : i32
      %dma_wait3A_237 = tpu.memref_slice %arg3[%dma_wait3A_224, %add3A_223, %dma_wait3A_235, %dma_wait3A_236] : memref<2x2500x8x128xf32, #tpu.memory_space<hbm>> -> memref<1x1x8x128xf32, #tpu.memory_space<hbm>>
      %dma_wait3A_238 = tpu.memref_squeeze %dma_wait3A_237 : memref<1x1x8x128xf32, #tpu.memory_space<hbm>> -> memref<8x128xf32, #tpu.memory_space<hbm>>
      tpu.wait_dma2 semaphore(%arg22 : memref<!tpu.dma_semaphore, #tpu.memory_space<semaphore_mem>>) src(%dma_wait3A_238 : memref<8x128xf32, #tpu.memory_space<hbm>>) dst(%dma_wait3A_234 : memref<8x128xf32, #tpu.memory_space<vmem>>)
      %dma_wait3A_239 = arith.constant 1 : i32
      %dma_wait3A_240 = arith.constant 8 : i32
      %dma_wait3A_241 = arith.constant 0 : i32
      %dma_wait3A_242 = tpu.memref_slice %arg8[%dma_wait3A_240, %dma_wait3A_241] : memref<16x128xf32, #tpu.memory_space<vmem>> -> memref<8x128xf32, #tpu.memory_space<vmem>>
      %dma_wait3A_243 = arith.constant 0 : i32
      %dma_wait3A_244 = arith.constant 0 : i32
      %dma_wait3A_245 = tpu.memref_slice %arg3[%dma_wait3A_239, %add3A_223, %dma_wait3A_243, %dma_wait3A_244] : memref<2x2500x8x128xf32, #tpu.memory_space<hbm>> -> memref<1x1x8x128xf32, #tpu.memory_space<hbm>>
      %dma_wait3A_246 = tpu.memref_squeeze %dma_wait3A_245 : memref<1x1x8x128xf32, #tpu.memory_space<hbm>> -> memref<8x128xf32, #tpu.memory_space<hbm>>
      %dma_wait3A_247 = arith.constant 8 : i32
      %dma_wait3A_248 = arith.constant 0 : i32
      %dma_wait3A_249 = tpu.memref_slice %arg8[%dma_wait3A_247, %dma_wait3A_248] : memref<16x128xf32, #tpu.memory_space<vmem>> -> memref<8x128xf32, #tpu.memory_space<vmem>>
      %dma_wait3A_250 = arith.constant 0 : i32
      %dma_wait3A_251 = arith.constant 0 : i32
      %dma_wait3A_252 = tpu.memref_slice %arg3[%dma_wait3A_239, %add3A_223, %dma_wait3A_250, %dma_wait3A_251] : memref<2x2500x8x128xf32, #tpu.memory_space<hbm>> -> memref<1x1x8x128xf32, #tpu.memory_space<hbm>>
      %dma_wait3A_253 = tpu.memref_squeeze %dma_wait3A_252 : memref<1x1x8x128xf32, #tpu.memory_space<hbm>> -> memref<8x128xf32, #tpu.memory_space<hbm>>
      tpu.wait_dma2 semaphore(%arg22 : memref<!tpu.dma_semaphore, #tpu.memory_space<semaphore_mem>>) src(%dma_wait3A_253 : memref<8x128xf32, #tpu.memory_space<hbm>>) dst(%dma_wait3A_249 : memref<8x128xf32, #tpu.memory_space<vmem>>)
      %ge3A_254 = arith.constant 6 : i32
      %ge3A_255 = arith.cmpi sge, %add3A_215, %ge3A_254 : i32
      %convert_element_type3A_256 = arith.extui %ge3A_255 : i1 to i32
      %cond3A_257 = arith.constant 0 : i32
      %cond3A_258 = arith.cmpi ne, %convert_element_type3A_256, %cond3A_257 : i32
      scf.if %cond3A_258 {
        %sub3A = arith.constant 6 : i32
        %sub3A_492 = arith.subi %add3A_215, %sub3A : i32
        %mul3A_493 = arith.constant 128 : i32
        %mul3A_494 = arith.muli %sub3A_492, %mul3A_493 : i32
        %dma_wait3A_495 = tpu.memref_slice %arg5[%mul3A_494] : memref<9984xi32, #tpu.memory_space<vmem>> -> memref<128xi32, #tpu.memory_space<vmem>>
        %dma_wait3A_496 = arith.constant 0 : i32
        %dma_wait3A_497 = arith.constant 0 : i32
        %dma_wait3A_498 = tpu.memref_slice %arg20[%dma_wait3A_496, %dma_wait3A_497] : memref<10000x16xf32, #tpu.memory_space<vmem_shared>> -> memref<10000x16xf32, #tpu.memory_space<vmem_shared>>
        tpu.wait_indirect_dma semaphore(%arg28 : memref<!tpu.dma_semaphore, #tpu.memory_space<semaphore_mem>>) src(%arg14 : memref<128x16xf32, #tpu.memory_space<vmem>>) dst(%dma_wait3A_498 : memref<10000x16xf32, #tpu.memory_space<vmem_shared>>)
      } else {
      }
      %parallel_loop3A_259 = arith.constant 0 : i32
      %parallel_loop3A_260 = arith.constant 16 : i32
      %parallel_loop3A_261 = arith.constant 2 : i32
      scf.for %parallel_loop3A_492 = %parallel_loop3A_259 to %parallel_loop3A_260 step %parallel_loop3A_261  : i32 {
        %parallel_loop3A_493 = arith.constant 0 : i32
        %parallel_loop3A_494 = arith.addi %parallel_loop3A_492, %parallel_loop3A_493 : i32
        %parallel_loop3A_495 = arith.index_cast %parallel_loop3A_494 : i32 to index
        %parallel_loop3A_496 = arith.constant 0 : index
        %parallel_loop3A_497 = tpu.vector_load %arg8[%parallel_loop3A_495, %parallel_loop3A_496] {strides = array<i32>} : memref<16x128xf32, #tpu.memory_space<vmem>>, vector<16xf32>,
        %parallel_loop3A_498 = arith.constant 0 : i32
        %parallel_loop3A_499 = vector.broadcast %parallel_loop3A_498 : i32 to vector<16xi32>
        %parallel_loop3A_500 = arith.addi %parallel_loop3A_499, %iota3A : vector<16xi32>
        %parallel_loop3A_501 = vector.broadcast %parallel_loop3A_494 : i32 to vector<16xi32>
        tpu.vector_store_idx %arg14[%parallel_loop3A_500, %parallel_loop3A_501], %parallel_loop3A_497 : memref<128x16xf32, #tpu.memory_space<vmem>>[vector<16xi32>, vector<16xi32>], vector<16xf32>,
        %parallel_loop3A_502 = arith.index_cast %parallel_loop3A_494 : i32 to index
        %parallel_loop3A_503 = arith.constant 16 : index
        %parallel_loop3A_504 = tpu.vector_load %arg8[%parallel_loop3A_502, %parallel_loop3A_503] {strides = array<i32>} : memref<16x128xf32, #tpu.memory_space<vmem>>, vector<16xf32>,
        %parallel_loop3A_505 = arith.constant 16 : i32
        %parallel_loop3A_506 = vector.broadcast %parallel_loop3A_505 : i32 to vector<16xi32>
        %parallel_loop3A_507 = arith.addi %parallel_loop3A_506, %iota3A : vector<16xi32>
        %parallel_loop3A_508 = vector.broadcast %parallel_loop3A_494 : i32 to vector<16xi32>
        tpu.vector_store_idx %arg14[%parallel_loop3A_507, %parallel_loop3A_508], %parallel_loop3A_504 : memref<128x16xf32, #tpu.memory_space<vmem>>[vector<16xi32>, vector<16xi32>], vector<16xf32>,
        %parallel_loop3A_509 = arith.index_cast %parallel_loop3A_494 : i32 to index
        %parallel_loop3A_510 = arith.constant 32 : index
        %parallel_loop3A_511 = tpu.vector_load %arg8[%parallel_loop3A_509, %parallel_loop3A_510] {strides = array<i32>} : memref<16x128xf32, #tpu.memory_space<vmem>>, vector<16xf32>,
        %parallel_loop3A_512 = arith.constant 32 : i32
        %parallel_loop3A_513 = vector.broadcast %parallel_loop3A_512 : i32 to vector<16xi32>
        %parallel_loop3A_514 = arith.addi %parallel_loop3A_513, %iota3A : vector<16xi32>
        %parallel_loop3A_515 = vector.broadcast %parallel_loop3A_494 : i32 to vector<16xi32>
        tpu.vector_store_idx %arg14[%parallel_loop3A_514, %parallel_loop3A_515], %parallel_loop3A_511 : memref<128x16xf32, #tpu.memory_space<vmem>>[vector<16xi32>, vector<16xi32>], vector<16xf32>,
        %parallel_loop3A_516 = arith.index_cast %parallel_loop3A_494 : i32 to index
        %parallel_loop3A_517 = arith.constant 48 : index
        %parallel_loop3A_518 = tpu.vector_load %arg8[%parallel_loop3A_516, %parallel_loop3A_517] {strides = array<i32>} : memref<16x128xf32, #tpu.memory_space<vmem>>, vector<16xf32>,
        %parallel_loop3A_519 = arith.constant 48 : i32
        %parallel_loop3A_520 = vector.broadcast %parallel_loop3A_519 : i32 to vector<16xi32>
        %parallel_loop3A_521 = arith.addi %parallel_loop3A_520, %iota3A : vector<16xi32>
        %parallel_loop3A_522 = vector.broadcast %parallel_loop3A_494 : i32 to vector<16xi32>
        tpu.vector_store_idx %arg14[%parallel_loop3A_521, %parallel_loop3A_522], %parallel_loop3A_518 : memref<128x16xf32, #tpu.memory_space<vmem>>[vector<16xi32>, vector<16xi32>], vector<16xf32>,
        %parallel_loop3A_523 = arith.index_cast %parallel_loop3A_494 : i32 to index
        %parallel_loop3A_524 = arith.constant 64 : index
        %parallel_loop3A_525 = tpu.vector_load %arg8[%parallel_loop3A_523, %parallel_loop3A_524] {strides = array<i32>} : memref<16x128xf32, #tpu.memory_space<vmem>>, vector<16xf32>,
        %parallel_loop3A_526 = arith.constant 64 : i32
        %parallel_loop3A_527 = vector.broadcast %parallel_loop3A_526 : i32 to vector<16xi32>
        %parallel_loop3A_528 = arith.addi %parallel_loop3A_527, %iota3A : vector<16xi32>
        %parallel_loop3A_529 = vector.broadcast %parallel_loop3A_494 : i32 to vector<16xi32>
        tpu.vector_store_idx %arg14[%parallel_loop3A_528, %parallel_loop3A_529], %parallel_loop3A_525 : memref<128x16xf32, #tpu.memory_space<vmem>>[vector<16xi32>, vector<16xi32>], vector<16xf32>,
        %parallel_loop3A_530 = arith.index_cast %parallel_loop3A_494 : i32 to index
        %parallel_loop3A_531 = arith.constant 80 : index
        %parallel_loop3A_532 = tpu.vector_load %arg8[%parallel_loop3A_530, %parallel_loop3A_531] {strides = array<i32>} : memref<16x128xf32, #tpu.memory_space<vmem>>, vector<16xf32>,
        %parallel_loop3A_533 = arith.constant 80 : i32
        %parallel_loop3A_534 = vector.broadcast %parallel_loop3A_533 : i32 to vector<16xi32>
        %parallel_loop3A_535 = arith.addi %parallel_loop3A_534, %iota3A : vector<16xi32>
        %parallel_loop3A_536 = vector.broadcast %parallel_loop3A_494 : i32 to vector<16xi32>
        tpu.vector_store_idx %arg14[%parallel_loop3A_535, %parallel_loop3A_536], %parallel_loop3A_532 : memref<128x16xf32, #tpu.memory_space<vmem>>[vector<16xi32>, vector<16xi32>], vector<16xf32>,
        %parallel_loop3A_537 = arith.index_cast %parallel_loop3A_494 : i32 to index
        %parallel_loop3A_538 = arith.constant 96 : index
        %parallel_loop3A_539 = tpu.vector_load %arg8[%parallel_loop3A_537, %parallel_loop3A_538] {strides = array<i32>} : memref<16x128xf32, #tpu.memory_space<vmem>>, vector<16xf32>,
        %parallel_loop3A_540 = arith.constant 96 : i32
        %parallel_loop3A_541 = vector.broadcast %parallel_loop3A_540 : i32 to vector<16xi32>
        %parallel_loop3A_542 = arith.addi %parallel_loop3A_541, %iota3A : vector<16xi32>
        %parallel_loop3A_543 = vector.broadcast %parallel_loop3A_494 : i32 to vector<16xi32>
        tpu.vector_store_idx %arg14[%parallel_loop3A_542, %parallel_loop3A_543], %parallel_loop3A_539 : memref<128x16xf32, #tpu.memory_space<vmem>>[vector<16xi32>, vector<16xi32>], vector<16xf32>,
        %parallel_loop3A_544 = arith.index_cast %parallel_loop3A_494 : i32 to index
        %parallel_loop3A_545 = arith.constant 112 : index
        %parallel_loop3A_546 = tpu.vector_load %arg8[%parallel_loop3A_544, %parallel_loop3A_545] {strides = array<i32>} : memref<16x128xf32, #tpu.memory_space<vmem>>, vector<16xf32>,
        %parallel_loop3A_547 = arith.constant 112 : i32
        %parallel_loop3A_548 = vector.broadcast %parallel_loop3A_547 : i32 to vector<16xi32>
        %parallel_loop3A_549 = arith.addi %parallel_loop3A_548, %iota3A : vector<16xi32>
        %parallel_loop3A_550 = vector.broadcast %parallel_loop3A_494 : i32 to vector<16xi32>
        tpu.vector_store_idx %arg14[%parallel_loop3A_549, %parallel_loop3A_550], %parallel_loop3A_546 : memref<128x16xf32, #tpu.memory_space<vmem>>[vector<16xi32>, vector<16xi32>], vector<16xf32>,
        %parallel_loop3A_551 = arith.constant 1 : i32
        %parallel_loop3A_552 = arith.addi %parallel_loop3A_492, %parallel_loop3A_551 : i32
        %parallel_loop3A_553 = arith.index_cast %parallel_loop3A_552 : i32 to index
        %parallel_loop3A_554 = arith.constant 0 : index
        %parallel_loop3A_555 = tpu.vector_load %arg8[%parallel_loop3A_553, %parallel_loop3A_554] {strides = array<i32>} : memref<16x128xf32, #tpu.memory_space<vmem>>, vector<16xf32>,
        %parallel_loop3A_556 = arith.constant 0 : i32
        %parallel_loop3A_557 = vector.broadcast %parallel_loop3A_556 : i32 to vector<16xi32>
        %parallel_loop3A_558 = arith.addi %parallel_loop3A_557, %iota3A : vector<16xi32>
        %parallel_loop3A_559 = vector.broadcast %parallel_loop3A_552 : i32 to vector<16xi32>
        tpu.vector_store_idx %arg14[%parallel_loop3A_558, %parallel_loop3A_559], %parallel_loop3A_555 : memref<128x16xf32, #tpu.memory_space<vmem>>[vector<16xi32>, vector<16xi32>], vector<16xf32>,
        %parallel_loop3A_560 = arith.index_cast %parallel_loop3A_552 : i32 to index
        %parallel_loop3A_561 = arith.constant 16 : index
        %parallel_loop3A_562 = tpu.vector_load %arg8[%parallel_loop3A_560, %parallel_loop3A_561] {strides = array<i32>} : memref<16x128xf32, #tpu.memory_space<vmem>>, vector<16xf32>,
        %parallel_loop3A_563 = arith.constant 16 : i32
        %parallel_loop3A_564 = vector.broadcast %parallel_loop3A_563 : i32 to vector<16xi32>
        %parallel_loop3A_565 = arith.addi %parallel_loop3A_564, %iota3A : vector<16xi32>
        %parallel_loop3A_566 = vector.broadcast %parallel_loop3A_552 : i32 to vector<16xi32>
        tpu.vector_store_idx %arg14[%parallel_loop3A_565, %parallel_loop3A_566], %parallel_loop3A_562 : memref<128x16xf32, #tpu.memory_space<vmem>>[vector<16xi32>, vector<16xi32>], vector<16xf32>,
        %parallel_loop3A_567 = arith.index_cast %parallel_loop3A_552 : i32 to index
        %parallel_loop3A_568 = arith.constant 32 : index
        %parallel_loop3A_569 = tpu.vector_load %arg8[%parallel_loop3A_567, %parallel_loop3A_568] {strides = array<i32>} : memref<16x128xf32, #tpu.memory_space<vmem>>, vector<16xf32>,
        %parallel_loop3A_570 = arith.constant 32 : i32
        %parallel_loop3A_571 = vector.broadcast %parallel_loop3A_570 : i32 to vector<16xi32>
        %parallel_loop3A_572 = arith.addi %parallel_loop3A_571, %iota3A : vector<16xi32>
        %parallel_loop3A_573 = vector.broadcast %parallel_loop3A_552 : i32 to vector<16xi32>
        tpu.vector_store_idx %arg14[%parallel_loop3A_572, %parallel_loop3A_573], %parallel_loop3A_569 : memref<128x16xf32, #tpu.memory_space<vmem>>[vector<16xi32>, vector<16xi32>], vector<16xf32>,
        %parallel_loop3A_574 = arith.index_cast %parallel_loop3A_552 : i32 to index
        %parallel_loop3A_575 = arith.constant 48 : index
        %parallel_loop3A_576 = tpu.vector_load %arg8[%parallel_loop3A_574, %parallel_loop3A_575] {strides = array<i32>} : memref<16x128xf32, #tpu.memory_space<vmem>>, vector<16xf32>,
        %parallel_loop3A_577 = arith.constant 48 : i32
        %parallel_loop3A_578 = vector.broadcast %parallel_loop3A_577 : i32 to vector<16xi32>
        %parallel_loop3A_579 = arith.addi %parallel_loop3A_578, %iota3A : vector<16xi32>
        %parallel_loop3A_580 = vector.broadcast %parallel_loop3A_552 : i32 to vector<16xi32>
        tpu.vector_store_idx %arg14[%parallel_loop3A_579, %parallel_loop3A_580], %parallel_loop3A_576 : memref<128x16xf32, #tpu.memory_space<vmem>>[vector<16xi32>, vector<16xi32>], vector<16xf32>,
        %parallel_loop3A_581 = arith.index_cast %parallel_loop3A_552 : i32 to index
        %parallel_loop3A_582 = arith.constant 64 : index
        %parallel_loop3A_583 = tpu.vector_load %arg8[%parallel_loop3A_581, %parallel_loop3A_582] {strides = array<i32>} : memref<16x128xf32, #tpu.memory_space<vmem>>, vector<16xf32>,
        %parallel_loop3A_584 = arith.constant 64 : i32
        %parallel_loop3A_585 = vector.broadcast %parallel_loop3A_584 : i32 to vector<16xi32>
        %parallel_loop3A_586 = arith.addi %parallel_loop3A_585, %iota3A : vector<16xi32>
        %parallel_loop3A_587 = vector.broadcast %parallel_loop3A_552 : i32 to vector<16xi32>
        tpu.vector_store_idx %arg14[%parallel_loop3A_586, %parallel_loop3A_587], %parallel_loop3A_583 : memref<128x16xf32, #tpu.memory_space<vmem>>[vector<16xi32>, vector<16xi32>], vector<16xf32>,
        %parallel_loop3A_588 = arith.index_cast %parallel_loop3A_552 : i32 to index
        %parallel_loop3A_589 = arith.constant 80 : index
        %parallel_loop3A_590 = tpu.vector_load %arg8[%parallel_loop3A_588, %parallel_loop3A_589] {strides = array<i32>} : memref<16x128xf32, #tpu.memory_space<vmem>>, vector<16xf32>,
        %parallel_loop3A_591 = arith.constant 80 : i32
        %parallel_loop3A_592 = vector.broadcast %parallel_loop3A_591 : i32 to vector<16xi32>
        %parallel_loop3A_593 = arith.addi %parallel_loop3A_592, %iota3A : vector<16xi32>
        %parallel_loop3A_594 = vector.broadcast %parallel_loop3A_552 : i32 to vector<16xi32>
        tpu.vector_store_idx %arg14[%parallel_loop3A_593, %parallel_loop3A_594], %parallel_loop3A_590 : memref<128x16xf32, #tpu.memory_space<vmem>>[vector<16xi32>, vector<16xi32>], vector<16xf32>,
        %parallel_loop3A_595 = arith.index_cast %parallel_loop3A_552 : i32 to index
        %parallel_loop3A_596 = arith.constant 96 : index
        %parallel_loop3A_597 = tpu.vector_load %arg8[%parallel_loop3A_595, %parallel_loop3A_596] {strides = array<i32>} : memref<16x128xf32, #tpu.memory_space<vmem>>, vector<16xf32>,
        %parallel_loop3A_598 = arith.constant 96 : i32
        %parallel_loop3A_599 = vector.broadcast %parallel_loop3A_598 : i32 to vector<16xi32>
        %parallel_loop3A_600 = arith.addi %parallel_loop3A_599, %iota3A : vector<16xi32>
        %parallel_loop3A_601 = vector.broadcast %parallel_loop3A_552 : i32 to vector<16xi32>
        tpu.vector_store_idx %arg14[%parallel_loop3A_600, %parallel_loop3A_601], %parallel_loop3A_597 : memref<128x16xf32, #tpu.memory_space<vmem>>[vector<16xi32>, vector<16xi32>], vector<16xf32>,
        %parallel_loop3A_602 = arith.index_cast %parallel_loop3A_552 : i32 to index
        %parallel_loop3A_603 = arith.constant 112 : index
        %parallel_loop3A_604 = tpu.vector_load %arg8[%parallel_loop3A_602, %parallel_loop3A_603] {strides = array<i32>} : memref<16x128xf32, #tpu.memory_space<vmem>>, vector<16xf32>,
        %parallel_loop3A_605 = arith.constant 112 : i32
        %parallel_loop3A_606 = vector.broadcast %parallel_loop3A_605 : i32 to vector<16xi32>
        %parallel_loop3A_607 = arith.addi %parallel_loop3A_606, %iota3A : vector<16xi32>
        %parallel_loop3A_608 = vector.broadcast %parallel_loop3A_552 : i32 to vector<16xi32>
        tpu.vector_store_idx %arg14[%parallel_loop3A_607, %parallel_loop3A_608], %parallel_loop3A_604 : memref<128x16xf32, #tpu.memory_space<vmem>>[vector<16xi32>, vector<16xi32>], vector<16xf32>,
      } {sc.loop_unroll_factor = 2 : i64, sc.parallel_access}
      %mul3A_262 = arith.constant 128 : i32
      %mul3A_263 = arith.muli %add3A_215, %mul3A_262 : i32
      %dma_start3A_264 = tpu.memref_slice %arg5[%mul3A_263] : memref<9984xi32, #tpu.memory_space<vmem>> -> memref<128xi32, #tpu.memory_space<vmem>>
      %dma_start3A_265 = arith.constant 0 : i32
      %dma_start3A_266 = arith.constant 0 : i32
      %dma_start3A_267 = tpu.memref_slice %arg20[%dma_start3A_265, %dma_start3A_266] : memref<10000x16xf32, #tpu.memory_space<vmem_shared>> -> memref<10000x16xf32, #tpu.memory_space<vmem_shared>>
      tpu.enqueue_indirect_dma source(%arg14 : memref<128x16xf32, #tpu.memory_space<vmem>>) target(%dma_start3A_267 : memref<10000x16xf32, #tpu.memory_space<vmem_shared>>) offsets(%dma_start3A_264 : memref<128xi32, #tpu.memory_space<vmem>>) semaphore(%arg28 : memref<!tpu.dma_semaphore, #tpu.memory_space<semaphore_mem>>) {add = true}
      %mul3A_268 = arith.constant 6 : i32
      %mul3A_269 = arith.muli %mul3A_268, %scan3A_157 : i32
      %add3A_270 = arith.constant 2 : i32
      %add3A_271 = arith.addi %mul3A_269, %add3A_270 : i32
      %add3A_272 = arith.constant 3 : i32
      %add3A_273 = arith.addi %add3A_271, %add3A_272 : i32
      %lt3A_274 = arith.constant 78 : i32
      %lt3A_275 = arith.cmpi slt, %add3A_273, %lt3A_274 : i32
      %convert_element_type3A_276 = arith.extui %lt3A_275 : i1 to i32
      %cond3A_277 = arith.constant 0 : i32
      %cond3A_278 = arith.cmpi ne, %convert_element_type3A_276, %cond3A_277 : i32
      scf.if %cond3A_278 {
        %add3A_492 = arith.constant 3 : i32
        %add3A_493 = arith.addi %add3A_271, %add3A_492 : i32
        %add3A_494 = arith.addi %add3A_4, %add3A_493 : i32
        %dma_start3A_495 = arith.constant 0 : i32
        %dma_start3A_496 = arith.constant 0 : i32
        %dma_start3A_497 = arith.constant 0 : i32
        %dma_start3A_498 = tpu.memref_slice %arg12[%dma_start3A_496, %dma_start3A_497] : memref<16x128xf32, #tpu.memory_space<vmem>> -> memref<8x128xf32, #tpu.memory_space<vmem>>
        %dma_start3A_499 = arith.constant 0 : i32
        %dma_start3A_500 = arith.constant 0 : i32
        %dma_start3A_501 = tpu.memref_slice %arg3[%dma_start3A_495, %add3A_494, %dma_start3A_499, %dma_start3A_500] : memref<2x2500x8x128xf32, #tpu.memory_space<hbm>> -> memref<1x1x8x128xf32, #tpu.memory_space<hbm>>
        %dma_start3A_502 = tpu.memref_squeeze %dma_start3A_501 : memref<1x1x8x128xf32, #tpu.memory_space<hbm>> -> memref<8x128xf32, #tpu.memory_space<hbm>>
        %dma_start3A_503 = arith.constant 0 : i32
        %dma_start3A_504 = arith.constant 0 : i32
        %dma_start3A_505 = tpu.memref_slice %arg12[%dma_start3A_503, %dma_start3A_504] : memref<16x128xf32, #tpu.memory_space<vmem>> -> memref<8x128xf32, #tpu.memory_space<vmem>>
        %dma_start3A_506 = arith.constant 0 : i32
        %dma_start3A_507 = arith.constant 0 : i32
        %dma_start3A_508 = tpu.memref_slice %arg3[%dma_start3A_495, %add3A_494, %dma_start3A_506, %dma_start3A_507] : memref<2x2500x8x128xf32, #tpu.memory_space<hbm>> -> memref<1x1x8x128xf32, #tpu.memory_space<hbm>>
        %dma_start3A_509 = tpu.memref_squeeze %dma_start3A_508 : memref<1x1x8x128xf32, #tpu.memory_space<hbm>> -> memref<8x128xf32, #tpu.memory_space<hbm>>
        tpu.enqueue_dma source(%dma_start3A_509 : memref<8x128xf32, #tpu.memory_space<hbm>>) target(%dma_start3A_505 : memref<8x128xf32, #tpu.memory_space<vmem>>) target_semaphore(%arg26 : memref<!tpu.dma_semaphore, #tpu.memory_space<semaphore_mem>>)
        %dma_start3A_510 = arith.constant 1 : i32
        %dma_start3A_511 = arith.constant 8 : i32
        %dma_start3A_512 = arith.constant 0 : i32
        %dma_start3A_513 = tpu.memref_slice %arg12[%dma_start3A_511, %dma_start3A_512] : memref<16x128xf32, #tpu.memory_space<vmem>> -> memref<8x128xf32, #tpu.memory_space<vmem>>
        %dma_start3A_514 = arith.constant 0 : i32
        %dma_start3A_515 = arith.constant 0 : i32
        %dma_start3A_516 = tpu.memref_slice %arg3[%dma_start3A_510, %add3A_494, %dma_start3A_514, %dma_start3A_515] : memref<2x2500x8x128xf32, #tpu.memory_space<hbm>> -> memref<1x1x8x128xf32, #tpu.memory_space<hbm>>
        %dma_start3A_517 = tpu.memref_squeeze %dma_start3A_516 : memref<1x1x8x128xf32, #tpu.memory_space<hbm>> -> memref<8x128xf32, #tpu.memory_space<hbm>>
        %dma_start3A_518 = arith.constant 8 : i32
        %dma_start3A_519 = arith.constant 0 : i32
        %dma_start3A_520 = tpu.memref_slice %arg12[%dma_start3A_518, %dma_start3A_519] : memref<16x128xf32, #tpu.memory_space<vmem>> -> memref<8x128xf32, #tpu.memory_space<vmem>>
        %dma_start3A_521 = arith.constant 0 : i32
        %dma_start3A_522 = arith.constant 0 : i32
        %dma_start3A_523 = tpu.memref_slice %arg3[%dma_start3A_510, %add3A_494, %dma_start3A_521, %dma_start3A_522] : memref<2x2500x8x128xf32, #tpu.memory_space<hbm>> -> memref<1x1x8x128xf32, #tpu.memory_space<hbm>>
        %dma_start3A_524 = tpu.memref_squeeze %dma_start3A_523 : memref<1x1x8x128xf32, #tpu.memory_space<hbm>> -> memref<8x128xf32, #tpu.memory_space<hbm>>
        tpu.enqueue_dma source(%dma_start3A_524 : memref<8x128xf32, #tpu.memory_space<hbm>>) target(%dma_start3A_520 : memref<8x128xf32, #tpu.memory_space<vmem>>) target_semaphore(%arg26 : memref<!tpu.dma_semaphore, #tpu.memory_space<semaphore_mem>>)
      } else {
      }
      %add3A_279 = arith.addi %add3A_4, %add3A_271 : i32
      %dma_wait3A_280 = arith.constant 0 : i32
      %dma_wait3A_281 = arith.constant 0 : i32
      %dma_wait3A_282 = arith.constant 0 : i32
      %dma_wait3A_283 = tpu.memref_slice %arg9[%dma_wait3A_281, %dma_wait3A_282] : memref<16x128xf32, #tpu.memory_space<vmem>> -> memref<8x128xf32, #tpu.memory_space<vmem>>
      %dma_wait3A_284 = arith.constant 0 : i32
      %dma_wait3A_285 = arith.constant 0 : i32
      %dma_wait3A_286 = tpu.memref_slice %arg3[%dma_wait3A_280, %add3A_279, %dma_wait3A_284, %dma_wait3A_285] : memref<2x2500x8x128xf32, #tpu.memory_space<hbm>> -> memref<1x1x8x128xf32, #tpu.memory_space<hbm>>
      %dma_wait3A_287 = tpu.memref_squeeze %dma_wait3A_286 : memref<1x1x8x128xf32, #tpu.memory_space<hbm>> -> memref<8x128xf32, #tpu.memory_space<hbm>>
      %dma_wait3A_288 = arith.constant 0 : i32
      %dma_wait3A_289 = arith.constant 0 : i32
      %dma_wait3A_290 = tpu.memref_slice %arg9[%dma_wait3A_288, %dma_wait3A_289] : memref<16x128xf32, #tpu.memory_space<vmem>> -> memref<8x128xf32, #tpu.memory_space<vmem>>
      %dma_wait3A_291 = arith.constant 0 : i32
      %dma_wait3A_292 = arith.constant 0 : i32
      %dma_wait3A_293 = tpu.memref_slice %arg3[%dma_wait3A_280, %add3A_279, %dma_wait3A_291, %dma_wait3A_292] : memref<2x2500x8x128xf32, #tpu.memory_space<hbm>> -> memref<1x1x8x128xf32, #tpu.memory_space<hbm>>
      %dma_wait3A_294 = tpu.memref_squeeze %dma_wait3A_293 : memref<1x1x8x128xf32, #tpu.memory_space<hbm>> -> memref<8x128xf32, #tpu.memory_space<hbm>>
      tpu.wait_dma2 semaphore(%arg23 : memref<!tpu.dma_semaphore, #tpu.memory_space<semaphore_mem>>) src(%dma_wait3A_294 : memref<8x128xf32, #tpu.memory_space<hbm>>) dst(%dma_wait3A_290 : memref<8x128xf32, #tpu.memory_space<vmem>>)
      %dma_wait3A_295 = arith.constant 1 : i32
      %dma_wait3A_296 = arith.constant 8 : i32
      %dma_wait3A_297 = arith.constant 0 : i32
      %dma_wait3A_298 = tpu.memref_slice %arg9[%dma_wait3A_296, %dma_wait3A_297] : memref<16x128xf32, #tpu.memory_space<vmem>> -> memref<8x128xf32, #tpu.memory_space<vmem>>
      %dma_wait3A_299 = arith.constant 0 : i32
      %dma_wait3A_300 = arith.constant 0 : i32
      %dma_wait3A_301 = tpu.memref_slice %arg3[%dma_wait3A_295, %add3A_279, %dma_wait3A_299, %dma_wait3A_300] : memref<2x2500x8x128xf32, #tpu.memory_space<hbm>> -> memref<1x1x8x128xf32, #tpu.memory_space<hbm>>
      %dma_wait3A_302 = tpu.memref_squeeze %dma_wait3A_301 : memref<1x1x8x128xf32, #tpu.memory_space<hbm>> -> memref<8x128xf32, #tpu.memory_space<hbm>>
      %dma_wait3A_303 = arith.constant 8 : i32
      %dma_wait3A_304 = arith.constant 0 : i32
      %dma_wait3A_305 = tpu.memref_slice %arg9[%dma_wait3A_303, %dma_wait3A_304] : memref<16x128xf32, #tpu.memory_space<vmem>> -> memref<8x128xf32, #tpu.memory_space<vmem>>
      %dma_wait3A_306 = arith.constant 0 : i32
      %dma_wait3A_307 = arith.constant 0 : i32
      %dma_wait3A_308 = tpu.memref_slice %arg3[%dma_wait3A_295, %add3A_279, %dma_wait3A_306, %dma_wait3A_307] : memref<2x2500x8x128xf32, #tpu.memory_space<hbm>> -> memref<1x1x8x128xf32, #tpu.memory_space<hbm>>
      %dma_wait3A_309 = tpu.memref_squeeze %dma_wait3A_308 : memref<1x1x8x128xf32, #tpu.memory_space<hbm>> -> memref<8x128xf32, #tpu.memory_space<hbm>>
      tpu.wait_dma2 semaphore(%arg23 : memref<!tpu.dma_semaphore, #tpu.memory_space<semaphore_mem>>) src(%dma_wait3A_309 : memref<8x128xf32, #tpu.memory_space<hbm>>) dst(%dma_wait3A_305 : memref<8x128xf32, #tpu.memory_space<vmem>>)
      %ge3A_310 = arith.constant 6 : i32
      %ge3A_311 = arith.cmpi sge, %add3A_271, %ge3A_310 : i32
      %convert_element_type3A_312 = arith.extui %ge3A_311 : i1 to i32
      %cond3A_313 = arith.constant 0 : i32
      %cond3A_314 = arith.cmpi ne, %convert_element_type3A_312, %cond3A_313 : i32
      scf.if %cond3A_314 {
        %sub3A = arith.constant 6 : i32
        %sub3A_492 = arith.subi %add3A_271, %sub3A : i32
        %mul3A_493 = arith.constant 128 : i32
        %mul3A_494 = arith.muli %sub3A_492, %mul3A_493 : i32
        %dma_wait3A_495 = tpu.memref_slice %arg5[%mul3A_494] : memref<9984xi32, #tpu.memory_space<vmem>> -> memref<128xi32, #tpu.memory_space<vmem>>
        %dma_wait3A_496 = arith.constant 0 : i32
        %dma_wait3A_497 = arith.constant 0 : i32
        %dma_wait3A_498 = tpu.memref_slice %arg20[%dma_wait3A_496, %dma_wait3A_497] : memref<10000x16xf32, #tpu.memory_space<vmem_shared>> -> memref<10000x16xf32, #tpu.memory_space<vmem_shared>>
        tpu.wait_indirect_dma semaphore(%arg29 : memref<!tpu.dma_semaphore, #tpu.memory_space<semaphore_mem>>) src(%arg15 : memref<128x16xf32, #tpu.memory_space<vmem>>) dst(%dma_wait3A_498 : memref<10000x16xf32, #tpu.memory_space<vmem_shared>>)
      } else {
      }
      %parallel_loop3A_315 = arith.constant 0 : i32
      %parallel_loop3A_316 = arith.constant 16 : i32
      %parallel_loop3A_317 = arith.constant 2 : i32
      scf.for %parallel_loop3A_492 = %parallel_loop3A_315 to %parallel_loop3A_316 step %parallel_loop3A_317  : i32 {
        %parallel_loop3A_493 = arith.constant 0 : i32
        %parallel_loop3A_494 = arith.addi %parallel_loop3A_492, %parallel_loop3A_493 : i32
        %parallel_loop3A_495 = arith.index_cast %parallel_loop3A_494 : i32 to index
        %parallel_loop3A_496 = arith.constant 0 : index
        %parallel_loop3A_497 = tpu.vector_load %arg9[%parallel_loop3A_495, %parallel_loop3A_496] {strides = array<i32>} : memref<16x128xf32, #tpu.memory_space<vmem>>, vector<16xf32>,
        %parallel_loop3A_498 = arith.constant 0 : i32
        %parallel_loop3A_499 = vector.broadcast %parallel_loop3A_498 : i32 to vector<16xi32>
        %parallel_loop3A_500 = arith.addi %parallel_loop3A_499, %iota3A : vector<16xi32>
        %parallel_loop3A_501 = vector.broadcast %parallel_loop3A_494 : i32 to vector<16xi32>
        tpu.vector_store_idx %arg15[%parallel_loop3A_500, %parallel_loop3A_501], %parallel_loop3A_497 : memref<128x16xf32, #tpu.memory_space<vmem>>[vector<16xi32>, vector<16xi32>], vector<16xf32>,
        %parallel_loop3A_502 = arith.index_cast %parallel_loop3A_494 : i32 to index
        %parallel_loop3A_503 = arith.constant 16 : index
        %parallel_loop3A_504 = tpu.vector_load %arg9[%parallel_loop3A_502, %parallel_loop3A_503] {strides = array<i32>} : memref<16x128xf32, #tpu.memory_space<vmem>>, vector<16xf32>,
        %parallel_loop3A_505 = arith.constant 16 : i32
        %parallel_loop3A_506 = vector.broadcast %parallel_loop3A_505 : i32 to vector<16xi32>
        %parallel_loop3A_507 = arith.addi %parallel_loop3A_506, %iota3A : vector<16xi32>
        %parallel_loop3A_508 = vector.broadcast %parallel_loop3A_494 : i32 to vector<16xi32>
        tpu.vector_store_idx %arg15[%parallel_loop3A_507, %parallel_loop3A_508], %parallel_loop3A_504 : memref<128x16xf32, #tpu.memory_space<vmem>>[vector<16xi32>, vector<16xi32>], vector<16xf32>,
        %parallel_loop3A_509 = arith.index_cast %parallel_loop3A_494 : i32 to index
        %parallel_loop3A_510 = arith.constant 32 : index
        %parallel_loop3A_511 = tpu.vector_load %arg9[%parallel_loop3A_509, %parallel_loop3A_510] {strides = array<i32>} : memref<16x128xf32, #tpu.memory_space<vmem>>, vector<16xf32>,
        %parallel_loop3A_512 = arith.constant 32 : i32
        %parallel_loop3A_513 = vector.broadcast %parallel_loop3A_512 : i32 to vector<16xi32>
        %parallel_loop3A_514 = arith.addi %parallel_loop3A_513, %iota3A : vector<16xi32>
        %parallel_loop3A_515 = vector.broadcast %parallel_loop3A_494 : i32 to vector<16xi32>
        tpu.vector_store_idx %arg15[%parallel_loop3A_514, %parallel_loop3A_515], %parallel_loop3A_511 : memref<128x16xf32, #tpu.memory_space<vmem>>[vector<16xi32>, vector<16xi32>], vector<16xf32>,
        %parallel_loop3A_516 = arith.index_cast %parallel_loop3A_494 : i32 to index
        %parallel_loop3A_517 = arith.constant 48 : index
        %parallel_loop3A_518 = tpu.vector_load %arg9[%parallel_loop3A_516, %parallel_loop3A_517] {strides = array<i32>} : memref<16x128xf32, #tpu.memory_space<vmem>>, vector<16xf32>,
        %parallel_loop3A_519 = arith.constant 48 : i32
        %parallel_loop3A_520 = vector.broadcast %parallel_loop3A_519 : i32 to vector<16xi32>
        %parallel_loop3A_521 = arith.addi %parallel_loop3A_520, %iota3A : vector<16xi32>
        %parallel_loop3A_522 = vector.broadcast %parallel_loop3A_494 : i32 to vector<16xi32>
        tpu.vector_store_idx %arg15[%parallel_loop3A_521, %parallel_loop3A_522], %parallel_loop3A_518 : memref<128x16xf32, #tpu.memory_space<vmem>>[vector<16xi32>, vector<16xi32>], vector<16xf32>,
        %parallel_loop3A_523 = arith.index_cast %parallel_loop3A_494 : i32 to index
        %parallel_loop3A_524 = arith.constant 64 : index
        %parallel_loop3A_525 = tpu.vector_load %arg9[%parallel_loop3A_523, %parallel_loop3A_524] {strides = array<i32>} : memref<16x128xf32, #tpu.memory_space<vmem>>, vector<16xf32>,
        %parallel_loop3A_526 = arith.constant 64 : i32
        %parallel_loop3A_527 = vector.broadcast %parallel_loop3A_526 : i32 to vector<16xi32>
        %parallel_loop3A_528 = arith.addi %parallel_loop3A_527, %iota3A : vector<16xi32>
        %parallel_loop3A_529 = vector.broadcast %parallel_loop3A_494 : i32 to vector<16xi32>
        tpu.vector_store_idx %arg15[%parallel_loop3A_528, %parallel_loop3A_529], %parallel_loop3A_525 : memref<128x16xf32, #tpu.memory_space<vmem>>[vector<16xi32>, vector<16xi32>], vector<16xf32>,
        %parallel_loop3A_530 = arith.index_cast %parallel_loop3A_494 : i32 to index
        %parallel_loop3A_531 = arith.constant 80 : index
        %parallel_loop3A_532 = tpu.vector_load %arg9[%parallel_loop3A_530, %parallel_loop3A_531] {strides = array<i32>} : memref<16x128xf32, #tpu.memory_space<vmem>>, vector<16xf32>,
        %parallel_loop3A_533 = arith.constant 80 : i32
        %parallel_loop3A_534 = vector.broadcast %parallel_loop3A_533 : i32 to vector<16xi32>
        %parallel_loop3A_535 = arith.addi %parallel_loop3A_534, %iota3A : vector<16xi32>
        %parallel_loop3A_536 = vector.broadcast %parallel_loop3A_494 : i32 to vector<16xi32>
        tpu.vector_store_idx %arg15[%parallel_loop3A_535, %parallel_loop3A_536], %parallel_loop3A_532 : memref<128x16xf32, #tpu.memory_space<vmem>>[vector<16xi32>, vector<16xi32>], vector<16xf32>,
        %parallel_loop3A_537 = arith.index_cast %parallel_loop3A_494 : i32 to index
        %parallel_loop3A_538 = arith.constant 96 : index
        %parallel_loop3A_539 = tpu.vector_load %arg9[%parallel_loop3A_537, %parallel_loop3A_538] {strides = array<i32>} : memref<16x128xf32, #tpu.memory_space<vmem>>, vector<16xf32>,
        %parallel_loop3A_540 = arith.constant 96 : i32
        %parallel_loop3A_541 = vector.broadcast %parallel_loop3A_540 : i32 to vector<16xi32>
        %parallel_loop3A_542 = arith.addi %parallel_loop3A_541, %iota3A : vector<16xi32>
        %parallel_loop3A_543 = vector.broadcast %parallel_loop3A_494 : i32 to vector<16xi32>
        tpu.vector_store_idx %arg15[%parallel_loop3A_542, %parallel_loop3A_543], %parallel_loop3A_539 : memref<128x16xf32, #tpu.memory_space<vmem>>[vector<16xi32>, vector<16xi32>], vector<16xf32>,
        %parallel_loop3A_544 = arith.index_cast %parallel_loop3A_494 : i32 to index
        %parallel_loop3A_545 = arith.constant 112 : index
        %parallel_loop3A_546 = tpu.vector_load %arg9[%parallel_loop3A_544, %parallel_loop3A_545] {strides = array<i32>} : memref<16x128xf32, #tpu.memory_space<vmem>>, vector<16xf32>,
        %parallel_loop3A_547 = arith.constant 112 : i32
        %parallel_loop3A_548 = vector.broadcast %parallel_loop3A_547 : i32 to vector<16xi32>
        %parallel_loop3A_549 = arith.addi %parallel_loop3A_548, %iota3A : vector<16xi32>
        %parallel_loop3A_550 = vector.broadcast %parallel_loop3A_494 : i32 to vector<16xi32>
        tpu.vector_store_idx %arg15[%parallel_loop3A_549, %parallel_loop3A_550], %parallel_loop3A_546 : memref<128x16xf32, #tpu.memory_space<vmem>>[vector<16xi32>, vector<16xi32>], vector<16xf32>,
        %parallel_loop3A_551 = arith.constant 1 : i32
        %parallel_loop3A_552 = arith.addi %parallel_loop3A_492, %parallel_loop3A_551 : i32
        %parallel_loop3A_553 = arith.index_cast %parallel_loop3A_552 : i32 to index
        %parallel_loop3A_554 = arith.constant 0 : index
        %parallel_loop3A_555 = tpu.vector_load %arg9[%parallel_loop3A_553, %parallel_loop3A_554] {strides = array<i32>} : memref<16x128xf32, #tpu.memory_space<vmem>>, vector<16xf32>,
        %parallel_loop3A_556 = arith.constant 0 : i32
        %parallel_loop3A_557 = vector.broadcast %parallel_loop3A_556 : i32 to vector<16xi32>
        %parallel_loop3A_558 = arith.addi %parallel_loop3A_557, %iota3A : vector<16xi32>
        %parallel_loop3A_559 = vector.broadcast %parallel_loop3A_552 : i32 to vector<16xi32>
        tpu.vector_store_idx %arg15[%parallel_loop3A_558, %parallel_loop3A_559], %parallel_loop3A_555 : memref<128x16xf32, #tpu.memory_space<vmem>>[vector<16xi32>, vector<16xi32>], vector<16xf32>,
        %parallel_loop3A_560 = arith.index_cast %parallel_loop3A_552 : i32 to index
        %parallel_loop3A_561 = arith.constant 16 : index
        %parallel_loop3A_562 = tpu.vector_load %arg9[%parallel_loop3A_560, %parallel_loop3A_561] {strides = array<i32>} : memref<16x128xf32, #tpu.memory_space<vmem>>, vector<16xf32>,
        %parallel_loop3A_563 = arith.constant 16 : i32
        %parallel_loop3A_564 = vector.broadcast %parallel_loop3A_563 : i32 to vector<16xi32>
        %parallel_loop3A_565 = arith.addi %parallel_loop3A_564, %iota3A : vector<16xi32>
        %parallel_loop3A_566 = vector.broadcast %parallel_loop3A_552 : i32 to vector<16xi32>
        tpu.vector_store_idx %arg15[%parallel_loop3A_565, %parallel_loop3A_566], %parallel_loop3A_562 : memref<128x16xf32, #tpu.memory_space<vmem>>[vector<16xi32>, vector<16xi32>], vector<16xf32>,
        %parallel_loop3A_567 = arith.index_cast %parallel_loop3A_552 : i32 to index
        %parallel_loop3A_568 = arith.constant 32 : index
        %parallel_loop3A_569 = tpu.vector_load %arg9[%parallel_loop3A_567, %parallel_loop3A_568] {strides = array<i32>} : memref<16x128xf32, #tpu.memory_space<vmem>>, vector<16xf32>,
        %parallel_loop3A_570 = arith.constant 32 : i32
        %parallel_loop3A_571 = vector.broadcast %parallel_loop3A_570 : i32 to vector<16xi32>
        %parallel_loop3A_572 = arith.addi %parallel_loop3A_571, %iota3A : vector<16xi32>
        %parallel_loop3A_573 = vector.broadcast %parallel_loop3A_552 : i32 to vector<16xi32>
        tpu.vector_store_idx %arg15[%parallel_loop3A_572, %parallel_loop3A_573], %parallel_loop3A_569 : memref<128x16xf32, #tpu.memory_space<vmem>>[vector<16xi32>, vector<16xi32>], vector<16xf32>,
        %parallel_loop3A_574 = arith.index_cast %parallel_loop3A_552 : i32 to index
        %parallel_loop3A_575 = arith.constant 48 : index
        %parallel_loop3A_576 = tpu.vector_load %arg9[%parallel_loop3A_574, %parallel_loop3A_575] {strides = array<i32>} : memref<16x128xf32, #tpu.memory_space<vmem>>, vector<16xf32>,
        %parallel_loop3A_577 = arith.constant 48 : i32
        %parallel_loop3A_578 = vector.broadcast %parallel_loop3A_577 : i32 to vector<16xi32>
        %parallel_loop3A_579 = arith.addi %parallel_loop3A_578, %iota3A : vector<16xi32>
        %parallel_loop3A_580 = vector.broadcast %parallel_loop3A_552 : i32 to vector<16xi32>
        tpu.vector_store_idx %arg15[%parallel_loop3A_579, %parallel_loop3A_580], %parallel_loop3A_576 : memref<128x16xf32, #tpu.memory_space<vmem>>[vector<16xi32>, vector<16xi32>], vector<16xf32>,
        %parallel_loop3A_581 = arith.index_cast %parallel_loop3A_552 : i32 to index
        %parallel_loop3A_582 = arith.constant 64 : index
        %parallel_loop3A_583 = tpu.vector_load %arg9[%parallel_loop3A_581, %parallel_loop3A_582] {strides = array<i32>} : memref<16x128xf32, #tpu.memory_space<vmem>>, vector<16xf32>,
        %parallel_loop3A_584 = arith.constant 64 : i32
        %parallel_loop3A_585 = vector.broadcast %parallel_loop3A_584 : i32 to vector<16xi32>
        %parallel_loop3A_586 = arith.addi %parallel_loop3A_585, %iota3A : vector<16xi32>
        %parallel_loop3A_587 = vector.broadcast %parallel_loop3A_552 : i32 to vector<16xi32>
        tpu.vector_store_idx %arg15[%parallel_loop3A_586, %parallel_loop3A_587], %parallel_loop3A_583 : memref<128x16xf32, #tpu.memory_space<vmem>>[vector<16xi32>, vector<16xi32>], vector<16xf32>,
        %parallel_loop3A_588 = arith.index_cast %parallel_loop3A_552 : i32 to index
        %parallel_loop3A_589 = arith.constant 80 : index
        %parallel_loop3A_590 = tpu.vector_load %arg9[%parallel_loop3A_588, %parallel_loop3A_589] {strides = array<i32>} : memref<16x128xf32, #tpu.memory_space<vmem>>, vector<16xf32>,
        %parallel_loop3A_591 = arith.constant 80 : i32
        %parallel_loop3A_592 = vector.broadcast %parallel_loop3A_591 : i32 to vector<16xi32>
        %parallel_loop3A_593 = arith.addi %parallel_loop3A_592, %iota3A : vector<16xi32>
        %parallel_loop3A_594 = vector.broadcast %parallel_loop3A_552 : i32 to vector<16xi32>
        tpu.vector_store_idx %arg15[%parallel_loop3A_593, %parallel_loop3A_594], %parallel_loop3A_590 : memref<128x16xf32, #tpu.memory_space<vmem>>[vector<16xi32>, vector<16xi32>], vector<16xf32>,
        %parallel_loop3A_595 = arith.index_cast %parallel_loop3A_552 : i32 to index
        %parallel_loop3A_596 = arith.constant 96 : index
        %parallel_loop3A_597 = tpu.vector_load %arg9[%parallel_loop3A_595, %parallel_loop3A_596] {strides = array<i32>} : memref<16x128xf32, #tpu.memory_space<vmem>>, vector<16xf32>,
        %parallel_loop3A_598 = arith.constant 96 : i32
        %parallel_loop3A_599 = vector.broadcast %parallel_loop3A_598 : i32 to vector<16xi32>
        %parallel_loop3A_600 = arith.addi %parallel_loop3A_599, %iota3A : vector<16xi32>
        %parallel_loop3A_601 = vector.broadcast %parallel_loop3A_552 : i32 to vector<16xi32>
        tpu.vector_store_idx %arg15[%parallel_loop3A_600, %parallel_loop3A_601], %parallel_loop3A_597 : memref<128x16xf32, #tpu.memory_space<vmem>>[vector<16xi32>, vector<16xi32>], vector<16xf32>,
        %parallel_loop3A_602 = arith.index_cast %parallel_loop3A_552 : i32 to index
        %parallel_loop3A_603 = arith.constant 112 : index
        %parallel_loop3A_604 = tpu.vector_load %arg9[%parallel_loop3A_602, %parallel_loop3A_603] {strides = array<i32>} : memref<16x128xf32, #tpu.memory_space<vmem>>, vector<16xf32>,
        %parallel_loop3A_605 = arith.constant 112 : i32
        %parallel_loop3A_606 = vector.broadcast %parallel_loop3A_605 : i32 to vector<16xi32>
        %parallel_loop3A_607 = arith.addi %parallel_loop3A_606, %iota3A : vector<16xi32>
        %parallel_loop3A_608 = vector.broadcast %parallel_loop3A_552 : i32 to vector<16xi32>
        tpu.vector_store_idx %arg15[%parallel_loop3A_607, %parallel_loop3A_608], %parallel_loop3A_604 : memref<128x16xf32, #tpu.memory_space<vmem>>[vector<16xi32>, vector<16xi32>], vector<16xf32>,
      } {sc.loop_unroll_factor = 2 : i64, sc.parallel_access}
      %mul3A_318 = arith.constant 128 : i32
      %mul3A_319 = arith.muli %add3A_271, %mul3A_318 : i32
      %dma_start3A_320 = tpu.memref_slice %arg5[%mul3A_319] : memref<9984xi32, #tpu.memory_space<vmem>> -> memref<128xi32, #tpu.memory_space<vmem>>
      %dma_start3A_321 = arith.constant 0 : i32
      %dma_start3A_322 = arith.constant 0 : i32
      %dma_start3A_323 = tpu.memref_slice %arg20[%dma_start3A_321, %dma_start3A_322] : memref<10000x16xf32, #tpu.memory_space<vmem_shared>> -> memref<10000x16xf32, #tpu.memory_space<vmem_shared>>
      tpu.enqueue_indirect_dma source(%arg15 : memref<128x16xf32, #tpu.memory_space<vmem>>) target(%dma_start3A_323 : memref<10000x16xf32, #tpu.memory_space<vmem_shared>>) offsets(%dma_start3A_320 : memref<128xi32, #tpu.memory_space<vmem>>) semaphore(%arg29 : memref<!tpu.dma_semaphore, #tpu.memory_space<semaphore_mem>>) {add = true}
      %mul3A_324 = arith.constant 6 : i32
      %mul3A_325 = arith.muli %mul3A_324, %scan3A_157 : i32
      %add3A_326 = arith.constant 3 : i32
      %add3A_327 = arith.addi %mul3A_325, %add3A_326 : i32
      %add3A_328 = arith.constant 3 : i32
      %add3A_329 = arith.addi %add3A_327, %add3A_328 : i32
      %lt3A_330 = arith.constant 78 : i32
      %lt3A_331 = arith.cmpi slt, %add3A_329, %lt3A_330 : i32
      %convert_element_type3A_332 = arith.extui %lt3A_331 : i1 to i32
      %cond3A_333 = arith.constant 0 : i32
      %cond3A_334 = arith.cmpi ne, %convert_element_type3A_332, %cond3A_333 : i32
      scf.if %cond3A_334 {
        %add3A_492 = arith.constant 3 : i32
        %add3A_493 = arith.addi %add3A_327, %add3A_492 : i32
        %add3A_494 = arith.addi %add3A_4, %add3A_493 : i32
        %dma_start3A_495 = arith.constant 0 : i32
        %dma_start3A_496 = arith.constant 0 : i32
        %dma_start3A_497 = arith.constant 0 : i32
        %dma_start3A_498 = tpu.memref_slice %arg7[%dma_start3A_496, %dma_start3A_497] : memref<16x128xf32, #tpu.memory_space<vmem>> -> memref<8x128xf32, #tpu.memory_space<vmem>>
        %dma_start3A_499 = arith.constant 0 : i32
        %dma_start3A_500 = arith.constant 0 : i32
        %dma_start3A_501 = tpu.memref_slice %arg3[%dma_start3A_495, %add3A_494, %dma_start3A_499, %dma_start3A_500] : memref<2x2500x8x128xf32, #tpu.memory_space<hbm>> -> memref<1x1x8x128xf32, #tpu.memory_space<hbm>>
        %dma_start3A_502 = tpu.memref_squeeze %dma_start3A_501 : memref<1x1x8x128xf32, #tpu.memory_space<hbm>> -> memref<8x128xf32, #tpu.memory_space<hbm>>
        %dma_start3A_503 = arith.constant 0 : i32
        %dma_start3A_504 = arith.constant 0 : i32
        %dma_start3A_505 = tpu.memref_slice %arg7[%dma_start3A_503, %dma_start3A_504] : memref<16x128xf32, #tpu.memory_space<vmem>> -> memref<8x128xf32, #tpu.memory_space<vmem>>
        %dma_start3A_506 = arith.constant 0 : i32
        %dma_start3A_507 = arith.constant 0 : i32
        %dma_start3A_508 = tpu.memref_slice %arg3[%dma_start3A_495, %add3A_494, %dma_start3A_506, %dma_start3A_507] : memref<2x2500x8x128xf32, #tpu.memory_space<hbm>> -> memref<1x1x8x128xf32, #tpu.memory_space<hbm>>
        %dma_start3A_509 = tpu.memref_squeeze %dma_start3A_508 : memref<1x1x8x128xf32, #tpu.memory_space<hbm>> -> memref<8x128xf32, #tpu.memory_space<hbm>>
        tpu.enqueue_dma source(%dma_start3A_509 : memref<8x128xf32, #tpu.memory_space<hbm>>) target(%dma_start3A_505 : memref<8x128xf32, #tpu.memory_space<vmem>>) target_semaphore(%arg21 : memref<!tpu.dma_semaphore, #tpu.memory_space<semaphore_mem>>)
        %dma_start3A_510 = arith.constant 1 : i32
        %dma_start3A_511 = arith.constant 8 : i32
        %dma_start3A_512 = arith.constant 0 : i32
        %dma_start3A_513 = tpu.memref_slice %arg7[%dma_start3A_511, %dma_start3A_512] : memref<16x128xf32, #tpu.memory_space<vmem>> -> memref<8x128xf32, #tpu.memory_space<vmem>>
        %dma_start3A_514 = arith.constant 0 : i32
        %dma_start3A_515 = arith.constant 0 : i32
        %dma_start3A_516 = tpu.memref_slice %arg3[%dma_start3A_510, %add3A_494, %dma_start3A_514, %dma_start3A_515] : memref<2x2500x8x128xf32, #tpu.memory_space<hbm>> -> memref<1x1x8x128xf32, #tpu.memory_space<hbm>>
        %dma_start3A_517 = tpu.memref_squeeze %dma_start3A_516 : memref<1x1x8x128xf32, #tpu.memory_space<hbm>> -> memref<8x128xf32, #tpu.memory_space<hbm>>
        %dma_start3A_518 = arith.constant 8 : i32
        %dma_start3A_519 = arith.constant 0 : i32
        %dma_start3A_520 = tpu.memref_slice %arg7[%dma_start3A_518, %dma_start3A_519] : memref<16x128xf32, #tpu.memory_space<vmem>> -> memref<8x128xf32, #tpu.memory_space<vmem>>
        %dma_start3A_521 = arith.constant 0 : i32
        %dma_start3A_522 = arith.constant 0 : i32
        %dma_start3A_523 = tpu.memref_slice %arg3[%dma_start3A_510, %add3A_494, %dma_start3A_521, %dma_start3A_522] : memref<2x2500x8x128xf32, #tpu.memory_space<hbm>> -> memref<1x1x8x128xf32, #tpu.memory_space<hbm>>
        %dma_start3A_524 = tpu.memref_squeeze %dma_start3A_523 : memref<1x1x8x128xf32, #tpu.memory_space<hbm>> -> memref<8x128xf32, #tpu.memory_space<hbm>>
        tpu.enqueue_dma source(%dma_start3A_524 : memref<8x128xf32, #tpu.memory_space<hbm>>) target(%dma_start3A_520 : memref<8x128xf32, #tpu.memory_space<vmem>>) target_semaphore(%arg21 : memref<!tpu.dma_semaphore, #tpu.memory_space<semaphore_mem>>)
      } else {
      }
      %add3A_335 = arith.addi %add3A_4, %add3A_327 : i32
      %dma_wait3A_336 = arith.constant 0 : i32
      %dma_wait3A_337 = arith.constant 0 : i32
      %dma_wait3A_338 = arith.constant 0 : i32
      %dma_wait3A_339 = tpu.memref_slice %arg10[%dma_wait3A_337, %dma_wait3A_338] : memref<16x128xf32, #tpu.memory_space<vmem>> -> memref<8x128xf32, #tpu.memory_space<vmem>>
      %dma_wait3A_340 = arith.constant 0 : i32
      %dma_wait3A_341 = arith.constant 0 : i32
      %dma_wait3A_342 = tpu.memref_slice %arg3[%dma_wait3A_336, %add3A_335, %dma_wait3A_340, %dma_wait3A_341] : memref<2x2500x8x128xf32, #tpu.memory_space<hbm>> -> memref<1x1x8x128xf32, #tpu.memory_space<hbm>>
      %dma_wait3A_343 = tpu.memref_squeeze %dma_wait3A_342 : memref<1x1x8x128xf32, #tpu.memory_space<hbm>> -> memref<8x128xf32, #tpu.memory_space<hbm>>
      %dma_wait3A_344 = arith.constant 0 : i32
      %dma_wait3A_345 = arith.constant 0 : i32
      %dma_wait3A_346 = tpu.memref_slice %arg10[%dma_wait3A_344, %dma_wait3A_345] : memref<16x128xf32, #tpu.memory_space<vmem>> -> memref<8x128xf32, #tpu.memory_space<vmem>>
      %dma_wait3A_347 = arith.constant 0 : i32
      %dma_wait3A_348 = arith.constant 0 : i32
      %dma_wait3A_349 = tpu.memref_slice %arg3[%dma_wait3A_336, %add3A_335, %dma_wait3A_347, %dma_wait3A_348] : memref<2x2500x8x128xf32, #tpu.memory_space<hbm>> -> memref<1x1x8x128xf32, #tpu.memory_space<hbm>>
      %dma_wait3A_350 = tpu.memref_squeeze %dma_wait3A_349 : memref<1x1x8x128xf32, #tpu.memory_space<hbm>> -> memref<8x128xf32, #tpu.memory_space<hbm>>
      tpu.wait_dma2 semaphore(%arg24 : memref<!tpu.dma_semaphore, #tpu.memory_space<semaphore_mem>>) src(%dma_wait3A_350 : memref<8x128xf32, #tpu.memory_space<hbm>>) dst(%dma_wait3A_346 : memref<8x128xf32, #tpu.memory_space<vmem>>)
      %dma_wait3A_351 = arith.constant 1 : i32
      %dma_wait3A_352 = arith.constant 8 : i32
      %dma_wait3A_353 = arith.constant 0 : i32
      %dma_wait3A_354 = tpu.memref_slice %arg10[%dma_wait3A_352, %dma_wait3A_353] : memref<16x128xf32, #tpu.memory_space<vmem>> -> memref<8x128xf32, #tpu.memory_space<vmem>>
      %dma_wait3A_355 = arith.constant 0 : i32
      %dma_wait3A_356 = arith.constant 0 : i32
      %dma_wait3A_357 = tpu.memref_slice %arg3[%dma_wait3A_351, %add3A_335, %dma_wait3A_355, %dma_wait3A_356] : memref<2x2500x8x128xf32, #tpu.memory_space<hbm>> -> memref<1x1x8x128xf32, #tpu.memory_space<hbm>>
      %dma_wait3A_358 = tpu.memref_squeeze %dma_wait3A_357 : memref<1x1x8x128xf32, #tpu.memory_space<hbm>> -> memref<8x128xf32, #tpu.memory_space<hbm>>
      %dma_wait3A_359 = arith.constant 8 : i32
      %dma_wait3A_360 = arith.constant 0 : i32
      %dma_wait3A_361 = tpu.memref_slice %arg10[%dma_wait3A_359, %dma_wait3A_360] : memref<16x128xf32, #tpu.memory_space<vmem>> -> memref<8x128xf32, #tpu.memory_space<vmem>>
      %dma_wait3A_362 = arith.constant 0 : i32
      %dma_wait3A_363 = arith.constant 0 : i32
      %dma_wait3A_364 = tpu.memref_slice %arg3[%dma_wait3A_351, %add3A_335, %dma_wait3A_362, %dma_wait3A_363] : memref<2x2500x8x128xf32, #tpu.memory_space<hbm>> -> memref<1x1x8x128xf32, #tpu.memory_space<hbm>>
      %dma_wait3A_365 = tpu.memref_squeeze %dma_wait3A_364 : memref<1x1x8x128xf32, #tpu.memory_space<hbm>> -> memref<8x128xf32, #tpu.memory_space<hbm>>
      tpu.wait_dma2 semaphore(%arg24 : memref<!tpu.dma_semaphore, #tpu.memory_space<semaphore_mem>>) src(%dma_wait3A_365 : memref<8x128xf32, #tpu.memory_space<hbm>>) dst(%dma_wait3A_361 : memref<8x128xf32, #tpu.memory_space<vmem>>)
      %ge3A_366 = arith.constant 6 : i32
      %ge3A_367 = arith.cmpi sge, %add3A_327, %ge3A_366 : i32
      %convert_element_type3A_368 = arith.extui %ge3A_367 : i1 to i32
      %cond3A_369 = arith.constant 0 : i32
      %cond3A_370 = arith.cmpi ne, %convert_element_type3A_368, %cond3A_369 : i32
      scf.if %cond3A_370 {
        %sub3A = arith.constant 6 : i32
        %sub3A_492 = arith.subi %add3A_327, %sub3A : i32
        %mul3A_493 = arith.constant 128 : i32
        %mul3A_494 = arith.muli %sub3A_492, %mul3A_493 : i32
        %dma_wait3A_495 = tpu.memref_slice %arg5[%mul3A_494] : memref<9984xi32, #tpu.memory_space<vmem>> -> memref<128xi32, #tpu.memory_space<vmem>>
        %dma_wait3A_496 = arith.constant 0 : i32
        %dma_wait3A_497 = arith.constant 0 : i32
        %dma_wait3A_498 = tpu.memref_slice %arg20[%dma_wait3A_496, %dma_wait3A_497] : memref<10000x16xf32, #tpu.memory_space<vmem_shared>> -> memref<10000x16xf32, #tpu.memory_space<vmem_shared>>
        tpu.wait_indirect_dma semaphore(%arg30 : memref<!tpu.dma_semaphore, #tpu.memory_space<semaphore_mem>>) src(%arg16 : memref<128x16xf32, #tpu.memory_space<vmem>>) dst(%dma_wait3A_498 : memref<10000x16xf32, #tpu.memory_space<vmem_shared>>)
      } else {
      }
      %parallel_loop3A_371 = arith.constant 0 : i32
      %parallel_loop3A_372 = arith.constant 16 : i32
      %parallel_loop3A_373 = arith.constant 2 : i32
      scf.for %parallel_loop3A_492 = %parallel_loop3A_371 to %parallel_loop3A_372 step %parallel_loop3A_373  : i32 {
        %parallel_loop3A_493 = arith.constant 0 : i32
        %parallel_loop3A_494 = arith.addi %parallel_loop3A_492, %parallel_loop3A_493 : i32
        %parallel_loop3A_495 = arith.index_cast %parallel_loop3A_494 : i32 to index
        %parallel_loop3A_496 = arith.constant 0 : index
        %parallel_loop3A_497 = tpu.vector_load %arg10[%parallel_loop3A_495, %parallel_loop3A_496] {strides = array<i32>} : memref<16x128xf32, #tpu.memory_space<vmem>>, vector<16xf32>,
        %parallel_loop3A_498 = arith.constant 0 : i32
        %parallel_loop3A_499 = vector.broadcast %parallel_loop3A_498 : i32 to vector<16xi32>
        %parallel_loop3A_500 = arith.addi %parallel_loop3A_499, %iota3A : vector<16xi32>
        %parallel_loop3A_501 = vector.broadcast %parallel_loop3A_494 : i32 to vector<16xi32>
        tpu.vector_store_idx %arg16[%parallel_loop3A_500, %parallel_loop3A_501], %parallel_loop3A_497 : memref<128x16xf32, #tpu.memory_space<vmem>>[vector<16xi32>, vector<16xi32>], vector<16xf32>,
        %parallel_loop3A_502 = arith.index_cast %parallel_loop3A_494 : i32 to index
        %parallel_loop3A_503 = arith.constant 16 : index
        %parallel_loop3A_504 = tpu.vector_load %arg10[%parallel_loop3A_502, %parallel_loop3A_503] {strides = array<i32>} : memref<16x128xf32, #tpu.memory_space<vmem>>, vector<16xf32>,
        %parallel_loop3A_505 = arith.constant 16 : i32
        %parallel_loop3A_506 = vector.broadcast %parallel_loop3A_505 : i32 to vector<16xi32>
        %parallel_loop3A_507 = arith.addi %parallel_loop3A_506, %iota3A : vector<16xi32>
        %parallel_loop3A_508 = vector.broadcast %parallel_loop3A_494 : i32 to vector<16xi32>
        tpu.vector_store_idx %arg16[%parallel_loop3A_507, %parallel_loop3A_508], %parallel_loop3A_504 : memref<128x16xf32, #tpu.memory_space<vmem>>[vector<16xi32>, vector<16xi32>], vector<16xf32>,
        %parallel_loop3A_509 = arith.index_cast %parallel_loop3A_494 : i32 to index
        %parallel_loop3A_510 = arith.constant 32 : index
        %parallel_loop3A_511 = tpu.vector_load %arg10[%parallel_loop3A_509, %parallel_loop3A_510] {strides = array<i32>} : memref<16x128xf32, #tpu.memory_space<vmem>>, vector<16xf32>,
        %parallel_loop3A_512 = arith.constant 32 : i32
        %parallel_loop3A_513 = vector.broadcast %parallel_loop3A_512 : i32 to vector<16xi32>
        %parallel_loop3A_514 = arith.addi %parallel_loop3A_513, %iota3A : vector<16xi32>
        %parallel_loop3A_515 = vector.broadcast %parallel_loop3A_494 : i32 to vector<16xi32>
        tpu.vector_store_idx %arg16[%parallel_loop3A_514, %parallel_loop3A_515], %parallel_loop3A_511 : memref<128x16xf32, #tpu.memory_space<vmem>>[vector<16xi32>, vector<16xi32>], vector<16xf32>,
        %parallel_loop3A_516 = arith.index_cast %parallel_loop3A_494 : i32 to index
        %parallel_loop3A_517 = arith.constant 48 : index
        %parallel_loop3A_518 = tpu.vector_load %arg10[%parallel_loop3A_516, %parallel_loop3A_517] {strides = array<i32>} : memref<16x128xf32, #tpu.memory_space<vmem>>, vector<16xf32>,
        %parallel_loop3A_519 = arith.constant 48 : i32
        %parallel_loop3A_520 = vector.broadcast %parallel_loop3A_519 : i32 to vector<16xi32>
        %parallel_loop3A_521 = arith.addi %parallel_loop3A_520, %iota3A : vector<16xi32>
        %parallel_loop3A_522 = vector.broadcast %parallel_loop3A_494 : i32 to vector<16xi32>
        tpu.vector_store_idx %arg16[%parallel_loop3A_521, %parallel_loop3A_522], %parallel_loop3A_518 : memref<128x16xf32, #tpu.memory_space<vmem>>[vector<16xi32>, vector<16xi32>], vector<16xf32>,
        %parallel_loop3A_523 = arith.index_cast %parallel_loop3A_494 : i32 to index
        %parallel_loop3A_524 = arith.constant 64 : index
        %parallel_loop3A_525 = tpu.vector_load %arg10[%parallel_loop3A_523, %parallel_loop3A_524] {strides = array<i32>} : memref<16x128xf32, #tpu.memory_space<vmem>>, vector<16xf32>,
        %parallel_loop3A_526 = arith.constant 64 : i32
        %parallel_loop3A_527 = vector.broadcast %parallel_loop3A_526 : i32 to vector<16xi32>
        %parallel_loop3A_528 = arith.addi %parallel_loop3A_527, %iota3A : vector<16xi32>
        %parallel_loop3A_529 = vector.broadcast %parallel_loop3A_494 : i32 to vector<16xi32>
        tpu.vector_store_idx %arg16[%parallel_loop3A_528, %parallel_loop3A_529], %parallel_loop3A_525 : memref<128x16xf32, #tpu.memory_space<vmem>>[vector<16xi32>, vector<16xi32>], vector<16xf32>,
        %parallel_loop3A_530 = arith.index_cast %parallel_loop3A_494 : i32 to index
        %parallel_loop3A_531 = arith.constant 80 : index
        %parallel_loop3A_532 = tpu.vector_load %arg10[%parallel_loop3A_530, %parallel_loop3A_531] {strides = array<i32>} : memref<16x128xf32, #tpu.memory_space<vmem>>, vector<16xf32>,
        %parallel_loop3A_533 = arith.constant 80 : i32
        %parallel_loop3A_534 = vector.broadcast %parallel_loop3A_533 : i32 to vector<16xi32>
        %parallel_loop3A_535 = arith.addi %parallel_loop3A_534, %iota3A : vector<16xi32>
        %parallel_loop3A_536 = vector.broadcast %parallel_loop3A_494 : i32 to vector<16xi32>
        tpu.vector_store_idx %arg16[%parallel_loop3A_535, %parallel_loop3A_536], %parallel_loop3A_532 : memref<128x16xf32, #tpu.memory_space<vmem>>[vector<16xi32>, vector<16xi32>], vector<16xf32>,
        %parallel_loop3A_537 = arith.index_cast %parallel_loop3A_494 : i32 to index
        %parallel_loop3A_538 = arith.constant 96 : index
        %parallel_loop3A_539 = tpu.vector_load %arg10[%parallel_loop3A_537, %parallel_loop3A_538] {strides = array<i32>} : memref<16x128xf32, #tpu.memory_space<vmem>>, vector<16xf32>,
        %parallel_loop3A_540 = arith.constant 96 : i32
        %parallel_loop3A_541 = vector.broadcast %parallel_loop3A_540 : i32 to vector<16xi32>
        %parallel_loop3A_542 = arith.addi %parallel_loop3A_541, %iota3A : vector<16xi32>
        %parallel_loop3A_543 = vector.broadcast %parallel_loop3A_494 : i32 to vector<16xi32>
        tpu.vector_store_idx %arg16[%parallel_loop3A_542, %parallel_loop3A_543], %parallel_loop3A_539 : memref<128x16xf32, #tpu.memory_space<vmem>>[vector<16xi32>, vector<16xi32>], vector<16xf32>,
        %parallel_loop3A_544 = arith.index_cast %parallel_loop3A_494 : i32 to index
        %parallel_loop3A_545 = arith.constant 112 : index
        %parallel_loop3A_546 = tpu.vector_load %arg10[%parallel_loop3A_544, %parallel_loop3A_545] {strides = array<i32>} : memref<16x128xf32, #tpu.memory_space<vmem>>, vector<16xf32>,
        %parallel_loop3A_547 = arith.constant 112 : i32
        %parallel_loop3A_548 = vector.broadcast %parallel_loop3A_547 : i32 to vector<16xi32>
        %parallel_loop3A_549 = arith.addi %parallel_loop3A_548, %iota3A : vector<16xi32>
        %parallel_loop3A_550 = vector.broadcast %parallel_loop3A_494 : i32 to vector<16xi32>
        tpu.vector_store_idx %arg16[%parallel_loop3A_549, %parallel_loop3A_550], %parallel_loop3A_546 : memref<128x16xf32, #tpu.memory_space<vmem>>[vector<16xi32>, vector<16xi32>], vector<16xf32>,
        %parallel_loop3A_551 = arith.constant 1 : i32
        %parallel_loop3A_552 = arith.addi %parallel_loop3A_492, %parallel_loop3A_551 : i32
        %parallel_loop3A_553 = arith.index_cast %parallel_loop3A_552 : i32 to index
        %parallel_loop3A_554 = arith.constant 0 : index
        %parallel_loop3A_555 = tpu.vector_load %arg10[%parallel_loop3A_553, %parallel_loop3A_554] {strides = array<i32>} : memref<16x128xf32, #tpu.memory_space<vmem>>, vector<16xf32>,
        %parallel_loop3A_556 = arith.constant 0 : i32
        %parallel_loop3A_557 = vector.broadcast %parallel_loop3A_556 : i32 to vector<16xi32>
        %parallel_loop3A_558 = arith.addi %parallel_loop3A_557, %iota3A : vector<16xi32>
        %parallel_loop3A_559 = vector.broadcast %parallel_loop3A_552 : i32 to vector<16xi32>
        tpu.vector_store_idx %arg16[%parallel_loop3A_558, %parallel_loop3A_559], %parallel_loop3A_555 : memref<128x16xf32, #tpu.memory_space<vmem>>[vector<16xi32>, vector<16xi32>], vector<16xf32>,
        %parallel_loop3A_560 = arith.index_cast %parallel_loop3A_552 : i32 to index
        %parallel_loop3A_561 = arith.constant 16 : index
        %parallel_loop3A_562 = tpu.vector_load %arg10[%parallel_loop3A_560, %parallel_loop3A_561] {strides = array<i32>} : memref<16x128xf32, #tpu.memory_space<vmem>>, vector<16xf32>,
        %parallel_loop3A_563 = arith.constant 16 : i32
        %parallel_loop3A_564 = vector.broadcast %parallel_loop3A_563 : i32 to vector<16xi32>
        %parallel_loop3A_565 = arith.addi %parallel_loop3A_564, %iota3A : vector<16xi32>
        %parallel_loop3A_566 = vector.broadcast %parallel_loop3A_552 : i32 to vector<16xi32>
        tpu.vector_store_idx %arg16[%parallel_loop3A_565, %parallel_loop3A_566], %parallel_loop3A_562 : memref<128x16xf32, #tpu.memory_space<vmem>>[vector<16xi32>, vector<16xi32>], vector<16xf32>,
        %parallel_loop3A_567 = arith.index_cast %parallel_loop3A_552 : i32 to index
        %parallel_loop3A_568 = arith.constant 32 : index
        %parallel_loop3A_569 = tpu.vector_load %arg10[%parallel_loop3A_567, %parallel_loop3A_568] {strides = array<i32>} : memref<16x128xf32, #tpu.memory_space<vmem>>, vector<16xf32>,
        %parallel_loop3A_570 = arith.constant 32 : i32
        %parallel_loop3A_571 = vector.broadcast %parallel_loop3A_570 : i32 to vector<16xi32>
        %parallel_loop3A_572 = arith.addi %parallel_loop3A_571, %iota3A : vector<16xi32>
        %parallel_loop3A_573 = vector.broadcast %parallel_loop3A_552 : i32 to vector<16xi32>
        tpu.vector_store_idx %arg16[%parallel_loop3A_572, %parallel_loop3A_573], %parallel_loop3A_569 : memref<128x16xf32, #tpu.memory_space<vmem>>[vector<16xi32>, vector<16xi32>], vector<16xf32>,
        %parallel_loop3A_574 = arith.index_cast %parallel_loop3A_552 : i32 to index
        %parallel_loop3A_575 = arith.constant 48 : index
        %parallel_loop3A_576 = tpu.vector_load %arg10[%parallel_loop3A_574, %parallel_loop3A_575] {strides = array<i32>} : memref<16x128xf32, #tpu.memory_space<vmem>>, vector<16xf32>,
        %parallel_loop3A_577 = arith.constant 48 : i32
        %parallel_loop3A_578 = vector.broadcast %parallel_loop3A_577 : i32 to vector<16xi32>
        %parallel_loop3A_579 = arith.addi %parallel_loop3A_578, %iota3A : vector<16xi32>
        %parallel_loop3A_580 = vector.broadcast %parallel_loop3A_552 : i32 to vector<16xi32>
        tpu.vector_store_idx %arg16[%parallel_loop3A_579, %parallel_loop3A_580], %parallel_loop3A_576 : memref<128x16xf32, #tpu.memory_space<vmem>>[vector<16xi32>, vector<16xi32>], vector<16xf32>,
        %parallel_loop3A_581 = arith.index_cast %parallel_loop3A_552 : i32 to index
        %parallel_loop3A_582 = arith.constant 64 : index
        %parallel_loop3A_583 = tpu.vector_load %arg10[%parallel_loop3A_581, %parallel_loop3A_582] {strides = array<i32>} : memref<16x128xf32, #tpu.memory_space<vmem>>, vector<16xf32>,
        %parallel_loop3A_584 = arith.constant 64 : i32
        %parallel_loop3A_585 = vector.broadcast %parallel_loop3A_584 : i32 to vector<16xi32>
        %parallel_loop3A_586 = arith.addi %parallel_loop3A_585, %iota3A : vector<16xi32>
        %parallel_loop3A_587 = vector.broadcast %parallel_loop3A_552 : i32 to vector<16xi32>
        tpu.vector_store_idx %arg16[%parallel_loop3A_586, %parallel_loop3A_587], %parallel_loop3A_583 : memref<128x16xf32, #tpu.memory_space<vmem>>[vector<16xi32>, vector<16xi32>], vector<16xf32>,
        %parallel_loop3A_588 = arith.index_cast %parallel_loop3A_552 : i32 to index
        %parallel_loop3A_589 = arith.constant 80 : index
        %parallel_loop3A_590 = tpu.vector_load %arg10[%parallel_loop3A_588, %parallel_loop3A_589] {strides = array<i32>} : memref<16x128xf32, #tpu.memory_space<vmem>>, vector<16xf32>,
        %parallel_loop3A_591 = arith.constant 80 : i32
        %parallel_loop3A_592 = vector.broadcast %parallel_loop3A_591 : i32 to vector<16xi32>
        %parallel_loop3A_593 = arith.addi %parallel_loop3A_592, %iota3A : vector<16xi32>
        %parallel_loop3A_594 = vector.broadcast %parallel_loop3A_552 : i32 to vector<16xi32>
        tpu.vector_store_idx %arg16[%parallel_loop3A_593, %parallel_loop3A_594], %parallel_loop3A_590 : memref<128x16xf32, #tpu.memory_space<vmem>>[vector<16xi32>, vector<16xi32>], vector<16xf32>,
        %parallel_loop3A_595 = arith.index_cast %parallel_loop3A_552 : i32 to index
        %parallel_loop3A_596 = arith.constant 96 : index
        %parallel_loop3A_597 = tpu.vector_load %arg10[%parallel_loop3A_595, %parallel_loop3A_596] {strides = array<i32>} : memref<16x128xf32, #tpu.memory_space<vmem>>, vector<16xf32>,
        %parallel_loop3A_598 = arith.constant 96 : i32
        %parallel_loop3A_599 = vector.broadcast %parallel_loop3A_598 : i32 to vector<16xi32>
        %parallel_loop3A_600 = arith.addi %parallel_loop3A_599, %iota3A : vector<16xi32>
        %parallel_loop3A_601 = vector.broadcast %parallel_loop3A_552 : i32 to vector<16xi32>
        tpu.vector_store_idx %arg16[%parallel_loop3A_600, %parallel_loop3A_601], %parallel_loop3A_597 : memref<128x16xf32, #tpu.memory_space<vmem>>[vector<16xi32>, vector<16xi32>], vector<16xf32>,
        %parallel_loop3A_602 = arith.index_cast %parallel_loop3A_552 : i32 to index
        %parallel_loop3A_603 = arith.constant 112 : index
        %parallel_loop3A_604 = tpu.vector_load %arg10[%parallel_loop3A_602, %parallel_loop3A_603] {strides = array<i32>} : memref<16x128xf32, #tpu.memory_space<vmem>>, vector<16xf32>,
        %parallel_loop3A_605 = arith.constant 112 : i32
        %parallel_loop3A_606 = vector.broadcast %parallel_loop3A_605 : i32 to vector<16xi32>
        %parallel_loop3A_607 = arith.addi %parallel_loop3A_606, %iota3A : vector<16xi32>
        %parallel_loop3A_608 = vector.broadcast %parallel_loop3A_552 : i32 to vector<16xi32>
        tpu.vector_store_idx %arg16[%parallel_loop3A_607, %parallel_loop3A_608], %parallel_loop3A_604 : memref<128x16xf32, #tpu.memory_space<vmem>>[vector<16xi32>, vector<16xi32>], vector<16xf32>,
      } {sc.loop_unroll_factor = 2 : i64, sc.parallel_access}
      %mul3A_374 = arith.constant 128 : i32
      %mul3A_375 = arith.muli %add3A_327, %mul3A_374 : i32
      %dma_start3A_376 = tpu.memref_slice %arg5[%mul3A_375] : memref<9984xi32, #tpu.memory_space<vmem>> -> memref<128xi32, #tpu.memory_space<vmem>>
      %dma_start3A_377 = arith.constant 0 : i32
      %dma_start3A_378 = arith.constant 0 : i32
      %dma_start3A_379 = tpu.memref_slice %arg20[%dma_start3A_377, %dma_start3A_378] : memref<10000x16xf32, #tpu.memory_space<vmem_shared>> -> memref<10000x16xf32, #tpu.memory_space<vmem_shared>>
      tpu.enqueue_indirect_dma source(%arg16 : memref<128x16xf32, #tpu.memory_space<vmem>>) target(%dma_start3A_379 : memref<10000x16xf32, #tpu.memory_space<vmem_shared>>) offsets(%dma_start3A_376 : memref<128xi32, #tpu.memory_space<vmem>>) semaphore(%arg30 : memref<!tpu.dma_semaphore, #tpu.memory_space<semaphore_mem>>) {add = true}
      %mul3A_380 = arith.constant 6 : i32
      %mul3A_381 = arith.muli %mul3A_380, %scan3A_157 : i32
      %add3A_382 = arith.constant 4 : i32
      %add3A_383 = arith.addi %mul3A_381, %add3A_382 : i32
      %add3A_384 = arith.constant 3 : i32
      %add3A_385 = arith.addi %add3A_383, %add3A_384 : i32
      %lt3A_386 = arith.constant 78 : i32
      %lt3A_387 = arith.cmpi slt, %add3A_385, %lt3A_386 : i32
      %convert_element_type3A_388 = arith.extui %lt3A_387 : i1 to i32
      %cond3A_389 = arith.constant 0 : i32
      %cond3A_390 = arith.cmpi ne, %convert_element_type3A_388, %cond3A_389 : i32
      scf.if %cond3A_390 {
        %add3A_492 = arith.constant 3 : i32
        %add3A_493 = arith.addi %add3A_383, %add3A_492 : i32
        %add3A_494 = arith.addi %add3A_4, %add3A_493 : i32
        %dma_start3A_495 = arith.constant 0 : i32
        %dma_start3A_496 = arith.constant 0 : i32
        %dma_start3A_497 = arith.constant 0 : i32
        %dma_start3A_498 = tpu.memref_slice %arg8[%dma_start3A_496, %dma_start3A_497] : memref<16x128xf32, #tpu.memory_space<vmem>> -> memref<8x128xf32, #tpu.memory_space<vmem>>
        %dma_start3A_499 = arith.constant 0 : i32
        %dma_start3A_500 = arith.constant 0 : i32
        %dma_start3A_501 = tpu.memref_slice %arg3[%dma_start3A_495, %add3A_494, %dma_start3A_499, %dma_start3A_500] : memref<2x2500x8x128xf32, #tpu.memory_space<hbm>> -> memref<1x1x8x128xf32, #tpu.memory_space<hbm>>
        %dma_start3A_502 = tpu.memref_squeeze %dma_start3A_501 : memref<1x1x8x128xf32, #tpu.memory_space<hbm>> -> memref<8x128xf32, #tpu.memory_space<hbm>>
        %dma_start3A_503 = arith.constant 0 : i32
        %dma_start3A_504 = arith.constant 0 : i32
        %dma_start3A_505 = tpu.memref_slice %arg8[%dma_start3A_503, %dma_start3A_504] : memref<16x128xf32, #tpu.memory_space<vmem>> -> memref<8x128xf32, #tpu.memory_space<vmem>>
        %dma_start3A_506 = arith.constant 0 : i32
        %dma_start3A_507 = arith.constant 0 : i32
        %dma_start3A_508 = tpu.memref_slice %arg3[%dma_start3A_495, %add3A_494, %dma_start3A_506, %dma_start3A_507] : memref<2x2500x8x128xf32, #tpu.memory_space<hbm>> -> memref<1x1x8x128xf32, #tpu.memory_space<hbm>>
        %dma_start3A_509 = tpu.memref_squeeze %dma_start3A_508 : memref<1x1x8x128xf32, #tpu.memory_space<hbm>> -> memref<8x128xf32, #tpu.memory_space<hbm>>
        tpu.enqueue_dma source(%dma_start3A_509 : memref<8x128xf32, #tpu.memory_space<hbm>>) target(%dma_start3A_505 : memref<8x128xf32, #tpu.memory_space<vmem>>) target_semaphore(%arg22 : memref<!tpu.dma_semaphore, #tpu.memory_space<semaphore_mem>>)
        %dma_start3A_510 = arith.constant 1 : i32
        %dma_start3A_511 = arith.constant 8 : i32
        %dma_start3A_512 = arith.constant 0 : i32
        %dma_start3A_513 = tpu.memref_slice %arg8[%dma_start3A_511, %dma_start3A_512] : memref<16x128xf32, #tpu.memory_space<vmem>> -> memref<8x128xf32, #tpu.memory_space<vmem>>
        %dma_start3A_514 = arith.constant 0 : i32
        %dma_start3A_515 = arith.constant 0 : i32
        %dma_start3A_516 = tpu.memref_slice %arg3[%dma_start3A_510, %add3A_494, %dma_start3A_514, %dma_start3A_515] : memref<2x2500x8x128xf32, #tpu.memory_space<hbm>> -> memref<1x1x8x128xf32, #tpu.memory_space<hbm>>
        %dma_start3A_517 = tpu.memref_squeeze %dma_start3A_516 : memref<1x1x8x128xf32, #tpu.memory_space<hbm>> -> memref<8x128xf32, #tpu.memory_space<hbm>>
        %dma_start3A_518 = arith.constant 8 : i32
        %dma_start3A_519 = arith.constant 0 : i32
        %dma_start3A_520 = tpu.memref_slice %arg8[%dma_start3A_518, %dma_start3A_519] : memref<16x128xf32, #tpu.memory_space<vmem>> -> memref<8x128xf32, #tpu.memory_space<vmem>>
        %dma_start3A_521 = arith.constant 0 : i32
        %dma_start3A_522 = arith.constant 0 : i32
        %dma_start3A_523 = tpu.memref_slice %arg3[%dma_start3A_510, %add3A_494, %dma_start3A_521, %dma_start3A_522] : memref<2x2500x8x128xf32, #tpu.memory_space<hbm>> -> memref<1x1x8x128xf32, #tpu.memory_space<hbm>>
        %dma_start3A_524 = tpu.memref_squeeze %dma_start3A_523 : memref<1x1x8x128xf32, #tpu.memory_space<hbm>> -> memref<8x128xf32, #tpu.memory_space<hbm>>
        tpu.enqueue_dma source(%dma_start3A_524 : memref<8x128xf32, #tpu.memory_space<hbm>>) target(%dma_start3A_520 : memref<8x128xf32, #tpu.memory_space<vmem>>) target_semaphore(%arg22 : memref<!tpu.dma_semaphore, #tpu.memory_space<semaphore_mem>>)
      } else {
      }
      %add3A_391 = arith.addi %add3A_4, %add3A_383 : i32
      %dma_wait3A_392 = arith.constant 0 : i32
      %dma_wait3A_393 = arith.constant 0 : i32
      %dma_wait3A_394 = arith.constant 0 : i32
      %dma_wait3A_395 = tpu.memref_slice %arg11[%dma_wait3A_393, %dma_wait3A_394] : memref<16x128xf32, #tpu.memory_space<vmem>> -> memref<8x128xf32, #tpu.memory_space<vmem>>
      %dma_wait3A_396 = arith.constant 0 : i32
      %dma_wait3A_397 = arith.constant 0 : i32
      %dma_wait3A_398 = tpu.memref_slice %arg3[%dma_wait3A_392, %add3A_391, %dma_wait3A_396, %dma_wait3A_397] : memref<2x2500x8x128xf32, #tpu.memory_space<hbm>> -> memref<1x1x8x128xf32, #tpu.memory_space<hbm>>
      %dma_wait3A_399 = tpu.memref_squeeze %dma_wait3A_398 : memref<1x1x8x128xf32, #tpu.memory_space<hbm>> -> memref<8x128xf32, #tpu.memory_space<hbm>>
      %dma_wait3A_400 = arith.constant 0 : i32
      %dma_wait3A_401 = arith.constant 0 : i32
      %dma_wait3A_402 = tpu.memref_slice %arg11[%dma_wait3A_400, %dma_wait3A_401] : memref<16x128xf32, #tpu.memory_space<vmem>> -> memref<8x128xf32, #tpu.memory_space<vmem>>
      %dma_wait3A_403 = arith.constant 0 : i32
      %dma_wait3A_404 = arith.constant 0 : i32
      %dma_wait3A_405 = tpu.memref_slice %arg3[%dma_wait3A_392, %add3A_391, %dma_wait3A_403, %dma_wait3A_404] : memref<2x2500x8x128xf32, #tpu.memory_space<hbm>> -> memref<1x1x8x128xf32, #tpu.memory_space<hbm>>
      %dma_wait3A_406 = tpu.memref_squeeze %dma_wait3A_405 : memref<1x1x8x128xf32, #tpu.memory_space<hbm>> -> memref<8x128xf32, #tpu.memory_space<hbm>>
      tpu.wait_dma2 semaphore(%arg25 : memref<!tpu.dma_semaphore, #tpu.memory_space<semaphore_mem>>) src(%dma_wait3A_406 : memref<8x128xf32, #tpu.memory_space<hbm>>) dst(%dma_wait3A_402 : memref<8x128xf32, #tpu.memory_space<vmem>>)
      %dma_wait3A_407 = arith.constant 1 : i32
      %dma_wait3A_408 = arith.constant 8 : i32
      %dma_wait3A_409 = arith.constant 0 : i32
      %dma_wait3A_410 = tpu.memref_slice %arg11[%dma_wait3A_408, %dma_wait3A_409] : memref<16x128xf32, #tpu.memory_space<vmem>> -> memref<8x128xf32, #tpu.memory_space<vmem>>
      %dma_wait3A_411 = arith.constant 0 : i32
      %dma_wait3A_412 = arith.constant 0 : i32
      %dma_wait3A_413 = tpu.memref_slice %arg3[%dma_wait3A_407, %add3A_391, %dma_wait3A_411, %dma_wait3A_412] : memref<2x2500x8x128xf32, #tpu.memory_space<hbm>> -> memref<1x1x8x128xf32, #tpu.memory_space<hbm>>
      %dma_wait3A_414 = tpu.memref_squeeze %dma_wait3A_413 : memref<1x1x8x128xf32, #tpu.memory_space<hbm>> -> memref<8x128xf32, #tpu.memory_space<hbm>>
      %dma_wait3A_415 = arith.constant 8 : i32
      %dma_wait3A_416 = arith.constant 0 : i32
      %dma_wait3A_417 = tpu.memref_slice %arg11[%dma_wait3A_415, %dma_wait3A_416] : memref<16x128xf32, #tpu.memory_space<vmem>> -> memref<8x128xf32, #tpu.memory_space<vmem>>
      %dma_wait3A_418 = arith.constant 0 : i32
      %dma_wait3A_419 = arith.constant 0 : i32
      %dma_wait3A_420 = tpu.memref_slice %arg3[%dma_wait3A_407, %add3A_391, %dma_wait3A_418, %dma_wait3A_419] : memref<2x2500x8x128xf32, #tpu.memory_space<hbm>> -> memref<1x1x8x128xf32, #tpu.memory_space<hbm>>
      %dma_wait3A_421 = tpu.memref_squeeze %dma_wait3A_420 : memref<1x1x8x128xf32, #tpu.memory_space<hbm>> -> memref<8x128xf32, #tpu.memory_space<hbm>>
      tpu.wait_dma2 semaphore(%arg25 : memref<!tpu.dma_semaphore, #tpu.memory_space<semaphore_mem>>) src(%dma_wait3A_421 : memref<8x128xf32, #tpu.memory_space<hbm>>) dst(%dma_wait3A_417 : memref<8x128xf32, #tpu.memory_space<vmem>>)
      %ge3A_422 = arith.constant 6 : i32
      %ge3A_423 = arith.cmpi sge, %add3A_383, %ge3A_422 : i32
      %convert_element_type3A_424 = arith.extui %ge3A_423 : i1 to i32
      %cond3A_425 = arith.constant 0 : i32
      %cond3A_426 = arith.cmpi ne, %convert_element_type3A_424, %cond3A_425 : i32
      scf.if %cond3A_426 {
        %sub3A = arith.constant 6 : i32
        %sub3A_492 = arith.subi %add3A_383, %sub3A : i32
        %mul3A_493 = arith.constant 128 : i32
        %mul3A_494 = arith.muli %sub3A_492, %mul3A_493 : i32
        %dma_wait3A_495 = tpu.memref_slice %arg5[%mul3A_494] : memref<9984xi32, #tpu.memory_space<vmem>> -> memref<128xi32, #tpu.memory_space<vmem>>
        %dma_wait3A_496 = arith.constant 0 : i32
        %dma_wait3A_497 = arith.constant 0 : i32
        %dma_wait3A_498 = tpu.memref_slice %arg20[%dma_wait3A_496, %dma_wait3A_497] : memref<10000x16xf32, #tpu.memory_space<vmem_shared>> -> memref<10000x16xf32, #tpu.memory_space<vmem_shared>>
        tpu.wait_indirect_dma semaphore(%arg31 : memref<!tpu.dma_semaphore, #tpu.memory_space<semaphore_mem>>) src(%arg17 : memref<128x16xf32, #tpu.memory_space<vmem>>) dst(%dma_wait3A_498 : memref<10000x16xf32, #tpu.memory_space<vmem_shared>>)
      } else {
      }
      %parallel_loop3A_427 = arith.constant 0 : i32
      %parallel_loop3A_428 = arith.constant 16 : i32
      %parallel_loop3A_429 = arith.constant 2 : i32
      scf.for %parallel_loop3A_492 = %parallel_loop3A_427 to %parallel_loop3A_428 step %parallel_loop3A_429  : i32 {
        %parallel_loop3A_493 = arith.constant 0 : i32
        %parallel_loop3A_494 = arith.addi %parallel_loop3A_492, %parallel_loop3A_493 : i32
        %parallel_loop3A_495 = arith.index_cast %parallel_loop3A_494 : i32 to index
        %parallel_loop3A_496 = arith.constant 0 : index
        %parallel_loop3A_497 = tpu.vector_load %arg11[%parallel_loop3A_495, %parallel_loop3A_496] {strides = array<i32>} : memref<16x128xf32, #tpu.memory_space<vmem>>, vector<16xf32>,
        %parallel_loop3A_498 = arith.constant 0 : i32
        %parallel_loop3A_499 = vector.broadcast %parallel_loop3A_498 : i32 to vector<16xi32>
        %parallel_loop3A_500 = arith.addi %parallel_loop3A_499, %iota3A : vector<16xi32>
        %parallel_loop3A_501 = vector.broadcast %parallel_loop3A_494 : i32 to vector<16xi32>
        tpu.vector_store_idx %arg17[%parallel_loop3A_500, %parallel_loop3A_501], %parallel_loop3A_497 : memref<128x16xf32, #tpu.memory_space<vmem>>[vector<16xi32>, vector<16xi32>], vector<16xf32>,
        %parallel_loop3A_502 = arith.index_cast %parallel_loop3A_494 : i32 to index
        %parallel_loop3A_503 = arith.constant 16 : index
        %parallel_loop3A_504 = tpu.vector_load %arg11[%parallel_loop3A_502, %parallel_loop3A_503] {strides = array<i32>} : memref<16x128xf32, #tpu.memory_space<vmem>>, vector<16xf32>,
        %parallel_loop3A_505 = arith.constant 16 : i32
        %parallel_loop3A_506 = vector.broadcast %parallel_loop3A_505 : i32 to vector<16xi32>
        %parallel_loop3A_507 = arith.addi %parallel_loop3A_506, %iota3A : vector<16xi32>
        %parallel_loop3A_508 = vector.broadcast %parallel_loop3A_494 : i32 to vector<16xi32>
        tpu.vector_store_idx %arg17[%parallel_loop3A_507, %parallel_loop3A_508], %parallel_loop3A_504 : memref<128x16xf32, #tpu.memory_space<vmem>>[vector<16xi32>, vector<16xi32>], vector<16xf32>,
        %parallel_loop3A_509 = arith.index_cast %parallel_loop3A_494 : i32 to index
        %parallel_loop3A_510 = arith.constant 32 : index
        %parallel_loop3A_511 = tpu.vector_load %arg11[%parallel_loop3A_509, %parallel_loop3A_510] {strides = array<i32>} : memref<16x128xf32, #tpu.memory_space<vmem>>, vector<16xf32>,
        %parallel_loop3A_512 = arith.constant 32 : i32
        %parallel_loop3A_513 = vector.broadcast %parallel_loop3A_512 : i32 to vector<16xi32>
        %parallel_loop3A_514 = arith.addi %parallel_loop3A_513, %iota3A : vector<16xi32>
        %parallel_loop3A_515 = vector.broadcast %parallel_loop3A_494 : i32 to vector<16xi32>
        tpu.vector_store_idx %arg17[%parallel_loop3A_514, %parallel_loop3A_515], %parallel_loop3A_511 : memref<128x16xf32, #tpu.memory_space<vmem>>[vector<16xi32>, vector<16xi32>], vector<16xf32>,
        %parallel_loop3A_516 = arith.index_cast %parallel_loop3A_494 : i32 to index
        %parallel_loop3A_517 = arith.constant 48 : index
        %parallel_loop3A_518 = tpu.vector_load %arg11[%parallel_loop3A_516, %parallel_loop3A_517] {strides = array<i32>} : memref<16x128xf32, #tpu.memory_space<vmem>>, vector<16xf32>,
        %parallel_loop3A_519 = arith.constant 48 : i32
        %parallel_loop3A_520 = vector.broadcast %parallel_loop3A_519 : i32 to vector<16xi32>
        %parallel_loop3A_521 = arith.addi %parallel_loop3A_520, %iota3A : vector<16xi32>
        %parallel_loop3A_522 = vector.broadcast %parallel_loop3A_494 : i32 to vector<16xi32>
        tpu.vector_store_idx %arg17[%parallel_loop3A_521, %parallel_loop3A_522], %parallel_loop3A_518 : memref<128x16xf32, #tpu.memory_space<vmem>>[vector<16xi32>, vector<16xi32>], vector<16xf32>,
        %parallel_loop3A_523 = arith.index_cast %parallel_loop3A_494 : i32 to index
        %parallel_loop3A_524 = arith.constant 64 : index
        %parallel_loop3A_525 = tpu.vector_load %arg11[%parallel_loop3A_523, %parallel_loop3A_524] {strides = array<i32>} : memref<16x128xf32, #tpu.memory_space<vmem>>, vector<16xf32>,
        %parallel_loop3A_526 = arith.constant 64 : i32
        %parallel_loop3A_527 = vector.broadcast %parallel_loop3A_526 : i32 to vector<16xi32>
        %parallel_loop3A_528 = arith.addi %parallel_loop3A_527, %iota3A : vector<16xi32>
        %parallel_loop3A_529 = vector.broadcast %parallel_loop3A_494 : i32 to vector<16xi32>
        tpu.vector_store_idx %arg17[%parallel_loop3A_528, %parallel_loop3A_529], %parallel_loop3A_525 : memref<128x16xf32, #tpu.memory_space<vmem>>[vector<16xi32>, vector<16xi32>], vector<16xf32>,
        %parallel_loop3A_530 = arith.index_cast %parallel_loop3A_494 : i32 to index
        %parallel_loop3A_531 = arith.constant 80 : index
        %parallel_loop3A_532 = tpu.vector_load %arg11[%parallel_loop3A_530, %parallel_loop3A_531] {strides = array<i32>} : memref<16x128xf32, #tpu.memory_space<vmem>>, vector<16xf32>,
        %parallel_loop3A_533 = arith.constant 80 : i32
        %parallel_loop3A_534 = vector.broadcast %parallel_loop3A_533 : i32 to vector<16xi32>
        %parallel_loop3A_535 = arith.addi %parallel_loop3A_534, %iota3A : vector<16xi32>
        %parallel_loop3A_536 = vector.broadcast %parallel_loop3A_494 : i32 to vector<16xi32>
        tpu.vector_store_idx %arg17[%parallel_loop3A_535, %parallel_loop3A_536], %parallel_loop3A_532 : memref<128x16xf32, #tpu.memory_space<vmem>>[vector<16xi32>, vector<16xi32>], vector<16xf32>,
        %parallel_loop3A_537 = arith.index_cast %parallel_loop3A_494 : i32 to index
        %parallel_loop3A_538 = arith.constant 96 : index
        %parallel_loop3A_539 = tpu.vector_load %arg11[%parallel_loop3A_537, %parallel_loop3A_538] {strides = array<i32>} : memref<16x128xf32, #tpu.memory_space<vmem>>, vector<16xf32>,
        %parallel_loop3A_540 = arith.constant 96 : i32
        %parallel_loop3A_541 = vector.broadcast %parallel_loop3A_540 : i32 to vector<16xi32>
        %parallel_loop3A_542 = arith.addi %parallel_loop3A_541, %iota3A : vector<16xi32>
        %parallel_loop3A_543 = vector.broadcast %parallel_loop3A_494 : i32 to vector<16xi32>
        tpu.vector_store_idx %arg17[%parallel_loop3A_542, %parallel_loop3A_543], %parallel_loop3A_539 : memref<128x16xf32, #tpu.memory_space<vmem>>[vector<16xi32>, vector<16xi32>], vector<16xf32>,
        %parallel_loop3A_544 = arith.index_cast %parallel_loop3A_494 : i32 to index
        %parallel_loop3A_545 = arith.constant 112 : index
        %parallel_loop3A_546 = tpu.vector_load %arg11[%parallel_loop3A_544, %parallel_loop3A_545] {strides = array<i32>} : memref<16x128xf32, #tpu.memory_space<vmem>>, vector<16xf32>,
        %parallel_loop3A_547 = arith.constant 112 : i32
        %parallel_loop3A_548 = vector.broadcast %parallel_loop3A_547 : i32 to vector<16xi32>
        %parallel_loop3A_549 = arith.addi %parallel_loop3A_548, %iota3A : vector<16xi32>
        %parallel_loop3A_550 = vector.broadcast %parallel_loop3A_494 : i32 to vector<16xi32>
        tpu.vector_store_idx %arg17[%parallel_loop3A_549, %parallel_loop3A_550], %parallel_loop3A_546 : memref<128x16xf32, #tpu.memory_space<vmem>>[vector<16xi32>, vector<16xi32>], vector<16xf32>,
        %parallel_loop3A_551 = arith.constant 1 : i32
        %parallel_loop3A_552 = arith.addi %parallel_loop3A_492, %parallel_loop3A_551 : i32
        %parallel_loop3A_553 = arith.index_cast %parallel_loop3A_552 : i32 to index
        %parallel_loop3A_554 = arith.constant 0 : index
        %parallel_loop3A_555 = tpu.vector_load %arg11[%parallel_loop3A_553, %parallel_loop3A_554] {strides = array<i32>} : memref<16x128xf32, #tpu.memory_space<vmem>>, vector<16xf32>,
        %parallel_loop3A_556 = arith.constant 0 : i32
        %parallel_loop3A_557 = vector.broadcast %parallel_loop3A_556 : i32 to vector<16xi32>
        %parallel_loop3A_558 = arith.addi %parallel_loop3A_557, %iota3A : vector<16xi32>
        %parallel_loop3A_559 = vector.broadcast %parallel_loop3A_552 : i32 to vector<16xi32>
        tpu.vector_store_idx %arg17[%parallel_loop3A_558, %parallel_loop3A_559], %parallel_loop3A_555 : memref<128x16xf32, #tpu.memory_space<vmem>>[vector<16xi32>, vector<16xi32>], vector<16xf32>,
        %parallel_loop3A_560 = arith.index_cast %parallel_loop3A_552 : i32 to index
        %parallel_loop3A_561 = arith.constant 16 : index
        %parallel_loop3A_562 = tpu.vector_load %arg11[%parallel_loop3A_560, %parallel_loop3A_561] {strides = array<i32>} : memref<16x128xf32, #tpu.memory_space<vmem>>, vector<16xf32>,
        %parallel_loop3A_563 = arith.constant 16 : i32
        %parallel_loop3A_564 = vector.broadcast %parallel_loop3A_563 : i32 to vector<16xi32>
        %parallel_loop3A_565 = arith.addi %parallel_loop3A_564, %iota3A : vector<16xi32>
        %parallel_loop3A_566 = vector.broadcast %parallel_loop3A_552 : i32 to vector<16xi32>
        tpu.vector_store_idx %arg17[%parallel_loop3A_565, %parallel_loop3A_566], %parallel_loop3A_562 : memref<128x16xf32, #tpu.memory_space<vmem>>[vector<16xi32>, vector<16xi32>], vector<16xf32>,
        %parallel_loop3A_567 = arith.index_cast %parallel_loop3A_552 : i32 to index
        %parallel_loop3A_568 = arith.constant 32 : index
        %parallel_loop3A_569 = tpu.vector_load %arg11[%parallel_loop3A_567, %parallel_loop3A_568] {strides = array<i32>} : memref<16x128xf32, #tpu.memory_space<vmem>>, vector<16xf32>,
        %parallel_loop3A_570 = arith.constant 32 : i32
        %parallel_loop3A_571 = vector.broadcast %parallel_loop3A_570 : i32 to vector<16xi32>
        %parallel_loop3A_572 = arith.addi %parallel_loop3A_571, %iota3A : vector<16xi32>
        %parallel_loop3A_573 = vector.broadcast %parallel_loop3A_552 : i32 to vector<16xi32>
        tpu.vector_store_idx %arg17[%parallel_loop3A_572, %parallel_loop3A_573], %parallel_loop3A_569 : memref<128x16xf32, #tpu.memory_space<vmem>>[vector<16xi32>, vector<16xi32>], vector<16xf32>,
        %parallel_loop3A_574 = arith.index_cast %parallel_loop3A_552 : i32 to index
        %parallel_loop3A_575 = arith.constant 48 : index
        %parallel_loop3A_576 = tpu.vector_load %arg11[%parallel_loop3A_574, %parallel_loop3A_575] {strides = array<i32>} : memref<16x128xf32, #tpu.memory_space<vmem>>, vector<16xf32>,
        %parallel_loop3A_577 = arith.constant 48 : i32
        %parallel_loop3A_578 = vector.broadcast %parallel_loop3A_577 : i32 to vector<16xi32>
        %parallel_loop3A_579 = arith.addi %parallel_loop3A_578, %iota3A : vector<16xi32>
        %parallel_loop3A_580 = vector.broadcast %parallel_loop3A_552 : i32 to vector<16xi32>
        tpu.vector_store_idx %arg17[%parallel_loop3A_579, %parallel_loop3A_580], %parallel_loop3A_576 : memref<128x16xf32, #tpu.memory_space<vmem>>[vector<16xi32>, vector<16xi32>], vector<16xf32>,
        %parallel_loop3A_581 = arith.index_cast %parallel_loop3A_552 : i32 to index
        %parallel_loop3A_582 = arith.constant 64 : index
        %parallel_loop3A_583 = tpu.vector_load %arg11[%parallel_loop3A_581, %parallel_loop3A_582] {strides = array<i32>} : memref<16x128xf32, #tpu.memory_space<vmem>>, vector<16xf32>,
        %parallel_loop3A_584 = arith.constant 64 : i32
        %parallel_loop3A_585 = vector.broadcast %parallel_loop3A_584 : i32 to vector<16xi32>
        %parallel_loop3A_586 = arith.addi %parallel_loop3A_585, %iota3A : vector<16xi32>
        %parallel_loop3A_587 = vector.broadcast %parallel_loop3A_552 : i32 to vector<16xi32>
        tpu.vector_store_idx %arg17[%parallel_loop3A_586, %parallel_loop3A_587], %parallel_loop3A_583 : memref<128x16xf32, #tpu.memory_space<vmem>>[vector<16xi32>, vector<16xi32>], vector<16xf32>,
        %parallel_loop3A_588 = arith.index_cast %parallel_loop3A_552 : i32 to index
        %parallel_loop3A_589 = arith.constant 80 : index
        %parallel_loop3A_590 = tpu.vector_load %arg11[%parallel_loop3A_588, %parallel_loop3A_589] {strides = array<i32>} : memref<16x128xf32, #tpu.memory_space<vmem>>, vector<16xf32>,
        %parallel_loop3A_591 = arith.constant 80 : i32
        %parallel_loop3A_592 = vector.broadcast %parallel_loop3A_591 : i32 to vector<16xi32>
        %parallel_loop3A_593 = arith.addi %parallel_loop3A_592, %iota3A : vector<16xi32>
        %parallel_loop3A_594 = vector.broadcast %parallel_loop3A_552 : i32 to vector<16xi32>
        tpu.vector_store_idx %arg17[%parallel_loop3A_593, %parallel_loop3A_594], %parallel_loop3A_590 : memref<128x16xf32, #tpu.memory_space<vmem>>[vector<16xi32>, vector<16xi32>], vector<16xf32>,
        %parallel_loop3A_595 = arith.index_cast %parallel_loop3A_552 : i32 to index
        %parallel_loop3A_596 = arith.constant 96 : index
        %parallel_loop3A_597 = tpu.vector_load %arg11[%parallel_loop3A_595, %parallel_loop3A_596] {strides = array<i32>} : memref<16x128xf32, #tpu.memory_space<vmem>>, vector<16xf32>,
        %parallel_loop3A_598 = arith.constant 96 : i32
        %parallel_loop3A_599 = vector.broadcast %parallel_loop3A_598 : i32 to vector<16xi32>
        %parallel_loop3A_600 = arith.addi %parallel_loop3A_599, %iota3A : vector<16xi32>
        %parallel_loop3A_601 = vector.broadcast %parallel_loop3A_552 : i32 to vector<16xi32>
        tpu.vector_store_idx %arg17[%parallel_loop3A_600, %parallel_loop3A_601], %parallel_loop3A_597 : memref<128x16xf32, #tpu.memory_space<vmem>>[vector<16xi32>, vector<16xi32>], vector<16xf32>,
        %parallel_loop3A_602 = arith.index_cast %parallel_loop3A_552 : i32 to index
        %parallel_loop3A_603 = arith.constant 112 : index
        %parallel_loop3A_604 = tpu.vector_load %arg11[%parallel_loop3A_602, %parallel_loop3A_603] {strides = array<i32>} : memref<16x128xf32, #tpu.memory_space<vmem>>, vector<16xf32>,
        %parallel_loop3A_605 = arith.constant 112 : i32
        %parallel_loop3A_606 = vector.broadcast %parallel_loop3A_605 : i32 to vector<16xi32>
        %parallel_loop3A_607 = arith.addi %parallel_loop3A_606, %iota3A : vector<16xi32>
        %parallel_loop3A_608 = vector.broadcast %parallel_loop3A_552 : i32 to vector<16xi32>
        tpu.vector_store_idx %arg17[%parallel_loop3A_607, %parallel_loop3A_608], %parallel_loop3A_604 : memref<128x16xf32, #tpu.memory_space<vmem>>[vector<16xi32>, vector<16xi32>], vector<16xf32>,
      } {sc.loop_unroll_factor = 2 : i64, sc.parallel_access}
      %mul3A_430 = arith.constant 128 : i32
      %mul3A_431 = arith.muli %add3A_383, %mul3A_430 : i32
      %dma_start3A_432 = tpu.memref_slice %arg5[%mul3A_431] : memref<9984xi32, #tpu.memory_space<vmem>> -> memref<128xi32, #tpu.memory_space<vmem>>
      %dma_start3A_433 = arith.constant 0 : i32
      %dma_start3A_434 = arith.constant 0 : i32
      %dma_start3A_435 = tpu.memref_slice %arg20[%dma_start3A_433, %dma_start3A_434] : memref<10000x16xf32, #tpu.memory_space<vmem_shared>> -> memref<10000x16xf32, #tpu.memory_space<vmem_shared>>
      tpu.enqueue_indirect_dma source(%arg17 : memref<128x16xf32, #tpu.memory_space<vmem>>) target(%dma_start3A_435 : memref<10000x16xf32, #tpu.memory_space<vmem_shared>>) offsets(%dma_start3A_432 : memref<128xi32, #tpu.memory_space<vmem>>) semaphore(%arg31 : memref<!tpu.dma_semaphore, #tpu.memory_space<semaphore_mem>>) {add = true}
      %mul3A_436 = arith.constant 6 : i32
      %mul3A_437 = arith.muli %mul3A_436, %scan3A_157 : i32
      %add3A_438 = arith.constant 5 : i32
      %add3A_439 = arith.addi %mul3A_437, %add3A_438 : i32
      %add3A_440 = arith.constant 3 : i32
      %add3A_441 = arith.addi %add3A_439, %add3A_440 : i32
      %lt3A_442 = arith.constant 78 : i32
      %lt3A_443 = arith.cmpi slt, %add3A_441, %lt3A_442 : i32
      %convert_element_type3A_444 = arith.extui %lt3A_443 : i1 to i32
      %cond3A_445 = arith.constant 0 : i32
      %cond3A_446 = arith.cmpi ne, %convert_element_type3A_444, %cond3A_445 : i32
      scf.if %cond3A_446 {
        %add3A_492 = arith.constant 3 : i32
        %add3A_493 = arith.addi %add3A_439, %add3A_492 : i32
        %add3A_494 = arith.addi %add3A_4, %add3A_493 : i32
        %dma_start3A_495 = arith.constant 0 : i32
        %dma_start3A_496 = arith.constant 0 : i32
        %dma_start3A_497 = arith.constant 0 : i32
        %dma_start3A_498 = tpu.memref_slice %arg9[%dma_start3A_496, %dma_start3A_497] : memref<16x128xf32, #tpu.memory_space<vmem>> -> memref<8x128xf32, #tpu.memory_space<vmem>>
        %dma_start3A_499 = arith.constant 0 : i32
        %dma_start3A_500 = arith.constant 0 : i32
        %dma_start3A_501 = tpu.memref_slice %arg3[%dma_start3A_495, %add3A_494, %dma_start3A_499, %dma_start3A_500] : memref<2x2500x8x128xf32, #tpu.memory_space<hbm>> -> memref<1x1x8x128xf32, #tpu.memory_space<hbm>>
        %dma_start3A_502 = tpu.memref_squeeze %dma_start3A_501 : memref<1x1x8x128xf32, #tpu.memory_space<hbm>> -> memref<8x128xf32, #tpu.memory_space<hbm>>
        %dma_start3A_503 = arith.constant 0 : i32
        %dma_start3A_504 = arith.constant 0 : i32
        %dma_start3A_505 = tpu.memref_slice %arg9[%dma_start3A_503, %dma_start3A_504] : memref<16x128xf32, #tpu.memory_space<vmem>> -> memref<8x128xf32, #tpu.memory_space<vmem>>
        %dma_start3A_506 = arith.constant 0 : i32
        %dma_start3A_507 = arith.constant 0 : i32
        %dma_start3A_508 = tpu.memref_slice %arg3[%dma_start3A_495, %add3A_494, %dma_start3A_506, %dma_start3A_507] : memref<2x2500x8x128xf32, #tpu.memory_space<hbm>> -> memref<1x1x8x128xf32, #tpu.memory_space<hbm>>
        %dma_start3A_509 = tpu.memref_squeeze %dma_start3A_508 : memref<1x1x8x128xf32, #tpu.memory_space<hbm>> -> memref<8x128xf32, #tpu.memory_space<hbm>>
        tpu.enqueue_dma source(%dma_start3A_509 : memref<8x128xf32, #tpu.memory_space<hbm>>) target(%dma_start3A_505 : memref<8x128xf32, #tpu.memory_space<vmem>>) target_semaphore(%arg23 : memref<!tpu.dma_semaphore, #tpu.memory_space<semaphore_mem>>)
        %dma_start3A_510 = arith.constant 1 : i32
        %dma_start3A_511 = arith.constant 8 : i32
        %dma_start3A_512 = arith.constant 0 : i32
        %dma_start3A_513 = tpu.memref_slice %arg9[%dma_start3A_511, %dma_start3A_512] : memref<16x128xf32, #tpu.memory_space<vmem>> -> memref<8x128xf32, #tpu.memory_space<vmem>>
        %dma_start3A_514 = arith.constant 0 : i32
        %dma_start3A_515 = arith.constant 0 : i32
        %dma_start3A_516 = tpu.memref_slice %arg3[%dma_start3A_510, %add3A_494, %dma_start3A_514, %dma_start3A_515] : memref<2x2500x8x128xf32, #tpu.memory_space<hbm>> -> memref<1x1x8x128xf32, #tpu.memory_space<hbm>>
        %dma_start3A_517 = tpu.memref_squeeze %dma_start3A_516 : memref<1x1x8x128xf32, #tpu.memory_space<hbm>> -> memref<8x128xf32, #tpu.memory_space<hbm>>
        %dma_start3A_518 = arith.constant 8 : i32
        %dma_start3A_519 = arith.constant 0 : i32
        %dma_start3A_520 = tpu.memref_slice %arg9[%dma_start3A_518, %dma_start3A_519] : memref<16x128xf32, #tpu.memory_space<vmem>> -> memref<8x128xf32, #tpu.memory_space<vmem>>
        %dma_start3A_521 = arith.constant 0 : i32
        %dma_start3A_522 = arith.constant 0 : i32
        %dma_start3A_523 = tpu.memref_slice %arg3[%dma_start3A_510, %add3A_494, %dma_start3A_521, %dma_start3A_522] : memref<2x2500x8x128xf32, #tpu.memory_space<hbm>> -> memref<1x1x8x128xf32, #tpu.memory_space<hbm>>
        %dma_start3A_524 = tpu.memref_squeeze %dma_start3A_523 : memref<1x1x8x128xf32, #tpu.memory_space<hbm>> -> memref<8x128xf32, #tpu.memory_space<hbm>>
        tpu.enqueue_dma source(%dma_start3A_524 : memref<8x128xf32, #tpu.memory_space<hbm>>) target(%dma_start3A_520 : memref<8x128xf32, #tpu.memory_space<vmem>>) target_semaphore(%arg23 : memref<!tpu.dma_semaphore, #tpu.memory_space<semaphore_mem>>)
      } else {
      }
      %add3A_447 = arith.addi %add3A_4, %add3A_439 : i32
      %dma_wait3A_448 = arith.constant 0 : i32
      %dma_wait3A_449 = arith.constant 0 : i32
      %dma_wait3A_450 = arith.constant 0 : i32
      %dma_wait3A_451 = tpu.memref_slice %arg12[%dma_wait3A_449, %dma_wait3A_450] : memref<16x128xf32, #tpu.memory_space<vmem>> -> memref<8x128xf32, #tpu.memory_space<vmem>>
      %dma_wait3A_452 = arith.constant 0 : i32
      %dma_wait3A_453 = arith.constant 0 : i32
      %dma_wait3A_454 = tpu.memref_slice %arg3[%dma_wait3A_448, %add3A_447, %dma_wait3A_452, %dma_wait3A_453] : memref<2x2500x8x128xf32, #tpu.memory_space<hbm>> -> memref<1x1x8x128xf32, #tpu.memory_space<hbm>>
      %dma_wait3A_455 = tpu.memref_squeeze %dma_wait3A_454 : memref<1x1x8x128xf32, #tpu.memory_space<hbm>> -> memref<8x128xf32, #tpu.memory_space<hbm>>
      %dma_wait3A_456 = arith.constant 0 : i32
      %dma_wait3A_457 = arith.constant 0 : i32
      %dma_wait3A_458 = tpu.memref_slice %arg12[%dma_wait3A_456, %dma_wait3A_457] : memref<16x128xf32, #tpu.memory_space<vmem>> -> memref<8x128xf32, #tpu.memory_space<vmem>>
      %dma_wait3A_459 = arith.constant 0 : i32
      %dma_wait3A_460 = arith.constant 0 : i32
      %dma_wait3A_461 = tpu.memref_slice %arg3[%dma_wait3A_448, %add3A_447, %dma_wait3A_459, %dma_wait3A_460] : memref<2x2500x8x128xf32, #tpu.memory_space<hbm>> -> memref<1x1x8x128xf32, #tpu.memory_space<hbm>>
      %dma_wait3A_462 = tpu.memref_squeeze %dma_wait3A_461 : memref<1x1x8x128xf32, #tpu.memory_space<hbm>> -> memref<8x128xf32, #tpu.memory_space<hbm>>
      tpu.wait_dma2 semaphore(%arg26 : memref<!tpu.dma_semaphore, #tpu.memory_space<semaphore_mem>>) src(%dma_wait3A_462 : memref<8x128xf32, #tpu.memory_space<hbm>>) dst(%dma_wait3A_458 : memref<8x128xf32, #tpu.memory_space<vmem>>)
      %dma_wait3A_463 = arith.constant 1 : i32
      %dma_wait3A_464 = arith.constant 8 : i32
      %dma_wait3A_465 = arith.constant 0 : i32
      %dma_wait3A_466 = tpu.memref_slice %arg12[%dma_wait3A_464, %dma_wait3A_465] : memref<16x128xf32, #tpu.memory_space<vmem>> -> memref<8x128xf32, #tpu.memory_space<vmem>>
      %dma_wait3A_467 = arith.constant 0 : i32
      %dma_wait3A_468 = arith.constant 0 : i32
      %dma_wait3A_469 = tpu.memref_slice %arg3[%dma_wait3A_463, %add3A_447, %dma_wait3A_467, %dma_wait3A_468] : memref<2x2500x8x128xf32, #tpu.memory_space<hbm>> -> memref<1x1x8x128xf32, #tpu.memory_space<hbm>>
      %dma_wait3A_470 = tpu.memref_squeeze %dma_wait3A_469 : memref<1x1x8x128xf32, #tpu.memory_space<hbm>> -> memref<8x128xf32, #tpu.memory_space<hbm>>
      %dma_wait3A_471 = arith.constant 8 : i32
      %dma_wait3A_472 = arith.constant 0 : i32
      %dma_wait3A_473 = tpu.memref_slice %arg12[%dma_wait3A_471, %dma_wait3A_472] : memref<16x128xf32, #tpu.memory_space<vmem>> -> memref<8x128xf32, #tpu.memory_space<vmem>>
      %dma_wait3A_474 = arith.constant 0 : i32
      %dma_wait3A_475 = arith.constant 0 : i32
      %dma_wait3A_476 = tpu.memref_slice %arg3[%dma_wait3A_463, %add3A_447, %dma_wait3A_474, %dma_wait3A_475] : memref<2x2500x8x128xf32, #tpu.memory_space<hbm>> -> memref<1x1x8x128xf32, #tpu.memory_space<hbm>>
      %dma_wait3A_477 = tpu.memref_squeeze %dma_wait3A_476 : memref<1x1x8x128xf32, #tpu.memory_space<hbm>> -> memref<8x128xf32, #tpu.memory_space<hbm>>
      tpu.wait_dma2 semaphore(%arg26 : memref<!tpu.dma_semaphore, #tpu.memory_space<semaphore_mem>>) src(%dma_wait3A_477 : memref<8x128xf32, #tpu.memory_space<hbm>>) dst(%dma_wait3A_473 : memref<8x128xf32, #tpu.memory_space<vmem>>)
      %ge3A_478 = arith.constant 6 : i32
      %ge3A_479 = arith.cmpi sge, %add3A_439, %ge3A_478 : i32
      %convert_element_type3A_480 = arith.extui %ge3A_479 : i1 to i32
      %cond3A_481 = arith.constant 0 : i32
      %cond3A_482 = arith.cmpi ne, %convert_element_type3A_480, %cond3A_481 : i32
      scf.if %cond3A_482 {
        %sub3A = arith.constant 6 : i32
        %sub3A_492 = arith.subi %add3A_439, %sub3A : i32
        %mul3A_493 = arith.constant 128 : i32
        %mul3A_494 = arith.muli %sub3A_492, %mul3A_493 : i32
        %dma_wait3A_495 = tpu.memref_slice %arg5[%mul3A_494] : memref<9984xi32, #tpu.memory_space<vmem>> -> memref<128xi32, #tpu.memory_space<vmem>>
        %dma_wait3A_496 = arith.constant 0 : i32
        %dma_wait3A_497 = arith.constant 0 : i32
        %dma_wait3A_498 = tpu.memref_slice %arg20[%dma_wait3A_496, %dma_wait3A_497] : memref<10000x16xf32, #tpu.memory_space<vmem_shared>> -> memref<10000x16xf32, #tpu.memory_space<vmem_shared>>
        tpu.wait_indirect_dma semaphore(%arg32 : memref<!tpu.dma_semaphore, #tpu.memory_space<semaphore_mem>>) src(%arg18 : memref<128x16xf32, #tpu.memory_space<vmem>>) dst(%dma_wait3A_498 : memref<10000x16xf32, #tpu.memory_space<vmem_shared>>)
      } else {
      }
      %parallel_loop3A_483 = arith.constant 0 : i32
      %parallel_loop3A_484 = arith.constant 16 : i32
      %parallel_loop3A_485 = arith.constant 2 : i32
      scf.for %parallel_loop3A_492 = %parallel_loop3A_483 to %parallel_loop3A_484 step %parallel_loop3A_485  : i32 {
        %parallel_loop3A_493 = arith.constant 0 : i32
        %parallel_loop3A_494 = arith.addi %parallel_loop3A_492, %parallel_loop3A_493 : i32
        %parallel_loop3A_495 = arith.index_cast %parallel_loop3A_494 : i32 to index
        %parallel_loop3A_496 = arith.constant 0 : index
        %parallel_loop3A_497 = tpu.vector_load %arg12[%parallel_loop3A_495, %parallel_loop3A_496] {strides = array<i32>} : memref<16x128xf32, #tpu.memory_space<vmem>>, vector<16xf32>,
        %parallel_loop3A_498 = arith.constant 0 : i32
        %parallel_loop3A_499 = vector.broadcast %parallel_loop3A_498 : i32 to vector<16xi32>
        %parallel_loop3A_500 = arith.addi %parallel_loop3A_499, %iota3A : vector<16xi32>
        %parallel_loop3A_501 = vector.broadcast %parallel_loop3A_494 : i32 to vector<16xi32>
        tpu.vector_store_idx %arg18[%parallel_loop3A_500, %parallel_loop3A_501], %parallel_loop3A_497 : memref<128x16xf32, #tpu.memory_space<vmem>>[vector<16xi32>, vector<16xi32>], vector<16xf32>,
        %parallel_loop3A_502 = arith.index_cast %parallel_loop3A_494 : i32 to index
        %parallel_loop3A_503 = arith.constant 16 : index
        %parallel_loop3A_504 = tpu.vector_load %arg12[%parallel_loop3A_502, %parallel_loop3A_503] {strides = array<i32>} : memref<16x128xf32, #tpu.memory_space<vmem>>, vector<16xf32>,
        %parallel_loop3A_505 = arith.constant 16 : i32
        %parallel_loop3A_506 = vector.broadcast %parallel_loop3A_505 : i32 to vector<16xi32>
        %parallel_loop3A_507 = arith.addi %parallel_loop3A_506, %iota3A : vector<16xi32>
        %parallel_loop3A_508 = vector.broadcast %parallel_loop3A_494 : i32 to vector<16xi32>
        tpu.vector_store_idx %arg18[%parallel_loop3A_507, %parallel_loop3A_508], %parallel_loop3A_504 : memref<128x16xf32, #tpu.memory_space<vmem>>[vector<16xi32>, vector<16xi32>], vector<16xf32>,
        %parallel_loop3A_509 = arith.index_cast %parallel_loop3A_494 : i32 to index
        %parallel_loop3A_510 = arith.constant 32 : index
        %parallel_loop3A_511 = tpu.vector_load %arg12[%parallel_loop3A_509, %parallel_loop3A_510] {strides = array<i32>} : memref<16x128xf32, #tpu.memory_space<vmem>>, vector<16xf32>,
        %parallel_loop3A_512 = arith.constant 32 : i32
        %parallel_loop3A_513 = vector.broadcast %parallel_loop3A_512 : i32 to vector<16xi32>
        %parallel_loop3A_514 = arith.addi %parallel_loop3A_513, %iota3A : vector<16xi32>
        %parallel_loop3A_515 = vector.broadcast %parallel_loop3A_494 : i32 to vector<16xi32>
        tpu.vector_store_idx %arg18[%parallel_loop3A_514, %parallel_loop3A_515], %parallel_loop3A_511 : memref<128x16xf32, #tpu.memory_space<vmem>>[vector<16xi32>, vector<16xi32>], vector<16xf32>,
        %parallel_loop3A_516 = arith.index_cast %parallel_loop3A_494 : i32 to index
        %parallel_loop3A_517 = arith.constant 48 : index
        %parallel_loop3A_518 = tpu.vector_load %arg12[%parallel_loop3A_516, %parallel_loop3A_517] {strides = array<i32>} : memref<16x128xf32, #tpu.memory_space<vmem>>, vector<16xf32>,
        %parallel_loop3A_519 = arith.constant 48 : i32
        %parallel_loop3A_520 = vector.broadcast %parallel_loop3A_519 : i32 to vector<16xi32>
        %parallel_loop3A_521 = arith.addi %parallel_loop3A_520, %iota3A : vector<16xi32>
        %parallel_loop3A_522 = vector.broadcast %parallel_loop3A_494 : i32 to vector<16xi32>
        tpu.vector_store_idx %arg18[%parallel_loop3A_521, %parallel_loop3A_522], %parallel_loop3A_518 : memref<128x16xf32, #tpu.memory_space<vmem>>[vector<16xi32>, vector<16xi32>], vector<16xf32>,
        %parallel_loop3A_523 = arith.index_cast %parallel_loop3A_494 : i32 to index
        %parallel_loop3A_524 = arith.constant 64 : index
        %parallel_loop3A_525 = tpu.vector_load %arg12[%parallel_loop3A_523, %parallel_loop3A_524] {strides = array<i32>} : memref<16x128xf32, #tpu.memory_space<vmem>>, vector<16xf32>,
        %parallel_loop3A_526 = arith.constant 64 : i32
        %parallel_loop3A_527 = vector.broadcast %parallel_loop3A_526 : i32 to vector<16xi32>
        %parallel_loop3A_528 = arith.addi %parallel_loop3A_527, %iota3A : vector<16xi32>
        %parallel_loop3A_529 = vector.broadcast %parallel_loop3A_494 : i32 to vector<16xi32>
        tpu.vector_store_idx %arg18[%parallel_loop3A_528, %parallel_loop3A_529], %parallel_loop3A_525 : memref<128x16xf32, #tpu.memory_space<vmem>>[vector<16xi32>, vector<16xi32>], vector<16xf32>,
        %parallel_loop3A_530 = arith.index_cast %parallel_loop3A_494 : i32 to index
        %parallel_loop3A_531 = arith.constant 80 : index
        %parallel_loop3A_532 = tpu.vector_load %arg12[%parallel_loop3A_530, %parallel_loop3A_531] {strides = array<i32>} : memref<16x128xf32, #tpu.memory_space<vmem>>, vector<16xf32>,
        %parallel_loop3A_533 = arith.constant 80 : i32
        %parallel_loop3A_534 = vector.broadcast %parallel_loop3A_533 : i32 to vector<16xi32>
        %parallel_loop3A_535 = arith.addi %parallel_loop3A_534, %iota3A : vector<16xi32>
        %parallel_loop3A_536 = vector.broadcast %parallel_loop3A_494 : i32 to vector<16xi32>
        tpu.vector_store_idx %arg18[%parallel_loop3A_535, %parallel_loop3A_536], %parallel_loop3A_532 : memref<128x16xf32, #tpu.memory_space<vmem>>[vector<16xi32>, vector<16xi32>], vector<16xf32>,
        %parallel_loop3A_537 = arith.index_cast %parallel_loop3A_494 : i32 to index
        %parallel_loop3A_538 = arith.constant 96 : index
        %parallel_loop3A_539 = tpu.vector_load %arg12[%parallel_loop3A_537, %parallel_loop3A_538] {strides = array<i32>} : memref<16x128xf32, #tpu.memory_space<vmem>>, vector<16xf32>,
        %parallel_loop3A_540 = arith.constant 96 : i32
        %parallel_loop3A_541 = vector.broadcast %parallel_loop3A_540 : i32 to vector<16xi32>
        %parallel_loop3A_542 = arith.addi %parallel_loop3A_541, %iota3A : vector<16xi32>
        %parallel_loop3A_543 = vector.broadcast %parallel_loop3A_494 : i32 to vector<16xi32>
        tpu.vector_store_idx %arg18[%parallel_loop3A_542, %parallel_loop3A_543], %parallel_loop3A_539 : memref<128x16xf32, #tpu.memory_space<vmem>>[vector<16xi32>, vector<16xi32>], vector<16xf32>,
        %parallel_loop3A_544 = arith.index_cast %parallel_loop3A_494 : i32 to index
        %parallel_loop3A_545 = arith.constant 112 : index
        %parallel_loop3A_546 = tpu.vector_load %arg12[%parallel_loop3A_544, %parallel_loop3A_545] {strides = array<i32>} : memref<16x128xf32, #tpu.memory_space<vmem>>, vector<16xf32>,
        %parallel_loop3A_547 = arith.constant 112 : i32
        %parallel_loop3A_548 = vector.broadcast %parallel_loop3A_547 : i32 to vector<16xi32>
        %parallel_loop3A_549 = arith.addi %parallel_loop3A_548, %iota3A : vector<16xi32>
        %parallel_loop3A_550 = vector.broadcast %parallel_loop3A_494 : i32 to vector<16xi32>
        tpu.vector_store_idx %arg18[%parallel_loop3A_549, %parallel_loop3A_550], %parallel_loop3A_546 : memref<128x16xf32, #tpu.memory_space<vmem>>[vector<16xi32>, vector<16xi32>], vector<16xf32>,
        %parallel_loop3A_551 = arith.constant 1 : i32
        %parallel_loop3A_552 = arith.addi %parallel_loop3A_492, %parallel_loop3A_551 : i32
        %parallel_loop3A_553 = arith.index_cast %parallel_loop3A_552 : i32 to index
        %parallel_loop3A_554 = arith.constant 0 : index
        %parallel_loop3A_555 = tpu.vector_load %arg12[%parallel_loop3A_553, %parallel_loop3A_554] {strides = array<i32>} : memref<16x128xf32, #tpu.memory_space<vmem>>, vector<16xf32>,
        %parallel_loop3A_556 = arith.constant 0 : i32
        %parallel_loop3A_557 = vector.broadcast %parallel_loop3A_556 : i32 to vector<16xi32>
        %parallel_loop3A_558 = arith.addi %parallel_loop3A_557, %iota3A : vector<16xi32>
        %parallel_loop3A_559 = vector.broadcast %parallel_loop3A_552 : i32 to vector<16xi32>
        tpu.vector_store_idx %arg18[%parallel_loop3A_558, %parallel_loop3A_559], %parallel_loop3A_555 : memref<128x16xf32, #tpu.memory_space<vmem>>[vector<16xi32>, vector<16xi32>], vector<16xf32>,
        %parallel_loop3A_560 = arith.index_cast %parallel_loop3A_552 : i32 to index
        %parallel_loop3A_561 = arith.constant 16 : index
        %parallel_loop3A_562 = tpu.vector_load %arg12[%parallel_loop3A_560, %parallel_loop3A_561] {strides = array<i32>} : memref<16x128xf32, #tpu.memory_space<vmem>>, vector<16xf32>,
        %parallel_loop3A_563 = arith.constant 16 : i32
        %parallel_loop3A_564 = vector.broadcast %parallel_loop3A_563 : i32 to vector<16xi32>
        %parallel_loop3A_565 = arith.addi %parallel_loop3A_564, %iota3A : vector<16xi32>
        %parallel_loop3A_566 = vector.broadcast %parallel_loop3A_552 : i32 to vector<16xi32>
        tpu.vector_store_idx %arg18[%parallel_loop3A_565, %parallel_loop3A_566], %parallel_loop3A_562 : memref<128x16xf32, #tpu.memory_space<vmem>>[vector<16xi32>, vector<16xi32>], vector<16xf32>,
        %parallel_loop3A_567 = arith.index_cast %parallel_loop3A_552 : i32 to index
        %parallel_loop3A_568 = arith.constant 32 : index
        %parallel_loop3A_569 = tpu.vector_load %arg12[%parallel_loop3A_567, %parallel_loop3A_568] {strides = array<i32>} : memref<16x128xf32, #tpu.memory_space<vmem>>, vector<16xf32>,
        %parallel_loop3A_570 = arith.constant 32 : i32
        %parallel_loop3A_571 = vector.broadcast %parallel_loop3A_570 : i32 to vector<16xi32>
        %parallel_loop3A_572 = arith.addi %parallel_loop3A_571, %iota3A : vector<16xi32>
        %parallel_loop3A_573 = vector.broadcast %parallel_loop3A_552 : i32 to vector<16xi32>
        tpu.vector_store_idx %arg18[%parallel_loop3A_572, %parallel_loop3A_573], %parallel_loop3A_569 : memref<128x16xf32, #tpu.memory_space<vmem>>[vector<16xi32>, vector<16xi32>], vector<16xf32>,
        %parallel_loop3A_574 = arith.index_cast %parallel_loop3A_552 : i32 to index
        %parallel_loop3A_575 = arith.constant 48 : index
        %parallel_loop3A_576 = tpu.vector_load %arg12[%parallel_loop3A_574, %parallel_loop3A_575] {strides = array<i32>} : memref<16x128xf32, #tpu.memory_space<vmem>>, vector<16xf32>,
        %parallel_loop3A_577 = arith.constant 48 : i32
        %parallel_loop3A_578 = vector.broadcast %parallel_loop3A_577 : i32 to vector<16xi32>
        %parallel_loop3A_579 = arith.addi %parallel_loop3A_578, %iota3A : vector<16xi32>
        %parallel_loop3A_580 = vector.broadcast %parallel_loop3A_552 : i32 to vector<16xi32>
        tpu.vector_store_idx %arg18[%parallel_loop3A_579, %parallel_loop3A_580], %parallel_loop3A_576 : memref<128x16xf32, #tpu.memory_space<vmem>>[vector<16xi32>, vector<16xi32>], vector<16xf32>,
        %parallel_loop3A_581 = arith.index_cast %parallel_loop3A_552 : i32 to index
        %parallel_loop3A_582 = arith.constant 64 : index
        %parallel_loop3A_583 = tpu.vector_load %arg12[%parallel_loop3A_581, %parallel_loop3A_582] {strides = array<i32>} : memref<16x128xf32, #tpu.memory_space<vmem>>, vector<16xf32>,
        %parallel_loop3A_584 = arith.constant 64 : i32
        %parallel_loop3A_585 = vector.broadcast %parallel_loop3A_584 : i32 to vector<16xi32>
        %parallel_loop3A_586 = arith.addi %parallel_loop3A_585, %iota3A : vector<16xi32>
        %parallel_loop3A_587 = vector.broadcast %parallel_loop3A_552 : i32 to vector<16xi32>
        tpu.vector_store_idx %arg18[%parallel_loop3A_586, %parallel_loop3A_587], %parallel_loop3A_583 : memref<128x16xf32, #tpu.memory_space<vmem>>[vector<16xi32>, vector<16xi32>], vector<16xf32>,
        %parallel_loop3A_588 = arith.index_cast %parallel_loop3A_552 : i32 to index
        %parallel_loop3A_589 = arith.constant 80 : index
        %parallel_loop3A_590 = tpu.vector_load %arg12[%parallel_loop3A_588, %parallel_loop3A_589] {strides = array<i32>} : memref<16x128xf32, #tpu.memory_space<vmem>>, vector<16xf32>,
        %parallel_loop3A_591 = arith.constant 80 : i32
        %parallel_loop3A_592 = vector.broadcast %parallel_loop3A_591 : i32 to vector<16xi32>
        %parallel_loop3A_593 = arith.addi %parallel_loop3A_592, %iota3A : vector<16xi32>
        %parallel_loop3A_594 = vector.broadcast %parallel_loop3A_552 : i32 to vector<16xi32>
        tpu.vector_store_idx %arg18[%parallel_loop3A_593, %parallel_loop3A_594], %parallel_loop3A_590 : memref<128x16xf32, #tpu.memory_space<vmem>>[vector<16xi32>, vector<16xi32>], vector<16xf32>,
        %parallel_loop3A_595 = arith.index_cast %parallel_loop3A_552 : i32 to index
        %parallel_loop3A_596 = arith.constant 96 : index
        %parallel_loop3A_597 = tpu.vector_load %arg12[%parallel_loop3A_595, %parallel_loop3A_596] {strides = array<i32>} : memref<16x128xf32, #tpu.memory_space<vmem>>, vector<16xf32>,
        %parallel_loop3A_598 = arith.constant 96 : i32
        %parallel_loop3A_599 = vector.broadcast %parallel_loop3A_598 : i32 to vector<16xi32>
        %parallel_loop3A_600 = arith.addi %parallel_loop3A_599, %iota3A : vector<16xi32>
        %parallel_loop3A_601 = vector.broadcast %parallel_loop3A_552 : i32 to vector<16xi32>
        tpu.vector_store_idx %arg18[%parallel_loop3A_600, %parallel_loop3A_601], %parallel_loop3A_597 : memref<128x16xf32, #tpu.memory_space<vmem>>[vector<16xi32>, vector<16xi32>], vector<16xf32>,
        %parallel_loop3A_602 = arith.index_cast %parallel_loop3A_552 : i32 to index
        %parallel_loop3A_603 = arith.constant 112 : index
        %parallel_loop3A_604 = tpu.vector_load %arg12[%parallel_loop3A_602, %parallel_loop3A_603] {strides = array<i32>} : memref<16x128xf32, #tpu.memory_space<vmem>>, vector<16xf32>,
        %parallel_loop3A_605 = arith.constant 112 : i32
        %parallel_loop3A_606 = vector.broadcast %parallel_loop3A_605 : i32 to vector<16xi32>
        %parallel_loop3A_607 = arith.addi %parallel_loop3A_606, %iota3A : vector<16xi32>
        %parallel_loop3A_608 = vector.broadcast %parallel_loop3A_552 : i32 to vector<16xi32>
        tpu.vector_store_idx %arg18[%parallel_loop3A_607, %parallel_loop3A_608], %parallel_loop3A_604 : memref<128x16xf32, #tpu.memory_space<vmem>>[vector<16xi32>, vector<16xi32>], vector<16xf32>,
      } {sc.loop_unroll_factor = 2 : i64, sc.parallel_access}
      %mul3A_486 = arith.constant 128 : i32
      %mul3A_487 = arith.muli %add3A_439, %mul3A_486 : i32
      %dma_start3A_488 = tpu.memref_slice %arg5[%mul3A_487] : memref<9984xi32, #tpu.memory_space<vmem>> -> memref<128xi32, #tpu.memory_space<vmem>>
      %dma_start3A_489 = arith.constant 0 : i32
      %dma_start3A_490 = arith.constant 0 : i32
      %dma_start3A_491 = tpu.memref_slice %arg20[%dma_start3A_489, %dma_start3A_490] : memref<10000x16xf32, #tpu.memory_space<vmem_shared>> -> memref<10000x16xf32, #tpu.memory_space<vmem_shared>>
      tpu.enqueue_indirect_dma source(%arg18 : memref<128x16xf32, #tpu.memory_space<vmem>>) target(%dma_start3A_491 : memref<10000x16xf32, #tpu.memory_space<vmem_shared>>) offsets(%dma_start3A_488 : memref<128xi32, #tpu.memory_space<vmem>>) semaphore(%arg32 : memref<!tpu.dma_semaphore, #tpu.memory_space<semaphore_mem>>) {add = true}
    }
    %scan3A_117 = arith.constant 13 : i32
    %dma_wait3A = arith.constant 9216 : i32
    %dma_wait3A_118 = tpu.memref_slice %arg5[%dma_wait3A] : memref<9984xi32, #tpu.memory_space<vmem>> -> memref<128xi32, #tpu.memory_space<vmem>>
    %dma_wait3A_119 = arith.constant 0 : i32
    %dma_wait3A_120 = arith.constant 0 : i32
    %dma_wait3A_121 = tpu.memref_slice %arg20[%dma_wait3A_119, %dma_wait3A_120] : memref<10000x16xf32, #tpu.memory_space<vmem_shared>> -> memref<10000x16xf32, #tpu.memory_space<vmem_shared>>
    tpu.wait_indirect_dma semaphore(%arg27 : memref<!tpu.dma_semaphore, #tpu.memory_space<semaphore_mem>>) src(%arg13 : memref<128x16xf32, #tpu.memory_space<vmem>>) dst(%dma_wait3A_121 : memref<10000x16xf32, #tpu.memory_space<vmem_shared>>)
    %dma_wait3A_122 = arith.constant 9344 : i32
    %dma_wait3A_123 = tpu.memref_slice %arg5[%dma_wait3A_122] : memref<9984xi32, #tpu.memory_space<vmem>> -> memref<128xi32, #tpu.memory_space<vmem>>
    %dma_wait3A_124 = arith.constant 0 : i32
    %dma_wait3A_125 = arith.constant 0 : i32
    %dma_wait3A_126 = tpu.memref_slice %arg20[%dma_wait3A_124, %dma_wait3A_125] : memref<10000x16xf32, #tpu.memory_space<vmem_shared>> -> memref<10000x16xf32, #tpu.memory_space<vmem_shared>>
    tpu.wait_indirect_dma semaphore(%arg28 : memref<!tpu.dma_semaphore, #tpu.memory_space<semaphore_mem>>) src(%arg14 : memref<128x16xf32, #tpu.memory_space<vmem>>) dst(%dma_wait3A_126 : memref<10000x16xf32, #tpu.memory_space<vmem_shared>>)
    %dma_wait3A_127 = arith.constant 9472 : i32
    %dma_wait3A_128 = tpu.memref_slice %arg5[%dma_wait3A_127] : memref<9984xi32, #tpu.memory_space<vmem>> -> memref<128xi32, #tpu.memory_space<vmem>>
    %dma_wait3A_129 = arith.constant 0 : i32
    %dma_wait3A_130 = arith.constant 0 : i32
    %dma_wait3A_131 = tpu.memref_slice %arg20[%dma_wait3A_129, %dma_wait3A_130] : memref<10000x16xf32, #tpu.memory_space<vmem_shared>> -> memref<10000x16xf32, #tpu.memory_space<vmem_shared>>
    tpu.wait_indirect_dma semaphore(%arg29 : memref<!tpu.dma_semaphore, #tpu.memory_space<semaphore_mem>>) src(%arg15 : memref<128x16xf32, #tpu.memory_space<vmem>>) dst(%dma_wait3A_131 : memref<10000x16xf32, #tpu.memory_space<vmem_shared>>)
    %dma_wait3A_132 = arith.constant 9600 : i32
    %dma_wait3A_133 = tpu.memref_slice %arg5[%dma_wait3A_132] : memref<9984xi32, #tpu.memory_space<vmem>> -> memref<128xi32, #tpu.memory_space<vmem>>
    %dma_wait3A_134 = arith.constant 0 : i32
    %dma_wait3A_135 = arith.constant 0 : i32
    %dma_wait3A_136 = tpu.memref_slice %arg20[%dma_wait3A_134, %dma_wait3A_135] : memref<10000x16xf32, #tpu.memory_space<vmem_shared>> -> memref<10000x16xf32, #tpu.memory_space<vmem_shared>>
    tpu.wait_indirect_dma semaphore(%arg30 : memref<!tpu.dma_semaphore, #tpu.memory_space<semaphore_mem>>) src(%arg16 : memref<128x16xf32, #tpu.memory_space<vmem>>) dst(%dma_wait3A_136 : memref<10000x16xf32, #tpu.memory_space<vmem_shared>>)
    %dma_wait3A_137 = arith.constant 9728 : i32
    %dma_wait3A_138 = tpu.memref_slice %arg5[%dma_wait3A_137] : memref<9984xi32, #tpu.memory_space<vmem>> -> memref<128xi32, #tpu.memory_space<vmem>>
    %dma_wait3A_139 = arith.constant 0 : i32
    %dma_wait3A_140 = arith.constant 0 : i32
    %dma_wait3A_141 = tpu.memref_slice %arg20[%dma_wait3A_139, %dma_wait3A_140] : memref<10000x16xf32, #tpu.memory_space<vmem_shared>> -> memref<10000x16xf32, #tpu.memory_space<vmem_shared>>
    tpu.wait_indirect_dma semaphore(%arg31 : memref<!tpu.dma_semaphore, #tpu.memory_space<semaphore_mem>>) src(%arg17 : memref<128x16xf32, #tpu.memory_space<vmem>>) dst(%dma_wait3A_141 : memref<10000x16xf32, #tpu.memory_space<vmem_shared>>)
    %dma_wait3A_142 = arith.constant 9856 : i32
    %dma_wait3A_143 = tpu.memref_slice %arg5[%dma_wait3A_142] : memref<9984xi32, #tpu.memory_space<vmem>> -> memref<128xi32, #tpu.memory_space<vmem>>
    %dma_wait3A_144 = arith.constant 0 : i32
    %dma_wait3A_145 = arith.constant 0 : i32
    %dma_wait3A_146 = tpu.memref_slice %arg20[%dma_wait3A_144, %dma_wait3A_145] : memref<10000x16xf32, #tpu.memory_space<vmem_shared>> -> memref<10000x16xf32, #tpu.memory_space<vmem_shared>>
    tpu.wait_indirect_dma semaphore(%arg32 : memref<!tpu.dma_semaphore, #tpu.memory_space<semaphore_mem>>) src(%arg18 : memref<128x16xf32, #tpu.memory_space<vmem>>) dst(%dma_wait3A_146 : memref<10000x16xf32, #tpu.memory_space<vmem_shared>>)
    %lt3A = arith.constant 4 : i32
    %lt3A_147 = arith.cmpi slt, %add3A, %lt3A : i32
    %convert_element_type3A_148 = arith.extui %lt3A_147 : i1 to i32
    %cond3A_149 = arith.constant 0 : i32
    %cond3A_150 = arith.cmpi ne, %convert_element_type3A_148, %cond3A_149 : i32
    scf.if %cond3A_150 {
      %add3A_157 = arith.constant 78 : i32
      %add3A_158 = arith.addi %add3A_4, %add3A_157 : i32
      %mul3A_159 = arith.constant 128 : i32
      %mul3A_160 = arith.muli %add3A_158, %mul3A_159 : i32
      %run_scoped3A_161 = arith.constant 1 : i32
      "tpu.region"() ({
        %run_scoped3A_166 = tpu.sem_alloc : memref<!tpu.dma_semaphore, #tpu.memory_space<semaphore_mem>>
        %dma_start3A_167 = tpu.memref_slice %arg2[%run_scoped3A_161, %mul3A_160] : memref<2x320000xi32, #tpu.memory_space<hbm>> -> memref<1x128xi32, #tpu.memory_space<hbm>>
        %dma_start3A_168 = tpu.memref_squeeze %dma_start3A_167 : memref<1x128xi32, #tpu.memory_space<hbm>> -> memref<128xi32, #tpu.memory_space<hbm>>
        %dma_start3A_169 = tpu.memref_slice %arg2[%run_scoped3A_161, %mul3A_160] : memref<2x320000xi32, #tpu.memory_space<hbm>> -> memref<1x128xi32, #tpu.memory_space<hbm>>
        %dma_start3A_170 = tpu.memref_squeeze %dma_start3A_169 : memref<1x128xi32, #tpu.memory_space<hbm>> -> memref<128xi32, #tpu.memory_space<hbm>>
        tpu.enqueue_dma source(%dma_start3A_170 : memref<128xi32, #tpu.memory_space<hbm>>) target(%arg6 : memref<128xi32, #tpu.memory_space<vmem>>) target_semaphore(%run_scoped3A_166 : memref<!tpu.dma_semaphore, #tpu.memory_space<semaphore_mem>>)
        %dma_wait3A_171 = tpu.memref_slice %arg2[%run_scoped3A_161, %mul3A_160] : memref<2x320000xi32, #tpu.memory_space<hbm>> -> memref<1x128xi32, #tpu.memory_space<hbm>>
        %dma_wait3A_172 = tpu.memref_squeeze %dma_wait3A_171 : memref<1x128xi32, #tpu.memory_space<hbm>> -> memref<128xi32, #tpu.memory_space<hbm>>
        %dma_wait3A_173 = tpu.memref_slice %arg2[%run_scoped3A_161, %mul3A_160] : memref<2x320000xi32, #tpu.memory_space<hbm>> -> memref<1x128xi32, #tpu.memory_space<hbm>>
        %dma_wait3A_174 = tpu.memref_squeeze %dma_wait3A_173 : memref<1x128xi32, #tpu.memory_space<hbm>> -> memref<128xi32, #tpu.memory_space<hbm>>
        tpu.wait_dma2 semaphore(%run_scoped3A_166 : memref<!tpu.dma_semaphore, #tpu.memory_space<semaphore_mem>>) src(%dma_wait3A_174 : memref<128xi32, #tpu.memory_space<hbm>>) dst(%arg6 : memref<128xi32, #tpu.memory_space<vmem>>)
        tpu.yield
      }) : () -> ()
      %run_scoped3A_162 = arith.constant 0 : i32
      "tpu.region"() ({
        %run_scoped3A_166 = tpu.sem_alloc : memref<!tpu.dma_semaphore, #tpu.memory_space<semaphore_mem>>
        %dma_start3A_167 = arith.constant 0 : i32
        %dma_start3A_168 = arith.constant 0 : i32
        %dma_start3A_169 = tpu.memref_slice %arg7[%dma_start3A_167, %dma_start3A_168] : memref<16x128xf32, #tpu.memory_space<vmem>> -> memref<8x128xf32, #tpu.memory_space<vmem>>
        %dma_start3A_170 = arith.constant 0 : i32
        %dma_start3A_171 = arith.constant 0 : i32
        %dma_start3A_172 = tpu.memref_slice %arg3[%run_scoped3A_162, %add3A_158, %dma_start3A_170, %dma_start3A_171] : memref<2x2500x8x128xf32, #tpu.memory_space<hbm>> -> memref<1x1x8x128xf32, #tpu.memory_space<hbm>>
        %dma_start3A_173 = tpu.memref_squeeze %dma_start3A_172 : memref<1x1x8x128xf32, #tpu.memory_space<hbm>> -> memref<8x128xf32, #tpu.memory_space<hbm>>
        %dma_start3A_174 = arith.constant 0 : i32
        %dma_start3A_175 = arith.constant 0 : i32
        %dma_start3A_176 = tpu.memref_slice %arg7[%dma_start3A_174, %dma_start3A_175] : memref<16x128xf32, #tpu.memory_space<vmem>> -> memref<8x128xf32, #tpu.memory_space<vmem>>
        %dma_start3A_177 = arith.constant 0 : i32
        %dma_start3A_178 = arith.constant 0 : i32
        %dma_start3A_179 = tpu.memref_slice %arg3[%run_scoped3A_162, %add3A_158, %dma_start3A_177, %dma_start3A_178] : memref<2x2500x8x128xf32, #tpu.memory_space<hbm>> -> memref<1x1x8x128xf32, #tpu.memory_space<hbm>>
        %dma_start3A_180 = tpu.memref_squeeze %dma_start3A_179 : memref<1x1x8x128xf32, #tpu.memory_space<hbm>> -> memref<8x128xf32, #tpu.memory_space<hbm>>
        tpu.enqueue_dma source(%dma_start3A_180 : memref<8x128xf32, #tpu.memory_space<hbm>>) target(%dma_start3A_176 : memref<8x128xf32, #tpu.memory_space<vmem>>) target_semaphore(%run_scoped3A_166 : memref<!tpu.dma_semaphore, #tpu.memory_space<semaphore_mem>>)
        %dma_wait3A_181 = arith.constant 0 : i32
        %dma_wait3A_182 = arith.constant 0 : i32
        %dma_wait3A_183 = tpu.memref_slice %arg7[%dma_wait3A_181, %dma_wait3A_182] : memref<16x128xf32, #tpu.memory_space<vmem>> -> memref<8x128xf32, #tpu.memory_space<vmem>>
        %dma_wait3A_184 = arith.constant 0 : i32
        %dma_wait3A_185 = arith.constant 0 : i32
        %dma_wait3A_186 = tpu.memref_slice %arg3[%run_scoped3A_162, %add3A_158, %dma_wait3A_184, %dma_wait3A_185] : memref<2x2500x8x128xf32, #tpu.memory_space<hbm>> -> memref<1x1x8x128xf32, #tpu.memory_space<hbm>>
        %dma_wait3A_187 = tpu.memref_squeeze %dma_wait3A_186 : memref<1x1x8x128xf32, #tpu.memory_space<hbm>> -> memref<8x128xf32, #tpu.memory_space<hbm>>
        %dma_wait3A_188 = arith.constant 0 : i32
        %dma_wait3A_189 = arith.constant 0 : i32
        %dma_wait3A_190 = tpu.memref_slice %arg7[%dma_wait3A_188, %dma_wait3A_189] : memref<16x128xf32, #tpu.memory_space<vmem>> -> memref<8x128xf32, #tpu.memory_space<vmem>>
        %dma_wait3A_191 = arith.constant 0 : i32
        %dma_wait3A_192 = arith.constant 0 : i32
        %dma_wait3A_193 = tpu.memref_slice %arg3[%run_scoped3A_162, %add3A_158, %dma_wait3A_191, %dma_wait3A_192] : memref<2x2500x8x128xf32, #tpu.memory_space<hbm>> -> memref<1x1x8x128xf32, #tpu.memory_space<hbm>>
        %dma_wait3A_194 = tpu.memref_squeeze %dma_wait3A_193 : memref<1x1x8x128xf32, #tpu.memory_space<hbm>> -> memref<8x128xf32, #tpu.memory_space<hbm>>
        tpu.wait_dma2 semaphore(%run_scoped3A_166 : memref<!tpu.dma_semaphore, #tpu.memory_space<semaphore_mem>>) src(%dma_wait3A_194 : memref<8x128xf32, #tpu.memory_space<hbm>>) dst(%dma_wait3A_190 : memref<8x128xf32, #tpu.memory_space<vmem>>)
        tpu.yield
      }) : () -> ()
      %run_scoped3A_163 = arith.constant 1 : i32
      "tpu.region"() ({
        %run_scoped3A_166 = tpu.sem_alloc : memref<!tpu.dma_semaphore, #tpu.memory_space<semaphore_mem>>
        %dma_start3A_167 = arith.constant 8 : i32
        %dma_start3A_168 = arith.constant 0 : i32
        %dma_start3A_169 = tpu.memref_slice %arg7[%dma_start3A_167, %dma_start3A_168] : memref<16x128xf32, #tpu.memory_space<vmem>> -> memref<8x128xf32, #tpu.memory_space<vmem>>
        %dma_start3A_170 = arith.constant 0 : i32
        %dma_start3A_171 = arith.constant 0 : i32
        %dma_start3A_172 = tpu.memref_slice %arg3[%run_scoped3A_163, %add3A_158, %dma_start3A_170, %dma_start3A_171] : memref<2x2500x8x128xf32, #tpu.memory_space<hbm>> -> memref<1x1x8x128xf32, #tpu.memory_space<hbm>>
        %dma_start3A_173 = tpu.memref_squeeze %dma_start3A_172 : memref<1x1x8x128xf32, #tpu.memory_space<hbm>> -> memref<8x128xf32, #tpu.memory_space<hbm>>
        %dma_start3A_174 = arith.constant 8 : i32
        %dma_start3A_175 = arith.constant 0 : i32
        %dma_start3A_176 = tpu.memref_slice %arg7[%dma_start3A_174, %dma_start3A_175] : memref<16x128xf32, #tpu.memory_space<vmem>> -> memref<8x128xf32, #tpu.memory_space<vmem>>
        %dma_start3A_177 = arith.constant 0 : i32
        %dma_start3A_178 = arith.constant 0 : i32
        %dma_start3A_179 = tpu.memref_slice %arg3[%run_scoped3A_163, %add3A_158, %dma_start3A_177, %dma_start3A_178] : memref<2x2500x8x128xf32, #tpu.memory_space<hbm>> -> memref<1x1x8x128xf32, #tpu.memory_space<hbm>>
        %dma_start3A_180 = tpu.memref_squeeze %dma_start3A_179 : memref<1x1x8x128xf32, #tpu.memory_space<hbm>> -> memref<8x128xf32, #tpu.memory_space<hbm>>
        tpu.enqueue_dma source(%dma_start3A_180 : memref<8x128xf32, #tpu.memory_space<hbm>>) target(%dma_start3A_176 : memref<8x128xf32, #tpu.memory_space<vmem>>) target_semaphore(%run_scoped3A_166 : memref<!tpu.dma_semaphore, #tpu.memory_space<semaphore_mem>>)
        %dma_wait3A_181 = arith.constant 8 : i32
        %dma_wait3A_182 = arith.constant 0 : i32
        %dma_wait3A_183 = tpu.memref_slice %arg7[%dma_wait3A_181, %dma_wait3A_182] : memref<16x128xf32, #tpu.memory_space<vmem>> -> memref<8x128xf32, #tpu.memory_space<vmem>>
        %dma_wait3A_184 = arith.constant 0 : i32
        %dma_wait3A_185 = arith.constant 0 : i32
        %dma_wait3A_186 = tpu.memref_slice %arg3[%run_scoped3A_163, %add3A_158, %dma_wait3A_184, %dma_wait3A_185] : memref<2x2500x8x128xf32, #tpu.memory_space<hbm>> -> memref<1x1x8x128xf32, #tpu.memory_space<hbm>>
        %dma_wait3A_187 = tpu.memref_squeeze %dma_wait3A_186 : memref<1x1x8x128xf32, #tpu.memory_space<hbm>> -> memref<8x128xf32, #tpu.memory_space<hbm>>
        %dma_wait3A_188 = arith.constant 8 : i32
        %dma_wait3A_189 = arith.constant 0 : i32
        %dma_wait3A_190 = tpu.memref_slice %arg7[%dma_wait3A_188, %dma_wait3A_189] : memref<16x128xf32, #tpu.memory_space<vmem>> -> memref<8x128xf32, #tpu.memory_space<vmem>>
        %dma_wait3A_191 = arith.constant 0 : i32
        %dma_wait3A_192 = arith.constant 0 : i32
        %dma_wait3A_193 = tpu.memref_slice %arg3[%run_scoped3A_163, %add3A_158, %dma_wait3A_191, %dma_wait3A_192] : memref<2x2500x8x128xf32, #tpu.memory_space<hbm>> -> memref<1x1x8x128xf32, #tpu.memory_space<hbm>>
        %dma_wait3A_194 = tpu.memref_squeeze %dma_wait3A_193 : memref<1x1x8x128xf32, #tpu.memory_space<hbm>> -> memref<8x128xf32, #tpu.memory_space<hbm>>
        tpu.wait_dma2 semaphore(%run_scoped3A_166 : memref<!tpu.dma_semaphore, #tpu.memory_space<semaphore_mem>>) src(%dma_wait3A_194 : memref<8x128xf32, #tpu.memory_space<hbm>>) dst(%dma_wait3A_190 : memref<8x128xf32, #tpu.memory_space<vmem>>)
        tpu.yield
      }) : () -> ()
      %parallel_loop3A = arith.constant 0 : i32
      %parallel_loop3A_164 = arith.constant 16 : i32
      %parallel_loop3A_165 = arith.constant 2 : i32
      scf.for %parallel_loop3A_166 = %parallel_loop3A to %parallel_loop3A_164 step %parallel_loop3A_165  : i32 {
        %parallel_loop3A_167 = arith.constant 0 : i32
        %parallel_loop3A_168 = arith.addi %parallel_loop3A_166, %parallel_loop3A_167 : i32
        %parallel_loop3A_169 = arith.index_cast %parallel_loop3A_168 : i32 to index
        %parallel_loop3A_170 = arith.constant 0 : index
        %parallel_loop3A_171 = tpu.vector_load %arg7[%parallel_loop3A_169, %parallel_loop3A_170] {strides = array<i32>} : memref<16x128xf32, #tpu.memory_space<vmem>>, vector<16xf32>,
        %parallel_loop3A_172 = arith.constant 0 : i32
        %parallel_loop3A_173 = vector.broadcast %parallel_loop3A_172 : i32 to vector<16xi32>
        %parallel_loop3A_174 = arith.addi %parallel_loop3A_173, %iota3A : vector<16xi32>
        %parallel_loop3A_175 = vector.broadcast %parallel_loop3A_168 : i32 to vector<16xi32>
        tpu.vector_store_idx %arg13[%parallel_loop3A_174, %parallel_loop3A_175], %parallel_loop3A_171 : memref<128x16xf32, #tpu.memory_space<vmem>>[vector<16xi32>, vector<16xi32>], vector<16xf32>,
        %parallel_loop3A_176 = arith.index_cast %parallel_loop3A_168 : i32 to index
        %parallel_loop3A_177 = arith.constant 16 : index
        %parallel_loop3A_178 = tpu.vector_load %arg7[%parallel_loop3A_176, %parallel_loop3A_177] {strides = array<i32>} : memref<16x128xf32, #tpu.memory_space<vmem>>, vector<16xf32>,
        %parallel_loop3A_179 = arith.constant 16 : i32
        %parallel_loop3A_180 = vector.broadcast %parallel_loop3A_179 : i32 to vector<16xi32>
        %parallel_loop3A_181 = arith.addi %parallel_loop3A_180, %iota3A : vector<16xi32>
        %parallel_loop3A_182 = vector.broadcast %parallel_loop3A_168 : i32 to vector<16xi32>
        tpu.vector_store_idx %arg13[%parallel_loop3A_181, %parallel_loop3A_182], %parallel_loop3A_178 : memref<128x16xf32, #tpu.memory_space<vmem>>[vector<16xi32>, vector<16xi32>], vector<16xf32>,
        %parallel_loop3A_183 = arith.index_cast %parallel_loop3A_168 : i32 to index
        %parallel_loop3A_184 = arith.constant 32 : index
        %parallel_loop3A_185 = tpu.vector_load %arg7[%parallel_loop3A_183, %parallel_loop3A_184] {strides = array<i32>} : memref<16x128xf32, #tpu.memory_space<vmem>>, vector<16xf32>,
        %parallel_loop3A_186 = arith.constant 32 : i32
        %parallel_loop3A_187 = vector.broadcast %parallel_loop3A_186 : i32 to vector<16xi32>
        %parallel_loop3A_188 = arith.addi %parallel_loop3A_187, %iota3A : vector<16xi32>
        %parallel_loop3A_189 = vector.broadcast %parallel_loop3A_168 : i32 to vector<16xi32>
        tpu.vector_store_idx %arg13[%parallel_loop3A_188, %parallel_loop3A_189], %parallel_loop3A_185 : memref<128x16xf32, #tpu.memory_space<vmem>>[vector<16xi32>, vector<16xi32>], vector<16xf32>,
        %parallel_loop3A_190 = arith.index_cast %parallel_loop3A_168 : i32 to index
        %parallel_loop3A_191 = arith.constant 48 : index
        %parallel_loop3A_192 = tpu.vector_load %arg7[%parallel_loop3A_190, %parallel_loop3A_191] {strides = array<i32>} : memref<16x128xf32, #tpu.memory_space<vmem>>, vector<16xf32>,
        %parallel_loop3A_193 = arith.constant 48 : i32
        %parallel_loop3A_194 = vector.broadcast %parallel_loop3A_193 : i32 to vector<16xi32>
        %parallel_loop3A_195 = arith.addi %parallel_loop3A_194, %iota3A : vector<16xi32>
        %parallel_loop3A_196 = vector.broadcast %parallel_loop3A_168 : i32 to vector<16xi32>
        tpu.vector_store_idx %arg13[%parallel_loop3A_195, %parallel_loop3A_196], %parallel_loop3A_192 : memref<128x16xf32, #tpu.memory_space<vmem>>[vector<16xi32>, vector<16xi32>], vector<16xf32>,
        %parallel_loop3A_197 = arith.index_cast %parallel_loop3A_168 : i32 to index
        %parallel_loop3A_198 = arith.constant 64 : index
        %parallel_loop3A_199 = tpu.vector_load %arg7[%parallel_loop3A_197, %parallel_loop3A_198] {strides = array<i32>} : memref<16x128xf32, #tpu.memory_space<vmem>>, vector<16xf32>,
        %parallel_loop3A_200 = arith.constant 64 : i32
        %parallel_loop3A_201 = vector.broadcast %parallel_loop3A_200 : i32 to vector<16xi32>
        %parallel_loop3A_202 = arith.addi %parallel_loop3A_201, %iota3A : vector<16xi32>
        %parallel_loop3A_203 = vector.broadcast %parallel_loop3A_168 : i32 to vector<16xi32>
        tpu.vector_store_idx %arg13[%parallel_loop3A_202, %parallel_loop3A_203], %parallel_loop3A_199 : memref<128x16xf32, #tpu.memory_space<vmem>>[vector<16xi32>, vector<16xi32>], vector<16xf32>,
        %parallel_loop3A_204 = arith.index_cast %parallel_loop3A_168 : i32 to index
        %parallel_loop3A_205 = arith.constant 80 : index
        %parallel_loop3A_206 = tpu.vector_load %arg7[%parallel_loop3A_204, %parallel_loop3A_205] {strides = array<i32>} : memref<16x128xf32, #tpu.memory_space<vmem>>, vector<16xf32>,
        %parallel_loop3A_207 = arith.constant 80 : i32
        %parallel_loop3A_208 = vector.broadcast %parallel_loop3A_207 : i32 to vector<16xi32>
        %parallel_loop3A_209 = arith.addi %parallel_loop3A_208, %iota3A : vector<16xi32>
        %parallel_loop3A_210 = vector.broadcast %parallel_loop3A_168 : i32 to vector<16xi32>
        tpu.vector_store_idx %arg13[%parallel_loop3A_209, %parallel_loop3A_210], %parallel_loop3A_206 : memref<128x16xf32, #tpu.memory_space<vmem>>[vector<16xi32>, vector<16xi32>], vector<16xf32>,
        %parallel_loop3A_211 = arith.index_cast %parallel_loop3A_168 : i32 to index
        %parallel_loop3A_212 = arith.constant 96 : index
        %parallel_loop3A_213 = tpu.vector_load %arg7[%parallel_loop3A_211, %parallel_loop3A_212] {strides = array<i32>} : memref<16x128xf32, #tpu.memory_space<vmem>>, vector<16xf32>,
        %parallel_loop3A_214 = arith.constant 96 : i32
        %parallel_loop3A_215 = vector.broadcast %parallel_loop3A_214 : i32 to vector<16xi32>
        %parallel_loop3A_216 = arith.addi %parallel_loop3A_215, %iota3A : vector<16xi32>
        %parallel_loop3A_217 = vector.broadcast %parallel_loop3A_168 : i32 to vector<16xi32>
        tpu.vector_store_idx %arg13[%parallel_loop3A_216, %parallel_loop3A_217], %parallel_loop3A_213 : memref<128x16xf32, #tpu.memory_space<vmem>>[vector<16xi32>, vector<16xi32>], vector<16xf32>,
        %parallel_loop3A_218 = arith.index_cast %parallel_loop3A_168 : i32 to index
        %parallel_loop3A_219 = arith.constant 112 : index
        %parallel_loop3A_220 = tpu.vector_load %arg7[%parallel_loop3A_218, %parallel_loop3A_219] {strides = array<i32>} : memref<16x128xf32, #tpu.memory_space<vmem>>, vector<16xf32>,
        %parallel_loop3A_221 = arith.constant 112 : i32
        %parallel_loop3A_222 = vector.broadcast %parallel_loop3A_221 : i32 to vector<16xi32>
        %parallel_loop3A_223 = arith.addi %parallel_loop3A_222, %iota3A : vector<16xi32>
        %parallel_loop3A_224 = vector.broadcast %parallel_loop3A_168 : i32 to vector<16xi32>
        tpu.vector_store_idx %arg13[%parallel_loop3A_223, %parallel_loop3A_224], %parallel_loop3A_220 : memref<128x16xf32, #tpu.memory_space<vmem>>[vector<16xi32>, vector<16xi32>], vector<16xf32>,
        %parallel_loop3A_225 = arith.constant 1 : i32
        %parallel_loop3A_226 = arith.addi %parallel_loop3A_166, %parallel_loop3A_225 : i32
        %parallel_loop3A_227 = arith.index_cast %parallel_loop3A_226 : i32 to index
        %parallel_loop3A_228 = arith.constant 0 : index
        %parallel_loop3A_229 = tpu.vector_load %arg7[%parallel_loop3A_227, %parallel_loop3A_228] {strides = array<i32>} : memref<16x128xf32, #tpu.memory_space<vmem>>, vector<16xf32>,
        %parallel_loop3A_230 = arith.constant 0 : i32
        %parallel_loop3A_231 = vector.broadcast %parallel_loop3A_230 : i32 to vector<16xi32>
        %parallel_loop3A_232 = arith.addi %parallel_loop3A_231, %iota3A : vector<16xi32>
        %parallel_loop3A_233 = vector.broadcast %parallel_loop3A_226 : i32 to vector<16xi32>
        tpu.vector_store_idx %arg13[%parallel_loop3A_232, %parallel_loop3A_233], %parallel_loop3A_229 : memref<128x16xf32, #tpu.memory_space<vmem>>[vector<16xi32>, vector<16xi32>], vector<16xf32>,
        %parallel_loop3A_234 = arith.index_cast %parallel_loop3A_226 : i32 to index
        %parallel_loop3A_235 = arith.constant 16 : index
        %parallel_loop3A_236 = tpu.vector_load %arg7[%parallel_loop3A_234, %parallel_loop3A_235] {strides = array<i32>} : memref<16x128xf32, #tpu.memory_space<vmem>>, vector<16xf32>,
        %parallel_loop3A_237 = arith.constant 16 : i32
        %parallel_loop3A_238 = vector.broadcast %parallel_loop3A_237 : i32 to vector<16xi32>
        %parallel_loop3A_239 = arith.addi %parallel_loop3A_238, %iota3A : vector<16xi32>
        %parallel_loop3A_240 = vector.broadcast %parallel_loop3A_226 : i32 to vector<16xi32>
        tpu.vector_store_idx %arg13[%parallel_loop3A_239, %parallel_loop3A_240], %parallel_loop3A_236 : memref<128x16xf32, #tpu.memory_space<vmem>>[vector<16xi32>, vector<16xi32>], vector<16xf32>,
        %parallel_loop3A_241 = arith.index_cast %parallel_loop3A_226 : i32 to index
        %parallel_loop3A_242 = arith.constant 32 : index
        %parallel_loop3A_243 = tpu.vector_load %arg7[%parallel_loop3A_241, %parallel_loop3A_242] {strides = array<i32>} : memref<16x128xf32, #tpu.memory_space<vmem>>, vector<16xf32>,
        %parallel_loop3A_244 = arith.constant 32 : i32
        %parallel_loop3A_245 = vector.broadcast %parallel_loop3A_244 : i32 to vector<16xi32>
        %parallel_loop3A_246 = arith.addi %parallel_loop3A_245, %iota3A : vector<16xi32>
        %parallel_loop3A_247 = vector.broadcast %parallel_loop3A_226 : i32 to vector<16xi32>
        tpu.vector_store_idx %arg13[%parallel_loop3A_246, %parallel_loop3A_247], %parallel_loop3A_243 : memref<128x16xf32, #tpu.memory_space<vmem>>[vector<16xi32>, vector<16xi32>], vector<16xf32>,
        %parallel_loop3A_248 = arith.index_cast %parallel_loop3A_226 : i32 to index
        %parallel_loop3A_249 = arith.constant 48 : index
        %parallel_loop3A_250 = tpu.vector_load %arg7[%parallel_loop3A_248, %parallel_loop3A_249] {strides = array<i32>} : memref<16x128xf32, #tpu.memory_space<vmem>>, vector<16xf32>,
        %parallel_loop3A_251 = arith.constant 48 : i32
        %parallel_loop3A_252 = vector.broadcast %parallel_loop3A_251 : i32 to vector<16xi32>
        %parallel_loop3A_253 = arith.addi %parallel_loop3A_252, %iota3A : vector<16xi32>
        %parallel_loop3A_254 = vector.broadcast %parallel_loop3A_226 : i32 to vector<16xi32>
        tpu.vector_store_idx %arg13[%parallel_loop3A_253, %parallel_loop3A_254], %parallel_loop3A_250 : memref<128x16xf32, #tpu.memory_space<vmem>>[vector<16xi32>, vector<16xi32>], vector<16xf32>,
        %parallel_loop3A_255 = arith.index_cast %parallel_loop3A_226 : i32 to index
        %parallel_loop3A_256 = arith.constant 64 : index
        %parallel_loop3A_257 = tpu.vector_load %arg7[%parallel_loop3A_255, %parallel_loop3A_256] {strides = array<i32>} : memref<16x128xf32, #tpu.memory_space<vmem>>, vector<16xf32>,
        %parallel_loop3A_258 = arith.constant 64 : i32
        %parallel_loop3A_259 = vector.broadcast %parallel_loop3A_258 : i32 to vector<16xi32>
        %parallel_loop3A_260 = arith.addi %parallel_loop3A_259, %iota3A : vector<16xi32>
        %parallel_loop3A_261 = vector.broadcast %parallel_loop3A_226 : i32 to vector<16xi32>
        tpu.vector_store_idx %arg13[%parallel_loop3A_260, %parallel_loop3A_261], %parallel_loop3A_257 : memref<128x16xf32, #tpu.memory_space<vmem>>[vector<16xi32>, vector<16xi32>], vector<16xf32>,
        %parallel_loop3A_262 = arith.index_cast %parallel_loop3A_226 : i32 to index
        %parallel_loop3A_263 = arith.constant 80 : index
        %parallel_loop3A_264 = tpu.vector_load %arg7[%parallel_loop3A_262, %parallel_loop3A_263] {strides = array<i32>} : memref<16x128xf32, #tpu.memory_space<vmem>>, vector<16xf32>,
        %parallel_loop3A_265 = arith.constant 80 : i32
        %parallel_loop3A_266 = vector.broadcast %parallel_loop3A_265 : i32 to vector<16xi32>
        %parallel_loop3A_267 = arith.addi %parallel_loop3A_266, %iota3A : vector<16xi32>
        %parallel_loop3A_268 = vector.broadcast %parallel_loop3A_226 : i32 to vector<16xi32>
        tpu.vector_store_idx %arg13[%parallel_loop3A_267, %parallel_loop3A_268], %parallel_loop3A_264 : memref<128x16xf32, #tpu.memory_space<vmem>>[vector<16xi32>, vector<16xi32>], vector<16xf32>,
        %parallel_loop3A_269 = arith.index_cast %parallel_loop3A_226 : i32 to index
        %parallel_loop3A_270 = arith.constant 96 : index
        %parallel_loop3A_271 = tpu.vector_load %arg7[%parallel_loop3A_269, %parallel_loop3A_270] {strides = array<i32>} : memref<16x128xf32, #tpu.memory_space<vmem>>, vector<16xf32>,
        %parallel_loop3A_272 = arith.constant 96 : i32
        %parallel_loop3A_273 = vector.broadcast %parallel_loop3A_272 : i32 to vector<16xi32>
        %parallel_loop3A_274 = arith.addi %parallel_loop3A_273, %iota3A : vector<16xi32>
        %parallel_loop3A_275 = vector.broadcast %parallel_loop3A_226 : i32 to vector<16xi32>
        tpu.vector_store_idx %arg13[%parallel_loop3A_274, %parallel_loop3A_275], %parallel_loop3A_271 : memref<128x16xf32, #tpu.memory_space<vmem>>[vector<16xi32>, vector<16xi32>], vector<16xf32>,
        %parallel_loop3A_276 = arith.index_cast %parallel_loop3A_226 : i32 to index
        %parallel_loop3A_277 = arith.constant 112 : index
        %parallel_loop3A_278 = tpu.vector_load %arg7[%parallel_loop3A_276, %parallel_loop3A_277] {strides = array<i32>} : memref<16x128xf32, #tpu.memory_space<vmem>>, vector<16xf32>,
        %parallel_loop3A_279 = arith.constant 112 : i32
        %parallel_loop3A_280 = vector.broadcast %parallel_loop3A_279 : i32 to vector<16xi32>
        %parallel_loop3A_281 = arith.addi %parallel_loop3A_280, %iota3A : vector<16xi32>
        %parallel_loop3A_282 = vector.broadcast %parallel_loop3A_226 : i32 to vector<16xi32>
        tpu.vector_store_idx %arg13[%parallel_loop3A_281, %parallel_loop3A_282], %parallel_loop3A_278 : memref<128x16xf32, #tpu.memory_space<vmem>>[vector<16xi32>, vector<16xi32>], vector<16xf32>,
      } {sc.loop_unroll_factor = 2 : i64, sc.parallel_access}
      "tpu.region"() ({
        %run_scoped3A_166 = tpu.sem_alloc : memref<!tpu.dma_semaphore, #tpu.memory_space<semaphore_mem>>
        %dma_start3A_167 = arith.constant 0 : i32
        %dma_start3A_168 = arith.constant 0 : i32
        %dma_start3A_169 = tpu.memref_slice %arg20[%dma_start3A_167, %dma_start3A_168] : memref<10000x16xf32, #tpu.memory_space<vmem_shared>> -> memref<10000x16xf32, #tpu.memory_space<vmem_shared>>
        tpu.enqueue_indirect_dma source(%arg13 : memref<128x16xf32, #tpu.memory_space<vmem>>) target(%dma_start3A_169 : memref<10000x16xf32, #tpu.memory_space<vmem_shared>>) offsets(%arg6 : memref<128xi32, #tpu.memory_space<vmem>>) semaphore(%run_scoped3A_166 : memref<!tpu.dma_semaphore, #tpu.memory_space<semaphore_mem>>) {add = true}
        %dma_wait3A_170 = arith.constant 0 : i32
        %dma_wait3A_171 = arith.constant 0 : i32
        %dma_wait3A_172 = tpu.memref_slice %arg20[%dma_wait3A_170, %dma_wait3A_171] : memref<10000x16xf32, #tpu.memory_space<vmem_shared>> -> memref<10000x16xf32, #tpu.memory_space<vmem_shared>>
        tpu.wait_indirect_dma semaphore(%run_scoped3A_166 : memref<!tpu.dma_semaphore, #tpu.memory_space<semaphore_mem>>) src(%arg13 : memref<128x16xf32, #tpu.memory_space<vmem>>) dst(%dma_wait3A_172 : memref<10000x16xf32, #tpu.memory_space<vmem_shared>>)
        tpu.yield
      }) : () -> ()
    } else {
    }
    %barrier3A_151 = arith.constant 0 : index
    tpu.barrier barrier_id(%barrier3A_151)
    "tpu.region"() ({
      %run_scoped3A_157 = tpu.sem_alloc : memref<!tpu.dma_semaphore, #tpu.memory_space<semaphore_mem>>
      %dma_start3A_158 = arith.constant 0 : i32
      %dma_start3A_159 = tpu.memref_slice %arg4[%arg0, %mul3A_6, %dma_start3A_158] : memref<2x10000x16xf32, #tpu.memory_space<hbm>> -> memref<1x624x16xf32, #tpu.memory_space<hbm>>
      %dma_start3A_160 = tpu.memref_squeeze %dma_start3A_159 : memref<1x624x16xf32, #tpu.memory_space<hbm>> -> memref<624x16xf32, #tpu.memory_space<hbm>>
      %dma_start3A_161 = arith.constant 0 : i32
      %dma_start3A_162 = tpu.memref_slice %arg20[%mul3A_6, %dma_start3A_161] : memref<10000x16xf32, #tpu.memory_space<vmem_shared>> -> memref<624x16xf32, #tpu.memory_space<vmem_shared>>
      tpu.enqueue_dma source(%dma_start3A_162 : memref<624x16xf32, #tpu.memory_space<vmem_shared>>) target(%dma_start3A_160 : memref<624x16xf32, #tpu.memory_space<hbm>>) target_semaphore(%run_scoped3A_157 : memref<!tpu.dma_semaphore, #tpu.memory_space<semaphore_mem>>)
      %dma_wait3A_163 = arith.constant 0 : i32
      %dma_wait3A_164 = tpu.memref_slice %arg4[%arg0, %mul3A_6, %dma_wait3A_163] : memref<2x10000x16xf32, #tpu.memory_space<hbm>> -> memref<1x624x16xf32, #tpu.memory_space<hbm>>
      %dma_wait3A_165 = tpu.memref_squeeze %dma_wait3A_164 : memref<1x624x16xf32, #tpu.memory_space<hbm>> -> memref<624x16xf32, #tpu.memory_space<hbm>>
      %dma_wait3A_166 = arith.constant 0 : i32
      %dma_wait3A_167 = tpu.memref_slice %arg20[%mul3A_6, %dma_wait3A_166] : memref<10000x16xf32, #tpu.memory_space<vmem_shared>> -> memref<624x16xf32, #tpu.memory_space<vmem_shared>>
      tpu.wait_dma2 semaphore(%run_scoped3A_157 : memref<!tpu.dma_semaphore, #tpu.memory_space<semaphore_mem>>) src(%dma_wait3A_167 : memref<624x16xf32, #tpu.memory_space<vmem_shared>>) dst(%dma_wait3A_165 : memref<624x16xf32, #tpu.memory_space<hbm>>)
      tpu.yield
    }) : () -> ()
    %eq3A_152 = arith.constant 15 : i32
    %eq3A_153 = arith.cmpi eq, %arg1, %eq3A_152 : i32
    %convert_element_type3A_154 = arith.extui %eq3A_153 : i1 to i32
    %cond3A_155 = arith.constant 0 : i32
    %cond3A_156 = arith.cmpi ne, %convert_element_type3A_154, %cond3A_155 : i32
    scf.if %cond3A_156 {
      "tpu.region"() ({
        %run_scoped3A_157 = tpu.sem_alloc : memref<!tpu.dma_semaphore, #tpu.memory_space<semaphore_mem>>
        %dma_start3A_158 = arith.constant 9984 : i32
        %dma_start3A_159 = arith.constant 0 : i32
        %dma_start3A_160 = tpu.memref_slice %arg4[%arg0, %dma_start3A_158, %dma_start3A_159] : memref<2x10000x16xf32, #tpu.memory_space<hbm>> -> memref<1x16x16xf32, #tpu.memory_space<hbm>>
        %dma_start3A_161 = tpu.memref_squeeze %dma_start3A_160 : memref<1x16x16xf32, #tpu.memory_space<hbm>> -> memref<16x16xf32, #tpu.memory_space<hbm>>
        %dma_start3A_162 = arith.constant 9984 : i32
        %dma_start3A_163 = arith.constant 0 : i32
        %dma_start3A_164 = tpu.memref_slice %arg20[%dma_start3A_162, %dma_start3A_163] : memref<10000x16xf32, #tpu.memory_space<vmem_shared>> -> memref<16x16xf32, #tpu.memory_space<vmem_shared>>
        tpu.enqueue_dma source(%dma_start3A_164 : memref<16x16xf32, #tpu.memory_space<vmem_shared>>) target(%dma_start3A_161 : memref<16x16xf32, #tpu.memory_space<hbm>>) target_semaphore(%run_scoped3A_157 : memref<!tpu.dma_semaphore, #tpu.memory_space<semaphore_mem>>)
        %dma_wait3A_165 = arith.constant 9984 : i32
        %dma_wait3A_166 = arith.constant 0 : i32
        %dma_wait3A_167 = tpu.memref_slice %arg4[%arg0, %dma_wait3A_165, %dma_wait3A_166] : memref<2x10000x16xf32, #tpu.memory_space<hbm>> -> memref<1x16x16xf32, #tpu.memory_space<hbm>>
        %dma_wait3A_168 = tpu.memref_squeeze %dma_wait3A_167 : memref<1x16x16xf32, #tpu.memory_space<hbm>> -> memref<16x16xf32, #tpu.memory_space<hbm>>
        %dma_wait3A_169 = arith.constant 9984 : i32
        %dma_wait3A_170 = arith.constant 0 : i32
        %dma_wait3A_171 = tpu.memref_slice %arg20[%dma_wait3A_169, %dma_wait3A_170] : memref<10000x16xf32, #tpu.memory_space<vmem_shared>> -> memref<16x16xf32, #tpu.memory_space<vmem_shared>>
        tpu.wait_dma2 semaphore(%run_scoped3A_157 : memref<!tpu.dma_semaphore, #tpu.memory_space<semaphore_mem>>) src(%dma_wait3A_171 : memref<16x16xf32, #tpu.memory_space<vmem_shared>>) dst(%dma_wait3A_168 : memref<16x16xf32, #tpu.memory_space<hbm>>)
        tpu.yield
      }) : () -> ()
    } else {
    }
    return
  }
}

module attributes {stable_mosaic.version = 14 : i64} {
  func.func @_mlp_body(%arg0: i32, %arg1: memref<2000x128xf32, #tpu.memory_space<vmem>>, %arg2: memref<2x2000x16xf32, #tpu.memory_space<vmem>>, %arg3: memref<1x128xf32, #tpu.memory_space<vmem>>, %arg4: memref<272x32xf32, #tpu.memory_space<vmem>>, %arg5: memref<1x32xf32, #tpu.memory_space<vmem>>, %arg6: memref<32x128xf32, #tpu.memory_space<vmem>>, %arg7: memref<1x128xf32, #tpu.memory_space<vmem>>, %arg8: memref<2000x128xf32, #tpu.memory_space<vmem>>) attributes {dimension_semantics = [#tpu.dimension_semantics<arbitrary>], iteration_bounds = array<i64: 5>, scalar_prefetch = 0 : i64, scratch_operands = 0 : i64, tpu.core_type = #tpu.core_type<tc>, window_params = [{transform_indices = @transform_0, window_bounds = array<i64: 2000, 128>}, {transform_indices = @transform_1, window_bounds = array<i64: 2, 2000, 16>}, {pipeline_mode = #tpu.pipeline_mode<synchronous>, transform_indices = @transform_2, window_bounds = array<i64: 1, 128>}, {pipeline_mode = #tpu.pipeline_mode<synchronous>, transform_indices = @transform_3, window_bounds = array<i64: 272, 32>}, {pipeline_mode = #tpu.pipeline_mode<synchronous>, transform_indices = @transform_4, window_bounds = array<i64: 1, 32>}, {pipeline_mode = #tpu.pipeline_mode<synchronous>, transform_indices = @transform_5, window_bounds = array<i64: 32, 128>}, {pipeline_mode = #tpu.pipeline_mode<synchronous>, transform_indices = @transform_6, window_bounds = array<i64: 1, 128>}, {transform_indices = @transform_7, window_bounds = array<i64: 2000, 128>}]} {
    %get3A = arith.constant 0 : index
    %get3A_0 = arith.constant 0 : index
    %get3A_1 = vector.load %arg1[%get3A, %get3A_0] : memref<2000x128xf32, #tpu.memory_space<vmem>>, vector<2000x128xf32>
    %get3A_2 = arith.constant 0 : index
    %get3A_3 = arith.constant 0 : index
    %get3A_4 = vector.load %arg4[%get3A_2, %get3A_3] : memref<272x32xf32, #tpu.memory_space<vmem>>, vector<128x32xf32>
    %dot_general3A = arith.constant dense<0.000000e+00> : vector<2000x32xf32>
    %dot_general3A_5 = tpu.matmul %get3A_1, %get3A_4, %dot_general3A {dimension_numbers = #tpu.dot_dimension_numbers<[1], [0], [0], [1], [0, 0, 1, 1], [], []>, transpose_lhs_hint = false} : vector<2000x128xf32>, vector<128x32xf32>, vector<2000x32xf32> -> vector<2000x32xf32>
    %get3A_6 = arith.constant 0 : index
    %get3A_7 = arith.constant 0 : index
    %get3A_8 = arith.constant 0 : index
    %get3A_9 = vector.load %arg2[%get3A_6, %get3A_7, %get3A_8] : memref<2x2000x16xf32, #tpu.memory_space<vmem>>, vector<1x2000x16xf32>
    %get3A_10 = vector.shape_cast %get3A_9 : vector<1x2000x16xf32> to vector<2000x16xf32>
    %get3A_11 = arith.constant 1 : index
    %get3A_12 = arith.constant 0 : index
    %get3A_13 = arith.constant 0 : index
    %get3A_14 = vector.load %arg2[%get3A_11, %get3A_12, %get3A_13] : memref<2x2000x16xf32, #tpu.memory_space<vmem>>, vector<1x2000x16xf32>
    %get3A_15 = vector.shape_cast %get3A_14 : vector<1x2000x16xf32> to vector<2000x16xf32>
    %add3A = arith.addf %get3A_10, %get3A_15 : vector<2000x16xf32>
    %get3A_16 = arith.constant 128 : index
    %get3A_17 = arith.constant 0 : index
    %get3A_18 = vector.load %arg4[%get3A_16, %get3A_17] : memref<272x32xf32, #tpu.memory_space<vmem>>, vector<16x32xf32>
    %dot_general3A_19 = arith.constant dense<0.000000e+00> : vector<2000x32xf32>
    %dot_general3A_20 = tpu.matmul %add3A, %get3A_18, %dot_general3A_19 {dimension_numbers = #tpu.dot_dimension_numbers<[1], [0], [0], [1], [0, 0, 1, 1], [], []>, transpose_lhs_hint = false} : vector<2000x16xf32>, vector<16x32xf32>, vector<2000x32xf32> -> vector<2000x32xf32>
    %get3A_21 = arith.constant 0 : index
    %get3A_22 = arith.constant 0 : index
    %get3A_23 = vector.load %arg3[%get3A_21, %get3A_22] : memref<1x128xf32, #tpu.memory_space<vmem>>, vector<1x128xf32>
    %get3A_24 = arith.constant 144 : index
    %get3A_25 = arith.constant 0 : index
    %get3A_26 = vector.load %arg4[%get3A_24, %get3A_25] : memref<272x32xf32, #tpu.memory_space<vmem>>, vector<128x32xf32>
    %dot_general3A_27 = arith.constant dense<0.000000e+00> : vector<1x32xf32>
    %dot_general3A_28 = tpu.matmul %get3A_23, %get3A_26, %dot_general3A_27 {dimension_numbers = #tpu.dot_dimension_numbers<[1], [0], [0], [1], [0, 0, 1, 1], [], []>, transpose_lhs_hint = false} : vector<1x128xf32>, vector<128x32xf32>, vector<1x32xf32> -> vector<1x32xf32>
    %add3A_29 = arith.addf %dot_general3A_5, %dot_general3A_20 : vector<2000x32xf32>
    %add3A_30 = vector.broadcast %dot_general3A_28 : vector<1x32xf32> to vector<2000x32xf32>
    %add3A_31 = arith.addf %add3A_29, %add3A_30 : vector<2000x32xf32>
    %get3A_32 = arith.constant 0 : index
    %get3A_33 = arith.constant 0 : index
    %get3A_34 = vector.load %arg5[%get3A_32, %get3A_33] : memref<1x32xf32, #tpu.memory_space<vmem>>, vector<1x32xf32>
    %add3A_35 = vector.broadcast %get3A_34 : vector<1x32xf32> to vector<2000x32xf32>
    %add3A_36 = arith.addf %add3A_31, %add3A_35 : vector<2000x32xf32>
    %max3A = arith.constant 0.000000e+00 : f32
    %max3A_37 = vector.broadcast %max3A : f32 to vector<2000x32xf32>
    %max3A_38 = arith.maximumf %add3A_36, %max3A_37 : vector<2000x32xf32>
    %get3A_39 = arith.constant 0 : index
    %get3A_40 = arith.constant 0 : index
    %get3A_41 = vector.load %arg6[%get3A_39, %get3A_40] : memref<32x128xf32, #tpu.memory_space<vmem>>, vector<32x128xf32>
    %dot_general3A_42 = arith.constant dense<0.000000e+00> : vector<2000x128xf32>
    %dot_general3A_43 = tpu.matmul %max3A_38, %get3A_41, %dot_general3A_42 {dimension_numbers = #tpu.dot_dimension_numbers<[1], [0], [0], [1], [0, 0, 1, 1], [], []>, transpose_lhs_hint = false} : vector<2000x32xf32>, vector<32x128xf32>, vector<2000x128xf32> -> vector<2000x128xf32>
    %get3A_44 = arith.constant 0 : index
    %get3A_45 = arith.constant 0 : index
    %get3A_46 = vector.load %arg7[%get3A_44, %get3A_45] : memref<1x128xf32, #tpu.memory_space<vmem>>, vector<1x128xf32>
    %add3A_47 = vector.broadcast %get3A_46 : vector<1x128xf32> to vector<2000x128xf32>
    %add3A_48 = arith.addf %dot_general3A_43, %add3A_47 : vector<2000x128xf32>
    %swap3A = arith.constant 0 : index
    %swap3A_49 = arith.constant 0 : index
    %swap3A_50 = vector.load %arg8[%swap3A, %swap3A_49] : memref<2000x128xf32, #tpu.memory_space<vmem>>, vector<2000x128xf32>
    tpu.vector_store %arg8[%swap3A, %swap3A_49], %add3A_48 {strides = array<i32>} : memref<2000x128xf32, #tpu.memory_space<vmem>>, vector<2000x128xf32>,
    return
  }
  func.func @transform_0(%arg0: i32) -> (i32, i32) {
    %c0_i32 = arith.constant 0 : i32
    %c0_i32_0 = arith.constant 0 : i32
    return %arg0, %c0_i32 : i32, i32
  }
  func.func @transform_1(%arg0: i32) -> (i32, i32, i32) {
    %c0_i32 = arith.constant 0 : i32
    %c0_i32_0 = arith.constant 0 : i32
    %c0_i32_1 = arith.constant 0 : i32
    return %c0_i32, %arg0, %c0_i32_0 : i32, i32, i32
  }
  func.func @transform_2(%arg0: i32) -> (i32, i32) {
    %c0_i32 = arith.constant 0 : i32
    %c0_i32_0 = arith.constant 0 : i32
    %c0_i32_1 = arith.constant 0 : i32
    return %c0_i32, %c0_i32_0 : i32, i32
  }
  func.func @transform_3(%arg0: i32) -> (i32, i32) {
    %c0_i32 = arith.constant 0 : i32
    %c0_i32_0 = arith.constant 0 : i32
    %c0_i32_1 = arith.constant 0 : i32
    return %c0_i32, %c0_i32_0 : i32, i32
  }
  func.func @transform_4(%arg0: i32) -> (i32, i32) {
    %c0_i32 = arith.constant 0 : i32
    %c0_i32_0 = arith.constant 0 : i32
    %c0_i32_1 = arith.constant 0 : i32
    return %c0_i32, %c0_i32_0 : i32, i32
  }
  func.func @transform_5(%arg0: i32) -> (i32, i32) {
    %c0_i32 = arith.constant 0 : i32
    %c0_i32_0 = arith.constant 0 : i32
    %c0_i32_1 = arith.constant 0 : i32
    return %c0_i32, %c0_i32_0 : i32, i32
  }
  func.func @transform_6(%arg0: i32) -> (i32, i32) {
    %c0_i32 = arith.constant 0 : i32
    %c0_i32_0 = arith.constant 0 : i32
    %c0_i32_1 = arith.constant 0 : i32
    return %c0_i32, %c0_i32_0 : i32, i32
  }
  func.func @transform_7(%arg0: i32) -> (i32, i32) {
    %c0_i32 = arith.constant 0 : i32
    %c0_i32_0 = arith.constant 0 : i32
    return %arg0, %c0_i32 : i32, i32
  }
}

</mosaic_0001>

<sc_bundles>
// kernel: kernel.4.cloned.1.call-start
scs
__scs_entry_jumppad:
0x0: {  	(pc) =	sbr.rel $0x88, $3  }
0x1: {  	(tag) =	ssettag $0x0;
	lr =	simm.s32 $0x1  }
0x2: {  	[smem:$0x3F99] =	sst lr;
	_ =	strace $0xD0000000  }
0x3: {  	_ = 	snop  }
0x4: {  	_ = 	snop  }
0x5: {  	_ = 	snop  }
0x6: {  	_ = 	snop  }
0x7: {  	_ = 	snop  }
__scs_overlays_trampoline_lowered:
0x8: {  	[smem:$0x3FA8] =	sst s0  }
0x9: {  	[smem:$0x3FA9] =	sst s1  }
0xa: {  	[smem:$0x3FAA] =	sst s2  }
0xb: {  	[smem:$0x3FAB] =	sst s3  }
0xc: {  	[smem:$0x3FAC] =	sst s4  }
0xd: {  	[smem:$0x3FAD] =	sst s5  }
0xe: {  	[smem:$0x3FAE] =	sst s6  }
0xf: {  	[smem:$0x3FAF] =	sst s7  }
0x10: {  	[smem:$0x3FB0] =	sst s8  }
0x11: {  	[smem:$0x3FB1] =	sst s9;
	s0 =	simm.s32 @!p0 $0x0  }
0x12: {  	s1 =	sld [smem:$0x3F97];
	s0 =	simm.s32 @p0 $0x1  }
0x13: {  	[smem:$0x3FB2] =	sst s0;
	s0 =	simm.s32 @!p1 $0x0  }
0x14: {  	s2 =	sld [smem:$0x3F96];
	s0 =	simm.s32 @p1 $0x1  }
0x15: {  	[smem:$0x3FB3] =	sst s0;
	s0 =	simm.s32 @!p2 $0x0  }
0x16: {  	s3 =	sld [smem:$0x3FDB];
	s0 =	simm.s32 @p2 $0x1  }
0x17: {  	s4 =	simm.s32 $0x1BF5;
	[smem:$0x3FB5] =	sst s0  }
0x18: {  	s0 =	sld [smem:$0x3F98];
	_ =	swait.ge [sflag:s4], $0x0  }
0x19: {  	s7 =	sld [smem:$0x3F99]  }
0x1a: {  	s8 =	sadd.s32 $0xFFFFE003, lr  }
0x1b: {  	s9 =	sadd.s32 $0xFFFFFEF7, lr;
	s5 =	simm.s32 $0xFFFFFFFF;
	p2 =	slt.u32 s8, $0xFFFFF086  }
0x1c: {  	p1 =	slt.u32 s9, $0xF7A;
	s5 =	simm.s32 @!p2 $0x0  }
0x1d: {  	s5 =	simm.s32 @p1 $0x1;
	p0 =	seq.s32 s7, s2  }
0x1e: {  	s7 =	smul.u32 @!p0 $0xF7A, s2;
	p2 =	seq.s32 @!p0 s5, $0x0  }
0x1f: {  	s9 =	smul.u32 $0xF7A, s1;
	s8 =	simm.s32 @!p0 $0x1BF5;
	p2 =	por !p2, p0  }
0x20: {  	[sflag:s8] =	ssyncset.s32 @!p0 $0xFFFFF086;
	s6 =	sadd.s32 @!p0 s3, s7;
	s7 =	simm.s32 @!p0 $0x108  }
0x21: {  	s3 =	sadd.s32 s3, s9;
	s6 =	sadd.s32 @!p0 $0x88, s6;
	s7 =	simm.s32 @p2 $0x1082  }
0x22: {  	[simem:s7], [sflag:s8] =	dma.local @!p0 [hbm:s6], $0xF7A  }
0x23: {  	s9 =	sor.u32 $0xD0000000, s2;
	s6 =	simm.s32 $0x108;
	_ =	swait.ge @!p0 [sflag:s8], $0x0  }
0x24: {  	s3 =	sadd.s32 $0x88, s3;
	s6 =	simm.s32 @!p1 $0x1082;
	[sflag:s4] =	ssyncset.s32 $0xFFFFF086  }
0x25: {  	[simem:s6], [sflag:s4] =	dma.local [hbm:s3], $0xF7A  }
0x26: {  	[smem:$0x3F99] =	sst s1;
	(tag) =	ssettag s2;
	_ =	strace s9  }
0x27: {  	s1 =	sld [smem:$0x3FA9]  }
0x28: {  	s2 =	sld [smem:$0x3FAA]  }
0x29: {  	s4 =	sld [smem:$0x3FAC]  }
0x2a: {  	p0 =	seq.s32 s5, $0x0;
	s5 =	sld [smem:$0x3FAD]  }
0x2b: {  	s6 =	sld [smem:$0x3FAE]  }
0x2c: {  	s7 =	sld [smem:$0x3FAF]  }
0x2d: {  	s3 =	simm.s32 $0x108;
	s8 =	sld [smem:$0x3FB0]  }
0x2e: {  	s3 =	simm.s32 @!p0 $0x1082;
	s9 =	sld [smem:$0x3FB1]  }
0x2f: {  	lr =	sadd.s32 s0, s3;
	s0 =	sld [smem:$0x3FA8]  }
0x30: {  	s3 =	sld [smem:$0x3FAB]  }
0x31: {  	[smem:$0x3FB4] =	sst s10  }
0x32: {  	s10 =	sld [smem:$0x3FB2];
	_ =	sdelay $0x3  }
0x33: {  	p0 =	seq.s32 s10, $0x1;
	s10 =	sld [smem:$0x3FB4];
	_ =	sdelay $0x3  }
0x34: {  	[smem:$0x3FB4] =	sst s10  }
0x35: {  	s10 =	sld [smem:$0x3FB3];
	_ =	sdelay $0x3  }
0x36: {  	p1 =	seq.s32 s10, $0x1;
	s10 =	sld [smem:$0x3FB4];
	_ =	sdelay $0x3  }
0x37: {  	[smem:$0x3FB4] =	sst s10  }
0x38: {  	s10 =	sld [smem:$0x3FB5]  }
0x39: {  	_ = 	snop;
	(pc) =	sbr.ind lr, $3  }
0x3a: {  	_ = 	snop  }
0x3b: {  	_ = 	snop  }
0x3c: {  	p2 =	seq.s32 s10, $0x1;
	s10 =	sld [smem:$0x3FB4]  }
0x3d: {  	_ =	shalt  }
0x3e: {  	_ =	shalt  }
0x3f: {  	_ =	shalt  }
0x40: {  	_ =	shalt  }
0x41: {  	_ =	shalt  }
0x42: {  	_ =	shalt  }
0x43: {  	_ =	shalt  }
0x44: {  	_ =	shalt  }
0x45: {  	_ =	shalt  }
0x46: {  	_ =	shalt  }
0x47: {  	_ =	shalt  }
0x48: {  	_ =	shalt  }
0x49: {  	_ =	shalt  }
0x4a: {  	_ =	shalt  }
0x4b: {  	_ =	shalt  }
0x4c: {  	_ =	shalt  }
0x4d: {  	_ =	shalt  }
0x4e: {  	_ =	shalt  }
0x4f: {  	_ =	shalt  }
0x50: {  	_ =	shalt  }
0x51: {  	_ =	shalt  }
0x52: {  	_ =	shalt  }
0x53: {  	_ =	shalt  }
0x54: {  	_ =	shalt  }
0x55: {  	_ =	shalt  }
0x56: {  	_ =	shalt  }
0x57: {  	_ =	shalt  }
0x58: {  	_ =	shalt  }
0x59: {  	_ =	shalt  }
0x5a: {  	_ =	shalt  }
0x5b: {  	_ =	shalt  }
0x5c: {  	_ =	shalt  }
0x5d: {  	_ =	shalt  }
0x5e: {  	_ =	shalt  }
0x5f: {  	_ =	shalt  }
0x60: {  	_ =	shalt  }
0x61: {  	_ =	shalt  }
0x62: {  	_ =	shalt  }
0x63: {  	_ =	shalt  }
0x64: {  	_ =	shalt  }
0x65: {  	_ =	shalt  }
0x66: {  	_ =	shalt  }
0x67: {  	_ =	shalt  }
0x68: {  	_ =	shalt  }
0x69: {  	_ =	shalt  }
0x6a: {  	_ =	shalt  }
0x6b: {  	_ =	shalt  }
0x6c: {  	_ =	shalt  }
0x6d: {  	_ =	shalt  }
0x6e: {  	_ =	shalt  }
0x6f: {  	_ =	shalt  }
0x70: {  	_ =	shalt  }
0x71: {  	_ =	shalt  }
0x72: {  	_ =	shalt  }
0x73: {  	_ =	shalt  }
0x74: {  	_ =	shalt  }
0x75: {  	_ =	shalt  }
0x76: {  	_ =	shalt  }
0x77: {  	_ =	shalt  }
0x78: {  	_ =	shalt  }
0x79: {  	_ =	shalt  }
0x7a: {  	_ =	shalt  }
0x7b: {  	_ =	shalt  }
0x7c: {  	_ =	shalt  }
0x7d: {  	_ =	shalt  }
0x7e: {  	_ =	shalt  }
0x7f: {  	_ =	shalt  }
0x80: {  	_ =	shalt  }
0x81: {  	_ =	shalt  }
0x82: {  	_ =	shalt  }
0x83: {  	_ =	shalt  }
0x84: {  	_ =	shalt  }
0x85: {  	_ =	shalt  }
0x86: {  	_ =	shalt  }
0x87: {  	_ =	shalt  }
.Lfunc_end0:
.L_simem_size_0:
called_computation_lowered:
.L_overlay_start_0:
0x88: {  	s2 =	sld [smem:$0x3FD9]  }
0x89: {  	s3 =	sld [smem:$0x3FFE];
	_ =	sdelay $0x1  }
0x8a: {  	s1 =	srdreg.scid  }
0x8b: {  	s0 =	sand.u32 $0x1, s1  }
0x8c: {  	s17 =	sshll.u32 s0, $0xA;
	s2 =	sadd.s32 s3, s2  }
0x8d: {  	s2 =	sadd.s32 s2, s17  }
0x8e: {  	[smem:$0x3FC0] =	sst s2  }
0x8f: {  	_ = 	snop  }
0x90: {  	s2 =	sld [smem:$0x3FC7]  }
0x91: {  	s18 =	sld [smem:$0x3FD0];
	(tm) =	ssettm $0x1  }
0x92: {  	s4 =	sld [smem:$0x3FFB];
	_ =	sdelay $0x3  }
0x93: {  	_ =	strace s4  }
0x94: {  	s4 =	sld [smem:$0x3FFC];
	_ =	sdelay $0x3  }
0x95: {  	_ =	strace s4  }
0x96: {  	s4 =	sld [smem:$0x3FFD];
	_ =	sdelay $0x3  }
0x97: {  	_ =	strace s4  }
0x98: {  	_ =	strace $0x8FFFFFFF  }
0x99: {  	s19 =	sld [smem:$0x3FDB];
	_ =	sdelay $0x1  }
0x9a: {  	s5 =	simm.s32 $_scs_section_size  }
0x9b: {  	s6 =	simm.s32 $_size__tile_overlayer_lowered;
	s7 =	simm.s32 $_tile_overlayer_lowered  }
0x9c: {  	s22 =	simm.s32 $0x1BFF;
	s21 =	sshll.u32 s7, $0x1;
	s4 =	sadd.s32 s5, s19  }
0x9d: {  	s8 =	simm.s32 $0x0;
	s20 =	sshll.u32 s6, $0x1;
	s6 =	sadd.s32 s21, s4  }
0x9e: {  	[timem:s8], [sflag:s22] =	dma.local [hbm:s6], s20  }
0x9f: {  	_ =	swait.ge [sflag:s22], s20  }
0xa0: {  	s5 =	ssub.s32 $0x0, s20;
	[sflag:s22] =	ssyncset.done $0x0  }
0xa1: {  	[sflag:s22] =	ssyncadd.s32 s5;
	_ =	sdelay $0x1  }
0xa2: {  	s23 =	simm.s32 $0x1B8B  }
0xa3: {  	_ =	swait.ge [sflag:s23], $0x1  }
0xa4: {  	[sflag:s23] =	ssyncset.done $0x0  }
0xa5: {  	s25 =	simm.s32 $0x1B8E;
	s24 =	sld [smem:$0x3FFE];
	[sflag:s23] =	ssyncadd.s32 $0xFFFFFFFF  }
0xa6: {  	s26 =	simm.s32 $execute0_lowered;
	[smem:$0x3FD2] =	sst s25  }
0xa7: {  	s6 =	sshll.u32 s26, $0x1;
	_ =	strace $0x80000046;
	[dreg:$0x1] =	wrdreg $0xFFFFFFFF  }
0xa8: {  	s28 =	simm.s32 $_size_execute0_lowered;
	s4 =	sadd.s32 s4, s6;
	[dreg:$0x0] =	wrdreg $0x0  }
0xa9: {  	s6 =	sshll.u32 s28, $0x1;
	[dreg:$0x2] =	wrdreg s4  }
0xaa: {  	[dreg:$0x3] =	wrdreg s6  }
0xab: {  	[dreg:$0x4] =	wrdreg $0xC0  }
0xac: {  	_ =	task [dreg:s8], $0x5FFFF  }
0xad: {  	[dreg:$0x1] =	wrdreg $0xFFFFFFFF  }
0xae: {  	[dreg:$0x0] =	wrdreg $0x60  }
0xaf: {  	[dreg:$0x2] =	wrdreg s18  }
0xb0: {  	[dreg:$0x3] =	wrdreg s2  }
0xb1: {  	[dreg:$0x4] =	wrdreg s24  }
0xb2: {  	[dreg:$0x5] =	wrdreg $0xAE800  }
0xb3: {  	[dreg:$0x6] =	wrdreg $0x9  }
0xb4: {  	_ =	task.clear_ibuf [dreg:s8], $0x7FFFF;
	_ =	strace $0x90000046  }
0xb5: {  	s29 =	simm.s32 $0x9;
	_ =	strace $0x80000048  }
0xb6: {  	_ =	swait.ge [sflag:s29], $0x1  }
0xb7: {  	[sflag:s29] =	ssyncadd.s32 $0xFFFFFFFF  }
0xb8: {  	_ =	strace $0x90000048  }
0xb9: {  	_ =	sfence  }
0xba: {  	s30 =	sld [smem:$0x0];
	_ =	sdelay $0x2  }
0xbb: {  	s31 =	sshll.u32 s1, $0xD;
	s1 =	sshrl.u32 s1, $0x2  }
0xbc: {  	s3 =	sand.u32 $0x4000, s31;
	s1 =	sadd.s32 s1, s30  }
0xbd: {  	s0 =	sor.u32 s3, s0;
	s1 =	sshll.u32 s1, $0x11  }
0xbe: {  	s0 =	sor.u32 s1, s0  }
0xbf: {  	s0 =	sadd.s32 $0x8F2B, s0  }
0xc0: {  	[sflag:s0] =	ssyncadd.remote.s32 $0x1  }
0xc1: {  	_ =	sfence.sel $0xFFFF  }
0xc2: {  	[dreg:$0x0] =	wrdreg $0xFFFFFFFF;
	(pc) =	sbr.abs _section_cstart, $3  }
0xc3: {  	[dreg:$0x1] =	wrdreg $0xFFFFFFFF  }
0xc4: {  	_ =	task.clear_ibuf [dreg:s8], $0x2FFFF;
	_ =	strace $0x9FFFFFFF  }
0xc5: {  	(tm) =	ssettm $0x7FFFFFFF  }
tec
execute0_lowered:
.L_overlay_start_1:
0x0: {  	(tag) =	ssettag $0x1  }
0x1: {  	s0 =	rddreg [dreg:$0x0]  }
0x2: {  	s1 =	rddreg [dreg:$0x1];
	s2 =	srdreg.scid  }
0x3: {  	s11 =	stileid.u32;
	s6 =	rddreg [dreg:$0x2]  }
0x4: {  	s3 =	rddreg [dreg:$0x3];
	s28 =	simm.s32 $0x5F80;
	s13 =	simm.s32 $0x6F80  }
0x5: {  	s2 =	sand.u32 $0x1, s2;
	s4 =	sshll.u32 s11, $0x1;
	s9 =	smul.u32 $0x2700, s11  }
0x6: {  	s6 =	sadd.s32 $0x1600, s6;
	s20 =	sadd.s32 $0x27000, s3;
	p0 =	sne.s32 s11, $0xF  }
0x7: {  	p1 =	sgt.u32 s11, $0x1;
	s11 =	simm.s32 $0x6780;
	s5 =	sor.u32 s2, s4  }
0x8: {  	s4 =	simm.s32 $0x0;
	s8 =	ssub.s32 $0x2, s2;
	s2 =	smul.u32 $0x27100, s2  }
0x9: {  	s7 =	smul.u32 $0x4E, s5;
	[smem:$0x7FF] =	sst s4;
	s5 =	smin.u32 s5, $0x4  }
0xa: {  	s14 =	sshrl.u32 s8, $0x1;
	s16 =	sadd.s32 s9, s3;
	_ =	strace $0x80000047  }
0xb: {  	s26 =	sadd.s32 s9, s2;
	s2 =	sshrl.u32 s2, $0x3;
	[dreg:$0x5] =	wrdreg s16  }
0xc: {  	s9 =	simm.s32 $0x0;
	[dreg:$0x7] =	wrdreg s20;
	s5 =	sadd.s32 s5, s7  }
0xd: {  	s7 =	ssub.s32 s8, s14;
	s30 =	sadd.s32 s6, s2;
	s2 =	simm.s32 $0x1  }
0xe: {  	s14 =	simm.s32 $0x5;
	s10 =	sshll.u32 s5, $0x7;
	s23 =	sadd.s32 $0x6, s5  }
0xf: {  	s24 =	sadd.s32 $0x7, s5;
	s31 =	smax.u32 s7, $0x1;
	[dreg:$0xe] =	wrdreg s23  }
0x10: {  	s15 =	sshrl.u32 s10, $0x3;
	s17 =	sadd.s32 s1, s10;
	[dreg:$0xf] =	wrdreg s24  }
0x11: {  	s25 =	sadd.s32 $0x2700, s10;
	[dreg:$0x15] =	wrdreg s31;
	s10 =	simm.s32 $0x3  }
0x12: {  	s23 =	simm.s32 $0x6;
	s18 =	sadd.s32 $0x4E200, s17;
	[dreg:$0x6] =	wrdreg s17  }
0x13: {  	s24 =	simm.s32 $0x7F80;
	s19 =	sadd.s32 $0x80, s17;
	[dreg:$0x9] =	wrdreg s18  }
0x14: {  	s0 =	sadd.s32 s0, s15;
	s21 =	sadd.s32 $0x4E280, s17;
	[dreg:$0xa] =	wrdreg s19  }
0x15: {  	s22 =	sadd.s32 $0x100, s17;
	s8 =	sadd.s32 $0x4E300, s17;
	[dreg:$0xb] =	wrdreg s21  }
0x16: {  	s15 =	sadd.s32 $0x4E200, s1;
	s29 =	sadd.s32 s1, s25;
	[dreg:$0xc] =	wrdreg s22  }
0x17: {  	s12 =	sadd.s32 $0x9C40, s0;
	[dreg:$0xd] =	wrdreg s8;
	s18 =	sadd.s32 $0x8, s5  }
0x18: {  	v0 =	vlaneseq.u32;
	s0 =	sadd.s32 $0xA120, s0;
	[dreg:$0x11] =	wrdreg s29;
	s8 =	sadd.s32 s25, s15  }
.Ltmp0:
0x19: {  	v0 =	vmul.u32 $0x10, v0;
	s21 =	simm.s32 $0xD;
	[dreg:$0x8] =	wrdreg s12;
	(pc) =	sbr.rel .LBB2_1-.Ltmp0, $4  }
0x1a: {  	s25 =	simm.s32 $0x5780;
	[dreg:$0x10] =	wrdreg s0;
	s0 =	sshrl.u32 s26, $0x3  }
0x1b: {  	v1 =	vimm.f32 $0.0e+00;
	v2 =	vor.u32 $0x100, v0;
	s19 =	simm.s32 $0x80;
	[dreg:$0x12] =	wrdreg s8;
	s0 =	sadd.s32 s6, s0  }
0x1c: {  	v3 =	vor.u32 $0x200, v0;
	v4 =	vor.u32 $0x300, v0;
	v5 =	vor.u32 $0x400, v0;
	s22 =	simm.s32 $0x7780;
	[dreg:$0x13] =	wrdreg s0;
	s0 =	sadd.s32 $0x4E00, s30  }
0x1d: {  	v6 =	vor.u32 $0x500, v0;
	v7 =	vor.u32 $0x600, v0;
	v8 =	vor.u32 $0x700, v0;
	s12 =	simm.s32 $0x4;
	[dreg:$0x14] =	wrdreg s0;
	s0 =	simm.s32 $0x2  }
.LBB2_21:
0x1e: {  	s6 =	stileid.u32;
	[bflag:$0x0] =	sbarrier.arrive $0xFFFF  }
0x1f: {  	s6 =	sshll.u32 s6, $0x6;
	s16 =	rddreg [dreg:$0x5]  }
0x20: {  	s8 =	rddreg [dreg:$0x13];
	s6 =	sor.u32 $0x1C0D, s6;
	s7 =	sshrl.u32 s16, $0x3  }
0x21: {  	[hbm:s8], [sflag:s6] =	dma.local [spmem:s7], $0x4E0  }
0x22: {  	_ =	swait.ge [sflag:s21], $0x4E0  }
0x23: {  	[sflag:s21] =	ssyncset.done $0x0  }
0x24: {  	s7 =	sshrl.u32 @!p0 s20, $0x3;
	s8 =	rddreg [dreg:$0x14];
	[sflag:s21] =	ssyncadd.s32 $0xFFFFFB20  }
0x25: {  	[hbm:s8], [sflag:s6] =	dma.local @!p0 [spmem:s7], $0x20  }
0x26: {  	s6 =	simm.s32 @!p0 $0xD  }
0x27: {  	_ =	swait.ge @!p0 [sflag:s6], $0x20  }
0x28: {  	s9 =	sadd.s32 $0x1, s9;
	s31 =	rddreg [dreg:$0x15]  }
0x29: {  	p2 =	sne.s32 s9, s31  }
.Ltmp1:
0x2a: {  	_ = 	snop;
	(pc) =	sbr.rel @!p2 .LBB2_22-.Ltmp1, $3  }
0x2b: {  	_ =	sdelay $0x1  }
0x2c: {  	[sflag:s6] =	ssyncset.done @!p0 $0x0  }
0x2d: {  	[sflag:s6] =	ssyncadd.s32 @!p0 $0xFFFFFFE0  }
.LBB2_1:
0x2e: {  	[dreg:$0x16] =	wrdreg s9;
	s6 =	simm.s32 $0x40;
	s7 =	simm.s32 $0x0  }
.LBB2_2:
0x2f: {  	p2 =	sne.s32 s6, $0x9BC0;
	[tilespmem:s7+$0x8780] =	vst v1;
	s7 =	smov.u32 s6;
	s6 =	sadd.s32 $0x40, s6  }
.Ltmp2:
0x30: {  	(pc) =	sbr.rel @p2 .LBB2_2-.Ltmp2, $2  }
0x31: {  	_ =	sdelay $0x2  }
0x32: {  	s7 =	sshra.s32 s7, $0x2  }
0x33: {  	[tilespmem:s7+$0x8780] =	vst v1;
	s6 =	simm.s32 $0x8780  }
0x34: {  	[spmem:s16] =	stream.linear.scatter [tilespmem:s6], [sflag:$0xD], $0x2700, $0x38;
	[tilespmem:$0xD590] =	vst v63  }
0x35: {  	_ =	swait.ge [sflag:s21], $0x2700  }
0x36: {  	[sflag:s21] =	ssyncset.done $0x0  }
0x37: {  	s6 =	simm.s32 @!p0 $0x8780;
	[sflag:s21] =	ssyncadd.s32 $0xFFFFD900  }
0x38: {  	[spmem:s20] =	stream.linear.scatter @!p0 [tilespmem:s6], [sflag:$0xD], $0x100, $0x38;
	[tilespmem:$0xD590] =	vst v63  }
0x39: {  	s6 =	simm.s32 @!p0 $0xD  }
0x3a: {  	_ =	swait.ge @!p0 [sflag:s6], $0x100  }
0x3b: {  	[sflag:s6] =	ssyncset.done @!p0 $0x0  }
0x3c: {  	[sflag:s6] =	ssyncadd.s32 @!p0 $0xFFFFFF00  }
0x3d: {  	[bflag:$0x0] =	sbarrier.arrive $0xFFFF  }
0x3e: {  	s8 =	simm.s32 $0x0;
	s29 =	rddreg [dreg:$0x8]  }
0x3f: {  	[tilespmem:s8], [sflag:$0xD] =	stream.linear.gather [hbm4b:s29+s8], $0x2700, $0x38;
	[tilespmem:$0xD590] =	vst v63  }
0x40: {  	_ =	swait.ge [sflag:s21], $0x2700  }
0x41: {  	[sflag:s21] =	ssyncset.done $0x0  }
0x42: {  	s31 =	simm.s32 $0x2780;
	s30 =	rddreg [dreg:$0x6];
	[sflag:s21] =	ssyncadd.s32 $0xFFFFD900  }
0x43: {  	[tilespmem:s31], [sflag:$0x1] =	stream.linear.gather [hbm4b:s30+s8], $0x400, $0x38;
	[tilespmem:$0xD590] =	vst v63  }
0x44: {  	s9 =	simm.s32 $0x2B80;
	s7 =	rddreg [dreg:$0x9]  }
0x45: {  	[tilespmem:s9], [sflag:$0x1] =	stream.linear.gather [hbm4b:s7+s8], $0x400, $0x38;
	[tilespmem:$0xD590] =	vst v63  }
0x46: {  	s17 =	simm.s32 $0x2F80;
	s16 =	rddreg [dreg:$0xa]  }
0x47: {  	[tilespmem:s17], [sflag:$0x2] =	stream.linear.gather [hbm4b:s16+s8], $0x400, $0x38;
	[tilespmem:$0xD590] =	vst v63  }
0x48: {  	s20 =	rddreg [dreg:$0xb];
	s21 =	simm.s32 $0x3380  }
0x49: {  	[tilespmem:s21], [sflag:$0x2] =	stream.linear.gather [hbm4b:s20+s8], $0x400, $0x38;
	[tilespmem:$0xD590] =	vst v63  }
0x4a: {  	s29 =	simm.s32 $0x3780;
	s26 =	rddreg [dreg:$0xc]  }
0x4b: {  	[tilespmem:s29], [sflag:$0x3] =	stream.linear.gather [hbm4b:s26+s8], $0x400, $0x38;
	[tilespmem:$0xD590] =	vst v63  }
0x4c: {  	s30 =	rddreg [dreg:$0xd];
	s31 =	simm.s32 $0x3B80  }
0x4d: {  	[tilespmem:s31], [sflag:$0x3] =	stream.linear.gather [hbm4b:s30+s8], $0x400, $0x38;
	[tilespmem:$0xD590] =	vst v63  }
0x4e: {  	s8 =	simm.s32 $0x0  }
.LBB2_4:
0x4f: {  	s7 =	smul.u32 $0x6, s8;
	_ =	sdelay $0x1  }
0x50: {  	s31 =	sadd.s32 $0x3, s7  }
0x51: {  	s6 =	sadd.s32 s5, s31  }
0x52: {  	s6 =	sshll.u32 s6, $0x7  }
0x53: {  	s16 =	simm.s32 $0x3F80;
	s9 =	sadd.s32 s1, s6  }
0x54: {  	[tilespmem:s16], [sflag:$0x4] =	stream.linear.gather [hbm4b:s9+s4], $0x400, $0x38;
	[tilespmem:$0xD590] =	vst v63  }
0x55: {  	s20 =	simm.s32 $0x4380;
	s6 =	sadd.s32 s6, s15  }
0x56: {  	[tilespmem:s20], [sflag:$0x4] =	stream.linear.gather [hbm4b:s6+s4], $0x400, $0x38;
	[tilespmem:$0xD590] =	vst v63  }
0x57: {  	_ =	swait.ge [sflag:s2], $0x400  }
0x58: {  	[sflag:s2] =	ssyncset.done $0x0  }
0x59: {  	[sflag:s2] =	ssyncadd.s32 $0xFFFFFC00  }
0x5a: {  	_ =	swait.ge [sflag:s2], $0x400  }
0x5b: {  	p2 =	seq.s32 s8, $0x0;
	s21 =	simm.s32 $0x2;
	[sflag:s2] =	ssyncset.done $0x0  }
0x5c: {  	s26 =	simm.s32 $0x0;
	v9 =	vmov s21;
	s9 =	simm.s32 @!p2 $0x7;
	[sflag:s2] =	ssyncadd.s32 $0xFFFFFC00  }
0x5d: {  	v10 =	vmov s26;
	v9 =	vand.u32 $0xE, v9;
	_ =	swait.ge @!p2 [sflag:s9], $0x800  }
0x5e: {  	v10 =	vand.u32 $0xC, v10;
	v9 =	vbroadcast v9, $0x0;
	[sflag:s9] =	ssyncset.done @!p2 $0x0  }
0x5f: {  	s21 =	simm.s32 $0x2880;
	v10 =	vbroadcast v10, $0x0;
	[sflag:s9] =	ssyncadd.s32 @!p2 $0xFFFFF800  }
0x60: {  	v12 =	vor.u32 v0, v9;
	v11 =	vld [tilespmem:s21+$0x0]  }
0x61: {  	v14 =	vor.u32 v0, v10;
	v13 =	vld [tilespmem:s21+$0xFFFFFF00];
	_ =	sdelay $0x3  }
0x62: {  	[tilespmem:v12+s25+$0x0] =	vst.idx.msk $0xffff, v11  }
0x63: {  	[tilespmem:v14+s25+$0x0] =	vst.idx.msk $0xffff, v13;
	v12 =	vor.u32 v2, v9;
	v11 =	vld [tilespmem:s21+$0x10]  }
0x64: {  	v14 =	vor.u32 v2, v10;
	v13 =	vld [tilespmem:s21+$0xFFFFFF10];
	_ =	sdelay $0x3  }
0x65: {  	[tilespmem:v12+s25+$0x0] =	vst.idx.msk $0xffff, v11  }
0x66: {  	[tilespmem:v14+s25+$0x0] =	vst.idx.msk $0xffff, v13;
	v12 =	vor.u32 v3, v9;
	v11 =	vld [tilespmem:s21+$0x20]  }
0x67: {  	v14 =	vor.u32 v3, v10;
	v13 =	vld [tilespmem:s21+$0xFFFFFF20];
	_ =	sdelay $0x3  }
0x68: {  	[tilespmem:v12+s25+$0x0] =	vst.idx.msk $0xffff, v11  }
0x69: {  	[tilespmem:v14+s25+$0x0] =	vst.idx.msk $0xffff, v13;
	v12 =	vor.u32 v4, v9;
	v11 =	vld [tilespmem:s21+$0x30]  }
0x6a: {  	v14 =	vor.u32 v4, v10;
	v13 =	vld [tilespmem:s21+$0xFFFFFF30];
	_ =	sdelay $0x3  }
0x6b: {  	[tilespmem:v12+s25+$0x0] =	vst.idx.msk $0xffff, v11  }
0x6c: {  	[tilespmem:v14+s25+$0x0] =	vst.idx.msk $0xffff, v13;
	v12 =	vor.u32 v5, v9;
	v11 =	vld [tilespmem:s21+$0x40]  }
0x6d: {  	v14 =	vor.u32 v5, v10;
	v13 =	vld [tilespmem:s21+$0xFFFFFF40];
	_ =	sdelay $0x3  }
0x6e: {  	[tilespmem:v12+s25+$0x0] =	vst.idx.msk $0xffff, v11  }
0x6f: {  	[tilespmem:v14+s25+$0x0] =	vst.idx.msk $0xffff, v13;
	v12 =	vor.u32 v6, v9;
	v11 =	vld [tilespmem:s21+$0x50]  }
0x70: {  	v14 =	vor.u32 v6, v10;
	v13 =	vld [tilespmem:s21+$0xFFFFFF50];
	_ =	sdelay $0x3  }
0x71: {  	[tilespmem:v12+s25+$0x0] =	vst.idx.msk $0xffff, v11  }
0x72: {  	[tilespmem:v14+s25+$0x0] =	vst.idx.msk $0xffff, v13;
	v12 =	vor.u32 v7, v9;
	v11 =	vld [tilespmem:s21+$0x60]  }
0x73: {  	v14 =	vor.u32 v7, v10;
	v13 =	vld [tilespmem:s21+$0xFFFFFF60];
	_ =	sdelay $0x3  }
0x74: {  	s29 =	simm.s32 $0x3;
	[tilespmem:v12+s25+$0x0] =	vst.idx.msk $0xffff, v11  }
0x75: {  	v11 =	vmov s29;
	[tilespmem:v14+s25+$0x0] =	vst.idx.msk $0xffff, v13;
	v14 =	vor.u32 v8, v9;
	v13 =	vld [tilespmem:s21+$0x70]  }
0x76: {  	v12 =	vor.u32 v8, v10;
	v15 =	vand.u32 $0xF, v11;
	v11 =	vld [tilespmem:s21+$0xFFFFFF70]  }
0x77: {  	s30 =	simm.s32 $0x1  }
0x78: {  	s26 =	simm.s32 $0x8;
	v9 =	vmov s30  }
0x79: {  	s6 =	simm.s32 $0x6;
	s20 =	simm.s32 $0x2880;
	s9 =	simm.s32 $0x4;
	v10 =	vand.u32 $0xD, v9;
	v9 =	vbroadcast v15, $0x0  }
.LBB2_5:
0x7a: {  	p3 =	slt.u32 s26, $0xC;
	v15 =	vmov s6;
	v10 =	vbroadcast v10, $0x0;
	[tilespmem:v14+s25+$0x0] =	vst.idx.msk $0xffff, v13  }
0x7b: {  	v13 =	vmov s9;
	v14 =	vand.u32 $0xE, v15;
	[tilespmem:v12+s25+$0x0] =	vst.idx.msk $0xffff, v11;
	v15 =	vld [tilespmem:s21+$0x80];
	v16 =	vor.u32 v0, v9  }
0x7c: {  	v12 =	vand.u32 $0xC, v13;
	v11 =	vbroadcast v14, $0x0;
	v13 =	vld [tilespmem:s21+$0xFFFFFF80];
	v14 =	vor.u32 v0, v10  }
0x7d: {  	v12 =	vbroadcast v12, $0x0;
	s21 =	sadd.s32 $0x200, s21  }
0x7e: {  	v17 =	vld [tilespmem:s21+$0x0];
	v18 =	vor.u32 v0, v11  }
0x7f: {  	v20 =	vor.u32 v0, v12;
	v19 =	vld [tilespmem:s21+$0xFFFFFF00]  }
0x80: {  	[tilespmem:v16+s25+$0x0] =	vst.idx.msk $0xffff, v15  }
0x81: {  	[tilespmem:v14+s25+$0x0] =	vst.idx.msk $0xffff, v13;
	v13 =	vld [tilespmem:s20+$0x90];
	v14 =	vor.u32 v2, v9  }
0x82: {  	v16 =	vor.u32 v2, v10;
	v15 =	vld [tilespmem:s20+$0xFFFFFF90]  }
0x83: {  	[tilespmem:v18+s25+$0x0] =	vst.idx.msk $0xffff, v17  }
0x84: {  	v18 =	vor.u32 v2, v11;
	[tilespmem:v20+s25+$0x0] =	vst.idx.msk $0xffff, v19;
	v17 =	vld [tilespmem:s21+$0x10]  }
0x85: {  	v20 =	vor.u32 v2, v12;
	v19 =	vld [tilespmem:s21+$0xFFFFFF10]  }
0x86: {  	[tilespmem:v14+s25+$0x0] =	vst.idx.msk $0xffff, v13  }
0x87: {  	v14 =	vor.u32 v3, v9;
	[tilespmem:v16+s25+$0x0] =	vst.idx.msk $0xffff, v15;
	v13 =	vld [tilespmem:s20+$0xA0]  }
0x88: {  	v16 =	vor.u32 v3, v10;
	v15 =	vld [tilespmem:s20+$0xFFFFFFA0]  }
0x89: {  	[tilespmem:v18+s25+$0x0] =	vst.idx.msk $0xffff, v17  }
0x8a: {  	v18 =	vor.u32 v3, v11;
	[tilespmem:v20+s25+$0x0] =	vst.idx.msk $0xffff, v19;
	v17 =	vld [tilespmem:s21+$0x20]  }
0x8b: {  	v20 =	vor.u32 v3, v12;
	v19 =	vld [tilespmem:s21+$0xFFFFFF20]  }
0x8c: {  	[tilespmem:v14+s25+$0x0] =	vst.idx.msk $0xffff, v13  }
0x8d: {  	v14 =	vor.u32 v4, v9;
	[tilespmem:v16+s25+$0x0] =	vst.idx.msk $0xffff, v15;
	v13 =	vld [tilespmem:s20+$0xB0]  }
0x8e: {  	v16 =	vor.u32 v4, v10;
	v15 =	vld [tilespmem:s20+$0xFFFFFFB0]  }
0x8f: {  	[tilespmem:v18+s25+$0x0] =	vst.idx.msk $0xffff, v17  }
0x90: {  	v18 =	vor.u32 v4, v11;
	[tilespmem:v20+s25+$0x0] =	vst.idx.msk $0xffff, v19;
	v17 =	vld [tilespmem:s21+$0x30]  }
0x91: {  	v20 =	vor.u32 v4, v12;
	v19 =	vld [tilespmem:s21+$0xFFFFFF30]  }
0x92: {  	[tilespmem:v14+s25+$0x0] =	vst.idx.msk $0xffff, v13  }
0x93: {  	v14 =	vor.u32 v5, v9;
	[tilespmem:v16+s25+$0x0] =	vst.idx.msk $0xffff, v15;
	v13 =	vld [tilespmem:s20+$0xC0]  }
0x94: {  	v16 =	vor.u32 v5, v10;
	v15 =	vld [tilespmem:s20+$0xFFFFFFC0]  }
0x95: {  	[tilespmem:v18+s25+$0x0] =	vst.idx.msk $0xffff, v17  }
0x96: {  	v18 =	vor.u32 v5, v11;
	[tilespmem:v20+s25+$0x0] =	vst.idx.msk $0xffff, v19;
	v17 =	vld [tilespmem:s21+$0x40]  }
0x97: {  	v20 =	vor.u32 v5, v12;
	v19 =	vld [tilespmem:s21+$0xFFFFFF40]  }
0x98: {  	[tilespmem:v14+s25+$0x0] =	vst.idx.msk $0xffff, v13  }
0x99: {  	v14 =	vor.u32 v6, v9;
	[tilespmem:v16+s25+$0x0] =	vst.idx.msk $0xffff, v15;
	v13 =	vld [tilespmem:s20+$0xD0]  }
0x9a: {  	v16 =	vor.u32 v6, v10;
	v15 =	vld [tilespmem:s20+$0xFFFFFFD0]  }
0x9b: {  	[tilespmem:v18+s25+$0x0] =	vst.idx.msk $0xffff, v17  }
0x9c: {  	v18 =	vor.u32 v6, v11;
	[tilespmem:v20+s25+$0x0] =	vst.idx.msk $0xffff, v19;
	v17 =	vld [tilespmem:s21+$0x50]  }
0x9d: {  	v20 =	vor.u32 v6, v12;
	v19 =	vld [tilespmem:s21+$0xFFFFFF50]  }
0x9e: {  	[tilespmem:v14+s25+$0x0] =	vst.idx.msk $0xffff, v13  }
0x9f: {  	v14 =	vor.u32 v7, v9;
	[tilespmem:v16+s25+$0x0] =	vst.idx.msk $0xffff, v15;
	v13 =	vld [tilespmem:s20+$0xE0]  }
0xa0: {  	v16 =	vor.u32 v7, v10;
	v15 =	vld [tilespmem:s20+$0xFFFFFFE0]  }
0xa1: {  	[tilespmem:v18+s25+$0x0] =	vst.idx.msk $0xffff, v17  }
0xa2: {  	v18 =	vor.u32 v7, v11;
	[tilespmem:v20+s25+$0x0] =	vst.idx.msk $0xffff, v19;
	v17 =	vld [tilespmem:s21+$0x60]  }
0xa3: {  	v20 =	vor.u32 v7, v12;
	v19 =	vld [tilespmem:s21+$0xFFFFFF60]  }
0xa4: {  	[tilespmem:v14+s25+$0x0] =	vst.idx.msk $0xffff, v13  }
0xa5: {  	v9 =	vor.u32 v8, v9;
	[tilespmem:v16+s25+$0x0] =	vst.idx.msk $0xffff, v15;
	v15 =	vld [tilespmem:s20+$0xF0]  }
0xa6: {  	v10 =	vor.u32 v8, v10;
	v16 =	vld [tilespmem:s20+$0xFFFFFFF0];
	s20 =	smov.u32 s21  }
0xa7: {  	[tilespmem:v18+s25+$0x0] =	vst.idx.msk $0xffff, v17  }
.Ltmp3:
0xa8: {  	v14 =	vor.u32 v8, v11;
	[tilespmem:v20+s25+$0x0] =	vst.idx.msk $0xffff, v19;
	v13 =	vld [tilespmem:s21+$0x70];
	(pc) =	sbr.rel @p3 .LBB2_5-.Ltmp3, $4  }
0xa9: {  	s6 =	sadd.s32 $0x3, s9;
	v12 =	vor.u32 v8, v12;
	v11 =	vld [tilespmem:s21+$0xFFFFFF70]  }
0xaa: {  	s16 =	sadd.s32 $0x1, s9;
	s9 =	smov.u32 s26;
	v17 =	vmov s6;
	[tilespmem:v9+s25+$0x0] =	vst.idx.msk $0xffff, v15  }
0xab: {  	v9 =	vmov s16;
	v15 =	vand.u32 $0xF, v17;
	[tilespmem:v10+s25+$0x0] =	vst.idx.msk $0xffff, v16  }
0xac: {  	s26 =	sadd.s32 $0x4, s26;
	s6 =	sadd.s32 $0x2, s9;
	v10 =	vand.u32 $0xD, v9;
	v9 =	vbroadcast v15, $0x0  }
0xad: {  	v15 =	vmov s6  }
0xae: {  	v16 =	vmov s9;
	v15 =	vand.u32 $0xE, v15  }
0xaf: {  	v16 =	vand.u32 $0xC, v16;
	v15 =	vbroadcast v15, $0x0  }
0xb0: {  	s17 =	sadd.s32 $0x200, s21;
	v16 =	vbroadcast v16, $0x0  }
0xb1: {  	v17 =	vld [tilespmem:s17+$0x0];
	v18 =	vor.u32 v0, v15  }
0xb2: {  	v19 =	vld [tilespmem:s17+$0xFFFFFF00];
	v20 =	vor.u32 v0, v16;
	_ =	sdelay $0x3  }
0xb3: {  	[tilespmem:v18+s25+$0x0] =	vst.idx.msk $0xffff, v17  }
0xb4: {  	v26 =	vor.u32 v2, v15;
	[tilespmem:v20+s25+$0x0] =	vst.idx.msk $0xffff, v19;
	v17 =	vld [tilespmem:s17+$0x10]  }
0xb5: {  	v27 =	vor.u32 v2, v16;
	v19 =	vld [tilespmem:s17+$0xFFFFFF10];
	_ =	sdelay $0x3  }
0xb6: {  	[tilespmem:v26+s25+$0x0] =	vst.idx.msk $0xffff, v17  }
0xb7: {  	v28 =	vor.u32 v3, v15;
	[tilespmem:v27+s25+$0x0] =	vst.idx.msk $0xffff, v19;
	v17 =	vld [tilespmem:s17+$0x20]  }
0xb8: {  	v29 =	vor.u32 v3, v16;
	v19 =	vld [tilespmem:s17+$0xFFFFFF20];
	_ =	sdelay $0x3  }
0xb9: {  	[tilespmem:v28+s25+$0x0] =	vst.idx.msk $0xffff, v17  }
0xba: {  	v30 =	vor.u32 v4, v15;
	[tilespmem:v29+s25+$0x0] =	vst.idx.msk $0xffff, v19;
	v17 =	vld [tilespmem:s17+$0x30]  }
0xbb: {  	v31 =	vor.u32 v4, v16;
	v19 =	vld [tilespmem:s17+$0xFFFFFF30];
	_ =	sdelay $0x3  }
0xbc: {  	[tilespmem:v30+s25+$0x0] =	vst.idx.msk $0xffff, v17  }
0xbd: {  	v32 =	vor.u32 v5, v15;
	[tilespmem:v31+s25+$0x0] =	vst.idx.msk $0xffff, v19;
	v17 =	vld [tilespmem:s17+$0x40]  }
0xbe: {  	v33 =	vor.u32 v5, v16;
	v19 =	vld [tilespmem:s17+$0xFFFFFF40];
	_ =	sdelay $0x3  }
0xbf: {  	[tilespmem:v32+s25+$0x0] =	vst.idx.msk $0xffff, v17  }
0xc0: {  	v34 =	vor.u32 v6, v15;
	[tilespmem:v33+s25+$0x0] =	vst.idx.msk $0xffff, v19;
	v17 =	vld [tilespmem:s17+$0x50]  }
0xc1: {  	v35 =	vor.u32 v6, v16;
	v19 =	vld [tilespmem:s17+$0xFFFFFF50];
	_ =	sdelay $0x3  }
0xc2: {  	[tilespmem:v34+s25+$0x0] =	vst.idx.msk $0xffff, v17  }
0xc3: {  	v36 =	vor.u32 v7, v15;
	[tilespmem:v35+s25+$0x0] =	vst.idx.msk $0xffff, v19;
	v17 =	vld [tilespmem:s17+$0x60]  }
0xc4: {  	v37 =	vor.u32 v7, v16;
	v19 =	vld [tilespmem:s17+$0xFFFFFF60];
	_ =	sdelay $0x3  }
0xc5: {  	[tilespmem:v36+s25+$0x0] =	vst.idx.msk $0xffff, v17  }
0xc6: {  	v15 =	vor.u32 v8, v15;
	[tilespmem:v37+s25+$0x0] =	vst.idx.msk $0xffff, v19;
	v17 =	vld [tilespmem:s17+$0x70]  }
0xc7: {  	s16 =	sadd.s32 $0x3, s9;
	v16 =	vor.u32 v8, v16;
	v38 =	vld [tilespmem:s17+$0xFFFFFF70]  }
0xc8: {  	s26 =	sadd.s32 $0x1, s9;
	v39 =	vmov s16  }
0xc9: {  	v10 =	vbroadcast v10, $0x0;
	[tilespmem:v14+s25+$0x0] =	vst.idx.msk $0xffff, v13;
	v13 =	vmov s26;
	v14 =	vand.u32 $0xF, v39  }
0xca: {  	[tilespmem:v12+s25+$0x0] =	vst.idx.msk $0xffff, v11;
	v11 =	vld [tilespmem:s21+$0x80];
	v12 =	vor.u32 v0, v9;
	v13 =	vand.u32 $0xD, v13;
	v14 =	vbroadcast v14, $0x0  }
0xcb: {  	v40 =	vld [tilespmem:s21+$0xFFFFFF80];
	v41 =	vor.u32 v0, v10;
	v13 =	vbroadcast v13, $0x0;
	[tilespmem:v15+s25+$0x0] =	vst.idx.msk $0xffff, v17  }
0xcc: {  	v42 =	vor.u32 v0, v14;
	[tilespmem:v16+s25+$0x0] =	vst.idx.msk $0xffff, v38;
	v15 =	vld [tilespmem:s17+$0x80]  }
0xcd: {  	v44 =	vor.u32 v0, v13;
	v43 =	vld [tilespmem:s17+$0xFFFFFF80];
	_ =	sdelay $0x1  }
0xce: {  	[tilespmem:v12+s25+$0x0] =	vst.idx.msk $0xffff, v11  }
0xcf: {  	v12 =	vor.u32 v2, v9;
	[tilespmem:v41+s25+$0x0] =	vst.idx.msk $0xffff, v40;
	v11 =	vld [tilespmem:s20+$0x90]  }
0xd0: {  	v45 =	vor.u32 v2, v10;
	v19 =	vld [tilespmem:s20+$0xFFFFFF90];
	[tilespmem:v42+s25+$0x0] =	vst.idx.msk $0xffff, v15  }
0xd1: {  	v46 =	vor.u32 v2, v14;
	[tilespmem:v44+s25+$0x0] =	vst.idx.msk $0xffff, v43;
	v15 =	vld [tilespmem:s17+$0x90]  }
0xd2: {  	v47 =	vor.u32 v2, v13;
	v17 =	vld [tilespmem:s17+$0xFFFFFF90];
	_ =	sdelay $0x1  }
0xd3: {  	[tilespmem:v12+s25+$0x0] =	vst.idx.msk $0xffff, v11  }
0xd4: {  	v12 =	vor.u32 v3, v9;
	v11 =	vld [tilespmem:s20+$0xA0];
	[tilespmem:v45+s25+$0x0] =	vst.idx.msk $0xffff, v19  }
0xd5: {  	v48 =	vor.u32 v3, v10;
	v19 =	vld [tilespmem:s20+$0xFFFFFFA0];
	[tilespmem:v46+s25+$0x0] =	vst.idx.msk $0xffff, v15  }
0xd6: {  	v49 =	vor.u32 v3, v14;
	[tilespmem:v47+s25+$0x0] =	vst.idx.msk $0xffff, v17;
	v15 =	vld [tilespmem:s17+$0xA0]  }
0xd7: {  	v50 =	vor.u32 v3, v13;
	v17 =	vld [tilespmem:s17+$0xFFFFFFA0];
	_ =	sdelay $0x1  }
0xd8: {  	[tilespmem:v12+s25+$0x0] =	vst.idx.msk $0xffff, v11  }
0xd9: {  	v12 =	vor.u32 v4, v9;
	v11 =	vld [tilespmem:s20+$0xB0];
	[tilespmem:v48+s25+$0x0] =	vst.idx.msk $0xffff, v19  }
0xda: {  	v51 =	vor.u32 v4, v10;
	v19 =	vld [tilespmem:s20+$0xFFFFFFB0];
	[tilespmem:v49+s25+$0x0] =	vst.idx.msk $0xffff, v15  }
0xdb: {  	v52 =	vor.u32 v4, v14;
	[tilespmem:v50+s25+$0x0] =	vst.idx.msk $0xffff, v17;
	v15 =	vld [tilespmem:s17+$0xB0]  }
0xdc: {  	v53 =	vor.u32 v4, v13;
	v17 =	vld [tilespmem:s17+$0xFFFFFFB0];
	_ =	sdelay $0x1  }
0xdd: {  	[tilespmem:v12+s25+$0x0] =	vst.idx.msk $0xffff, v11  }
0xde: {  	v12 =	vor.u32 v5, v9;
	v11 =	vld [tilespmem:s20+$0xC0];
	[tilespmem:v51+s25+$0x0] =	vst.idx.msk $0xffff, v19  }
0xdf: {  	v54 =	vor.u32 v5, v10;
	v19 =	vld [tilespmem:s20+$0xFFFFFFC0];
	[tilespmem:v52+s25+$0x0] =	vst.idx.msk $0xffff, v15  }
0xe0: {  	v55 =	vor.u32 v5, v14;
	[tilespmem:v53+s25+$0x0] =	vst.idx.msk $0xffff, v17;
	v15 =	vld [tilespmem:s17+$0xC0]  }
0xe1: {  	v56 =	vor.u32 v5, v13;
	v17 =	vld [tilespmem:s17+$0xFFFFFFC0];
	_ =	sdelay $0x1  }
0xe2: {  	[tilespmem:v12+s25+$0x0] =	vst.idx.msk $0xffff, v11  }
0xe3: {  	v12 =	vor.u32 v6, v9;
	v11 =	vld [tilespmem:s20+$0xD0];
	[tilespmem:v54+s25+$0x0] =	vst.idx.msk $0xffff, v19  }
0xe4: {  	v57 =	vor.u32 v6, v10;
	v19 =	vld [tilespmem:s20+$0xFFFFFFD0];
	[tilespmem:v55+s25+$0x0] =	vst.idx.msk $0xffff, v15  }
0xe5: {  	v58 =	vor.u32 v6, v14;
	[tilespmem:v56+s25+$0x0] =	vst.idx.msk $0xffff, v17;
	v15 =	vld [tilespmem:s17+$0xD0]  }
0xe6: {  	v59 =	vor.u32 v6, v13;
	v17 =	vld [tilespmem:s17+$0xFFFFFFD0];
	_ =	sdelay $0x1  }
0xe7: {  	[tilespmem:v12+s25+$0x0] =	vst.idx.msk $0xffff, v11  }
0xe8: {  	v12 =	vor.u32 v7, v9;
	v11 =	vld [tilespmem:s20+$0xE0];
	[tilespmem:v57+s25+$0x0] =	vst.idx.msk $0xffff, v19  }
0xe9: {  	v60 =	vor.u32 v7, v10;
	v19 =	vld [tilespmem:s20+$0xFFFFFFE0];
	[tilespmem:v58+s25+$0x0] =	vst.idx.msk $0xffff, v15  }
0xea: {  	v61 =	vor.u32 v7, v14;
	[tilespmem:v59+s25+$0x0] =	vst.idx.msk $0xffff, v17;
	v15 =	vld [tilespmem:s17+$0xE0]  }
0xeb: {  	v62 =	vor.u32 v7, v13;
	v17 =	vld [tilespmem:s17+$0xFFFFFFE0];
	_ =	sdelay $0x1  }
0xec: {  	[tilespmem:v12+s25+$0x0] =	vst.idx.msk $0xffff, v11  }
0xed: {  	v9 =	vor.u32 v8, v9;
	v11 =	vld [tilespmem:s20+$0xF0];
	[tilespmem:v60+s25+$0x0] =	vst.idx.msk $0xffff, v19  }
0xee: {  	v10 =	vor.u32 v8, v10;
	v12 =	vld [tilespmem:s20+$0xFFFFFFF0];
	[tilespmem:v61+s25+$0x0] =	vst.idx.msk $0xffff, v15  }
0xef: {  	v14 =	vor.u32 v8, v14;
	[tilespmem:v62+s25+$0x0] =	vst.idx.msk $0xffff, v17;
	v15 =	vld [tilespmem:s17+$0xF0]  }
0xf0: {  	v13 =	vor.u32 v8, v13;
	v63 =	vld [tilespmem:s17+$0xFFFFFFF0];
	_ =	sdelay $0x1  }
0xf1: {  	[tilespmem:v9+s25+$0x0] =	vst.idx.msk $0xffff, v11  }
0xf2: {  	s30 =	sadd.s32 $0x4, s7;
	s16 =	smul.u32 $0xC00, s8;
	[tilespmem:v10+s25+$0x0] =	vst.idx.msk $0xffff, v12  }
0xf3: {  	s17 =	sadd.s32 s5, s30;
	[tilespmem:v14+s25+$0x0] =	vst.idx.msk $0xffff, v15  }
0xf4: {  	s20 =	sshra.s32 s16, $0x2;
	s6 =	sshll.u32 s17, $0x7;
	[tilespmem:v13+s25+$0x0] =	vst.idx.msk $0xffff, v63  }
0xf5: {  	[spmem:s3] =	stream.indirect.scatter.add.f32 [tilespmem:s25], [sflag:$0x7], $0x10, s20, s19, $0xb8;
	[tilespmem:$0xD590] =	vst v63  }
0xf6: {  	s26 =	simm.s32 $0x4780;
	s21 =	sadd.s32 s1, s6  }
0xf7: {  	[tilespmem:s26], [sflag:$0x5] =	stream.linear.gather [hbm4b:s21+s4], $0x400, $0x38;
	[tilespmem:$0xD590] =	vst v63  }
0xf8: {  	s17 =	simm.s32 $0x4B80;
	s6 =	sadd.s32 s6, s15  }
0xf9: {  	[tilespmem:s17], [sflag:$0x5] =	stream.linear.gather [hbm4b:s6+s4], $0x400, $0x38;
	[tilespmem:$0xD590] =	vst v63  }
0xfa: {  	_ =	swait.ge [sflag:s0], $0x400  }
0xfb: {  	[sflag:s0] =	ssyncset.done $0x0  }
0xfc: {  	[sflag:s0] =	ssyncadd.s32 $0xFFFFFC00  }
0xfd: {  	_ =	swait.ge [sflag:s0], $0x400  }
0xfe: {  	s21 =	simm.s32 $0x2;
	[sflag:s0] =	ssyncset.done $0x0  }
0xff: {  	s9 =	simm.s32 @!p2 $0x8;
	s26 =	simm.s32 $0x0;
	v9 =	vmov s21;
	[sflag:s0] =	ssyncadd.s32 $0xFFFFFC00  }
0x100: {  	v10 =	vmov s26;
	v9 =	vand.u32 $0xE, v9;
	_ =	swait.ge @!p2 [sflag:s9], $0x800  }
0x101: {  	v10 =	vand.u32 $0xC, v10;
	v9 =	vbroadcast v9, $0x0;
	[sflag:s9] =	ssyncset.done @!p2 $0x0  }
0x102: {  	s21 =	simm.s32 $0x3080;
	v10 =	vbroadcast v10, $0x0;
	[sflag:s9] =	ssyncadd.s32 @!p2 $0xFFFFF800  }
0x103: {  	v12 =	vor.u32 v0, v9;
	v11 =	vld [tilespmem:s21+$0x0]  }
0x104: {  	v14 =	vor.u32 v0, v10;
	v13 =	vld [tilespmem:s21+$0xFFFFFF00];
	_ =	sdelay $0x3  }
0x105: {  	[tilespmem:v12+s28+$0x0] =	vst.idx.msk $0xffff, v11  }
0x106: {  	[tilespmem:v14+s28+$0x0] =	vst.idx.msk $0xffff, v13;
	v12 =	vor.u32 v2, v9;
	v11 =	vld [tilespmem:s21+$0x10]  }
0x107: {  	v14 =	vor.u32 v2, v10;
	v13 =	vld [tilespmem:s21+$0xFFFFFF10];
	_ =	sdelay $0x3  }
0x108: {  	[tilespmem:v12+s28+$0x0] =	vst.idx.msk $0xffff, v11  }
0x109: {  	[tilespmem:v14+s28+$0x0] =	vst.idx.msk $0xffff, v13;
	v12 =	vor.u32 v3, v9;
	v11 =	vld [tilespmem:s21+$0x20]  }
0x10a: {  	v14 =	vor.u32 v3, v10;
	v13 =	vld [tilespmem:s21+$0xFFFFFF20];
	_ =	sdelay $0x3  }
0x10b: {  	[tilespmem:v12+s28+$0x0] =	vst.idx.msk $0xffff, v11  }
0x10c: {  	[tilespmem:v14+s28+$0x0] =	vst.idx.msk $0xffff, v13;
	v12 =	vor.u32 v4, v9;
	v11 =	vld [tilespmem:s21+$0x30]  }
0x10d: {  	v14 =	vor.u32 v4, v10;
	v13 =	vld [tilespmem:s21+$0xFFFFFF30];
	_ =	sdelay $0x3  }
0x10e: {  	[tilespmem:v12+s28+$0x0] =	vst.idx.msk $0xffff, v11  }
0x10f: {  	[tilespmem:v14+s28+$0x0] =	vst.idx.msk $0xffff, v13;
	v12 =	vor.u32 v5, v9;
	v11 =	vld [tilespmem:s21+$0x40]  }
0x110: {  	v14 =	vor.u32 v5, v10;
	v13 =	vld [tilespmem:s21+$0xFFFFFF40];
	_ =	sdelay $0x3  }
0x111: {  	[tilespmem:v12+s28+$0x0] =	vst.idx.msk $0xffff, v11  }
0x112: {  	[tilespmem:v14+s28+$0x0] =	vst.idx.msk $0xffff, v13;
	v12 =	vor.u32 v6, v9;
	v11 =	vld [tilespmem:s21+$0x50]  }
0x113: {  	v14 =	vor.u32 v6, v10;
	v13 =	vld [tilespmem:s21+$0xFFFFFF50];
	_ =	sdelay $0x3  }
0x114: {  	[tilespmem:v12+s28+$0x0] =	vst.idx.msk $0xffff, v11  }
0x115: {  	[tilespmem:v14+s28+$0x0] =	vst.idx.msk $0xffff, v13;
	v12 =	vor.u32 v7, v9;
	v11 =	vld [tilespmem:s21+$0x60]  }
0x116: {  	v14 =	vor.u32 v7, v10;
	v13 =	vld [tilespmem:s21+$0xFFFFFF60];
	_ =	sdelay $0x3  }
0x117: {  	s17 =	simm.s32 $0x3;
	[tilespmem:v12+s28+$0x0] =	vst.idx.msk $0xffff, v11  }
0x118: {  	v11 =	vmov s17;
	[tilespmem:v14+s28+$0x0] =	vst.idx.msk $0xffff, v13;
	v14 =	vor.u32 v8, v9;
	v13 =	vld [tilespmem:s21+$0x70]  }
0x119: {  	v12 =	vor.u32 v8, v10;
	v15 =	vand.u32 $0xF, v11;
	v11 =	vld [tilespmem:s21+$0xFFFFFF70]  }
0x11a: {  	s26 =	simm.s32 $0x1  }
0x11b: {  	s29 =	simm.s32 $0x8;
	v9 =	vmov s26  }
0x11c: {  	s6 =	simm.s32 $0x6;
	s9 =	simm.s32 $0x4;
	s26 =	simm.s32 $0x3080;
	v10 =	vand.u32 $0xD, v9;
	v9 =	vbroadcast v15, $0x0  }
.LBB2_7:
0x11d: {  	p3 =	slt.u32 s29, $0xC;
	v15 =	vmov s6;
	v10 =	vbroadcast v10, $0x0;
	[tilespmem:v14+s28+$0x0] =	vst.idx.msk $0xffff, v13  }
0x11e: {  	v13 =	vmov s9;
	v14 =	vand.u32 $0xE, v15;
	[tilespmem:v12+s28+$0x0] =	vst.idx.msk $0xffff, v11;
	v15 =	vld [tilespmem:s21+$0x80];
	v16 =	vor.u32 v0, v9  }
0x11f: {  	v12 =	vand.u32 $0xC, v13;
	v11 =	vbroadcast v14, $0x0;
	v13 =	vld [tilespmem:s21+$0xFFFFFF80];
	v14 =	vor.u32 v0, v10  }
0x120: {  	v12 =	vbroadcast v12, $0x0;
	s21 =	sadd.s32 $0x200, s21  }
0x121: {  	v17 =	vld [tilespmem:s21+$0x0];
	v18 =	vor.u32 v0, v11  }
0x122: {  	v20 =	vor.u32 v0, v12;
	v19 =	vld [tilespmem:s21+$0xFFFFFF00]  }
0x123: {  	[tilespmem:v16+s28+$0x0] =	vst.idx.msk $0xffff, v15  }
0x124: {  	[tilespmem:v14+s28+$0x0] =	vst.idx.msk $0xffff, v13;
	v13 =	vld [tilespmem:s26+$0x90];
	v14 =	vor.u32 v2, v9  }
0x125: {  	v16 =	vor.u32 v2, v10;
	v15 =	vld [tilespmem:s26+$0xFFFFFF90]  }
0x126: {  	[tilespmem:v18+s28+$0x0] =	vst.idx.msk $0xffff, v17  }
0x127: {  	v18 =	vor.u32 v2, v11;
	[tilespmem:v20+s28+$0x0] =	vst.idx.msk $0xffff, v19;
	v17 =	vld [tilespmem:s21+$0x10]  }
0x128: {  	v20 =	vor.u32 v2, v12;
	v19 =	vld [tilespmem:s21+$0xFFFFFF10]  }
0x129: {  	[tilespmem:v14+s28+$0x0] =	vst.idx.msk $0xffff, v13  }
0x12a: {  	v14 =	vor.u32 v3, v9;
	[tilespmem:v16+s28+$0x0] =	vst.idx.msk $0xffff, v15;
	v13 =	vld [tilespmem:s26+$0xA0]  }
0x12b: {  	v16 =	vor.u32 v3, v10;
	v15 =	vld [tilespmem:s26+$0xFFFFFFA0]  }
0x12c: {  	[tilespmem:v18+s28+$0x0] =	vst.idx.msk $0xffff, v17  }
0x12d: {  	v18 =	vor.u32 v3, v11;
	[tilespmem:v20+s28+$0x0] =	vst.idx.msk $0xffff, v19;
	v17 =	vld [tilespmem:s21+$0x20]  }
0x12e: {  	v20 =	vor.u32 v3, v12;
	v19 =	vld [tilespmem:s21+$0xFFFFFF20]  }
0x12f: {  	[tilespmem:v14+s28+$0x0] =	vst.idx.msk $0xffff, v13  }
0x130: {  	v14 =	vor.u32 v4, v9;
	[tilespmem:v16+s28+$0x0] =	vst.idx.msk $0xffff, v15;
	v13 =	vld [tilespmem:s26+$0xB0]  }
0x131: {  	v16 =	vor.u32 v4, v10;
	v15 =	vld [tilespmem:s26+$0xFFFFFFB0]  }
0x132: {  	[tilespmem:v18+s28+$0x0] =	vst.idx.msk $0xffff, v17  }
0x133: {  	v18 =	vor.u32 v4, v11;
	[tilespmem:v20+s28+$0x0] =	vst.idx.msk $0xffff, v19;
	v17 =	vld [tilespmem:s21+$0x30]  }
0x134: {  	v20 =	vor.u32 v4, v12;
	v19 =	vld [tilespmem:s21+$0xFFFFFF30]  }
0x135: {  	[tilespmem:v14+s28+$0x0] =	vst.idx.msk $0xffff, v13  }
0x136: {  	v14 =	vor.u32 v5, v9;
	[tilespmem:v16+s28+$0x0] =	vst.idx.msk $0xffff, v15;
	v13 =	vld [tilespmem:s26+$0xC0]  }
0x137: {  	v16 =	vor.u32 v5, v10;
	v15 =	vld [tilespmem:s26+$0xFFFFFFC0]  }
0x138: {  	[tilespmem:v18+s28+$0x0] =	vst.idx.msk $0xffff, v17  }
0x139: {  	v18 =	vor.u32 v5, v11;
	[tilespmem:v20+s28+$0x0] =	vst.idx.msk $0xffff, v19;
	v17 =	vld [tilespmem:s21+$0x40]  }
0x13a: {  	v20 =	vor.u32 v5, v12;
	v19 =	vld [tilespmem:s21+$0xFFFFFF40]  }
0x13b: {  	[tilespmem:v14+s28+$0x0] =	vst.idx.msk $0xffff, v13  }
0x13c: {  	v14 =	vor.u32 v6, v9;
	[tilespmem:v16+s28+$0x0] =	vst.idx.msk $0xffff, v15;
	v13 =	vld [tilespmem:s26+$0xD0]  }
0x13d: {  	v16 =	vor.u32 v6, v10;
	v15 =	vld [tilespmem:s26+$0xFFFFFFD0]  }
0x13e: {  	[tilespmem:v18+s28+$0x0] =	vst.idx.msk $0xffff, v17  }
0x13f: {  	v18 =	vor.u32 v6, v11;
	[tilespmem:v20+s28+$0x0] =	vst.idx.msk $0xffff, v19;
	v17 =	vld [tilespmem:s21+$0x50]  }
0x140: {  	v20 =	vor.u32 v6, v12;
	v19 =	vld [tilespmem:s21+$0xFFFFFF50]  }
0x141: {  	[tilespmem:v14+s28+$0x0] =	vst.idx.msk $0xffff, v13  }
0x142: {  	v14 =	vor.u32 v7, v9;
	[tilespmem:v16+s28+$0x0] =	vst.idx.msk $0xffff, v15;
	v13 =	vld [tilespmem:s26+$0xE0]  }
0x143: {  	v16 =	vor.u32 v7, v10;
	v15 =	vld [tilespmem:s26+$0xFFFFFFE0]  }
0x144: {  	[tilespmem:v18+s28+$0x0] =	vst.idx.msk $0xffff, v17  }
0x145: {  	v18 =	vor.u32 v7, v11;
	[tilespmem:v20+s28+$0x0] =	vst.idx.msk $0xffff, v19;
	v17 =	vld [tilespmem:s21+$0x60]  }
0x146: {  	v20 =	vor.u32 v7, v12;
	v19 =	vld [tilespmem:s21+$0xFFFFFF60]  }
0x147: {  	[tilespmem:v14+s28+$0x0] =	vst.idx.msk $0xffff, v13  }
0x148: {  	v9 =	vor.u32 v8, v9;
	[tilespmem:v16+s28+$0x0] =	vst.idx.msk $0xffff, v15;
	v15 =	vld [tilespmem:s26+$0xF0]  }
0x149: {  	v10 =	vor.u32 v8, v10;
	v16 =	vld [tilespmem:s26+$0xFFFFFFF0];
	s26 =	smov.u32 s21  }
0x14a: {  	[tilespmem:v18+s28+$0x0] =	vst.idx.msk $0xffff, v17  }
.Ltmp4:
0x14b: {  	v14 =	vor.u32 v8, v11;
	[tilespmem:v20+s28+$0x0] =	vst.idx.msk $0xffff, v19;
	v13 =	vld [tilespmem:s21+$0x70];
	(pc) =	sbr.rel @p3 .LBB2_7-.Ltmp4, $4  }
0x14c: {  	s6 =	sadd.s32 $0x3, s9;
	v12 =	vor.u32 v8, v12;
	v11 =	vld [tilespmem:s21+$0xFFFFFF70]  }
0x14d: {  	s16 =	sadd.s32 $0x1, s9;
	s9 =	smov.u32 s29;
	v17 =	vmov s6;
	[tilespmem:v9+s28+$0x0] =	vst.idx.msk $0xffff, v15  }
0x14e: {  	v9 =	vmov s16;
	v15 =	vand.u32 $0xF, v17;
	[tilespmem:v10+s28+$0x0] =	vst.idx.msk $0xffff, v16  }
0x14f: {  	s29 =	sadd.s32 $0x4, s29;
	s6 =	sadd.s32 $0x2, s9;
	v10 =	vand.u32 $0xD, v9;
	v9 =	vbroadcast v15, $0x0  }
0x150: {  	v15 =	vmov s6  }
0x151: {  	v16 =	vmov s9;
	v15 =	vand.u32 $0xE, v15  }
0x152: {  	v16 =	vand.u32 $0xC, v16;
	v15 =	vbroadcast v15, $0x0  }
0x153: {  	s6 =	sadd.s32 $0x200, s21;
	v16 =	vbroadcast v16, $0x0  }
0x154: {  	v17 =	vld [tilespmem:s6+$0x0];
	v18 =	vor.u32 v0, v15  }
0x155: {  	v19 =	vld [tilespmem:s6+$0xFFFFFF00];
	v20 =	vor.u32 v0, v16;
	_ =	sdelay $0x3  }
0x156: {  	[tilespmem:v18+s28+$0x0] =	vst.idx.msk $0xffff, v17  }
0x157: {  	v26 =	vor.u32 v2, v15;
	[tilespmem:v20+s28+$0x0] =	vst.idx.msk $0xffff, v19;
	v17 =	vld [tilespmem:s6+$0x10]  }
0x158: {  	v27 =	vor.u32 v2, v16;
	v19 =	vld [tilespmem:s6+$0xFFFFFF10];
	_ =	sdelay $0x3  }
0x159: {  	[tilespmem:v26+s28+$0x0] =	vst.idx.msk $0xffff, v17  }
0x15a: {  	v28 =	vor.u32 v3, v15;
	[tilespmem:v27+s28+$0x0] =	vst.idx.msk $0xffff, v19;
	v17 =	vld [tilespmem:s6+$0x20]  }
0x15b: {  	v29 =	vor.u32 v3, v16;
	v19 =	vld [tilespmem:s6+$0xFFFFFF20];
	_ =	sdelay $0x3  }
0x15c: {  	[tilespmem:v28+s28+$0x0] =	vst.idx.msk $0xffff, v17  }
0x15d: {  	v30 =	vor.u32 v4, v15;
	[tilespmem:v29+s28+$0x0] =	vst.idx.msk $0xffff, v19;
	v17 =	vld [tilespmem:s6+$0x30]  }
0x15e: {  	v31 =	vor.u32 v4, v16;
	v19 =	vld [tilespmem:s6+$0xFFFFFF30];
	_ =	sdelay $0x3  }
0x15f: {  	[tilespmem:v30+s28+$0x0] =	vst.idx.msk $0xffff, v17  }
0x160: {  	v32 =	vor.u32 v5, v15;
	[tilespmem:v31+s28+$0x0] =	vst.idx.msk $0xffff, v19;
	v17 =	vld [tilespmem:s6+$0x40]  }
0x161: {  	v33 =	vor.u32 v5, v16;
	v19 =	vld [tilespmem:s6+$0xFFFFFF40];
	_ =	sdelay $0x3  }
0x162: {  	[tilespmem:v32+s28+$0x0] =	vst.idx.msk $0xffff, v17  }
0x163: {  	v34 =	vor.u32 v6, v15;
	[tilespmem:v33+s28+$0x0] =	vst.idx.msk $0xffff, v19;
	v17 =	vld [tilespmem:s6+$0x50]  }
0x164: {  	v35 =	vor.u32 v6, v16;
	v19 =	vld [tilespmem:s6+$0xFFFFFF50];
	_ =	sdelay $0x3  }
0x165: {  	[tilespmem:v34+s28+$0x0] =	vst.idx.msk $0xffff, v17  }
0x166: {  	v36 =	vor.u32 v7, v15;
	[tilespmem:v35+s28+$0x0] =	vst.idx.msk $0xffff, v19;
	v17 =	vld [tilespmem:s6+$0x60]  }
0x167: {  	v37 =	vor.u32 v7, v16;
	v19 =	vld [tilespmem:s6+$0xFFFFFF60];
	_ =	sdelay $0x3  }
0x168: {  	[tilespmem:v36+s28+$0x0] =	vst.idx.msk $0xffff, v17  }
0x169: {  	v15 =	vor.u32 v8, v15;
	[tilespmem:v37+s28+$0x0] =	vst.idx.msk $0xffff, v19;
	v17 =	vld [tilespmem:s6+$0x70]  }
0x16a: {  	s16 =	sadd.s32 $0x3, s9;
	v16 =	vor.u32 v8, v16;
	v38 =	vld [tilespmem:s6+$0xFFFFFF70]  }
0x16b: {  	s17 =	sadd.s32 $0x1, s9;
	v39 =	vmov s16  }
0x16c: {  	v10 =	vbroadcast v10, $0x0;
	[tilespmem:v14+s28+$0x0] =	vst.idx.msk $0xffff, v13;
	v13 =	vmov s17;
	v14 =	vand.u32 $0xF, v39  }
0x16d: {  	[tilespmem:v12+s28+$0x0] =	vst.idx.msk $0xffff, v11;
	v11 =	vld [tilespmem:s21+$0x80];
	v12 =	vor.u32 v0, v9;
	v13 =	vand.u32 $0xD, v13;
	v14 =	vbroadcast v14, $0x0  }
0x16e: {  	v40 =	vld [tilespmem:s21+$0xFFFFFF80];
	v41 =	vor.u32 v0, v10;
	v13 =	vbroadcast v13, $0x0;
	[tilespmem:v15+s28+$0x0] =	vst.idx.msk $0xffff, v17  }
0x16f: {  	v42 =	vor.u32 v0, v14;
	[tilespmem:v16+s28+$0x0] =	vst.idx.msk $0xffff, v38;
	v15 =	vld [tilespmem:s6+$0x80]  }
0x170: {  	v44 =	vor.u32 v0, v13;
	v43 =	vld [tilespmem:s6+$0xFFFFFF80];
	_ =	sdelay $0x1  }
0x171: {  	[tilespmem:v12+s28+$0x0] =	vst.idx.msk $0xffff, v11  }
0x172: {  	v12 =	vor.u32 v2, v9;
	[tilespmem:v41+s28+$0x0] =	vst.idx.msk $0xffff, v40;
	v11 =	vld [tilespmem:s26+$0x90]  }
0x173: {  	v45 =	vor.u32 v2, v10;
	v19 =	vld [tilespmem:s26+$0xFFFFFF90];
	[tilespmem:v42+s28+$0x0] =	vst.idx.msk $0xffff, v15  }
0x174: {  	v46 =	vor.u32 v2, v14;
	[tilespmem:v44+s28+$0x0] =	vst.idx.msk $0xffff, v43;
	v15 =	vld [tilespmem:s6+$0x90]  }
0x175: {  	v47 =	vor.u32 v2, v13;
	v17 =	vld [tilespmem:s6+$0xFFFFFF90];
	_ =	sdelay $0x1  }
0x176: {  	[tilespmem:v12+s28+$0x0] =	vst.idx.msk $0xffff, v11  }
0x177: {  	v12 =	vor.u32 v3, v9;
	v11 =	vld [tilespmem:s26+$0xA0];
	[tilespmem:v45+s28+$0x0] =	vst.idx.msk $0xffff, v19  }
0x178: {  	v48 =	vor.u32 v3, v10;
	v19 =	vld [tilespmem:s26+$0xFFFFFFA0];
	[tilespmem:v46+s28+$0x0] =	vst.idx.msk $0xffff, v15  }
0x179: {  	v49 =	vor.u32 v3, v14;
	[tilespmem:v47+s28+$0x0] =	vst.idx.msk $0xffff, v17;
	v15 =	vld [tilespmem:s6+$0xA0]  }
0x17a: {  	v50 =	vor.u32 v3, v13;
	v17 =	vld [tilespmem:s6+$0xFFFFFFA0];
	_ =	sdelay $0x1  }
0x17b: {  	[tilespmem:v12+s28+$0x0] =	vst.idx.msk $0xffff, v11  }
0x17c: {  	v12 =	vor.u32 v4, v9;
	v11 =	vld [tilespmem:s26+$0xB0];
	[tilespmem:v48+s28+$0x0] =	vst.idx.msk $0xffff, v19  }
0x17d: {  	v51 =	vor.u32 v4, v10;
	v19 =	vld [tilespmem:s26+$0xFFFFFFB0];
	[tilespmem:v49+s28+$0x0] =	vst.idx.msk $0xffff, v15  }
0x17e: {  	v52 =	vor.u32 v4, v14;
	[tilespmem:v50+s28+$0x0] =	vst.idx.msk $0xffff, v17;
	v15 =	vld [tilespmem:s6+$0xB0]  }
0x17f: {  	v53 =	vor.u32 v4, v13;
	v17 =	vld [tilespmem:s6+$0xFFFFFFB0];
	_ =	sdelay $0x1  }
0x180: {  	[tilespmem:v12+s28+$0x0] =	vst.idx.msk $0xffff, v11  }
0x181: {  	v12 =	vor.u32 v5, v9;
	v11 =	vld [tilespmem:s26+$0xC0];
	[tilespmem:v51+s28+$0x0] =	vst.idx.msk $0xffff, v19  }
0x182: {  	v54 =	vor.u32 v5, v10;
	v19 =	vld [tilespmem:s26+$0xFFFFFFC0];
	[tilespmem:v52+s28+$0x0] =	vst.idx.msk $0xffff, v15  }
0x183: {  	v55 =	vor.u32 v5, v14;
	[tilespmem:v53+s28+$0x0] =	vst.idx.msk $0xffff, v17;
	v15 =	vld [tilespmem:s6+$0xC0]  }
0x184: {  	v56 =	vor.u32 v5, v13;
	v17 =	vld [tilespmem:s6+$0xFFFFFFC0];
	_ =	sdelay $0x1  }
0x185: {  	[tilespmem:v12+s28+$0x0] =	vst.idx.msk $0xffff, v11  }
0x186: {  	v12 =	vor.u32 v6, v9;
	v11 =	vld [tilespmem:s26+$0xD0];
	[tilespmem:v54+s28+$0x0] =	vst.idx.msk $0xffff, v19  }
0x187: {  	v57 =	vor.u32 v6, v10;
	v19 =	vld [tilespmem:s26+$0xFFFFFFD0];
	[tilespmem:v55+s28+$0x0] =	vst.idx.msk $0xffff, v15  }
0x188: {  	v58 =	vor.u32 v6, v14;
	[tilespmem:v56+s28+$0x0] =	vst.idx.msk $0xffff, v17;
	v15 =	vld [tilespmem:s6+$0xD0]  }
0x189: {  	v59 =	vor.u32 v6, v13;
	v17 =	vld [tilespmem:s6+$0xFFFFFFD0];
	_ =	sdelay $0x1  }
0x18a: {  	[tilespmem:v12+s28+$0x0] =	vst.idx.msk $0xffff, v11  }
0x18b: {  	v12 =	vor.u32 v7, v9;
	v11 =	vld [tilespmem:s26+$0xE0];
	[tilespmem:v57+s28+$0x0] =	vst.idx.msk $0xffff, v19  }
0x18c: {  	v60 =	vor.u32 v7, v10;
	v19 =	vld [tilespmem:s26+$0xFFFFFFE0];
	[tilespmem:v58+s28+$0x0] =	vst.idx.msk $0xffff, v15  }
0x18d: {  	v61 =	vor.u32 v7, v14;
	[tilespmem:v59+s28+$0x0] =	vst.idx.msk $0xffff, v17;
	v15 =	vld [tilespmem:s6+$0xE0]  }
0x18e: {  	v62 =	vor.u32 v7, v13;
	v17 =	vld [tilespmem:s6+$0xFFFFFFE0];
	_ =	sdelay $0x1  }
0x18f: {  	[tilespmem:v12+s28+$0x0] =	vst.idx.msk $0xffff, v11  }
0x190: {  	v9 =	vor.u32 v8, v9;
	v11 =	vld [tilespmem:s26+$0xF0];
	[tilespmem:v60+s28+$0x0] =	vst.idx.msk $0xffff, v19  }
0x191: {  	v10 =	vor.u32 v8, v10;
	v12 =	vld [tilespmem:s26+$0xFFFFFFF0];
	[tilespmem:v61+s28+$0x0] =	vst.idx.msk $0xffff, v15  }
0x192: {  	v14 =	vor.u32 v8, v14;
	[tilespmem:v62+s28+$0x0] =	vst.idx.msk $0xffff, v17;
	v15 =	vld [tilespmem:s6+$0xF0]  }
0x193: {  	v13 =	vor.u32 v8, v13;
	v63 =	vld [tilespmem:s6+$0xFFFFFFF0];
	_ =	sdelay $0x1  }
0x194: {  	[tilespmem:v9+s28+$0x0] =	vst.idx.msk $0xffff, v11  }
0x195: {  	s26 =	sadd.s32 $0x5, s7;
	[tilespmem:v10+s28+$0x0] =	vst.idx.msk $0xffff, v12  }
0x196: {  	s16 =	sadd.s32 s5, s26;
	[tilespmem:v14+s28+$0x0] =	vst.idx.msk $0xffff, v15  }
0x197: {  	s9 =	sadd.s32 $0x80, s20;
	s6 =	sshll.u32 s16, $0x7;
	[tilespmem:v13+s28+$0x0] =	vst.idx.msk $0xffff, v63  }
0x198: {  	[spmem:s3] =	stream.indirect.scatter.add.f32 [tilespmem:s28], [sflag:$0x8], $0x10, s9, s19, $0xb8;
	[tilespmem:$0xD590] =	vst v63  }
0x199: {  	s21 =	simm.s32 $0x4F80;
	s17 =	sadd.s32 s1, s6  }
0x19a: {  	[tilespmem:s21], [sflag:$0x6] =	stream.linear.gather [hbm4b:s17+s4], $0x400, $0x38;
	[tilespmem:$0xD590] =	vst v63  }
0x19b: {  	s16 =	simm.s32 $0x5380;
	s6 =	sadd.s32 s6, s15  }
0x19c: {  	[tilespmem:s16], [sflag:$0x6] =	stream.linear.gather [hbm4b:s6+s4], $0x400, $0x38;
	[tilespmem:$0xD590] =	vst v63  }
0x19d: {  	_ =	swait.ge [sflag:s10], $0x400  }
0x19e: {  	[sflag:s10] =	ssyncset.done $0x0  }
0x19f: {  	[sflag:s10] =	ssyncadd.s32 $0xFFFFFC00  }
0x1a0: {  	_ =	swait.ge [sflag:s10], $0x400  }
0x1a1: {  	s17 =	simm.s32 $0x2;
	[sflag:s10] =	ssyncset.done $0x0  }
0x1a2: {  	s9 =	simm.s32 @!p2 $0x9;
	s21 =	simm.s32 $0x0;
	v9 =	vmov s17;
	[sflag:s10] =	ssyncadd.s32 $0xFFFFFC00  }
0x1a3: {  	v10 =	vmov s21;
	v9 =	vand.u32 $0xE, v9;
	_ =	swait.ge @!p2 [sflag:s9], $0x800  }
0x1a4: {  	v10 =	vand.u32 $0xC, v10;
	v9 =	vbroadcast v9, $0x0;
	[sflag:s9] =	ssyncset.done @!p2 $0x0  }
0x1a5: {  	s29 =	simm.s32 $0x3880;
	v10 =	vbroadcast v10, $0x0;
	[sflag:s9] =	ssyncadd.s32 @!p2 $0xFFFFF800  }
0x1a6: {  	v12 =	vor.u32 v0, v9;
	v11 =	vld [tilespmem:s29+$0x0]  }
0x1a7: {  	v14 =	vor.u32 v0, v10;
	v13 =	vld [tilespmem:s29+$0xFFFFFF00];
	_ =	sdelay $0x3  }
0x1a8: {  	[tilespmem:v12+s11+$0x0] =	vst.idx.msk $0xffff, v11  }
0x1a9: {  	[tilespmem:v14+s11+$0x0] =	vst.idx.msk $0xffff, v13;
	v12 =	vor.u32 v2, v9;
	v11 =	vld [tilespmem:s29+$0x10]  }
0x1aa: {  	v14 =	vor.u32 v2, v10;
	v13 =	vld [tilespmem:s29+$0xFFFFFF10];
	_ =	sdelay $0x3  }
0x1ab: {  	[tilespmem:v12+s11+$0x0] =	vst.idx.msk $0xffff, v11  }
0x1ac: {  	[tilespmem:v14+s11+$0x0] =	vst.idx.msk $0xffff, v13;
	v12 =	vor.u32 v3, v9;
	v11 =	vld [tilespmem:s29+$0x20]  }
0x1ad: {  	v14 =	vor.u32 v3, v10;
	v13 =	vld [tilespmem:s29+$0xFFFFFF20];
	_ =	sdelay $0x3  }
0x1ae: {  	[tilespmem:v12+s11+$0x0] =	vst.idx.msk $0xffff, v11  }
0x1af: {  	[tilespmem:v14+s11+$0x0] =	vst.idx.msk $0xffff, v13;
	v12 =	vor.u32 v4, v9;
	v11 =	vld [tilespmem:s29+$0x30]  }
0x1b0: {  	v14 =	vor.u32 v4, v10;
	v13 =	vld [tilespmem:s29+$0xFFFFFF30];
	_ =	sdelay $0x3  }
0x1b1: {  	[tilespmem:v12+s11+$0x0] =	vst.idx.msk $0xffff, v11  }
0x1b2: {  	[tilespmem:v14+s11+$0x0] =	vst.idx.msk $0xffff, v13;
	v12 =	vor.u32 v5, v9;
	v11 =	vld [tilespmem:s29+$0x40]  }
0x1b3: {  	v14 =	vor.u32 v5, v10;
	v13 =	vld [tilespmem:s29+$0xFFFFFF40];
	_ =	sdelay $0x3  }
0x1b4: {  	[tilespmem:v12+s11+$0x0] =	vst.idx.msk $0xffff, v11  }
0x1b5: {  	[tilespmem:v14+s11+$0x0] =	vst.idx.msk $0xffff, v13;
	v12 =	vor.u32 v6, v9;
	v11 =	vld [tilespmem:s29+$0x50]  }
0x1b6: {  	v14 =	vor.u32 v6, v10;
	v13 =	vld [tilespmem:s29+$0xFFFFFF50];
	_ =	sdelay $0x3  }
0x1b7: {  	[tilespmem:v12+s11+$0x0] =	vst.idx.msk $0xffff, v11  }
0x1b8: {  	[tilespmem:v14+s11+$0x0] =	vst.idx.msk $0xffff, v13;
	v12 =	vor.u32 v7, v9;
	v11 =	vld [tilespmem:s29+$0x60]  }
0x1b9: {  	v14 =	vor.u32 v7, v10;
	v13 =	vld [tilespmem:s29+$0xFFFFFF60];
	_ =	sdelay $0x3  }
0x1ba: {  	s17 =	simm.s32 $0x3;
	[tilespmem:v12+s11+$0x0] =	vst.idx.msk $0xffff, v11  }
0x1bb: {  	v11 =	vmov s17;
	[tilespmem:v14+s11+$0x0] =	vst.idx.msk $0xffff, v13;
	v14 =	vor.u32 v8, v9;
	v13 =	vld [tilespmem:s29+$0x70]  }
0x1bc: {  	v12 =	vor.u32 v8, v10;
	v15 =	vand.u32 $0xF, v11;
	v11 =	vld [tilespmem:s29+$0xFFFFFF70]  }
0x1bd: {  	s21 =	simm.s32 $0x1  }
0x1be: {  	s16 =	simm.s32 $0x6;
	v9 =	vmov s21  }
0x1bf: {  	s6 =	simm.s32 $0x8;
	s9 =	simm.s32 $0x4;
	s21 =	simm.s32 $0x3880;
	v10 =	vand.u32 $0xD, v9;
	v9 =	vbroadcast v15, $0x0  }
.LBB2_9:
0x1c0: {  	p3 =	slt.u32 s6, $0xC;
	v15 =	vmov s16;
	v10 =	vbroadcast v10, $0x0;
	[tilespmem:v14+s11+$0x0] =	vst.idx.msk $0xffff, v13  }
0x1c1: {  	v13 =	vmov s9;
	v14 =	vand.u32 $0xE, v15;
	[tilespmem:v12+s11+$0x0] =	vst.idx.msk $0xffff, v11;
	v15 =	vld [tilespmem:s29+$0x80];
	v16 =	vor.u32 v0, v9  }
0x1c2: {  	v12 =	vand.u32 $0xC, v13;
	v11 =	vbroadcast v14, $0x0;
	v13 =	vld [tilespmem:s29+$0xFFFFFF80];
	v14 =	vor.u32 v0, v10  }
0x1c3: {  	v12 =	vbroadcast v12, $0x0;
	s29 =	sadd.s32 $0x200, s29  }
0x1c4: {  	v17 =	vld [tilespmem:s29+$0x0];
	v18 =	vor.u32 v0, v11  }
0x1c5: {  	v20 =	vor.u32 v0, v12;
	v19 =	vld [tilespmem:s29+$0xFFFFFF00]  }
0x1c6: {  	[tilespmem:v16+s11+$0x0] =	vst.idx.msk $0xffff, v15  }
0x1c7: {  	[tilespmem:v14+s11+$0x0] =	vst.idx.msk $0xffff, v13;
	v13 =	vld [tilespmem:s21+$0x90];
	v14 =	vor.u32 v2, v9  }
0x1c8: {  	v16 =	vor.u32 v2, v10;
	v15 =	vld [tilespmem:s21+$0xFFFFFF90]  }
0x1c9: {  	[tilespmem:v18+s11+$0x0] =	vst.idx.msk $0xffff, v17  }
0x1ca: {  	v18 =	vor.u32 v2, v11;
	[tilespmem:v20+s11+$0x0] =	vst.idx.msk $0xffff, v19;
	v17 =	vld [tilespmem:s29+$0x10]  }
0x1cb: {  	v20 =	vor.u32 v2, v12;
	v19 =	vld [tilespmem:s29+$0xFFFFFF10]  }
0x1cc: {  	[tilespmem:v14+s11+$0x0] =	vst.idx.msk $0xffff, v13  }
0x1cd: {  	v14 =	vor.u32 v3, v9;
	[tilespmem:v16+s11+$0x0] =	vst.idx.msk $0xffff, v15;
	v13 =	vld [tilespmem:s21+$0xA0]  }
0x1ce: {  	v16 =	vor.u32 v3, v10;
	v15 =	vld [tilespmem:s21+$0xFFFFFFA0]  }
0x1cf: {  	[tilespmem:v18+s11+$0x0] =	vst.idx.msk $0xffff, v17  }
0x1d0: {  	v18 =	vor.u32 v3, v11;
	[tilespmem:v20+s11+$0x0] =	vst.idx.msk $0xffff, v19;
	v17 =	vld [tilespmem:s29+$0x20]  }
0x1d1: {  	v20 =	vor.u32 v3, v12;
	v19 =	vld [tilespmem:s29+$0xFFFFFF20]  }
0x1d2: {  	[tilespmem:v14+s11+$0x0] =	vst.idx.msk $0xffff, v13  }
0x1d3: {  	v14 =	vor.u32 v4, v9;
	[tilespmem:v16+s11+$0x0] =	vst.idx.msk $0xffff, v15;
	v13 =	vld [tilespmem:s21+$0xB0]  }
0x1d4: {  	v16 =	vor.u32 v4, v10;
	v15 =	vld [tilespmem:s21+$0xFFFFFFB0]  }
0x1d5: {  	[tilespmem:v18+s11+$0x0] =	vst.idx.msk $0xffff, v17  }
0x1d6: {  	v18 =	vor.u32 v4, v11;
	[tilespmem:v20+s11+$0x0] =	vst.idx.msk $0xffff, v19;
	v17 =	vld [tilespmem:s29+$0x30]  }
0x1d7: {  	v20 =	vor.u32 v4, v12;
	v19 =	vld [tilespmem:s29+$0xFFFFFF30]  }
0x1d8: {  	[tilespmem:v14+s11+$0x0] =	vst.idx.msk $0xffff, v13  }
0x1d9: {  	v14 =	vor.u32 v5, v9;
	[tilespmem:v16+s11+$0x0] =	vst.idx.msk $0xffff, v15;
	v13 =	vld [tilespmem:s21+$0xC0]  }
0x1da: {  	v16 =	vor.u32 v5, v10;
	v15 =	vld [tilespmem:s21+$0xFFFFFFC0]  }
0x1db: {  	[tilespmem:v18+s11+$0x0] =	vst.idx.msk $0xffff, v17  }
0x1dc: {  	v18 =	vor.u32 v5, v11;
	[tilespmem:v20+s11+$0x0] =	vst.idx.msk $0xffff, v19;
	v17 =	vld [tilespmem:s29+$0x40]  }
0x1dd: {  	v20 =	vor.u32 v5, v12;
	v19 =	vld [tilespmem:s29+$0xFFFFFF40]  }
0x1de: {  	[tilespmem:v14+s11+$0x0] =	vst.idx.msk $0xffff, v13  }
0x1df: {  	v14 =	vor.u32 v6, v9;
	[tilespmem:v16+s11+$0x0] =	vst.idx.msk $0xffff, v15;
	v13 =	vld [tilespmem:s21+$0xD0]  }
0x1e0: {  	v16 =	vor.u32 v6, v10;
	v15 =	vld [tilespmem:s21+$0xFFFFFFD0]  }
0x1e1: {  	[tilespmem:v18+s11+$0x0] =	vst.idx.msk $0xffff, v17  }
0x1e2: {  	v18 =	vor.u32 v6, v11;
	[tilespmem:v20+s11+$0x0] =	vst.idx.msk $0xffff, v19;
	v17 =	vld [tilespmem:s29+$0x50]  }
0x1e3: {  	v20 =	vor.u32 v6, v12;
	v19 =	vld [tilespmem:s29+$0xFFFFFF50]  }
0x1e4: {  	[tilespmem:v14+s11+$0x0] =	vst.idx.msk $0xffff, v13  }
0x1e5: {  	v14 =	vor.u32 v7, v9;
	[tilespmem:v16+s11+$0x0] =	vst.idx.msk $0xffff, v15;
	v13 =	vld [tilespmem:s21+$0xE0]  }
0x1e6: {  	v16 =	vor.u32 v7, v10;
	v15 =	vld [tilespmem:s21+$0xFFFFFFE0]  }
0x1e7: {  	[tilespmem:v18+s11+$0x0] =	vst.idx.msk $0xffff, v17  }
0x1e8: {  	v18 =	vor.u32 v7, v11;
	[tilespmem:v20+s11+$0x0] =	vst.idx.msk $0xffff, v19;
	v17 =	vld [tilespmem:s29+$0x60]  }
0x1e9: {  	v20 =	vor.u32 v7, v12;
	v19 =	vld [tilespmem:s29+$0xFFFFFF60]  }
0x1ea: {  	[tilespmem:v14+s11+$0x0] =	vst.idx.msk $0xffff, v13  }
0x1eb: {  	v9 =	vor.u32 v8, v9;
	[tilespmem:v16+s11+$0x0] =	vst.idx.msk $0xffff, v15;
	v15 =	vld [tilespmem:s21+$0xF0]  }
0x1ec: {  	v10 =	vor.u32 v8, v10;
	v16 =	vld [tilespmem:s21+$0xFFFFFFF0];
	s21 =	smov.u32 s29  }
0x1ed: {  	[tilespmem:v18+s11+$0x0] =	vst.idx.msk $0xffff, v17  }
.Ltmp5:
0x1ee: {  	v14 =	vor.u32 v8, v11;
	[tilespmem:v20+s11+$0x0] =	vst.idx.msk $0xffff, v19;
	v13 =	vld [tilespmem:s29+$0x70];
	(pc) =	sbr.rel @p3 .LBB2_9-.Ltmp5, $4  }
0x1ef: {  	s16 =	sadd.s32 $0x3, s9;
	v12 =	vor.u32 v8, v12;
	v11 =	vld [tilespmem:s29+$0xFFFFFF70]  }
0x1f0: {  	s17 =	sadd.s32 $0x1, s9;
	s9 =	smov.u32 s6;
	v17 =	vmov s16;
	[tilespmem:v9+s11+$0x0] =	vst.idx.msk $0xffff, v15  }
0x1f1: {  	v9 =	vmov s17;
	v15 =	vand.u32 $0xF, v17;
	[tilespmem:v10+s11+$0x0] =	vst.idx.msk $0xffff, v16  }
0x1f2: {  	s6 =	sadd.s32 $0x4, s6;
	s16 =	sadd.s32 $0x2, s9;
	v10 =	vand.u32 $0xD, v9;
	v9 =	vbroadcast v15, $0x0  }
0x1f3: {  	v15 =	vmov s16  }
0x1f4: {  	v16 =	vmov s9;
	v15 =	vand.u32 $0xE, v15  }
0x1f5: {  	v16 =	vand.u32 $0xC, v16;
	v15 =	vbroadcast v15, $0x0  }
0x1f6: {  	s6 =	sadd.s32 $0x200, s29;
	v16 =	vbroadcast v16, $0x0  }
0x1f7: {  	v17 =	vld [tilespmem:s6+$0x0];
	v18 =	vor.u32 v0, v15  }
0x1f8: {  	v19 =	vld [tilespmem:s6+$0xFFFFFF00];
	v20 =	vor.u32 v0, v16;
	_ =	sdelay $0x3  }
0x1f9: {  	[tilespmem:v18+s11+$0x0] =	vst.idx.msk $0xffff, v17  }
0x1fa: {  	v26 =	vor.u32 v2, v15;
	[tilespmem:v20+s11+$0x0] =	vst.idx.msk $0xffff, v19;
	v17 =	vld [tilespmem:s6+$0x10]  }
0x1fb: {  	v27 =	vor.u32 v2, v16;
	v19 =	vld [tilespmem:s6+$0xFFFFFF10];
	_ =	sdelay $0x3  }
0x1fc: {  	[tilespmem:v26+s11+$0x0] =	vst.idx.msk $0xffff, v17  }
0x1fd: {  	v28 =	vor.u32 v3, v15;
	[tilespmem:v27+s11+$0x0] =	vst.idx.msk $0xffff, v19;
	v17 =	vld [tilespmem:s6+$0x20]  }
0x1fe: {  	v29 =	vor.u32 v3, v16;
	v19 =	vld [tilespmem:s6+$0xFFFFFF20];
	_ =	sdelay $0x3  }
0x1ff: {  	[tilespmem:v28+s11+$0x0] =	vst.idx.msk $0xffff, v17  }
0x200: {  	v30 =	vor.u32 v4, v15;
	[tilespmem:v29+s11+$0x0] =	vst.idx.msk $0xffff, v19;
	v17 =	vld [tilespmem:s6+$0x30]  }
0x201: {  	v31 =	vor.u32 v4, v16;
	v19 =	vld [tilespmem:s6+$0xFFFFFF30];
	_ =	sdelay $0x3  }
0x202: {  	[tilespmem:v30+s11+$0x0] =	vst.idx.msk $0xffff, v17  }
0x203: {  	v32 =	vor.u32 v5, v15;
	[tilespmem:v31+s11+$0x0] =	vst.idx.msk $0xffff, v19;
	v17 =	vld [tilespmem:s6+$0x40]  }
0x204: {  	v33 =	vor.u32 v5, v16;
	v19 =	vld [tilespmem:s6+$0xFFFFFF40];
	_ =	sdelay $0x3  }
0x205: {  	[tilespmem:v32+s11+$0x0] =	vst.idx.msk $0xffff, v17  }
0x206: {  	v34 =	vor.u32 v6, v15;
	[tilespmem:v33+s11+$0x0] =	vst.idx.msk $0xffff, v19;
	v17 =	vld [tilespmem:s6+$0x50]  }
0x207: {  	v35 =	vor.u32 v6, v16;
	v19 =	vld [tilespmem:s6+$0xFFFFFF50];
	_ =	sdelay $0x3  }
0x208: {  	[tilespmem:v34+s11+$0x0] =	vst.idx.msk $0xffff, v17  }
0x209: {  	v36 =	vor.u32 v7, v15;
	[tilespmem:v35+s11+$0x0] =	vst.idx.msk $0xffff, v19;
	v17 =	vld [tilespmem:s6+$0x60]  }
0x20a: {  	v37 =	vor.u32 v7, v16;
	v19 =	vld [tilespmem:s6+$0xFFFFFF60];
	_ =	sdelay $0x3  }
0x20b: {  	[tilespmem:v36+s11+$0x0] =	vst.idx.msk $0xffff, v17  }
0x20c: {  	v15 =	vor.u32 v8, v15;
	[tilespmem:v37+s11+$0x0] =	vst.idx.msk $0xffff, v19;
	v17 =	vld [tilespmem:s6+$0x70]  }
0x20d: {  	s17 =	sadd.s32 $0x3, s9;
	v16 =	vor.u32 v8, v16;
	v38 =	vld [tilespmem:s6+$0xFFFFFF70]  }
0x20e: {  	v39 =	vmov s17;
	s17 =	sadd.s32 $0x1, s9  }
0x20f: {  	v10 =	vbroadcast v10, $0x0;
	[tilespmem:v14+s11+$0x0] =	vst.idx.msk $0xffff, v13;
	v13 =	vmov s17;
	v14 =	vand.u32 $0xF, v39  }
0x210: {  	[tilespmem:v12+s11+$0x0] =	vst.idx.msk $0xffff, v11;
	v11 =	vld [tilespmem:s29+$0x80];
	v12 =	vor.u32 v0, v9;
	v13 =	vand.u32 $0xD, v13;
	v14 =	vbroadcast v14, $0x0  }
0x211: {  	v40 =	vld [tilespmem:s29+$0xFFFFFF80];
	v41 =	vor.u32 v0, v10;
	v13 =	vbroadcast v13, $0x0;
	[tilespmem:v15+s11+$0x0] =	vst.idx.msk $0xffff, v17  }
0x212: {  	v42 =	vor.u32 v0, v14;
	[tilespmem:v16+s11+$0x0] =	vst.idx.msk $0xffff, v38;
	v15 =	vld [tilespmem:s6+$0x80]  }
0x213: {  	v44 =	vor.u32 v0, v13;
	v43 =	vld [tilespmem:s6+$0xFFFFFF80];
	_ =	sdelay $0x1  }
0x214: {  	[tilespmem:v12+s11+$0x0] =	vst.idx.msk $0xffff, v11  }
0x215: {  	v12 =	vor.u32 v2, v9;
	[tilespmem:v41+s11+$0x0] =	vst.idx.msk $0xffff, v40;
	v11 =	vld [tilespmem:s21+$0x90]  }
0x216: {  	v45 =	vor.u32 v2, v10;
	v19 =	vld [tilespmem:s21+$0xFFFFFF90];
	[tilespmem:v42+s11+$0x0] =	vst.idx.msk $0xffff, v15  }
0x217: {  	v46 =	vor.u32 v2, v14;
	[tilespmem:v44+s11+$0x0] =	vst.idx.msk $0xffff, v43;
	v15 =	vld [tilespmem:s6+$0x90]  }
0x218: {  	v47 =	vor.u32 v2, v13;
	v17 =	vld [tilespmem:s6+$0xFFFFFF90];
	_ =	sdelay $0x1  }
0x219: {  	[tilespmem:v12+s11+$0x0] =	vst.idx.msk $0xffff, v11  }
0x21a: {  	v12 =	vor.u32 v3, v9;
	v11 =	vld [tilespmem:s21+$0xA0];
	[tilespmem:v45+s11+$0x0] =	vst.idx.msk $0xffff, v19  }
0x21b: {  	v48 =	vor.u32 v3, v10;
	v19 =	vld [tilespmem:s21+$0xFFFFFFA0];
	[tilespmem:v46+s11+$0x0] =	vst.idx.msk $0xffff, v15  }
0x21c: {  	v49 =	vor.u32 v3, v14;
	[tilespmem:v47+s11+$0x0] =	vst.idx.msk $0xffff, v17;
	v15 =	vld [tilespmem:s6+$0xA0]  }
0x21d: {  	v50 =	vor.u32 v3, v13;
	v17 =	vld [tilespmem:s6+$0xFFFFFFA0];
	_ =	sdelay $0x1  }
0x21e: {  	[tilespmem:v12+s11+$0x0] =	vst.idx.msk $0xffff, v11  }
0x21f: {  	v12 =	vor.u32 v4, v9;
	v11 =	vld [tilespmem:s21+$0xB0];
	[tilespmem:v48+s11+$0x0] =	vst.idx.msk $0xffff, v19  }
0x220: {  	v51 =	vor.u32 v4, v10;
	v19 =	vld [tilespmem:s21+$0xFFFFFFB0];
	[tilespmem:v49+s11+$0x0] =	vst.idx.msk $0xffff, v15  }
0x221: {  	v52 =	vor.u32 v4, v14;
	[tilespmem:v50+s11+$0x0] =	vst.idx.msk $0xffff, v17;
	v15 =	vld [tilespmem:s6+$0xB0]  }
0x222: {  	v53 =	vor.u32 v4, v13;
	v17 =	vld [tilespmem:s6+$0xFFFFFFB0];
	_ =	sdelay $0x1  }
0x223: {  	[tilespmem:v12+s11+$0x0] =	vst.idx.msk $0xffff, v11  }
0x224: {  	v12 =	vor.u32 v5, v9;
	v11 =	vld [tilespmem:s21+$0xC0];
	[tilespmem:v51+s11+$0x0] =	vst.idx.msk $0xffff, v19  }
0x225: {  	v54 =	vor.u32 v5, v10;
	v19 =	vld [tilespmem:s21+$0xFFFFFFC0];
	[tilespmem:v52+s11+$0x0] =	vst.idx.msk $0xffff, v15  }
0x226: {  	v55 =	vor.u32 v5, v14;
	[tilespmem:v53+s11+$0x0] =	vst.idx.msk $0xffff, v17;
	v15 =	vld [tilespmem:s6+$0xC0]  }
0x227: {  	v56 =	vor.u32 v5, v13;
	v17 =	vld [tilespmem:s6+$0xFFFFFFC0];
	_ =	sdelay $0x1  }
0x228: {  	[tilespmem:v12+s11+$0x0] =	vst.idx.msk $0xffff, v11  }
0x229: {  	v12 =	vor.u32 v6, v9;
	v11 =	vld [tilespmem:s21+$0xD0];
	[tilespmem:v54+s11+$0x0] =	vst.idx.msk $0xffff, v19  }
0x22a: {  	v57 =	vor.u32 v6, v10;
	v19 =	vld [tilespmem:s21+$0xFFFFFFD0];
	[tilespmem:v55+s11+$0x0] =	vst.idx.msk $0xffff, v15  }
0x22b: {  	v58 =	vor.u32 v6, v14;
	[tilespmem:v56+s11+$0x0] =	vst.idx.msk $0xffff, v17;
	v15 =	vld [tilespmem:s6+$0xD0]  }
0x22c: {  	v59 =	vor.u32 v6, v13;
	v17 =	vld [tilespmem:s6+$0xFFFFFFD0];
	_ =	sdelay $0x1  }
0x22d: {  	[tilespmem:v12+s11+$0x0] =	vst.idx.msk $0xffff, v11  }
0x22e: {  	v12 =	vor.u32 v7, v9;
	v11 =	vld [tilespmem:s21+$0xE0];
	[tilespmem:v57+s11+$0x0] =	vst.idx.msk $0xffff, v19  }
0x22f: {  	v60 =	vor.u32 v7, v10;
	v19 =	vld [tilespmem:s21+$0xFFFFFFE0];
	[tilespmem:v58+s11+$0x0] =	vst.idx.msk $0xffff, v15  }
0x230: {  	v61 =	vor.u32 v7, v14;
	[tilespmem:v59+s11+$0x0] =	vst.idx.msk $0xffff, v17;
	v15 =	vld [tilespmem:s6+$0xE0]  }
0x231: {  	v62 =	vor.u32 v7, v13;
	v17 =	vld [tilespmem:s6+$0xFFFFFFE0];
	_ =	sdelay $0x1  }
0x232: {  	[tilespmem:v12+s11+$0x0] =	vst.idx.msk $0xffff, v11  }
0x233: {  	v9 =	vor.u32 v8, v9;
	v11 =	vld [tilespmem:s21+$0xF0];
	[tilespmem:v60+s11+$0x0] =	vst.idx.msk $0xffff, v19  }
0x234: {  	v10 =	vor.u32 v8, v10;
	v12 =	vld [tilespmem:s21+$0xFFFFFFF0];
	[tilespmem:v61+s11+$0x0] =	vst.idx.msk $0xffff, v15  }
0x235: {  	v14 =	vor.u32 v8, v14;
	[tilespmem:v62+s11+$0x0] =	vst.idx.msk $0xffff, v17;
	v15 =	vld [tilespmem:s6+$0xF0]  }
0x236: {  	v13 =	vor.u32 v8, v13;
	v63 =	vld [tilespmem:s6+$0xFFFFFFF0];
	_ =	sdelay $0x1  }
0x237: {  	[tilespmem:v9+s11+$0x0] =	vst.idx.msk $0xffff, v11  }
0x238: {  	[tilespmem:v10+s11+$0x0] =	vst.idx.msk $0xffff, v12  }
0x239: {  	[tilespmem:v14+s11+$0x0] =	vst.idx.msk $0xffff, v15  }
0x23a: {  	s9 =	sadd.s32 $0x100, s20;
	[tilespmem:v13+s11+$0x0] =	vst.idx.msk $0xffff, v63  }
0x23b: {  	[spmem:s3] =	stream.indirect.scatter.add.f32 [tilespmem:s11], [sflag:$0x9], $0x10, s9, s19, $0xb8;
	[tilespmem:$0xD590] =	vst v63  }
0x23c: {  	p3 =	seq.s32 s8, $0xC;
	s6 =	rddreg [dreg:$0xe]  }
0x23d: {  	s6 =	sadd.s32 @!p3 s7, s6  }
0x23e: {  	s6 =	sshll.u32 @!p3 s6, $0x7  }
0x23f: {  	s16 =	simm.s32 @!p3 $0x0;
	s17 =	simm.s32 @!p3 $0x2780;
	s9 =	sadd.s32 @!p3 s1, s6  }
0x240: {  	[tilespmem:s17], [sflag:$0x1] =	stream.linear.gather @!p3 [hbm4b:s9+s16], $0x400, $0x38;
	[tilespmem:$0xD590] =	vst v63  }
0x241: {  	s6 =	sadd.s32 @!p3 s6, s15;
	s9 =	simm.s32 @!p3 $0x2B80  }
0x242: {  	[tilespmem:s9], [sflag:$0x1] =	stream.linear.gather @!p3 [hbm4b:s6+s16], $0x400, $0x38;
	[tilespmem:$0xD590] =	vst v63  }
0x243: {  	_ =	swait.ge [sflag:s12], $0x400  }
0x244: {  	[sflag:s12] =	ssyncset.done $0x0  }
0x245: {  	[sflag:s12] =	ssyncadd.s32 $0xFFFFFC00  }
0x246: {  	_ =	swait.ge [sflag:s12], $0x400  }
0x247: {  	s16 =	simm.s32 $0x2;
	[sflag:s12] =	ssyncset.done $0x0  }
0x248: {  	s17 =	simm.s32 $0x0;
	s9 =	simm.s32 @!p2 $0xA;
	v9 =	vmov s16;
	[sflag:s12] =	ssyncadd.s32 $0xFFFFFC00  }
0x249: {  	v10 =	vmov s17;
	v9 =	vand.u32 $0xE, v9;
	_ =	swait.ge @!p2 [sflag:s9], $0x800  }
0x24a: {  	v10 =	vand.u32 $0xC, v10;
	v9 =	vbroadcast v9, $0x0;
	[sflag:s9] =	ssyncset.done @!p2 $0x0  }
0x24b: {  	s21 =	simm.s32 $0x4080;
	v10 =	vbroadcast v10, $0x0;
	[sflag:s9] =	ssyncadd.s32 @!p2 $0xFFFFF800  }
0x24c: {  	v12 =	vor.u32 v0, v9;
	v11 =	vld [tilespmem:s21+$0x0]  }
0x24d: {  	v14 =	vor.u32 v0, v10;
	v13 =	vld [tilespmem:s21+$0xFFFFFF00];
	_ =	sdelay $0x3  }
0x24e: {  	[tilespmem:v12+s13+$0x0] =	vst.idx.msk $0xffff, v11  }
0x24f: {  	[tilespmem:v14+s13+$0x0] =	vst.idx.msk $0xffff, v13;
	v12 =	vor.u32 v2, v9;
	v11 =	vld [tilespmem:s21+$0x10]  }
0x250: {  	v14 =	vor.u32 v2, v10;
	v13 =	vld [tilespmem:s21+$0xFFFFFF10];
	_ =	sdelay $0x3  }
0x251: {  	[tilespmem:v12+s13+$0x0] =	vst.idx.msk $0xffff, v11  }
0x252: {  	[tilespmem:v14+s13+$0x0] =	vst.idx.msk $0xffff, v13;
	v12 =	vor.u32 v3, v9;
	v11 =	vld [tilespmem:s21+$0x20]  }
0x253: {  	v14 =	vor.u32 v3, v10;
	v13 =	vld [tilespmem:s21+$0xFFFFFF20];
	_ =	sdelay $0x3  }
0x254: {  	[tilespmem:v12+s13+$0x0] =	vst.idx.msk $0xffff, v11  }
0x255: {  	[tilespmem:v14+s13+$0x0] =	vst.idx.msk $0xffff, v13;
	v12 =	vor.u32 v4, v9;
	v11 =	vld [tilespmem:s21+$0x30]  }
0x256: {  	v14 =	vor.u32 v4, v10;
	v13 =	vld [tilespmem:s21+$0xFFFFFF30];
	_ =	sdelay $0x3  }
0x257: {  	[tilespmem:v12+s13+$0x0] =	vst.idx.msk $0xffff, v11  }
0x258: {  	[tilespmem:v14+s13+$0x0] =	vst.idx.msk $0xffff, v13;
	v12 =	vor.u32 v5, v9;
	v11 =	vld [tilespmem:s21+$0x40]  }
0x259: {  	v14 =	vor.u32 v5, v10;
	v13 =	vld [tilespmem:s21+$0xFFFFFF40];
	_ =	sdelay $0x3  }
0x25a: {  	[tilespmem:v12+s13+$0x0] =	vst.idx.msk $0xffff, v11  }
0x25b: {  	[tilespmem:v14+s13+$0x0] =	vst.idx.msk $0xffff, v13;
	v12 =	vor.u32 v6, v9;
	v11 =	vld [tilespmem:s21+$0x50]  }
0x25c: {  	v14 =	vor.u32 v6, v10;
	v13 =	vld [tilespmem:s21+$0xFFFFFF50];
	_ =	sdelay $0x3  }
0x25d: {  	[tilespmem:v12+s13+$0x0] =	vst.idx.msk $0xffff, v11  }
0x25e: {  	[tilespmem:v14+s13+$0x0] =	vst.idx.msk $0xffff, v13;
	v12 =	vor.u32 v7, v9;
	v11 =	vld [tilespmem:s21+$0x60]  }
0x25f: {  	v14 =	vor.u32 v7, v10;
	v13 =	vld [tilespmem:s21+$0xFFFFFF60];
	_ =	sdelay $0x3  }
0x260: {  	s20 =	simm.s32 $0x3;
	[tilespmem:v12+s13+$0x0] =	vst.idx.msk $0xffff, v11  }
0x261: {  	v11 =	vmov s20;
	[tilespmem:v14+s13+$0x0] =	vst.idx.msk $0xffff, v13;
	v14 =	vor.u32 v8, v9;
	v13 =	vld [tilespmem:s21+$0x70]  }
0x262: {  	v12 =	vor.u32 v8, v10;
	v15 =	vand.u32 $0xF, v11;
	v11 =	vld [tilespmem:s21+$0xFFFFFF70]  }
0x263: {  	s29 =	simm.s32 $0x1  }
0x264: {  	s6 =	simm.s32 $0x8;
	v9 =	vmov s29  }
0x265: {  	s16 =	simm.s32 $0x6;
	s9 =	simm.s32 $0x4;
	s20 =	simm.s32 $0x4080;
	v10 =	vand.u32 $0xD, v9;
	v9 =	vbroadcast v15, $0x0  }
.LBB2_11:
0x266: {  	p4 =	slt.u32 s6, $0xC;
	v15 =	vmov s16;
	v10 =	vbroadcast v10, $0x0;
	[tilespmem:v14+s13+$0x0] =	vst.idx.msk $0xffff, v13  }
0x267: {  	v13 =	vmov s9;
	v14 =	vand.u32 $0xE, v15;
	[tilespmem:v12+s13+$0x0] =	vst.idx.msk $0xffff, v11;
	v15 =	vld [tilespmem:s21+$0x80];
	v16 =	vor.u32 v0, v9  }
0x268: {  	v12 =	vand.u32 $0xC, v13;
	v11 =	vbroadcast v14, $0x0;
	v13 =	vld [tilespmem:s21+$0xFFFFFF80];
	v14 =	vor.u32 v0, v10  }
0x269: {  	v12 =	vbroadcast v12, $0x0;
	s21 =	sadd.s32 $0x200, s21  }
0x26a: {  	v17 =	vld [tilespmem:s21+$0x0];
	v18 =	vor.u32 v0, v11  }
0x26b: {  	v20 =	vor.u32 v0, v12;
	v19 =	vld [tilespmem:s21+$0xFFFFFF00]  }
0x26c: {  	[tilespmem:v16+s13+$0x0] =	vst.idx.msk $0xffff, v15  }
0x26d: {  	[tilespmem:v14+s13+$0x0] =	vst.idx.msk $0xffff, v13;
	v13 =	vld [tilespmem:s20+$0x90];
	v14 =	vor.u32 v2, v9  }
0x26e: {  	v16 =	vor.u32 v2, v10;
	v15 =	vld [tilespmem:s20+$0xFFFFFF90]  }
0x26f: {  	[tilespmem:v18+s13+$0x0] =	vst.idx.msk $0xffff, v17  }
0x270: {  	v18 =	vor.u32 v2, v11;
	[tilespmem:v20+s13+$0x0] =	vst.idx.msk $0xffff, v19;
	v17 =	vld [tilespmem:s21+$0x10]  }
0x271: {  	v20 =	vor.u32 v2, v12;
	v19 =	vld [tilespmem:s21+$0xFFFFFF10]  }
0x272: {  	[tilespmem:v14+s13+$0x0] =	vst.idx.msk $0xffff, v13  }
0x273: {  	v14 =	vor.u32 v3, v9;
	[tilespmem:v16+s13+$0x0] =	vst.idx.msk $0xffff, v15;
	v13 =	vld [tilespmem:s20+$0xA0]  }
0x274: {  	v16 =	vor.u32 v3, v10;
	v15 =	vld [tilespmem:s20+$0xFFFFFFA0]  }
0x275: {  	[tilespmem:v18+s13+$0x0] =	vst.idx.msk $0xffff, v17  }
0x276: {  	v18 =	vor.u32 v3, v11;
	[tilespmem:v20+s13+$0x0] =	vst.idx.msk $0xffff, v19;
	v17 =	vld [tilespmem:s21+$0x20]  }
0x277: {  	v20 =	vor.u32 v3, v12;
	v19 =	vld [tilespmem:s21+$0xFFFFFF20]  }
0x278: {  	[tilespmem:v14+s13+$0x0] =	vst.idx.msk $0xffff, v13  }
0x279: {  	v14 =	vor.u32 v4, v9;
	[tilespmem:v16+s13+$0x0] =	vst.idx.msk $0xffff, v15;
	v13 =	vld [tilespmem:s20+$0xB0]  }
0x27a: {  	v16 =	vor.u32 v4, v10;
	v15 =	vld [tilespmem:s20+$0xFFFFFFB0]  }
0x27b: {  	[tilespmem:v18+s13+$0x0] =	vst.idx.msk $0xffff, v17  }
0x27c: {  	v18 =	vor.u32 v4, v11;
	[tilespmem:v20+s13+$0x0] =	vst.idx.msk $0xffff, v19;
	v17 =	vld [tilespmem:s21+$0x30]  }
0x27d: {  	v20 =	vor.u32 v4, v12;
	v19 =	vld [tilespmem:s21+$0xFFFFFF30]  }
0x27e: {  	[tilespmem:v14+s13+$0x0] =	vst.idx.msk $0xffff, v13  }
0x27f: {  	v14 =	vor.u32 v5, v9;
	[tilespmem:v16+s13+$0x0] =	vst.idx.msk $0xffff, v15;
	v13 =	vld [tilespmem:s20+$0xC0]  }
0x280: {  	v16 =	vor.u32 v5, v10;
	v15 =	vld [tilespmem:s20+$0xFFFFFFC0]  }
0x281: {  	[tilespmem:v18+s13+$0x0] =	vst.idx.msk $0xffff, v17  }
0x282: {  	v18 =	vor.u32 v5, v11;
	[tilespmem:v20+s13+$0x0] =	vst.idx.msk $0xffff, v19;
	v17 =	vld [tilespmem:s21+$0x40]  }
0x283: {  	v20 =	vor.u32 v5, v12;
	v19 =	vld [tilespmem:s21+$0xFFFFFF40]  }
0x284: {  	[tilespmem:v14+s13+$0x0] =	vst.idx.msk $0xffff, v13  }
0x285: {  	v14 =	vor.u32 v6, v9;
	[tilespmem:v16+s13+$0x0] =	vst.idx.msk $0xffff, v15;
	v13 =	vld [tilespmem:s20+$0xD0]  }
0x286: {  	v16 =	vor.u32 v6, v10;
	v15 =	vld [tilespmem:s20+$0xFFFFFFD0]  }
0x287: {  	[tilespmem:v18+s13+$0x0] =	vst.idx.msk $0xffff, v17  }
0x288: {  	v18 =	vor.u32 v6, v11;
	[tilespmem:v20+s13+$0x0] =	vst.idx.msk $0xffff, v19;
	v17 =	vld [tilespmem:s21+$0x50]  }
0x289: {  	v20 =	vor.u32 v6, v12;
	v19 =	vld [tilespmem:s21+$0xFFFFFF50]  }
0x28a: {  	[tilespmem:v14+s13+$0x0] =	vst.idx.msk $0xffff, v13  }
0x28b: {  	v14 =	vor.u32 v7, v9;
	[tilespmem:v16+s13+$0x0] =	vst.idx.msk $0xffff, v15;
	v13 =	vld [tilespmem:s20+$0xE0]  }
0x28c: {  	v16 =	vor.u32 v7, v10;
	v15 =	vld [tilespmem:s20+$0xFFFFFFE0]  }
0x28d: {  	[tilespmem:v18+s13+$0x0] =	vst.idx.msk $0xffff, v17  }
0x28e: {  	v18 =	vor.u32 v7, v11;
	[tilespmem:v20+s13+$0x0] =	vst.idx.msk $0xffff, v19;
	v17 =	vld [tilespmem:s21+$0x60]  }
0x28f: {  	v20 =	vor.u32 v7, v12;
	v19 =	vld [tilespmem:s21+$0xFFFFFF60]  }
0x290: {  	[tilespmem:v14+s13+$0x0] =	vst.idx.msk $0xffff, v13  }
0x291: {  	v9 =	vor.u32 v8, v9;
	[tilespmem:v16+s13+$0x0] =	vst.idx.msk $0xffff, v15;
	v15 =	vld [tilespmem:s20+$0xF0]  }
0x292: {  	v10 =	vor.u32 v8, v10;
	v16 =	vld [tilespmem:s20+$0xFFFFFFF0];
	s20 =	smov.u32 s21  }
0x293: {  	[tilespmem:v18+s13+$0x0] =	vst.idx.msk $0xffff, v17  }
.Ltmp6:
0x294: {  	v14 =	vor.u32 v8, v11;
	[tilespmem:v20+s13+$0x0] =	vst.idx.msk $0xffff, v19;
	v13 =	vld [tilespmem:s21+$0x70];
	(pc) =	sbr.rel @p4 .LBB2_11-.Ltmp6, $4  }
0x295: {  	s16 =	sadd.s32 $0x3, s9;
	v12 =	vor.u32 v8, v12;
	v11 =	vld [tilespmem:s21+$0xFFFFFF70]  }
0x296: {  	s17 =	sadd.s32 $0x1, s9;
	s9 =	smov.u32 s6;
	v17 =	vmov s16;
	[tilespmem:v9+s13+$0x0] =	vst.idx.msk $0xffff, v15  }
0x297: {  	v9 =	vmov s17;
	v15 =	vand.u32 $0xF, v17;
	[tilespmem:v10+s13+$0x0] =	vst.idx.msk $0xffff, v16  }
0x298: {  	s6 =	sadd.s32 $0x4, s6;
	s16 =	sadd.s32 $0x2, s9;
	v10 =	vand.u32 $0xD, v9;
	v9 =	vbroadcast v15, $0x0  }
0x299: {  	v15 =	vmov s16  }
0x29a: {  	v16 =	vmov s9;
	v15 =	vand.u32 $0xE, v15  }
0x29b: {  	v16 =	vand.u32 $0xC, v16;
	v15 =	vbroadcast v15, $0x0  }
0x29c: {  	s6 =	sadd.s32 $0x200, s21;
	v16 =	vbroadcast v16, $0x0  }
0x29d: {  	v17 =	vld [tilespmem:s6+$0x0];
	v18 =	vor.u32 v0, v15  }
0x29e: {  	v19 =	vld [tilespmem:s6+$0xFFFFFF00];
	v20 =	vor.u32 v0, v16;
	_ =	sdelay $0x3  }
0x29f: {  	[tilespmem:v18+s13+$0x0] =	vst.idx.msk $0xffff, v17  }
0x2a0: {  	v26 =	vor.u32 v2, v15;
	[tilespmem:v20+s13+$0x0] =	vst.idx.msk $0xffff, v19;
	v17 =	vld [tilespmem:s6+$0x10]  }
0x2a1: {  	v27 =	vor.u32 v2, v16;
	v19 =	vld [tilespmem:s6+$0xFFFFFF10];
	_ =	sdelay $0x3  }
0x2a2: {  	[tilespmem:v26+s13+$0x0] =	vst.idx.msk $0xffff, v17  }
0x2a3: {  	v28 =	vor.u32 v3, v15;
	[tilespmem:v27+s13+$0x0] =	vst.idx.msk $0xffff, v19;
	v17 =	vld [tilespmem:s6+$0x20]  }
0x2a4: {  	v29 =	vor.u32 v3, v16;
	v19 =	vld [tilespmem:s6+$0xFFFFFF20];
	_ =	sdelay $0x3  }
0x2a5: {  	[tilespmem:v28+s13+$0x0] =	vst.idx.msk $0xffff, v17  }
0x2a6: {  	v30 =	vor.u32 v4, v15;
	[tilespmem:v29+s13+$0x0] =	vst.idx.msk $0xffff, v19;
	v17 =	vld [tilespmem:s6+$0x30]  }
0x2a7: {  	v31 =	vor.u32 v4, v16;
	v19 =	vld [tilespmem:s6+$0xFFFFFF30];
	_ =	sdelay $0x3  }
0x2a8: {  	[tilespmem:v30+s13+$0x0] =	vst.idx.msk $0xffff, v17  }
0x2a9: {  	v32 =	vor.u32 v5, v15;
	[tilespmem:v31+s13+$0x0] =	vst.idx.msk $0xffff, v19;
	v17 =	vld [tilespmem:s6+$0x40]  }
0x2aa: {  	v33 =	vor.u32 v5, v16;
	v19 =	vld [tilespmem:s6+$0xFFFFFF40];
	_ =	sdelay $0x3  }
0x2ab: {  	[tilespmem:v32+s13+$0x0] =	vst.idx.msk $0xffff, v17  }
0x2ac: {  	v34 =	vor.u32 v6, v15;
	[tilespmem:v33+s13+$0x0] =	vst.idx.msk $0xffff, v19;
	v17 =	vld [tilespmem:s6+$0x50]  }
0x2ad: {  	v35 =	vor.u32 v6, v16;
	v19 =	vld [tilespmem:s6+$0xFFFFFF50];
	_ =	sdelay $0x3  }
0x2ae: {  	[tilespmem:v34+s13+$0x0] =	vst.idx.msk $0xffff, v17  }
0x2af: {  	v36 =	vor.u32 v7, v15;
	[tilespmem:v35+s13+$0x0] =	vst.idx.msk $0xffff, v19;
	v17 =	vld [tilespmem:s6+$0x60]  }
0x2b0: {  	v37 =	vor.u32 v7, v16;
	v19 =	vld [tilespmem:s6+$0xFFFFFF60];
	_ =	sdelay $0x3  }
0x2b1: {  	[tilespmem:v36+s13+$0x0] =	vst.idx.msk $0xffff, v17  }
0x2b2: {  	v15 =	vor.u32 v8, v15;
	[tilespmem:v37+s13+$0x0] =	vst.idx.msk $0xffff, v19;
	v17 =	vld [tilespmem:s6+$0x70]  }
0x2b3: {  	s29 =	sadd.s32 $0x3, s9;
	v16 =	vor.u32 v8, v16;
	v38 =	vld [tilespmem:s6+$0xFFFFFF70]  }
0x2b4: {  	s16 =	sadd.s32 $0x1, s9;
	v39 =	vmov s29  }
0x2b5: {  	v10 =	vbroadcast v10, $0x0;
	[tilespmem:v14+s13+$0x0] =	vst.idx.msk $0xffff, v13;
	v13 =	vmov s16;
	v14 =	vand.u32 $0xF, v39  }
0x2b6: {  	[tilespmem:v12+s13+$0x0] =	vst.idx.msk $0xffff, v11;
	v11 =	vld [tilespmem:s21+$0x80];
	v12 =	vor.u32 v0, v9;
	v13 =	vand.u32 $0xD, v13;
	v14 =	vbroadcast v14, $0x0  }
0x2b7: {  	v40 =	vld [tilespmem:s21+$0xFFFFFF80];
	v41 =	vor.u32 v0, v10;
	v13 =	vbroadcast v13, $0x0;
	[tilespmem:v15+s13+$0x0] =	vst.idx.msk $0xffff, v17  }
0x2b8: {  	v42 =	vor.u32 v0, v14;
	[tilespmem:v16+s13+$0x0] =	vst.idx.msk $0xffff, v38;
	v15 =	vld [tilespmem:s6+$0x80]  }
0x2b9: {  	v44 =	vor.u32 v0, v13;
	v43 =	vld [tilespmem:s6+$0xFFFFFF80];
	_ =	sdelay $0x1  }
0x2ba: {  	[tilespmem:v12+s13+$0x0] =	vst.idx.msk $0xffff, v11  }
0x2bb: {  	v12 =	vor.u32 v2, v9;
	[tilespmem:v41+s13+$0x0] =	vst.idx.msk $0xffff, v40;
	v11 =	vld [tilespmem:s20+$0x90]  }
0x2bc: {  	v45 =	vor.u32 v2, v10;
	v19 =	vld [tilespmem:s20+$0xFFFFFF90];
	[tilespmem:v42+s13+$0x0] =	vst.idx.msk $0xffff, v15  }
0x2bd: {  	v46 =	vor.u32 v2, v14;
	[tilespmem:v44+s13+$0x0] =	vst.idx.msk $0xffff, v43;
	v15 =	vld [tilespmem:s6+$0x90]  }
0x2be: {  	v47 =	vor.u32 v2, v13;
	v17 =	vld [tilespmem:s6+$0xFFFFFF90];
	_ =	sdelay $0x1  }
0x2bf: {  	[tilespmem:v12+s13+$0x0] =	vst.idx.msk $0xffff, v11  }
0x2c0: {  	v12 =	vor.u32 v3, v9;
	v11 =	vld [tilespmem:s20+$0xA0];
	[tilespmem:v45+s13+$0x0] =	vst.idx.msk $0xffff, v19  }
0x2c1: {  	v48 =	vor.u32 v3, v10;
	v19 =	vld [tilespmem:s20+$0xFFFFFFA0];
	[tilespmem:v46+s13+$0x0] =	vst.idx.msk $0xffff, v15  }
0x2c2: {  	v49 =	vor.u32 v3, v14;
	[tilespmem:v47+s13+$0x0] =	vst.idx.msk $0xffff, v17;
	v15 =	vld [tilespmem:s6+$0xA0]  }
0x2c3: {  	v50 =	vor.u32 v3, v13;
	v17 =	vld [tilespmem:s6+$0xFFFFFFA0];
	_ =	sdelay $0x1  }
0x2c4: {  	[tilespmem:v12+s13+$0x0] =	vst.idx.msk $0xffff, v11  }
0x2c5: {  	v12 =	vor.u32 v4, v9;
	v11 =	vld [tilespmem:s20+$0xB0];
	[tilespmem:v48+s13+$0x0] =	vst.idx.msk $0xffff, v19  }
0x2c6: {  	v51 =	vor.u32 v4, v10;
	v19 =	vld [tilespmem:s20+$0xFFFFFFB0];
	[tilespmem:v49+s13+$0x0] =	vst.idx.msk $0xffff, v15  }
0x2c7: {  	v52 =	vor.u32 v4, v14;
	[tilespmem:v50+s13+$0x0] =	vst.idx.msk $0xffff, v17;
	v15 =	vld [tilespmem:s6+$0xB0]  }
0x2c8: {  	v53 =	vor.u32 v4, v13;
	v17 =	vld [tilespmem:s6+$0xFFFFFFB0];
	_ =	sdelay $0x1  }
0x2c9: {  	[tilespmem:v12+s13+$0x0] =	vst.idx.msk $0xffff, v11  }
0x2ca: {  	v12 =	vor.u32 v5, v9;
	v11 =	vld [tilespmem:s20+$0xC0];
	[tilespmem:v51+s13+$0x0] =	vst.idx.msk $0xffff, v19  }
0x2cb: {  	v54 =	vor.u32 v5, v10;
	v19 =	vld [tilespmem:s20+$0xFFFFFFC0];
	[tilespmem:v52+s13+$0x0] =	vst.idx.msk $0xffff, v15  }
0x2cc: {  	v55 =	vor.u32 v5, v14;
	[tilespmem:v53+s13+$0x0] =	vst.idx.msk $0xffff, v17;
	v15 =	vld [tilespmem:s6+$0xC0]  }
0x2cd: {  	v56 =	vor.u32 v5, v13;
	v17 =	vld [tilespmem:s6+$0xFFFFFFC0];
	_ =	sdelay $0x1  }
0x2ce: {  	[tilespmem:v12+s13+$0x0] =	vst.idx.msk $0xffff, v11  }
0x2cf: {  	v12 =	vor.u32 v6, v9;
	v11 =	vld [tilespmem:s20+$0xD0];
	[tilespmem:v54+s13+$0x0] =	vst.idx.msk $0xffff, v19  }
0x2d0: {  	v57 =	vor.u32 v6, v10;
	v19 =	vld [tilespmem:s20+$0xFFFFFFD0];
	[tilespmem:v55+s13+$0x0] =	vst.idx.msk $0xffff, v15  }
0x2d1: {  	v58 =	vor.u32 v6, v14;
	[tilespmem:v56+s13+$0x0] =	vst.idx.msk $0xffff, v17;
	v15 =	vld [tilespmem:s6+$0xD0]  }
0x2d2: {  	v59 =	vor.u32 v6, v13;
	v17 =	vld [tilespmem:s6+$0xFFFFFFD0];
	_ =	sdelay $0x1  }
0x2d3: {  	[tilespmem:v12+s13+$0x0] =	vst.idx.msk $0xffff, v11  }
0x2d4: {  	v12 =	vor.u32 v7, v9;
	v11 =	vld [tilespmem:s20+$0xE0];
	[tilespmem:v57+s13+$0x0] =	vst.idx.msk $0xffff, v19  }
0x2d5: {  	v60 =	vor.u32 v7, v10;
	v19 =	vld [tilespmem:s20+$0xFFFFFFE0];
	[tilespmem:v58+s13+$0x0] =	vst.idx.msk $0xffff, v15  }
0x2d6: {  	v61 =	vor.u32 v7, v14;
	[tilespmem:v59+s13+$0x0] =	vst.idx.msk $0xffff, v17;
	v15 =	vld [tilespmem:s6+$0xE0]  }
0x2d7: {  	v62 =	vor.u32 v7, v13;
	v17 =	vld [tilespmem:s6+$0xFFFFFFE0];
	_ =	sdelay $0x1  }
0x2d8: {  	[tilespmem:v12+s13+$0x0] =	vst.idx.msk $0xffff, v11  }
0x2d9: {  	v9 =	vor.u32 v8, v9;
	v11 =	vld [tilespmem:s20+$0xF0];
	[tilespmem:v60+s13+$0x0] =	vst.idx.msk $0xffff, v19  }
0x2da: {  	v10 =	vor.u32 v8, v10;
	v12 =	vld [tilespmem:s20+$0xFFFFFFF0];
	[tilespmem:v61+s13+$0x0] =	vst.idx.msk $0xffff, v15  }
0x2db: {  	v14 =	vor.u32 v8, v14;
	[tilespmem:v62+s13+$0x0] =	vst.idx.msk $0xffff, v17;
	v15 =	vld [tilespmem:s6+$0xF0]  }
0x2dc: {  	v13 =	vor.u32 v8, v13;
	v63 =	vld [tilespmem:s6+$0xFFFFFFF0];
	_ =	sdelay $0x1  }
0x2dd: {  	[tilespmem:v9+s13+$0x0] =	vst.idx.msk $0xffff, v11  }
0x2de: {  	[tilespmem:v10+s13+$0x0] =	vst.idx.msk $0xffff, v12  }
0x2df: {  	s17 =	sshll.u32 s31, $0x7;
	[tilespmem:v14+s13+$0x0] =	vst.idx.msk $0xffff, v15  }
0x2e0: {  	s6 =	sand.u32 $0x3FFFFF80, s17;
	[tilespmem:v13+s13+$0x0] =	vst.idx.msk $0xffff, v63  }
0x2e1: {  	[spmem:s3] =	stream.indirect.scatter.add.f32 [tilespmem:s13], [sflag:$0xA], $0x10, s6, s19, $0xb8;
	[tilespmem:$0xD590] =	vst v63  }
0x2e2: {  	s6 =	rddreg [dreg:$0xf]  }
0x2e3: {  	s6 =	sadd.s32 @!p3 s7, s6  }
0x2e4: {  	s6 =	sshll.u32 @!p3 s6, $0x7  }
0x2e5: {  	s16 =	simm.s32 @!p3 $0x0;
	s17 =	simm.s32 @!p3 $0x2F80;
	s9 =	sadd.s32 @!p3 s1, s6  }
0x2e6: {  	[tilespmem:s17], [sflag:$0x2] =	stream.linear.gather @!p3 [hbm4b:s9+s16], $0x400, $0x38;
	[tilespmem:$0xD590] =	vst v63  }
0x2e7: {  	s6 =	sadd.s32 @!p3 s6, s15;
	s9 =	simm.s32 @!p3 $0x3380  }
0x2e8: {  	[tilespmem:s9], [sflag:$0x2] =	stream.linear.gather @!p3 [hbm4b:s6+s16], $0x400, $0x38;
	[tilespmem:$0xD590] =	vst v63  }
0x2e9: {  	_ =	swait.ge [sflag:s14], $0x400  }
0x2ea: {  	[sflag:s14] =	ssyncset.done $0x0  }
0x2eb: {  	[sflag:s14] =	ssyncadd.s32 $0xFFFFFC00  }
0x2ec: {  	_ =	swait.ge [sflag:s14], $0x400  }
0x2ed: {  	s20 =	simm.s32 $0x2;
	[sflag:s14] =	ssyncset.done $0x0  }
0x2ee: {  	s21 =	simm.s32 $0x0;
	v9 =	vmov s20;
	s9 =	simm.s32 @!p2 $0xB;
	[sflag:s14] =	ssyncadd.s32 $0xFFFFFC00  }
0x2ef: {  	v9 =	vand.u32 $0xE, v9;
	v10 =	vmov s21;
	_ =	swait.ge @!p2 [sflag:s9], $0x800  }
0x2f0: {  	v9 =	vbroadcast v9, $0x0;
	v10 =	vand.u32 $0xC, v10;
	[sflag:s9] =	ssyncset.done @!p2 $0x0  }
0x2f1: {  	s21 =	simm.s32 $0x4880;
	v10 =	vbroadcast v10, $0x0;
	[sflag:s9] =	ssyncadd.s32 @!p2 $0xFFFFF800  }
0x2f2: {  	v12 =	vor.u32 v0, v9;
	v11 =	vld [tilespmem:s21+$0x0]  }
0x2f3: {  	v14 =	vor.u32 v0, v10;
	v13 =	vld [tilespmem:s21+$0xFFFFFF00];
	_ =	sdelay $0x3  }
0x2f4: {  	[tilespmem:v12+s22+$0x0] =	vst.idx.msk $0xffff, v11  }
0x2f5: {  	[tilespmem:v14+s22+$0x0] =	vst.idx.msk $0xffff, v13;
	v12 =	vor.u32 v2, v9;
	v11 =	vld [tilespmem:s21+$0x10]  }
0x2f6: {  	v14 =	vor.u32 v2, v10;
	v13 =	vld [tilespmem:s21+$0xFFFFFF10];
	_ =	sdelay $0x3  }
0x2f7: {  	[tilespmem:v12+s22+$0x0] =	vst.idx.msk $0xffff, v11  }
0x2f8: {  	[tilespmem:v14+s22+$0x0] =	vst.idx.msk $0xffff, v13;
	v12 =	vor.u32 v3, v9;
	v11 =	vld [tilespmem:s21+$0x20]  }
0x2f9: {  	v14 =	vor.u32 v3, v10;
	v13 =	vld [tilespmem:s21+$0xFFFFFF20];
	_ =	sdelay $0x3  }
0x2fa: {  	[tilespmem:v12+s22+$0x0] =	vst.idx.msk $0xffff, v11  }
0x2fb: {  	[tilespmem:v14+s22+$0x0] =	vst.idx.msk $0xffff, v13;
	v12 =	vor.u32 v4, v9;
	v11 =	vld [tilespmem:s21+$0x30]  }
0x2fc: {  	v14 =	vor.u32 v4, v10;
	v13 =	vld [tilespmem:s21+$0xFFFFFF30];
	_ =	sdelay $0x3  }
0x2fd: {  	[tilespmem:v12+s22+$0x0] =	vst.idx.msk $0xffff, v11  }
0x2fe: {  	[tilespmem:v14+s22+$0x0] =	vst.idx.msk $0xffff, v13;
	v12 =	vor.u32 v5, v9;
	v11 =	vld [tilespmem:s21+$0x40]  }
0x2ff: {  	v14 =	vor.u32 v5, v10;
	v13 =	vld [tilespmem:s21+$0xFFFFFF40];
	_ =	sdelay $0x3  }
0x300: {  	[tilespmem:v12+s22+$0x0] =	vst.idx.msk $0xffff, v11  }
0x301: {  	[tilespmem:v14+s22+$0x0] =	vst.idx.msk $0xffff, v13;
	v12 =	vor.u32 v6, v9;
	v11 =	vld [tilespmem:s21+$0x50]  }
0x302: {  	v14 =	vor.u32 v6, v10;
	v13 =	vld [tilespmem:s21+$0xFFFFFF50];
	_ =	sdelay $0x3  }
0x303: {  	[tilespmem:v12+s22+$0x0] =	vst.idx.msk $0xffff, v11  }
0x304: {  	[tilespmem:v14+s22+$0x0] =	vst.idx.msk $0xffff, v13;
	v12 =	vor.u32 v7, v9;
	v11 =	vld [tilespmem:s21+$0x60]  }
0x305: {  	v14 =	vor.u32 v7, v10;
	v13 =	vld [tilespmem:s21+$0xFFFFFF60];
	_ =	sdelay $0x3  }
0x306: {  	s29 =	simm.s32 $0x3;
	[tilespmem:v12+s22+$0x0] =	vst.idx.msk $0xffff, v11  }
0x307: {  	v11 =	vmov s29;
	[tilespmem:v14+s22+$0x0] =	vst.idx.msk $0xffff, v13;
	v14 =	vor.u32 v8, v9;
	v13 =	vld [tilespmem:s21+$0x70]  }
0x308: {  	v12 =	vor.u32 v8, v10;
	v15 =	vand.u32 $0xF, v11;
	v11 =	vld [tilespmem:s21+$0xFFFFFF70]  }
0x309: {  	s31 =	simm.s32 $0x1  }
0x30a: {  	s20 =	simm.s32 $0x4880;
	v9 =	vmov s31  }
0x30b: {  	s16 =	simm.s32 $0x6;
	s6 =	simm.s32 $0x8;
	s9 =	simm.s32 $0x4;
	v10 =	vand.u32 $0xD, v9;
	v9 =	vbroadcast v15, $0x0  }
.LBB2_13:
0x30c: {  	p4 =	slt.u32 s6, $0xC;
	v15 =	vmov s16;
	v10 =	vbroadcast v10, $0x0;
	[tilespmem:v14+s22+$0x0] =	vst.idx.msk $0xffff, v13  }
0x30d: {  	v13 =	vmov s9;
	v14 =	vand.u32 $0xE, v15;
	[tilespmem:v12+s22+$0x0] =	vst.idx.msk $0xffff, v11;
	v15 =	vld [tilespmem:s21+$0x80];
	v16 =	vor.u32 v0, v9  }
0x30e: {  	v12 =	vand.u32 $0xC, v13;
	v11 =	vbroadcast v14, $0x0;
	v13 =	vld [tilespmem:s21+$0xFFFFFF80];
	v14 =	vor.u32 v0, v10  }
0x30f: {  	v12 =	vbroadcast v12, $0x0;
	s21 =	sadd.s32 $0x200, s21  }
0x310: {  	v17 =	vld [tilespmem:s21+$0x0];
	v18 =	vor.u32 v0, v11  }
0x311: {  	v20 =	vor.u32 v0, v12;
	v19 =	vld [tilespmem:s21+$0xFFFFFF00]  }
0x312: {  	[tilespmem:v16+s22+$0x0] =	vst.idx.msk $0xffff, v15  }
0x313: {  	[tilespmem:v14+s22+$0x0] =	vst.idx.msk $0xffff, v13;
	v13 =	vld [tilespmem:s20+$0x90];
	v14 =	vor.u32 v2, v9  }
0x314: {  	v16 =	vor.u32 v2, v10;
	v15 =	vld [tilespmem:s20+$0xFFFFFF90]  }
0x315: {  	[tilespmem:v18+s22+$0x0] =	vst.idx.msk $0xffff, v17  }
0x316: {  	v18 =	vor.u32 v2, v11;
	[tilespmem:v20+s22+$0x0] =	vst.idx.msk $0xffff, v19;
	v17 =	vld [tilespmem:s21+$0x10]  }
0x317: {  	v20 =	vor.u32 v2, v12;
	v19 =	vld [tilespmem:s21+$0xFFFFFF10]  }
0x318: {  	[tilespmem:v14+s22+$0x0] =	vst.idx.msk $0xffff, v13  }
0x319: {  	v14 =	vor.u32 v3, v9;
	[tilespmem:v16+s22+$0x0] =	vst.idx.msk $0xffff, v15;
	v13 =	vld [tilespmem:s20+$0xA0]  }
0x31a: {  	v16 =	vor.u32 v3, v10;
	v15 =	vld [tilespmem:s20+$0xFFFFFFA0]  }
0x31b: {  	[tilespmem:v18+s22+$0x0] =	vst.idx.msk $0xffff, v17  }
0x31c: {  	v18 =	vor.u32 v3, v11;
	[tilespmem:v20+s22+$0x0] =	vst.idx.msk $0xffff, v19;
	v17 =	vld [tilespmem:s21+$0x20]  }
0x31d: {  	v20 =	vor.u32 v3, v12;
	v19 =	vld [tilespmem:s21+$0xFFFFFF20]  }
0x31e: {  	[tilespmem:v14+s22+$0x0] =	vst.idx.msk $0xffff, v13  }
0x31f: {  	v14 =	vor.u32 v4, v9;
	[tilespmem:v16+s22+$0x0] =	vst.idx.msk $0xffff, v15;
	v13 =	vld [tilespmem:s20+$0xB0]  }
0x320: {  	v16 =	vor.u32 v4, v10;
	v15 =	vld [tilespmem:s20+$0xFFFFFFB0]  }
0x321: {  	[tilespmem:v18+s22+$0x0] =	vst.idx.msk $0xffff, v17  }
0x322: {  	v18 =	vor.u32 v4, v11;
	[tilespmem:v20+s22+$0x0] =	vst.idx.msk $0xffff, v19;
	v17 =	vld [tilespmem:s21+$0x30]  }
0x323: {  	v20 =	vor.u32 v4, v12;
	v19 =	vld [tilespmem:s21+$0xFFFFFF30]  }
0x324: {  	[tilespmem:v14+s22+$0x0] =	vst.idx.msk $0xffff, v13  }
0x325: {  	v14 =	vor.u32 v5, v9;
	[tilespmem:v16+s22+$0x0] =	vst.idx.msk $0xffff, v15;
	v13 =	vld [tilespmem:s20+$0xC0]  }
0x326: {  	v16 =	vor.u32 v5, v10;
	v15 =	vld [tilespmem:s20+$0xFFFFFFC0]  }
0x327: {  	[tilespmem:v18+s22+$0x0] =	vst.idx.msk $0xffff, v17  }
0x328: {  	v18 =	vor.u32 v5, v11;
	[tilespmem:v20+s22+$0x0] =	vst.idx.msk $0xffff, v19;
	v17 =	vld [tilespmem:s21+$0x40]  }
0x329: {  	v20 =	vor.u32 v5, v12;
	v19 =	vld [tilespmem:s21+$0xFFFFFF40]  }
0x32a: {  	[tilespmem:v14+s22+$0x0] =	vst.idx.msk $0xffff, v13  }
0x32b: {  	v14 =	vor.u32 v6, v9;
	[tilespmem:v16+s22+$0x0] =	vst.idx.msk $0xffff, v15;
	v13 =	vld [tilespmem:s20+$0xD0]  }
0x32c: {  	v16 =	vor.u32 v6, v10;
	v15 =	vld [tilespmem:s20+$0xFFFFFFD0]  }
0x32d: {  	[tilespmem:v18+s22+$0x0] =	vst.idx.msk $0xffff, v17  }
0x32e: {  	v18 =	vor.u32 v6, v11;
	[tilespmem:v20+s22+$0x0] =	vst.idx.msk $0xffff, v19;
	v17 =	vld [tilespmem:s21+$0x50]  }
0x32f: {  	v20 =	vor.u32 v6, v12;
	v19 =	vld [tilespmem:s21+$0xFFFFFF50]  }
0x330: {  	[tilespmem:v14+s22+$0x0] =	vst.idx.msk $0xffff, v13  }
0x331: {  	v14 =	vor.u32 v7, v9;
	[tilespmem:v16+s22+$0x0] =	vst.idx.msk $0xffff, v15;
	v13 =	vld [tilespmem:s20+$0xE0]  }
0x332: {  	v16 =	vor.u32 v7, v10;
	v15 =	vld [tilespmem:s20+$0xFFFFFFE0]  }
0x333: {  	[tilespmem:v18+s22+$0x0] =	vst.idx.msk $0xffff, v17  }
0x334: {  	v18 =	vor.u32 v7, v11;
	[tilespmem:v20+s22+$0x0] =	vst.idx.msk $0xffff, v19;
	v17 =	vld [tilespmem:s21+$0x60]  }
0x335: {  	v20 =	vor.u32 v7, v12;
	v19 =	vld [tilespmem:s21+$0xFFFFFF60]  }
0x336: {  	[tilespmem:v14+s22+$0x0] =	vst.idx.msk $0xffff, v13  }
0x337: {  	v9 =	vor.u32 v8, v9;
	[tilespmem:v16+s22+$0x0] =	vst.idx.msk $0xffff, v15;
	v15 =	vld [tilespmem:s20+$0xF0]  }
0x338: {  	v10 =	vor.u32 v8, v10;
	v16 =	vld [tilespmem:s20+$0xFFFFFFF0];
	s20 =	smov.u32 s21  }
0x339: {  	[tilespmem:v18+s22+$0x0] =	vst.idx.msk $0xffff, v17  }
.Ltmp7:
0x33a: {  	v14 =	vor.u32 v8, v11;
	[tilespmem:v20+s22+$0x0] =	vst.idx.msk $0xffff, v19;
	v13 =	vld [tilespmem:s21+$0x70];
	(pc) =	sbr.rel @p4 .LBB2_13-.Ltmp7, $4  }
0x33b: {  	s16 =	sadd.s32 $0x3, s9;
	v12 =	vor.u32 v8, v12;
	v11 =	vld [tilespmem:s21+$0xFFFFFF70]  }
0x33c: {  	s17 =	sadd.s32 $0x1, s9;
	s9 =	smov.u32 s6;
	v17 =	vmov s16;
	[tilespmem:v9+s22+$0x0] =	vst.idx.msk $0xffff, v15  }
0x33d: {  	v9 =	vmov s17;
	v15 =	vand.u32 $0xF, v17;
	[tilespmem:v10+s22+$0x0] =	vst.idx.msk $0xffff, v16  }
0x33e: {  	s6 =	sadd.s32 $0x4, s6;
	s16 =	sadd.s32 $0x2, s9;
	v10 =	vand.u32 $0xD, v9;
	v9 =	vbroadcast v15, $0x0  }
0x33f: {  	v15 =	vmov s16  }
0x340: {  	v16 =	vmov s9;
	v15 =	vand.u32 $0xE, v15  }
0x341: {  	v16 =	vand.u32 $0xC, v16;
	v15 =	vbroadcast v15, $0x0  }
0x342: {  	s6 =	sadd.s32 $0x200, s21;
	v16 =	vbroadcast v16, $0x0  }
0x343: {  	v17 =	vld [tilespmem:s6+$0x0];
	v18 =	vor.u32 v0, v15  }
0x344: {  	v19 =	vld [tilespmem:s6+$0xFFFFFF00];
	v20 =	vor.u32 v0, v16;
	_ =	sdelay $0x3  }
0x345: {  	[tilespmem:v18+s22+$0x0] =	vst.idx.msk $0xffff, v17  }
0x346: {  	v26 =	vor.u32 v2, v15;
	[tilespmem:v20+s22+$0x0] =	vst.idx.msk $0xffff, v19;
	v17 =	vld [tilespmem:s6+$0x10]  }
0x347: {  	v27 =	vor.u32 v2, v16;
	v19 =	vld [tilespmem:s6+$0xFFFFFF10];
	_ =	sdelay $0x3  }
0x348: {  	[tilespmem:v26+s22+$0x0] =	vst.idx.msk $0xffff, v17  }
0x349: {  	v28 =	vor.u32 v3, v15;
	[tilespmem:v27+s22+$0x0] =	vst.idx.msk $0xffff, v19;
	v17 =	vld [tilespmem:s6+$0x20]  }
0x34a: {  	v29 =	vor.u32 v3, v16;
	v19 =	vld [tilespmem:s6+$0xFFFFFF20];
	_ =	sdelay $0x3  }
0x34b: {  	[tilespmem:v28+s22+$0x0] =	vst.idx.msk $0xffff, v17  }
0x34c: {  	v30 =	vor.u32 v4, v15;
	[tilespmem:v29+s22+$0x0] =	vst.idx.msk $0xffff, v19;
	v17 =	vld [tilespmem:s6+$0x30]  }
0x34d: {  	v31 =	vor.u32 v4, v16;
	v19 =	vld [tilespmem:s6+$0xFFFFFF30];
	_ =	sdelay $0x3  }
0x34e: {  	[tilespmem:v30+s22+$0x0] =	vst.idx.msk $0xffff, v17  }
0x34f: {  	v32 =	vor.u32 v5, v15;
	[tilespmem:v31+s22+$0x0] =	vst.idx.msk $0xffff, v19;
	v17 =	vld [tilespmem:s6+$0x40]  }
0x350: {  	v33 =	vor.u32 v5, v16;
	v19 =	vld [tilespmem:s6+$0xFFFFFF40];
	_ =	sdelay $0x3  }
0x351: {  	[tilespmem:v32+s22+$0x0] =	vst.idx.msk $0xffff, v17  }
0x352: {  	v34 =	vor.u32 v6, v15;
	[tilespmem:v33+s22+$0x0] =	vst.idx.msk $0xffff, v19;
	v17 =	vld [tilespmem:s6+$0x50]  }
0x353: {  	v35 =	vor.u32 v6, v16;
	v19 =	vld [tilespmem:s6+$0xFFFFFF50];
	_ =	sdelay $0x3  }
0x354: {  	[tilespmem:v34+s22+$0x0] =	vst.idx.msk $0xffff, v17  }
0x355: {  	v36 =	vor.u32 v7, v15;
	[tilespmem:v35+s22+$0x0] =	vst.idx.msk $0xffff, v19;
	v17 =	vld [tilespmem:s6+$0x60]  }
0x356: {  	v37 =	vor.u32 v7, v16;
	v19 =	vld [tilespmem:s6+$0xFFFFFF60];
	_ =	sdelay $0x3  }
0x357: {  	[tilespmem:v36+s22+$0x0] =	vst.idx.msk $0xffff, v17  }
0x358: {  	v15 =	vor.u32 v8, v15;
	[tilespmem:v37+s22+$0x0] =	vst.idx.msk $0xffff, v19;
	v17 =	vld [tilespmem:s6+$0x70]  }
0x359: {  	s31 =	sadd.s32 $0x3, s9;
	v16 =	vor.u32 v8, v16;
	v38 =	vld [tilespmem:s6+$0xFFFFFF70]  }
0x35a: {  	s17 =	sadd.s32 $0x1, s9;
	v39 =	vmov s31  }
0x35b: {  	v10 =	vbroadcast v10, $0x0;
	[tilespmem:v14+s22+$0x0] =	vst.idx.msk $0xffff, v13;
	v13 =	vmov s17;
	v14 =	vand.u32 $0xF, v39  }
0x35c: {  	[tilespmem:v12+s22+$0x0] =	vst.idx.msk $0xffff, v11;
	v11 =	vld [tilespmem:s21+$0x80];
	v12 =	vor.u32 v0, v9;
	v13 =	vand.u32 $0xD, v13;
	v14 =	vbroadcast v14, $0x0  }
0x35d: {  	v40 =	vld [tilespmem:s21+$0xFFFFFF80];
	v41 =	vor.u32 v0, v10;
	v13 =	vbroadcast v13, $0x0;
	[tilespmem:v15+s22+$0x0] =	vst.idx.msk $0xffff, v17  }
0x35e: {  	v42 =	vor.u32 v0, v14;
	[tilespmem:v16+s22+$0x0] =	vst.idx.msk $0xffff, v38;
	v15 =	vld [tilespmem:s6+$0x80]  }
0x35f: {  	v44 =	vor.u32 v0, v13;
	v43 =	vld [tilespmem:s6+$0xFFFFFF80];
	_ =	sdelay $0x1  }
0x360: {  	[tilespmem:v12+s22+$0x0] =	vst.idx.msk $0xffff, v11  }
0x361: {  	v12 =	vor.u32 v2, v9;
	[tilespmem:v41+s22+$0x0] =	vst.idx.msk $0xffff, v40;
	v11 =	vld [tilespmem:s20+$0x90]  }
0x362: {  	v45 =	vor.u32 v2, v10;
	v19 =	vld [tilespmem:s20+$0xFFFFFF90];
	[tilespmem:v42+s22+$0x0] =	vst.idx.msk $0xffff, v15  }
0x363: {  	v46 =	vor.u32 v2, v14;
	[tilespmem:v44+s22+$0x0] =	vst.idx.msk $0xffff, v43;
	v15 =	vld [tilespmem:s6+$0x90]  }
0x364: {  	v47 =	vor.u32 v2, v13;
	v17 =	vld [tilespmem:s6+$0xFFFFFF90];
	_ =	sdelay $0x1  }
0x365: {  	[tilespmem:v12+s22+$0x0] =	vst.idx.msk $0xffff, v11  }
0x366: {  	v12 =	vor.u32 v3, v9;
	v11 =	vld [tilespmem:s20+$0xA0];
	[tilespmem:v45+s22+$0x0] =	vst.idx.msk $0xffff, v19  }
0x367: {  	v48 =	vor.u32 v3, v10;
	v19 =	vld [tilespmem:s20+$0xFFFFFFA0];
	[tilespmem:v46+s22+$0x0] =	vst.idx.msk $0xffff, v15  }
0x368: {  	v49 =	vor.u32 v3, v14;
	[tilespmem:v47+s22+$0x0] =	vst.idx.msk $0xffff, v17;
	v15 =	vld [tilespmem:s6+$0xA0]  }
0x369: {  	v50 =	vor.u32 v3, v13;
	v17 =	vld [tilespmem:s6+$0xFFFFFFA0];
	_ =	sdelay $0x1  }
0x36a: {  	[tilespmem:v12+s22+$0x0] =	vst.idx.msk $0xffff, v11  }
0x36b: {  	v12 =	vor.u32 v4, v9;
	v11 =	vld [tilespmem:s20+$0xB0];
	[tilespmem:v48+s22+$0x0] =	vst.idx.msk $0xffff, v19  }
0x36c: {  	v51 =	vor.u32 v4, v10;
	v19 =	vld [tilespmem:s20+$0xFFFFFFB0];
	[tilespmem:v49+s22+$0x0] =	vst.idx.msk $0xffff, v15  }
0x36d: {  	v52 =	vor.u32 v4, v14;
	[tilespmem:v50+s22+$0x0] =	vst.idx.msk $0xffff, v17;
	v15 =	vld [tilespmem:s6+$0xB0]  }
0x36e: {  	v53 =	vor.u32 v4, v13;
	v17 =	vld [tilespmem:s6+$0xFFFFFFB0];
	_ =	sdelay $0x1  }
0x36f: {  	[tilespmem:v12+s22+$0x0] =	vst.idx.msk $0xffff, v11  }
0x370: {  	v12 =	vor.u32 v5, v9;
	v11 =	vld [tilespmem:s20+$0xC0];
	[tilespmem:v51+s22+$0x0] =	vst.idx.msk $0xffff, v19  }
0x371: {  	v54 =	vor.u32 v5, v10;
	v19 =	vld [tilespmem:s20+$0xFFFFFFC0];
	[tilespmem:v52+s22+$0x0] =	vst.idx.msk $0xffff, v15  }
0x372: {  	v55 =	vor.u32 v5, v14;
	[tilespmem:v53+s22+$0x0] =	vst.idx.msk $0xffff, v17;
	v15 =	vld [tilespmem:s6+$0xC0]  }
0x373: {  	v56 =	vor.u32 v5, v13;
	v17 =	vld [tilespmem:s6+$0xFFFFFFC0];
	_ =	sdelay $0x1  }
0x374: {  	[tilespmem:v12+s22+$0x0] =	vst.idx.msk $0xffff, v11  }
0x375: {  	v12 =	vor.u32 v6, v9;
	v11 =	vld [tilespmem:s20+$0xD0];
	[tilespmem:v54+s22+$0x0] =	vst.idx.msk $0xffff, v19  }
0x376: {  	v57 =	vor.u32 v6, v10;
	v19 =	vld [tilespmem:s20+$0xFFFFFFD0];
	[tilespmem:v55+s22+$0x0] =	vst.idx.msk $0xffff, v15  }
0x377: {  	v58 =	vor.u32 v6, v14;
	[tilespmem:v56+s22+$0x0] =	vst.idx.msk $0xffff, v17;
	v15 =	vld [tilespmem:s6+$0xD0]  }
0x378: {  	v59 =	vor.u32 v6, v13;
	v17 =	vld [tilespmem:s6+$0xFFFFFFD0];
	_ =	sdelay $0x1  }
0x379: {  	[tilespmem:v12+s22+$0x0] =	vst.idx.msk $0xffff, v11  }
0x37a: {  	v12 =	vor.u32 v7, v9;
	v11 =	vld [tilespmem:s20+$0xE0];
	[tilespmem:v57+s22+$0x0] =	vst.idx.msk $0xffff, v19  }
0x37b: {  	v60 =	vor.u32 v7, v10;
	v19 =	vld [tilespmem:s20+$0xFFFFFFE0];
	[tilespmem:v58+s22+$0x0] =	vst.idx.msk $0xffff, v15  }
0x37c: {  	v61 =	vor.u32 v7, v14;
	[tilespmem:v59+s22+$0x0] =	vst.idx.msk $0xffff, v17;
	v15 =	vld [tilespmem:s6+$0xE0]  }
0x37d: {  	v62 =	vor.u32 v7, v13;
	v17 =	vld [tilespmem:s6+$0xFFFFFFE0];
	_ =	sdelay $0x1  }
0x37e: {  	[tilespmem:v12+s22+$0x0] =	vst.idx.msk $0xffff, v11  }
0x37f: {  	v9 =	vor.u32 v8, v9;
	v11 =	vld [tilespmem:s20+$0xF0];
	[tilespmem:v60+s22+$0x0] =	vst.idx.msk $0xffff, v19  }
0x380: {  	v10 =	vor.u32 v8, v10;
	v12 =	vld [tilespmem:s20+$0xFFFFFFF0];
	[tilespmem:v61+s22+$0x0] =	vst.idx.msk $0xffff, v15  }
0x381: {  	v14 =	vor.u32 v8, v14;
	[tilespmem:v62+s22+$0x0] =	vst.idx.msk $0xffff, v17;
	v15 =	vld [tilespmem:s6+$0xF0]  }
0x382: {  	v13 =	vor.u32 v8, v13;
	v63 =	vld [tilespmem:s6+$0xFFFFFFF0];
	_ =	sdelay $0x1  }
0x383: {  	[tilespmem:v9+s22+$0x0] =	vst.idx.msk $0xffff, v11  }
0x384: {  	[tilespmem:v10+s22+$0x0] =	vst.idx.msk $0xffff, v12  }
0x385: {  	s20 =	sshll.u32 s30, $0x7;
	[tilespmem:v14+s22+$0x0] =	vst.idx.msk $0xffff, v15  }
0x386: {  	s6 =	sand.u32 $0x3FFFFF80, s20;
	[tilespmem:v13+s22+$0x0] =	vst.idx.msk $0xffff, v63  }
0x387: {  	[spmem:s3] =	stream.indirect.scatter.add.f32 [tilespmem:s22], [sflag:$0xB], $0x10, s6, s19, $0xb8;
	[tilespmem:$0xD590] =	vst v63  }
0x388: {  	s6 =	sadd.s32 @!p3 s7, s18  }
0x389: {  	s6 =	sshll.u32 @!p3 s6, $0x7  }
0x38a: {  	s9 =	simm.s32 @!p3 $0x0;
	s16 =	simm.s32 @!p3 $0x3780;
	s7 =	sadd.s32 @!p3 s1, s6  }
0x38b: {  	[tilespmem:s16], [sflag:$0x3] =	stream.linear.gather @!p3 [hbm4b:s7+s9], $0x400, $0x38;
	[tilespmem:$0xD590] =	vst v63  }
0x38c: {  	s6 =	sadd.s32 @!p3 s6, s15;
	s7 =	simm.s32 @!p3 $0x3B80  }
0x38d: {  	[tilespmem:s7], [sflag:$0x3] =	stream.linear.gather @!p3 [hbm4b:s6+s9], $0x400, $0x38;
	[tilespmem:$0xD590] =	vst v63  }
0x38e: {  	_ =	swait.ge [sflag:s23], $0x400  }
0x38f: {  	[sflag:s23] =	ssyncset.done $0x0  }
0x390: {  	[sflag:s23] =	ssyncadd.s32 $0xFFFFFC00  }
0x391: {  	_ =	swait.ge [sflag:s23], $0x400  }
0x392: {  	s21 =	simm.s32 $0x2;
	[sflag:s23] =	ssyncset.done $0x0  }
0x393: {  	s29 =	simm.s32 $0x0;
	v9 =	vmov s21;
	s7 =	simm.s32 @!p2 $0xC;
	[sflag:s23] =	ssyncadd.s32 $0xFFFFFC00  }
0x394: {  	v9 =	vand.u32 $0xE, v9;
	v10 =	vmov s29;
	_ =	swait.ge @!p2 [sflag:s7], $0x800  }
0x395: {  	v9 =	vbroadcast v9, $0x0;
	v10 =	vand.u32 $0xC, v10;
	[sflag:s7] =	ssyncset.done @!p2 $0x0  }
0x396: {  	v10 =	vbroadcast v10, $0x0;
	s20 =	simm.s32 $0x5080;
	[sflag:s7] =	ssyncadd.s32 @!p2 $0xFFFFF800  }
0x397: {  	v12 =	vor.u32 v0, v9;
	v11 =	vld [tilespmem:s20+$0x0]  }
0x398: {  	v14 =	vor.u32 v0, v10;
	v13 =	vld [tilespmem:s20+$0xFFFFFF00];
	_ =	sdelay $0x3  }
0x399: {  	[tilespmem:v12+s24+$0x0] =	vst.idx.msk $0xffff, v11  }
0x39a: {  	[tilespmem:v14+s24+$0x0] =	vst.idx.msk $0xffff, v13;
	v12 =	vor.u32 v2, v9;
	v11 =	vld [tilespmem:s20+$0x10]  }
0x39b: {  	v14 =	vor.u32 v2, v10;
	v13 =	vld [tilespmem:s20+$0xFFFFFF10];
	_ =	sdelay $0x3  }
0x39c: {  	[tilespmem:v12+s24+$0x0] =	vst.idx.msk $0xffff, v11  }
0x39d: {  	[tilespmem:v14+s24+$0x0] =	vst.idx.msk $0xffff, v13;
	v12 =	vor.u32 v3, v9;
	v11 =	vld [tilespmem:s20+$0x20]  }
0x39e: {  	v14 =	vor.u32 v3, v10;
	v13 =	vld [tilespmem:s20+$0xFFFFFF20];
	_ =	sdelay $0x3  }
0x39f: {  	[tilespmem:v12+s24+$0x0] =	vst.idx.msk $0xffff, v11  }
0x3a0: {  	[tilespmem:v14+s24+$0x0] =	vst.idx.msk $0xffff, v13;
	v12 =	vor.u32 v4, v9;
	v11 =	vld [tilespmem:s20+$0x30]  }
0x3a1: {  	v14 =	vor.u32 v4, v10;
	v13 =	vld [tilespmem:s20+$0xFFFFFF30];
	_ =	sdelay $0x3  }
0x3a2: {  	[tilespmem:v12+s24+$0x0] =	vst.idx.msk $0xffff, v11  }
0x3a3: {  	[tilespmem:v14+s24+$0x0] =	vst.idx.msk $0xffff, v13;
	v12 =	vor.u32 v5, v9;
	v11 =	vld [tilespmem:s20+$0x40]  }
0x3a4: {  	v14 =	vor.u32 v5, v10;
	v13 =	vld [tilespmem:s20+$0xFFFFFF40];
	_ =	sdelay $0x3  }
0x3a5: {  	[tilespmem:v12+s24+$0x0] =	vst.idx.msk $0xffff, v11  }
0x3a6: {  	[tilespmem:v14+s24+$0x0] =	vst.idx.msk $0xffff, v13;
	v12 =	vor.u32 v6, v9;
	v11 =	vld [tilespmem:s20+$0x50]  }
0x3a7: {  	v14 =	vor.u32 v6, v10;
	v13 =	vld [tilespmem:s20+$0xFFFFFF50];
	_ =	sdelay $0x3  }
0x3a8: {  	[tilespmem:v12+s24+$0x0] =	vst.idx.msk $0xffff, v11  }
0x3a9: {  	[tilespmem:v14+s24+$0x0] =	vst.idx.msk $0xffff, v13;
	v12 =	vor.u32 v7, v9;
	v11 =	vld [tilespmem:s20+$0x60]  }
0x3aa: {  	v14 =	vor.u32 v7, v10;
	v13 =	vld [tilespmem:s20+$0xFFFFFF60];
	_ =	sdelay $0x3  }
0x3ab: {  	s30 =	simm.s32 $0x3;
	[tilespmem:v12+s24+$0x0] =	vst.idx.msk $0xffff, v11  }
0x3ac: {  	v11 =	vmov s30;
	[tilespmem:v14+s24+$0x0] =	vst.idx.msk $0xffff, v13;
	v14 =	vor.u32 v8, v9;
	v13 =	vld [tilespmem:s20+$0x70]  }
0x3ad: {  	v12 =	vor.u32 v8, v10;
	v15 =	vand.u32 $0xF, v11;
	v11 =	vld [tilespmem:s20+$0xFFFFFF70]  }
0x3ae: {  	s31 =	simm.s32 $0x1  }
0x3af: {  	s16 =	simm.s32 $0x6;
	v9 =	vmov s31  }
0x3b0: {  	s9 =	simm.s32 $0x4;
	s6 =	simm.s32 $0x8;
	s7 =	simm.s32 $0x5080;
	v10 =	vand.u32 $0xD, v9;
	v9 =	vbroadcast v15, $0x0  }
.LBB2_15:
0x3b1: {  	p2 =	slt.u32 s6, $0xC;
	v15 =	vmov s16;
	v10 =	vbroadcast v10, $0x0;
	[tilespmem:v14+s24+$0x0] =	vst.idx.msk $0xffff, v13  }
0x3b2: {  	v13 =	vmov s9;
	v14 =	vand.u32 $0xE, v15;
	[tilespmem:v12+s24+$0x0] =	vst.idx.msk $0xffff, v11;
	v15 =	vld [tilespmem:s20+$0x80];
	v16 =	vor.u32 v0, v9  }
0x3b3: {  	v12 =	vand.u32 $0xC, v13;
	v11 =	vbroadcast v14, $0x0;
	v13 =	vld [tilespmem:s20+$0xFFFFFF80];
	v14 =	vor.u32 v0, v10  }
0x3b4: {  	v12 =	vbroadcast v12, $0x0;
	s20 =	sadd.s32 $0x200, s20  }
0x3b5: {  	v17 =	vld [tilespmem:s20+$0x0];
	v18 =	vor.u32 v0, v11  }
0x3b6: {  	v20 =	vor.u32 v0, v12;
	v19 =	vld [tilespmem:s20+$0xFFFFFF00]  }
0x3b7: {  	[tilespmem:v16+s24+$0x0] =	vst.idx.msk $0xffff, v15  }
0x3b8: {  	[tilespmem:v14+s24+$0x0] =	vst.idx.msk $0xffff, v13;
	v13 =	vld [tilespmem:s7+$0x90];
	v14 =	vor.u32 v2, v9  }
0x3b9: {  	v16 =	vor.u32 v2, v10;
	v15 =	vld [tilespmem:s7+$0xFFFFFF90]  }
0x3ba: {  	[tilespmem:v18+s24+$0x0] =	vst.idx.msk $0xffff, v17  }
0x3bb: {  	v18 =	vor.u32 v2, v11;
	[tilespmem:v20+s24+$0x0] =	vst.idx.msk $0xffff, v19;
	v17 =	vld [tilespmem:s20+$0x10]  }
0x3bc: {  	v20 =	vor.u32 v2, v12;
	v19 =	vld [tilespmem:s20+$0xFFFFFF10]  }
0x3bd: {  	[tilespmem:v14+s24+$0x0] =	vst.idx.msk $0xffff, v13  }
0x3be: {  	v14 =	vor.u32 v3, v9;
	[tilespmem:v16+s24+$0x0] =	vst.idx.msk $0xffff, v15;
	v13 =	vld [tilespmem:s7+$0xA0]  }
0x3bf: {  	v16 =	vor.u32 v3, v10;
	v15 =	vld [tilespmem:s7+$0xFFFFFFA0]  }
0x3c0: {  	[tilespmem:v18+s24+$0x0] =	vst.idx.msk $0xffff, v17  }
0x3c1: {  	v18 =	vor.u32 v3, v11;
	[tilespmem:v20+s24+$0x0] =	vst.idx.msk $0xffff, v19;
	v17 =	vld [tilespmem:s20+$0x20]  }
0x3c2: {  	v20 =	vor.u32 v3, v12;
	v19 =	vld [tilespmem:s20+$0xFFFFFF20]  }
0x3c3: {  	[tilespmem:v14+s24+$0x0] =	vst.idx.msk $0xffff, v13  }
0x3c4: {  	v14 =	vor.u32 v4, v9;
	[tilespmem:v16+s24+$0x0] =	vst.idx.msk $0xffff, v15;
	v13 =	vld [tilespmem:s7+$0xB0]  }
0x3c5: {  	v16 =	vor.u32 v4, v10;
	v15 =	vld [tilespmem:s7+$0xFFFFFFB0]  }
0x3c6: {  	[tilespmem:v18+s24+$0x0] =	vst.idx.msk $0xffff, v17  }
0x3c7: {  	v18 =	vor.u32 v4, v11;
	[tilespmem:v20+s24+$0x0] =	vst.idx.msk $0xffff, v19;
	v17 =	vld [tilespmem:s20+$0x30]  }
0x3c8: {  	v20 =	vor.u32 v4, v12;
	v19 =	vld [tilespmem:s20+$0xFFFFFF30]  }
0x3c9: {  	[tilespmem:v14+s24+$0x0] =	vst.idx.msk $0xffff, v13  }
0x3ca: {  	v14 =	vor.u32 v5, v9;
	[tilespmem:v16+s24+$0x0] =	vst.idx.msk $0xffff, v15;
	v13 =	vld [tilespmem:s7+$0xC0]  }
0x3cb: {  	v16 =	vor.u32 v5, v10;
	v15 =	vld [tilespmem:s7+$0xFFFFFFC0]  }
0x3cc: {  	[tilespmem:v18+s24+$0x0] =	vst.idx.msk $0xffff, v17  }
0x3cd: {  	v18 =	vor.u32 v5, v11;
	[tilespmem:v20+s24+$0x0] =	vst.idx.msk $0xffff, v19;
	v17 =	vld [tilespmem:s20+$0x40]  }
0x3ce: {  	v20 =	vor.u32 v5, v12;
	v19 =	vld [tilespmem:s20+$0xFFFFFF40]  }
0x3cf: {  	[tilespmem:v14+s24+$0x0] =	vst.idx.msk $0xffff, v13  }
0x3d0: {  	v14 =	vor.u32 v6, v9;
	[tilespmem:v16+s24+$0x0] =	vst.idx.msk $0xffff, v15;
	v13 =	vld [tilespmem:s7+$0xD0]  }
0x3d1: {  	v16 =	vor.u32 v6, v10;
	v15 =	vld [tilespmem:s7+$0xFFFFFFD0]  }
0x3d2: {  	[tilespmem:v18+s24+$0x0] =	vst.idx.msk $0xffff, v17  }
0x3d3: {  	v18 =	vor.u32 v6, v11;
	[tilespmem:v20+s24+$0x0] =	vst.idx.msk $0xffff, v19;
	v17 =	vld [tilespmem:s20+$0x50]  }
0x3d4: {  	v20 =	vor.u32 v6, v12;
	v19 =	vld [tilespmem:s20+$0xFFFFFF50]  }
0x3d5: {  	[tilespmem:v14+s24+$0x0] =	vst.idx.msk $0xffff, v13  }
0x3d6: {  	v14 =	vor.u32 v7, v9;
	[tilespmem:v16+s24+$0x0] =	vst.idx.msk $0xffff, v15;
	v13 =	vld [tilespmem:s7+$0xE0]  }
0x3d7: {  	v16 =	vor.u32 v7, v10;
	v15 =	vld [tilespmem:s7+$0xFFFFFFE0]  }
0x3d8: {  	[tilespmem:v18+s24+$0x0] =	vst.idx.msk $0xffff, v17  }
0x3d9: {  	v18 =	vor.u32 v7, v11;
	[tilespmem:v20+s24+$0x0] =	vst.idx.msk $0xffff, v19;
	v17 =	vld [tilespmem:s20+$0x60]  }
0x3da: {  	v20 =	vor.u32 v7, v12;
	v19 =	vld [tilespmem:s20+$0xFFFFFF60]  }
0x3db: {  	[tilespmem:v14+s24+$0x0] =	vst.idx.msk $0xffff, v13  }
0x3dc: {  	v9 =	vor.u32 v8, v9;
	[tilespmem:v16+s24+$0x0] =	vst.idx.msk $0xffff, v15;
	v15 =	vld [tilespmem:s7+$0xF0]  }
0x3dd: {  	v10 =	vor.u32 v8, v10;
	v16 =	vld [tilespmem:s7+$0xFFFFFFF0];
	s7 =	smov.u32 s20  }
0x3de: {  	[tilespmem:v18+s24+$0x0] =	vst.idx.msk $0xffff, v17  }
.Ltmp8:
0x3df: {  	v14 =	vor.u32 v8, v11;
	[tilespmem:v20+s24+$0x0] =	vst.idx.msk $0xffff, v19;
	v13 =	vld [tilespmem:s20+$0x70];
	(pc) =	sbr.rel @p2 .LBB2_15-.Ltmp8, $4  }
0x3e0: {  	s16 =	sadd.s32 $0x3, s9;
	v12 =	vor.u32 v8, v12;
	v11 =	vld [tilespmem:s20+$0xFFFFFF70]  }
0x3e1: {  	s17 =	sadd.s32 $0x1, s9;
	s9 =	smov.u32 s6;
	v17 =	vmov s16;
	[tilespmem:v9+s24+$0x0] =	vst.idx.msk $0xffff, v15  }
0x3e2: {  	v9 =	vmov s17;
	v15 =	vand.u32 $0xF, v17;
	[tilespmem:v10+s24+$0x0] =	vst.idx.msk $0xffff, v16  }
0x3e3: {  	s6 =	sadd.s32 $0x4, s6;
	s16 =	sadd.s32 $0x2, s9;
	v10 =	vand.u32 $0xD, v9;
	v9 =	vbroadcast v15, $0x0  }
0x3e4: {  	v15 =	vmov s16  }
0x3e5: {  	v16 =	vmov s9;
	v15 =	vand.u32 $0xE, v15  }
0x3e6: {  	v16 =	vand.u32 $0xC, v16;
	v15 =	vbroadcast v15, $0x0  }
0x3e7: {  	s6 =	sadd.s32 $0x200, s20;
	v16 =	vbroadcast v16, $0x0  }
0x3e8: {  	v17 =	vld [tilespmem:s6+$0x0];
	v18 =	vor.u32 v0, v15  }
0x3e9: {  	v19 =	vld [tilespmem:s6+$0xFFFFFF00];
	v20 =	vor.u32 v0, v16;
	_ =	sdelay $0x3  }
0x3ea: {  	[tilespmem:v18+s24+$0x0] =	vst.idx.msk $0xffff, v17  }
0x3eb: {  	v56 =	vor.u32 v2, v15;
	[tilespmem:v20+s24+$0x0] =	vst.idx.msk $0xffff, v19;
	v17 =	vld [tilespmem:s6+$0x10]  }
0x3ec: {  	v57 =	vor.u32 v2, v16;
	v19 =	vld [tilespmem:s6+$0xFFFFFF10];
	_ =	sdelay $0x3  }
0x3ed: {  	[tilespmem:v56+s24+$0x0] =	vst.idx.msk $0xffff, v17  }
0x3ee: {  	v58 =	vor.u32 v3, v15;
	[tilespmem:v57+s24+$0x0] =	vst.idx.msk $0xffff, v19;
	v17 =	vld [tilespmem:s6+$0x20]  }
0x3ef: {  	v59 =	vor.u32 v3, v16;
	v19 =	vld [tilespmem:s6+$0xFFFFFF20];
	_ =	sdelay $0x3  }
0x3f0: {  	[tilespmem:v58+s24+$0x0] =	vst.idx.msk $0xffff, v17  }
0x3f1: {  	v60 =	vor.u32 v4, v15;
	[tilespmem:v59+s24+$0x0] =	vst.idx.msk $0xffff, v19;
	v17 =	vld [tilespmem:s6+$0x30]  }
0x3f2: {  	v61 =	vor.u32 v4, v16;
	v19 =	vld [tilespmem:s6+$0xFFFFFF30];
	_ =	sdelay $0x3  }
0x3f3: {  	[tilespmem:v60+s24+$0x0] =	vst.idx.msk $0xffff, v17  }
0x3f4: {  	v62 =	vor.u32 v5, v15;
	[tilespmem:v61+s24+$0x0] =	vst.idx.msk $0xffff, v19;
	v17 =	vld [tilespmem:s6+$0x40]  }
0x3f5: {  	v63 =	vor.u32 v5, v16;
	v19 =	vld [tilespmem:s6+$0xFFFFFF40];
	_ =	sdelay $0x3  }
0x3f6: {  	[tilespmem:v62+s24+$0x0] =	vst.idx.msk $0xffff, v17  }
0x3f7: {  	v24 =	vor.u32 v6, v15;
	[tilespmem:v63+s24+$0x0] =	vst.idx.msk $0xffff, v19;
	v17 =	vld [tilespmem:s6+$0x50]  }
0x3f8: {  	v25 =	vor.u32 v6, v16;
	v19 =	vld [tilespmem:s6+$0xFFFFFF50];
	_ =	sdelay $0x3  }
0x3f9: {  	[tilespmem:v24+s24+$0x0] =	vst.idx.msk $0xffff, v17  }
0x3fa: {  	v26 =	vor.u32 v7, v15;
	[tilespmem:v25+s24+$0x0] =	vst.idx.msk $0xffff, v19;
	v17 =	vld [tilespmem:s6+$0x60]  }
0x3fb: {  	v27 =	vor.u32 v7, v16;
	v19 =	vld [tilespmem:s6+$0xFFFFFF60];
	_ =	sdelay $0x3  }
0x3fc: {  	[tilespmem:v26+s24+$0x0] =	vst.idx.msk $0xffff, v17  }
0x3fd: {  	v15 =	vor.u32 v8, v15;
	[tilespmem:v27+s24+$0x0] =	vst.idx.msk $0xffff, v19;
	v17 =	vld [tilespmem:s6+$0x70]  }
0x3fe: {  	s29 =	sadd.s32 $0x3, s9;
	v16 =	vor.u32 v8, v16;
	v28 =	vld [tilespmem:s6+$0xFFFFFF70]  }
0x3ff: {  	s30 =	sadd.s32 $0x1, s9;
	v29 =	vmov s29  }
0x400: {  	v10 =	vbroadcast v10, $0x0;
	[tilespmem:v14+s24+$0x0] =	vst.idx.msk $0xffff, v13;
	v30 =	vmov s30;
	v31 =	vand.u32 $0xF, v29  }
0x401: {  	[tilespmem:v12+s24+$0x0] =	vst.idx.msk $0xffff, v11;
	v11 =	vld [tilespmem:s20+$0x80];
	v32 =	vor.u32 v0, v9;
	v13 =	vand.u32 $0xD, v30;
	v14 =	vbroadcast v31, $0x0  }
0x402: {  	v33 =	vld [tilespmem:s20+$0xFFFFFF80];
	v34 =	vor.u32 v0, v10;
	v13 =	vbroadcast v13, $0x0;
	[tilespmem:v15+s24+$0x0] =	vst.idx.msk $0xffff, v17  }
0x403: {  	v35 =	vor.u32 v0, v14;
	[tilespmem:v16+s24+$0x0] =	vst.idx.msk $0xffff, v28;
	v15 =	vld [tilespmem:s6+$0x80]  }
0x404: {  	v37 =	vor.u32 v0, v13;
	v36 =	vld [tilespmem:s6+$0xFFFFFF80];
	_ =	sdelay $0x1  }
0x405: {  	[tilespmem:v32+s24+$0x0] =	vst.idx.msk $0xffff, v11  }
0x406: {  	v38 =	vor.u32 v2, v9;
	[tilespmem:v34+s24+$0x0] =	vst.idx.msk $0xffff, v33;
	v11 =	vld [tilespmem:s7+$0x90]  }
0x407: {  	v39 =	vor.u32 v2, v10;
	v19 =	vld [tilespmem:s7+$0xFFFFFF90];
	[tilespmem:v35+s24+$0x0] =	vst.idx.msk $0xffff, v15  }
0x408: {  	v40 =	vor.u32 v2, v14;
	[tilespmem:v37+s24+$0x0] =	vst.idx.msk $0xffff, v36;
	v15 =	vld [tilespmem:s6+$0x90]  }
0x409: {  	v41 =	vor.u32 v2, v13;
	v17 =	vld [tilespmem:s6+$0xFFFFFF90];
	_ =	sdelay $0x1  }
0x40a: {  	[tilespmem:v38+s24+$0x0] =	vst.idx.msk $0xffff, v11  }
0x40b: {  	v42 =	vor.u32 v3, v9;
	v11 =	vld [tilespmem:s7+$0xA0];
	[tilespmem:v39+s24+$0x0] =	vst.idx.msk $0xffff, v19  }
0x40c: {  	v43 =	vor.u32 v3, v10;
	v19 =	vld [tilespmem:s7+$0xFFFFFFA0];
	[tilespmem:v40+s24+$0x0] =	vst.idx.msk $0xffff, v15  }
0x40d: {  	v44 =	vor.u32 v3, v14;
	[tilespmem:v41+s24+$0x0] =	vst.idx.msk $0xffff, v17;
	v15 =	vld [tilespmem:s6+$0xA0]  }
0x40e: {  	v45 =	vor.u32 v3, v13;
	v17 =	vld [tilespmem:s6+$0xFFFFFFA0];
	_ =	sdelay $0x1  }
0x40f: {  	[tilespmem:v42+s24+$0x0] =	vst.idx.msk $0xffff, v11  }
0x410: {  	v46 =	vor.u32 v4, v9;
	v11 =	vld [tilespmem:s7+$0xB0];
	[tilespmem:v43+s24+$0x0] =	vst.idx.msk $0xffff, v19  }
0x411: {  	v47 =	vor.u32 v4, v10;
	v19 =	vld [tilespmem:s7+$0xFFFFFFB0];
	[tilespmem:v44+s24+$0x0] =	vst.idx.msk $0xffff, v15  }
0x412: {  	v48 =	vor.u32 v4, v14;
	[tilespmem:v45+s24+$0x0] =	vst.idx.msk $0xffff, v17;
	v15 =	vld [tilespmem:s6+$0xB0]  }
0x413: {  	v49 =	vor.u32 v4, v13;
	v17 =	vld [tilespmem:s6+$0xFFFFFFB0];
	_ =	sdelay $0x1  }
0x414: {  	[tilespmem:v46+s24+$0x0] =	vst.idx.msk $0xffff, v11  }
0x415: {  	v50 =	vor.u32 v5, v9;
	v11 =	vld [tilespmem:s7+$0xC0];
	[tilespmem:v47+s24+$0x0] =	vst.idx.msk $0xffff, v19  }
0x416: {  	v51 =	vor.u32 v5, v10;
	v19 =	vld [tilespmem:s7+$0xFFFFFFC0];
	[tilespmem:v48+s24+$0x0] =	vst.idx.msk $0xffff, v15  }
0x417: {  	v52 =	vor.u32 v5, v14;
	[tilespmem:v49+s24+$0x0] =	vst.idx.msk $0xffff, v17;
	v15 =	vld [tilespmem:s6+$0xC0]  }
0x418: {  	v53 =	vor.u32 v5, v13;
	v17 =	vld [tilespmem:s6+$0xFFFFFFC0];
	_ =	sdelay $0x1  }
0x419: {  	[tilespmem:v50+s24+$0x0] =	vst.idx.msk $0xffff, v11  }
0x41a: {  	v54 =	vor.u32 v6, v9;
	v11 =	vld [tilespmem:s7+$0xD0];
	[tilespmem:v51+s24+$0x0] =	vst.idx.msk $0xffff, v19  }
0x41b: {  	v55 =	vor.u32 v6, v10;
	v19 =	vld [tilespmem:s7+$0xFFFFFFD0];
	[tilespmem:v52+s24+$0x0] =	vst.idx.msk $0xffff, v15  }
0x41c: {  	v56 =	vor.u32 v6, v14;
	[tilespmem:v53+s24+$0x0] =	vst.idx.msk $0xffff, v17;
	v15 =	vld [tilespmem:s6+$0xD0]  }
0x41d: {  	v57 =	vor.u32 v6, v13;
	v17 =	vld [tilespmem:s6+$0xFFFFFFD0];
	_ =	sdelay $0x1  }
0x41e: {  	[tilespmem:v54+s24+$0x0] =	vst.idx.msk $0xffff, v11  }
0x41f: {  	v58 =	vor.u32 v7, v9;
	v11 =	vld [tilespmem:s7+$0xE0];
	[tilespmem:v55+s24+$0x0] =	vst.idx.msk $0xffff, v19  }
0x420: {  	v59 =	vor.u32 v7, v10;
	v19 =	vld [tilespmem:s7+$0xFFFFFFE0];
	[tilespmem:v56+s24+$0x0] =	vst.idx.msk $0xffff, v15  }
0x421: {  	v60 =	vor.u32 v7, v14;
	[tilespmem:v57+s24+$0x0] =	vst.idx.msk $0xffff, v17;
	v15 =	vld [tilespmem:s6+$0xE0]  }
0x422: {  	v61 =	vor.u32 v7, v13;
	v17 =	vld [tilespmem:s6+$0xFFFFFFE0];
	_ =	sdelay $0x1  }
0x423: {  	[tilespmem:v58+s24+$0x0] =	vst.idx.msk $0xffff, v11  }
0x424: {  	v9 =	vor.u32 v8, v9;
	v11 =	vld [tilespmem:s7+$0xF0];
	[tilespmem:v59+s24+$0x0] =	vst.idx.msk $0xffff, v19  }
0x425: {  	v10 =	vor.u32 v8, v10;
	v62 =	vld [tilespmem:s7+$0xFFFFFFF0];
	[tilespmem:v60+s24+$0x0] =	vst.idx.msk $0xffff, v15  }
0x426: {  	v14 =	vor.u32 v8, v14;
	[tilespmem:v61+s24+$0x0] =	vst.idx.msk $0xffff, v17;
	v15 =	vld [tilespmem:s6+$0xF0]  }
0x427: {  	s8 =	sadd.s32 $0x1, s8;
	v13 =	vor.u32 v8, v13;
	v63 =	vld [tilespmem:s6+$0xFFFFFFF0]  }
0x428: {  	p2 =	sne.s32 s8, $0xD  }
.Ltmp9:
0x429: {  	[tilespmem:v9+s24+$0x0] =	vst.idx.msk $0xffff, v11;
	(pc) =	sbr.rel @p2 .LBB2_4-.Ltmp9, $4  }
0x42a: {  	[tilespmem:v10+s24+$0x0] =	vst.idx.msk $0xffff, v62  }
0x42b: {  	s31 =	sshll.u32 s26, $0x7;
	[tilespmem:v14+s24+$0x0] =	vst.idx.msk $0xffff, v15  }
0x42c: {  	s6 =	sand.u32 $0x3FFFFF80, s31;
	[tilespmem:v13+s24+$0x0] =	vst.idx.msk $0xffff, v63  }
0x42d: {  	[spmem:s3] =	stream.indirect.scatter.add.f32 [tilespmem:s24], [sflag:$0xC], $0x10, s6, s19, $0xb8;
	[tilespmem:$0xD590] =	vst v63  }
0x42e: {  	s6 =	simm.s32 $0x7  }
0x42f: {  	_ =	swait.ge [sflag:s6], $0x800  }
0x430: {  	[sflag:s6] =	ssyncset.done $0x0  }
0x431: {  	s21 =	simm.s32 $0x8;
	[sflag:s6] =	ssyncadd.s32 $0xFFFFF800  }
0x432: {  	_ =	swait.ge [sflag:s21], $0x800  }
0x433: {  	[sflag:s21] =	ssyncset.done $0x0  }
0x434: {  	s26 =	simm.s32 $0x9;
	[sflag:s21] =	ssyncadd.s32 $0xFFFFF800  }
0x435: {  	_ =	swait.ge [sflag:s26], $0x800  }
0x436: {  	[sflag:s26] =	ssyncset.done $0x0  }
0x437: {  	s29 =	simm.s32 $0xA;
	[sflag:s26] =	ssyncadd.s32 $0xFFFFF800  }
0x438: {  	_ =	swait.ge [sflag:s29], $0x800  }
0x439: {  	[sflag:s29] =	ssyncset.done $0x0  }
0x43a: {  	s30 =	simm.s32 $0xB;
	[sflag:s29] =	ssyncadd.s32 $0xFFFFF800  }
0x43b: {  	_ =	swait.ge [sflag:s30], $0x800  }
.Ltmp10:
0x43c: {  	[sflag:s30] =	ssyncset.done $0x0;
	(pc) =	sbr.rel @p1 .LBB2_21-.Ltmp10, $4  }
0x43d: {  	s31 =	simm.s32 $0xC;
	[sflag:s30] =	ssyncadd.s32 $0xFFFFF800  }
0x43e: {  	_ =	swait.ge [sflag:s31], $0x800  }
0x43f: {  	[sflag:s31] =	ssyncset.done $0x0;
	s20 =	rddreg [dreg:$0x7]  }
0x440: {  	s21 =	simm.s32 $0xD;
	s9 =	rddreg [dreg:$0x16];
	[sflag:s31] =	ssyncadd.s32 $0xFFFFF800  }
0x441: {  	s6 =	simm.s32 $0x0;
	s7 =	rddreg [dreg:$0x10];
	s8 =	simm.s32 $0x2700  }
0x442: {  	[tilespmem:s8], [sflag:$0xD] =	stream.linear.gather [hbm4b:s7+s6], $0x80, $0x38;
	[tilespmem:$0xD590] =	vst v63  }
0x443: {  	_ =	swait.ge [sflag:s21], $0x80  }
0x444: {  	[sflag:s21] =	ssyncset.done $0x0  }
0x445: {  	s17 =	simm.s32 $0x2780;
	s16 =	rddreg [dreg:$0x11];
	[sflag:s21] =	ssyncadd.s32 $0xFFFFFF80  }
0x446: {  	[tilespmem:s17], [sflag:$0xD] =	stream.linear.gather [hbm4b:s16+s6], $0x400, $0x38;
	[tilespmem:$0xD590] =	vst v63  }
0x447: {  	_ =	swait.ge [sflag:s21], $0x400  }
0x448: {  	s26 =	simm.s32 $0x2;
	[sflag:s21] =	ssyncset.done $0x0  }
0x449: {  	s9 =	simm.s32 $0x2B80;
	s29 =	rddreg [dreg:$0x12];
	[sflag:s21] =	ssyncadd.s32 $0xFFFFFC00  }
0x44a: {  	v9 =	vmov s26;
	[tilespmem:s9], [sflag:$0xD] =	stream.linear.gather [hbm4b:s29+s6], $0x400, $0x38;
	[tilespmem:$0xD590] =	vst v63  }
0x44b: {  	v10 =	vmov s6;
	v9 =	vand.u32 $0xE, v9;
	_ =	swait.ge [sflag:s21], $0x400  }
0x44c: {  	v10 =	vand.u32 $0xC, v10;
	v9 =	vbroadcast v9, $0x0;
	[sflag:s21] =	ssyncset.done $0x0  }
0x44d: {  	s7 =	simm.s32 $0x2880;
	v10 =	vbroadcast v10, $0x0;
	[sflag:s21] =	ssyncadd.s32 $0xFFFFFC00  }
0x44e: {  	v12 =	vor.u32 v0, v9;
	v11 =	vld [tilespmem:s7+$0x0]  }
0x44f: {  	v14 =	vor.u32 v0, v10;
	v13 =	vld [tilespmem:s7+$0xFFFFFF00];
	_ =	sdelay $0x3  }
0x450: {  	[tilespmem:v12+s25+$0x0] =	vst.idx.msk $0xffff, v11  }
0x451: {  	[tilespmem:v14+s25+$0x0] =	vst.idx.msk $0xffff, v13;
	v12 =	vor.u32 v2, v9;
	v11 =	vld [tilespmem:s7+$0x10]  }
0x452: {  	v14 =	vor.u32 v2, v10;
	v13 =	vld [tilespmem:s7+$0xFFFFFF10];
	_ =	sdelay $0x3  }
0x453: {  	[tilespmem:v12+s25+$0x0] =	vst.idx.msk $0xffff, v11  }
0x454: {  	[tilespmem:v14+s25+$0x0] =	vst.idx.msk $0xffff, v13;
	v12 =	vor.u32 v3, v9;
	v11 =	vld [tilespmem:s7+$0x20]  }
0x455: {  	v14 =	vor.u32 v3, v10;
	v13 =	vld [tilespmem:s7+$0xFFFFFF20];
	_ =	sdelay $0x3  }
0x456: {  	[tilespmem:v12+s25+$0x0] =	vst.idx.msk $0xffff, v11  }
0x457: {  	[tilespmem:v14+s25+$0x0] =	vst.idx.msk $0xffff, v13;
	v12 =	vor.u32 v4, v9;
	v11 =	vld [tilespmem:s7+$0x30]  }
0x458: {  	v14 =	vor.u32 v4, v10;
	v13 =	vld [tilespmem:s7+$0xFFFFFF30];
	_ =	sdelay $0x3  }
0x459: {  	[tilespmem:v12+s25+$0x0] =	vst.idx.msk $0xffff, v11  }
0x45a: {  	[tilespmem:v14+s25+$0x0] =	vst.idx.msk $0xffff, v13;
	v12 =	vor.u32 v5, v9;
	v11 =	vld [tilespmem:s7+$0x40]  }
0x45b: {  	v14 =	vor.u32 v5, v10;
	v13 =	vld [tilespmem:s7+$0xFFFFFF40];
	_ =	sdelay $0x3  }
0x45c: {  	[tilespmem:v12+s25+$0x0] =	vst.idx.msk $0xffff, v11  }
0x45d: {  	[tilespmem:v14+s25+$0x0] =	vst.idx.msk $0xffff, v13;
	v12 =	vor.u32 v6, v9;
	v11 =	vld [tilespmem:s7+$0x50]  }
0x45e: {  	v14 =	vor.u32 v6, v10;
	v13 =	vld [tilespmem:s7+$0xFFFFFF50];
	_ =	sdelay $0x3  }
0x45f: {  	[tilespmem:v12+s25+$0x0] =	vst.idx.msk $0xffff, v11  }
0x460: {  	[tilespmem:v14+s25+$0x0] =	vst.idx.msk $0xffff, v13;
	v12 =	vor.u32 v7, v9;
	v11 =	vld [tilespmem:s7+$0x60]  }
0x461: {  	v14 =	vor.u32 v7, v10;
	v13 =	vld [tilespmem:s7+$0xFFFFFF60];
	_ =	sdelay $0x3  }
0x462: {  	s30 =	simm.s32 $0x3;
	[tilespmem:v12+s25+$0x0] =	vst.idx.msk $0xffff, v11  }
0x463: {  	v11 =	vmov s30;
	[tilespmem:v14+s25+$0x0] =	vst.idx.msk $0xffff, v13;
	v14 =	vor.u32 v8, v9;
	v13 =	vld [tilespmem:s7+$0x70]  }
0x464: {  	v12 =	vor.u32 v8, v10;
	v15 =	vand.u32 $0xF, v11;
	v11 =	vld [tilespmem:s7+$0xFFFFFF70]  }
0x465: {  	s31 =	simm.s32 $0x1  }
0x466: {  	s8 =	simm.s32 $0x4;
	v9 =	vmov s31  }
0x467: {  	s16 =	simm.s32 $0x6;
	s9 =	simm.s32 $0x8;
	s6 =	simm.s32 $0x2880;
	v10 =	vand.u32 $0xD, v9;
	v9 =	vbroadcast v15, $0x0  }
.LBB2_19:
0x468: {  	p2 =	slt.u32 s9, $0xC;
	v15 =	vmov s16;
	v10 =	vbroadcast v10, $0x0;
	[tilespmem:v14+s25+$0x0] =	vst.idx.msk $0xffff, v13  }
0x469: {  	v13 =	vmov s8;
	v14 =	vand.u32 $0xE, v15;
	[tilespmem:v12+s25+$0x0] =	vst.idx.msk $0xffff, v11;
	v15 =	vld [tilespmem:s7+$0x80];
	v16 =	vor.u32 v0, v9  }
0x46a: {  	v12 =	vand.u32 $0xC, v13;
	v11 =	vbroadcast v14, $0x0;
	v13 =	vld [tilespmem:s7+$0xFFFFFF80];
	v14 =	vor.u32 v0, v10  }
0x46b: {  	v12 =	vbroadcast v12, $0x0;
	s7 =	sadd.s32 $0x200, s7  }
0x46c: {  	v17 =	vld [tilespmem:s7+$0x0];
	v18 =	vor.u32 v0, v11  }
0x46d: {  	v20 =	vor.u32 v0, v12;
	v19 =	vld [tilespmem:s7+$0xFFFFFF00]  }
0x46e: {  	[tilespmem:v16+s25+$0x0] =	vst.idx.msk $0xffff, v15  }
0x46f: {  	[tilespmem:v14+s25+$0x0] =	vst.idx.msk $0xffff, v13;
	v13 =	vld [tilespmem:s6+$0x90];
	v14 =	vor.u32 v2, v9  }
0x470: {  	v16 =	vor.u32 v2, v10;
	v15 =	vld [tilespmem:s6+$0xFFFFFF90]  }
0x471: {  	[tilespmem:v18+s25+$0x0] =	vst.idx.msk $0xffff, v17  }
0x472: {  	v18 =	vor.u32 v2, v11;
	[tilespmem:v20+s25+$0x0] =	vst.idx.msk $0xffff, v19;
	v17 =	vld [tilespmem:s7+$0x10]  }
0x473: {  	v20 =	vor.u32 v2, v12;
	v19 =	vld [tilespmem:s7+$0xFFFFFF10]  }
0x474: {  	[tilespmem:v14+s25+$0x0] =	vst.idx.msk $0xffff, v13  }
0x475: {  	v14 =	vor.u32 v3, v9;
	[tilespmem:v16+s25+$0x0] =	vst.idx.msk $0xffff, v15;
	v13 =	vld [tilespmem:s6+$0xA0]  }
0x476: {  	v16 =	vor.u32 v3, v10;
	v15 =	vld [tilespmem:s6+$0xFFFFFFA0]  }
0x477: {  	[tilespmem:v18+s25+$0x0] =	vst.idx.msk $0xffff, v17  }
0x478: {  	v18 =	vor.u32 v3, v11;
	[tilespmem:v20+s25+$0x0] =	vst.idx.msk $0xffff, v19;
	v17 =	vld [tilespmem:s7+$0x20]  }
0x479: {  	v20 =	vor.u32 v3, v12;
	v19 =	vld [tilespmem:s7+$0xFFFFFF20]  }
0x47a: {  	[tilespmem:v14+s25+$0x0] =	vst.idx.msk $0xffff, v13  }
0x47b: {  	v14 =	vor.u32 v4, v9;
	[tilespmem:v16+s25+$0x0] =	vst.idx.msk $0xffff, v15;
	v13 =	vld [tilespmem:s6+$0xB0]  }
0x47c: {  	v16 =	vor.u32 v4, v10;
	v15 =	vld [tilespmem:s6+$0xFFFFFFB0]  }
0x47d: {  	[tilespmem:v18+s25+$0x0] =	vst.idx.msk $0xffff, v17  }
0x47e: {  	v18 =	vor.u32 v4, v11;
	[tilespmem:v20+s25+$0x0] =	vst.idx.msk $0xffff, v19;
	v17 =	vld [tilespmem:s7+$0x30]  }
0x47f: {  	v20 =	vor.u32 v4, v12;
	v19 =	vld [tilespmem:s7+$0xFFFFFF30]  }
0x480: {  	[tilespmem:v14+s25+$0x0] =	vst.idx.msk $0xffff, v13  }
0x481: {  	v14 =	vor.u32 v5, v9;
	[tilespmem:v16+s25+$0x0] =	vst.idx.msk $0xffff, v15;
	v13 =	vld [tilespmem:s6+$0xC0]  }
0x482: {  	v16 =	vor.u32 v5, v10;
	v15 =	vld [tilespmem:s6+$0xFFFFFFC0]  }
0x483: {  	[tilespmem:v18+s25+$0x0] =	vst.idx.msk $0xffff, v17  }
0x484: {  	v18 =	vor.u32 v5, v11;
	[tilespmem:v20+s25+$0x0] =	vst.idx.msk $0xffff, v19;
	v17 =	vld [tilespmem:s7+$0x40]  }
0x485: {  	v20 =	vor.u32 v5, v12;
	v19 =	vld [tilespmem:s7+$0xFFFFFF40]  }
0x486: {  	[tilespmem:v14+s25+$0x0] =	vst.idx.msk $0xffff, v13  }
0x487: {  	v14 =	vor.u32 v6, v9;
	[tilespmem:v16+s25+$0x0] =	vst.idx.msk $0xffff, v15;
	v13 =	vld [tilespmem:s6+$0xD0]  }
0x488: {  	v16 =	vor.u32 v6, v10;
	v15 =	vld [tilespmem:s6+$0xFFFFFFD0]  }
0x489: {  	[tilespmem:v18+s25+$0x0] =	vst.idx.msk $0xffff, v17  }
0x48a: {  	v18 =	vor.u32 v6, v11;
	[tilespmem:v20+s25+$0x0] =	vst.idx.msk $0xffff, v19;
	v17 =	vld [tilespmem:s7+$0x50]  }
0x48b: {  	v20 =	vor.u32 v6, v12;
	v19 =	vld [tilespmem:s7+$0xFFFFFF50]  }
0x48c: {  	[tilespmem:v14+s25+$0x0] =	vst.idx.msk $0xffff, v13  }
0x48d: {  	v14 =	vor.u32 v7, v9;
	[tilespmem:v16+s25+$0x0] =	vst.idx.msk $0xffff, v15;
	v13 =	vld [tilespmem:s6+$0xE0]  }
0x48e: {  	v16 =	vor.u32 v7, v10;
	v15 =	vld [tilespmem:s6+$0xFFFFFFE0]  }
0x48f: {  	[tilespmem:v18+s25+$0x0] =	vst.idx.msk $0xffff, v17  }
0x490: {  	v18 =	vor.u32 v7, v11;
	[tilespmem:v20+s25+$0x0] =	vst.idx.msk $0xffff, v19;
	v17 =	vld [tilespmem:s7+$0x60]  }
0x491: {  	v20 =	vor.u32 v7, v12;
	v19 =	vld [tilespmem:s7+$0xFFFFFF60]  }
0x492: {  	[tilespmem:v14+s25+$0x0] =	vst.idx.msk $0xffff, v13  }
0x493: {  	v9 =	vor.u32 v8, v9;
	[tilespmem:v16+s25+$0x0] =	vst.idx.msk $0xffff, v15;
	v15 =	vld [tilespmem:s6+$0xF0]  }
0x494: {  	v10 =	vor.u32 v8, v10;
	v16 =	vld [tilespmem:s6+$0xFFFFFFF0];
	s6 =	smov.u32 s7  }
0x495: {  	[tilespmem:v18+s25+$0x0] =	vst.idx.msk $0xffff, v17  }
.Ltmp11:
0x496: {  	v14 =	vor.u32 v8, v11;
	[tilespmem:v20+s25+$0x0] =	vst.idx.msk $0xffff, v19;
	v13 =	vld [tilespmem:s7+$0x70];
	(pc) =	sbr.rel @p2 .LBB2_19-.Ltmp11, $4  }
0x497: {  	s16 =	sadd.s32 $0x3, s8;
	v12 =	vor.u32 v8, v12;
	v11 =	vld [tilespmem:s7+$0xFFFFFF70]  }
0x498: {  	s17 =	sadd.s32 $0x1, s8;
	s8 =	smov.u32 s9;
	v17 =	vmov s16;
	[tilespmem:v9+s25+$0x0] =	vst.idx.msk $0xffff, v15  }
0x499: {  	v9 =	vmov s17;
	v15 =	vand.u32 $0xF, v17;
	[tilespmem:v10+s25+$0x0] =	vst.idx.msk $0xffff, v16  }
0x49a: {  	s9 =	sadd.s32 $0x4, s9;
	s16 =	sadd.s32 $0x2, s8;
	v10 =	vand.u32 $0xD, v9;
	v9 =	vbroadcast v15, $0x0  }
0x49b: {  	v15 =	vmov s16  }
0x49c: {  	v16 =	vmov s8;
	v15 =	vand.u32 $0xE, v15  }
0x49d: {  	v16 =	vand.u32 $0xC, v16;
	v15 =	vbroadcast v15, $0x0  }
0x49e: {  	s9 =	sadd.s32 $0x200, s7;
	v16 =	vbroadcast v16, $0x0  }
0x49f: {  	v17 =	vld [tilespmem:s9+$0x0];
	v18 =	vor.u32 v0, v15  }
0x4a0: {  	v19 =	vld [tilespmem:s9+$0xFFFFFF00];
	v20 =	vor.u32 v0, v16;
	_ =	sdelay $0x3  }
0x4a1: {  	[tilespmem:v18+s25+$0x0] =	vst.idx.msk $0xffff, v17  }
0x4a2: {  	v56 =	vor.u32 v2, v15;
	[tilespmem:v20+s25+$0x0] =	vst.idx.msk $0xffff, v19;
	v17 =	vld [tilespmem:s9+$0x10]  }
0x4a3: {  	v57 =	vor.u32 v2, v16;
	v19 =	vld [tilespmem:s9+$0xFFFFFF10];
	_ =	sdelay $0x3  }
0x4a4: {  	[tilespmem:v56+s25+$0x0] =	vst.idx.msk $0xffff, v17  }
0x4a5: {  	v58 =	vor.u32 v3, v15;
	[tilespmem:v57+s25+$0x0] =	vst.idx.msk $0xffff, v19;
	v17 =	vld [tilespmem:s9+$0x20]  }
0x4a6: {  	v59 =	vor.u32 v3, v16;
	v19 =	vld [tilespmem:s9+$0xFFFFFF20];
	_ =	sdelay $0x3  }
0x4a7: {  	[tilespmem:v58+s25+$0x0] =	vst.idx.msk $0xffff, v17  }
0x4a8: {  	v60 =	vor.u32 v4, v15;
	[tilespmem:v59+s25+$0x0] =	vst.idx.msk $0xffff, v19;
	v17 =	vld [tilespmem:s9+$0x30]  }
0x4a9: {  	v61 =	vor.u32 v4, v16;
	v19 =	vld [tilespmem:s9+$0xFFFFFF30];
	_ =	sdelay $0x3  }
0x4aa: {  	[tilespmem:v60+s25+$0x0] =	vst.idx.msk $0xffff, v17  }
0x4ab: {  	v62 =	vor.u32 v5, v15;
	[tilespmem:v61+s25+$0x0] =	vst.idx.msk $0xffff, v19;
	v17 =	vld [tilespmem:s9+$0x40]  }
0x4ac: {  	v63 =	vor.u32 v5, v16;
	v19 =	vld [tilespmem:s9+$0xFFFFFF40];
	_ =	sdelay $0x3  }
0x4ad: {  	[tilespmem:v62+s25+$0x0] =	vst.idx.msk $0xffff, v17  }
0x4ae: {  	v24 =	vor.u32 v6, v15;
	[tilespmem:v63+s25+$0x0] =	vst.idx.msk $0xffff, v19;
	v17 =	vld [tilespmem:s9+$0x50]  }
0x4af: {  	v25 =	vor.u32 v6, v16;
	v19 =	vld [tilespmem:s9+$0xFFFFFF50];
	_ =	sdelay $0x3  }
0x4b0: {  	[tilespmem:v24+s25+$0x0] =	vst.idx.msk $0xffff, v17  }
0x4b1: {  	v26 =	vor.u32 v7, v15;
	[tilespmem:v25+s25+$0x0] =	vst.idx.msk $0xffff, v19;
	v17 =	vld [tilespmem:s9+$0x60]  }
0x4b2: {  	v27 =	vor.u32 v7, v16;
	v19 =	vld [tilespmem:s9+$0xFFFFFF60];
	_ =	sdelay $0x3  }
0x4b3: {  	[tilespmem:v26+s25+$0x0] =	vst.idx.msk $0xffff, v17  }
0x4b4: {  	v15 =	vor.u32 v8, v15;
	[tilespmem:v27+s25+$0x0] =	vst.idx.msk $0xffff, v19;
	v17 =	vld [tilespmem:s9+$0x70]  }
0x4b5: {  	s29 =	sadd.s32 $0x3, s8;
	v16 =	vor.u32 v8, v16;
	v28 =	vld [tilespmem:s9+$0xFFFFFF70]  }
0x4b6: {  	s30 =	sadd.s32 $0x1, s8;
	v29 =	vmov s29  }
0x4b7: {  	v10 =	vbroadcast v10, $0x0;
	[tilespmem:v14+s25+$0x0] =	vst.idx.msk $0xffff, v13;
	v30 =	vmov s30;
	v31 =	vand.u32 $0xF, v29  }
0x4b8: {  	[tilespmem:v12+s25+$0x0] =	vst.idx.msk $0xffff, v11;
	v11 =	vld [tilespmem:s7+$0x80];
	v32 =	vor.u32 v0, v9;
	v13 =	vand.u32 $0xD, v30;
	v14 =	vbroadcast v31, $0x0  }
0x4b9: {  	v33 =	vld [tilespmem:s7+$0xFFFFFF80];
	v34 =	vor.u32 v0, v10;
	v13 =	vbroadcast v13, $0x0;
	[tilespmem:v15+s25+$0x0] =	vst.idx.msk $0xffff, v17  }
0x4ba: {  	v35 =	vor.u32 v0, v14;
	[tilespmem:v16+s25+$0x0] =	vst.idx.msk $0xffff, v28;
	v15 =	vld [tilespmem:s9+$0x80]  }
0x4bb: {  	v37 =	vor.u32 v0, v13;
	v36 =	vld [tilespmem:s9+$0xFFFFFF80];
	_ =	sdelay $0x1  }
0x4bc: {  	[tilespmem:v32+s25+$0x0] =	vst.idx.msk $0xffff, v11  }
0x4bd: {  	v38 =	vor.u32 v2, v9;
	[tilespmem:v34+s25+$0x0] =	vst.idx.msk $0xffff, v33;
	v11 =	vld [tilespmem:s6+$0x90]  }
0x4be: {  	v39 =	vor.u32 v2, v10;
	v19 =	vld [tilespmem:s6+$0xFFFFFF90];
	[tilespmem:v35+s25+$0x0] =	vst.idx.msk $0xffff, v15  }
0x4bf: {  	v40 =	vor.u32 v2, v14;
	[tilespmem:v37+s25+$0x0] =	vst.idx.msk $0xffff, v36;
	v15 =	vld [tilespmem:s9+$0x90]  }
0x4c0: {  	v41 =	vor.u32 v2, v13;
	v17 =	vld [tilespmem:s9+$0xFFFFFF90];
	_ =	sdelay $0x1  }
0x4c1: {  	[tilespmem:v38+s25+$0x0] =	vst.idx.msk $0xffff, v11  }
0x4c2: {  	v42 =	vor.u32 v3, v9;
	v11 =	vld [tilespmem:s6+$0xA0];
	[tilespmem:v39+s25+$0x0] =	vst.idx.msk $0xffff, v19  }
0x4c3: {  	v43 =	vor.u32 v3, v10;
	v19 =	vld [tilespmem:s6+$0xFFFFFFA0];
	[tilespmem:v40+s25+$0x0] =	vst.idx.msk $0xffff, v15  }
0x4c4: {  	v44 =	vor.u32 v3, v14;
	[tilespmem:v41+s25+$0x0] =	vst.idx.msk $0xffff, v17;
	v15 =	vld [tilespmem:s9+$0xA0]  }
0x4c5: {  	v45 =	vor.u32 v3, v13;
	v17 =	vld [tilespmem:s9+$0xFFFFFFA0];
	_ =	sdelay $0x1  }
0x4c6: {  	[tilespmem:v42+s25+$0x0] =	vst.idx.msk $0xffff, v11  }
0x4c7: {  	v46 =	vor.u32 v4, v9;
	v11 =	vld [tilespmem:s6+$0xB0];
	[tilespmem:v43+s25+$0x0] =	vst.idx.msk $0xffff, v19  }
0x4c8: {  	v47 =	vor.u32 v4, v10;
	v19 =	vld [tilespmem:s6+$0xFFFFFFB0];
	[tilespmem:v44+s25+$0x0] =	vst.idx.msk $0xffff, v15  }
0x4c9: {  	v48 =	vor.u32 v4, v14;
	[tilespmem:v45+s25+$0x0] =	vst.idx.msk $0xffff, v17;
	v15 =	vld [tilespmem:s9+$0xB0]  }
0x4ca: {  	v49 =	vor.u32 v4, v13;
	v17 =	vld [tilespmem:s9+$0xFFFFFFB0];
	_ =	sdelay $0x1  }
0x4cb: {  	[tilespmem:v46+s25+$0x0] =	vst.idx.msk $0xffff, v11  }
0x4cc: {  	v50 =	vor.u32 v5, v9;
	v11 =	vld [tilespmem:s6+$0xC0];
	[tilespmem:v47+s25+$0x0] =	vst.idx.msk $0xffff, v19  }
0x4cd: {  	v51 =	vor.u32 v5, v10;
	v19 =	vld [tilespmem:s6+$0xFFFFFFC0];
	[tilespmem:v48+s25+$0x0] =	vst.idx.msk $0xffff, v15  }
0x4ce: {  	v52 =	vor.u32 v5, v14;
	[tilespmem:v49+s25+$0x0] =	vst.idx.msk $0xffff, v17;
	v15 =	vld [tilespmem:s9+$0xC0]  }
0x4cf: {  	v53 =	vor.u32 v5, v13;
	v17 =	vld [tilespmem:s9+$0xFFFFFFC0];
	_ =	sdelay $0x1  }
0x4d0: {  	[tilespmem:v50+s25+$0x0] =	vst.idx.msk $0xffff, v11  }
0x4d1: {  	v54 =	vor.u32 v6, v9;
	v11 =	vld [tilespmem:s6+$0xD0];
	[tilespmem:v51+s25+$0x0] =	vst.idx.msk $0xffff, v19  }
0x4d2: {  	v55 =	vor.u32 v6, v10;
	v19 =	vld [tilespmem:s6+$0xFFFFFFD0];
	[tilespmem:v52+s25+$0x0] =	vst.idx.msk $0xffff, v15  }
0x4d3: {  	v56 =	vor.u32 v6, v14;
	[tilespmem:v53+s25+$0x0] =	vst.idx.msk $0xffff, v17;
	v15 =	vld [tilespmem:s9+$0xD0]  }
0x4d4: {  	v57 =	vor.u32 v6, v13;
	v17 =	vld [tilespmem:s9+$0xFFFFFFD0];
	_ =	sdelay $0x1  }
0x4d5: {  	[tilespmem:v54+s25+$0x0] =	vst.idx.msk $0xffff, v11  }
0x4d6: {  	v58 =	vor.u32 v7, v9;
	v11 =	vld [tilespmem:s6+$0xE0];
	[tilespmem:v55+s25+$0x0] =	vst.idx.msk $0xffff, v19  }
0x4d7: {  	v59 =	vor.u32 v7, v10;
	v19 =	vld [tilespmem:s6+$0xFFFFFFE0];
	[tilespmem:v56+s25+$0x0] =	vst.idx.msk $0xffff, v15  }
0x4d8: {  	v60 =	vor.u32 v7, v14;
	[tilespmem:v57+s25+$0x0] =	vst.idx.msk $0xffff, v17;
	v15 =	vld [tilespmem:s9+$0xE0]  }
0x4d9: {  	v61 =	vor.u32 v7, v13;
	v17 =	vld [tilespmem:s9+$0xFFFFFFE0];
	_ =	sdelay $0x1  }
0x4da: {  	[tilespmem:v58+s25+$0x0] =	vst.idx.msk $0xffff, v11  }
0x4db: {  	v9 =	vor.u32 v8, v9;
	v11 =	vld [tilespmem:s6+$0xF0];
	[tilespmem:v59+s25+$0x0] =	vst.idx.msk $0xffff, v19  }
0x4dc: {  	v10 =	vor.u32 v8, v10;
	v62 =	vld [tilespmem:s6+$0xFFFFFFF0];
	[tilespmem:v60+s25+$0x0] =	vst.idx.msk $0xffff, v15  }
0x4dd: {  	v14 =	vor.u32 v8, v14;
	[tilespmem:v61+s25+$0x0] =	vst.idx.msk $0xffff, v17;
	v15 =	vld [tilespmem:s9+$0xF0]  }
0x4de: {  	v13 =	vor.u32 v8, v13;
	v63 =	vld [tilespmem:s9+$0xFFFFFFF0];
	_ =	sdelay $0x1  }
0x4df: {  	[tilespmem:v9+s25+$0x0] =	vst.idx.msk $0xffff, v11  }
0x4e0: {  	[tilespmem:v10+s25+$0x0] =	vst.idx.msk $0xffff, v62  }
0x4e1: {  	[tilespmem:v14+s25+$0x0] =	vst.idx.msk $0xffff, v15  }
.Ltmp12:
0x4e2: {  	s31 =	simm.s32 $0x2700;
	[tilespmem:v13+s25+$0x0] =	vst.idx.msk $0xffff, v63;
	(pc) =	sbr.rel .LBB2_21-.Ltmp12, $4  }
0x4e3: {  	[spmem:s3] =	stream.indirect.scatter.add.f32 [tilespmem:s25], [sflag:$0xD], $0x10, s31, s19, $0xb8;
	[tilespmem:$0xD590] =	vst v63  }
0x4e4: {  	_ =	swait.ge [sflag:s21], $0x800  }
0x4e5: {  	[sflag:s21] =	ssyncset.done $0x0  }
0x4e6: {  	s9 =	rddreg [dreg:$0x16];
	[sflag:s21] =	ssyncadd.s32 $0xFFFFF800  }
.LBB2_22:
0x4e7: {  	_ =	sfence.sel $0x180000  }
0x4e8: {  	[bflag:$0x0] =	sbarrier.arrive $0xFFFF  }
0x4e9: {  	_ =	strace $0x90000047  }
0x4ea: {  	s0 =	stileid.u32;
	[bflag:$0x2] =	sbarrier.arrive $0xFFFF  }
0x4eb: {  	p0 =	sne.s32 s0, $0x0;
	s0 =	rddreg [dreg:$0x4]  }
0x4ec: {  	s0 =	sadd.s32 @!p0 $0x100000, s0  }
0x4ed: {  	[sflag:s0] =	ssyncadd.tile.s32 @!p0 $0x1;
	_ =	shalt  }
.Lfunc_end2:
_tile_overlayer_lowered:
.L_overlay_start_2:
0x4ee: {  	(tag) =	ssettag $0x2  }
0x4ef: {  	s0 =	rddreg [dreg:$0x0];
	s2 =	stileid.u32  }
0x4f0: {  	s1 =	rddreg [dreg:$0x1];
	p0 =	sne.s32 s2, $0x0  }
0x4f1: {  	s3 =	rddreg [dreg:$0x2];
	[bflag:$0x3] =	sbarrier.arrive $0xFFFF;
	s2 =	simm.s32 @!p0 $0x1C0D  }
0x4f2: {  	[timem:s3], [sflag:s2] =	dma.local @!p0 [hbm:s0], s1  }
0x4f3: {  	s0 =	simm.s32 @!p0 $0xD  }
0x4f4: {  	_ =	swait.ge @!p0 [sflag:s0], s1  }
0x4f5: {  	s1 =	ssub.s32 @!p0 $0x0, s1;
	[sflag:s0] =	ssyncset.done @!p0 $0x0  }
0x4f6: {  	[sflag:s0] =	ssyncadd.s32 @!p0 s1  }
0x4f7: {  	[bflag:$0x3] =	sbarrier.arrive $0xFFFF  }
0x4f8: {  	_ =	shalt  }

</sc_bundles>
